<compile_context>
chip_gen: v7x
topology: tpu7x:2x2x1
jax: 0.10.2.dev20260603
libtpu: 0.0.44.dev20260713+nightly
codegen_flags: <defaults>
</compile_context>

<pallas_src>
import functools
import math

import numpy as np
import jax
import jax.numpy as jnp
from jax import lax
from jax.experimental import pallas as pl
from jax.experimental.pallas import tpu as pltpu
from jax.experimental.pallas import tpu_sc as plsc

STD2 = 0.1
VAR2 = STD2 * STD2
LOG_VAR2 = math.log(VAR2)

N_COLLAB = 4096
N_CTX = 16384
D_IN = 384
D_LAT = 64

BLK = 256
VBLK = 1024

_PERM = np.arange(4096, dtype=np.int32)
_PERM = (_PERM % 32) * 128 + _PERM // 32


def _dot_t(x, w):
    return lax.dot_general(x.astype(jnp.bfloat16), w.astype(jnp.bfloat16),
                           (((1,), (1,)), ((), ())),
                           preferred_element_type=jnp.float32)


def _vae_latents(x, eps, w1, b1, w21, b21, w22, b22):
    h = jnp.maximum(_dot_t(x, w1) + b1, 0.0)
    mu = _dot_t(h, w21) + b21
    log_var = _dot_t(h, w22) + b22
    std = jnp.exp(0.5 * log_var) * STD2
    z = mu + eps * std
    return z, mu, log_var


def _vae_decode(z, w3, b3, w4, b4):
    h2 = jnp.maximum(_dot_t(z, w3) + b3, 0.0)
    return _dot_t(h2, w4) + b4


def _loss_sums(x_hat, x, mu, log_var):
    mse_sum = jnp.sum((x_hat - x) ** 2)
    kld_sum = jnp.sum(1.0 - LOG_VAR2 + log_var
                      - (mu ** 2 + jnp.exp(log_var)) / VAR2)
    return mse_sum, kld_sum


def _sq_norm64(z):
    n = z.shape[0]
    t = (z * z).reshape(n, 8, 8)
    a = t[:, 0, :]
    for i in range(1, 8):
        a = a + t[:, i, :]
    while a.shape[1] > 1:
        h = a.shape[1] // 2
        a = a[:, :h] + a[:, h:]
    return a


def _l2norm(z):
    n = jnp.sqrt(_sq_norm64(z))
    return z / jnp.maximum(n, 1e-12)


def _vae_kernel(x_ref, eps_ref, w1, b1, w21, b21, w22, b22, w3, b3,
                w4, b4, zn_ref, mse_ref, kld_ref):
    @pl.when(pl.program_id(0) == 0)
    def _init():
        mse_ref[...] = jnp.zeros((1, 1), jnp.float32)
        kld_ref[...] = jnp.zeros((1, 1), jnp.float32)

    x = x_ref[...]
    z, mu, log_var = _vae_latents(x, eps_ref[...], w1[...], b1[...],
                                  w21[...], b21[...], w22[...], b22[...])
    x_hat = _vae_decode(z, w3[...], b3[...], w4[...], b4[...])
    mse_sum, kld_sum = _loss_sums(x_hat, x, mu, log_var)
    zn_ref[...] = _l2norm(z)
    mse_ref[...] += jnp.reshape(mse_sum, (1, 1))
    kld_ref[...] += jnp.reshape(kld_sum, (1, 1))


def _run_vae(x, eps, weights, n_rows):
    full = lambda a: pl.BlockSpec(a.shape, lambda *_: (0,) * a.ndim)
    return pl.pallas_call(
        _vae_kernel,
        grid=(n_rows // VBLK,),
        in_specs=[
            pl.BlockSpec((VBLK, D_IN), lambda i: (i, 0)),
            pl.BlockSpec((VBLK, D_LAT), lambda i: (i, 0)),
            *[full(w) for w in weights],
        ],
        out_specs=[
            pl.BlockSpec((VBLK, D_LAT), lambda i: (i, 0)),
            pl.BlockSpec((1, 1), lambda i: (0, 0)),
            pl.BlockSpec((1, 1), lambda i: (0, 0)),
        ],
        out_shape=(
            jax.ShapeDtypeStruct((n_rows, D_LAT), jnp.float32),
            jax.ShapeDtypeStruct((1, 1), jnp.float32),
            jax.ShapeDtypeStruct((1, 1), jnp.float32),
        ),
    )(x, eps, *weights)


def _sample_kernel(p_ref, rand_ref, sel_ref, logp_ref):
    p_sm = p_ref[...].reshape(128, 32, BLK)
    r = rand_ref[...]
    slabs = [p_sm[0]]
    for si in range(1, 128):
        slabs.append(slabs[-1] + p_sm[si])
    tot = slabs[-1]
    offs = [jnp.zeros((1, BLK), jnp.float32)]
    run = tot[0:1]
    for b in range(1, 32):
        offs.append(run)
        run = run + tot[b:b + 1]
    off = jnp.concatenate(offs, axis=0)
    cnt = jnp.zeros((32, BLK), jnp.int32)
    for si in range(128):
        cnt += ((slabs[si] + off) <= r).astype(jnp.int32)
    cnt = jnp.sum(cnt, axis=0, keepdims=True)
    sel = jnp.where(cnt >= N_COLLAB, 0, cnt)
    sel_ref[...] = sel.reshape(1, 1, BLK)

    b_iota = lax.broadcasted_iota(jnp.int32, (32, BLK), 0)
    p_hit = jnp.zeros((32, BLK), jnp.float32)
    for si in range(128):
        idx = b_iota * 128 + si
        p_hit += jnp.where(idx == sel, p_sm[si], 0.0)
    p_sel = jnp.sum(p_hit, axis=0, keepdims=True)
    logp_ref[...] = jnp.log(p_sel).reshape(1, 1, BLK)


GATHER_W = 128


def _make_sc_gather():
    info = plsc.get_sparse_core_info()
    nw = info.num_cores * info.num_subcores
    bpw = N_CTX // nw
    mesh = plsc.VectorSubcoreMesh(core_axis_name="c", subcore_axis_name="s")

    @functools.partial(
        pl.kernel, mesh=mesh,
        out_type=jax.ShapeDtypeStruct((N_CTX, GATHER_W), jnp.float32),
        scratch_types=[
            pltpu.VMEM((bpw,), jnp.int32),
            pltpu.VMEM((bpw, GATHER_W), jnp.float32),
            pltpu.SemaphoreType.DMA,
        ],
    )
    def gather(table_hbm, idx_hbm, out_hbm, idx_v, rows_v, sem):
        wid = lax.axis_index("s") * info.num_cores + lax.axis_index("c")
        base = wid * bpw
        pltpu.sync_copy(idx_hbm.at[pl.ds(base, bpw)], idx_v)
        pltpu.async_copy(table_hbm.at[idx_v], rows_v, sem).wait()
        pltpu.sync_copy(rows_v, out_hbm.at[pl.ds(base, bpw)])

    return gather


def _gather_rows(table, idx):
    padded = jnp.pad(table, ((0, 0), (0, GATHER_W - table.shape[1])))
    return _make_sc_gather()(padded, idx)[:, :table.shape[1]]


def kernel(collabs, contexts, cW1, cb1, cW21, cb21, cW22, cb22, cW3, cb3,
           cW4, cb4, xW1, xb1, xW21, xb21, xW22, xb22, xW3, xb3, xW4, xb4):
    temp = 1.0
    eps_c = jax.random.normal(jax.random.key(1), (N_COLLAB, D_LAT), jnp.float32)
    eps_x = jax.random.normal(jax.random.key(2), (N_CTX, D_LAT), jnp.float32)
    rand_t = jax.random.uniform(jax.random.key(3), (N_CTX, 1),
                                jnp.float32).reshape(1, N_CTX)

    cw = [cW1, cb1.reshape(1, -1), cW21, cb21.reshape(1, -1),
          cW22, cb22.reshape(1, -1), cW3, cb3.reshape(1, -1),
          cW4, cb4.reshape(1, -1)]
    xw = [xW1, xb1.reshape(1, -1), xW21, xb21.reshape(1, -1),
          xW22, xb22.reshape(1, -1), xW3, xb3.reshape(1, -1),
          xW4, xb4.reshape(1, -1)]

    collab_zn, c_mse, c_kld = _run_vae(collabs, eps_c, cw, N_COLLAB)
    ctx_zn, x_mse, x_kld = _run_vae(contexts, eps_x, xw, N_CTX)

    scores = ctx_zn @ collab_zn.T
    p = jax.nn.softmax(scores / temp, axis=1)
    p_sm = p.T[_PERM]

    grid = (N_CTX // BLK,)
    sel, logp = pl.pallas_call(
        _sample_kernel,
        grid=grid,
        in_specs=[
            pl.BlockSpec((N_COLLAB, BLK), lambda i: (0, i)),
            pl.BlockSpec((1, BLK), lambda i: (0, i)),
        ],
        out_specs=[
            pl.BlockSpec((1, 1, BLK), lambda i: (i, 0, 0)),
            pl.BlockSpec((1, 1, BLK), lambda i: (i, 0, 0)),
        ],
        out_shape=(
            jax.ShapeDtypeStruct((N_CTX // BLK, 1, BLK), jnp.int32),
            jax.ShapeDtypeStruct((N_CTX // BLK, 1, BLK), jnp.float32),
        ),
    )(p_sm, rand_t)

    selected_index = sel.reshape(N_CTX)
    log_probs = logp.reshape(N_CTX, 1)
    collab_embedding = _gather_rows(collab_zn, selected_index)

    loss_c = c_mse[0, 0] / (N_COLLAB * D_IN) + \
        (-0.5) * c_kld[0, 0] / (N_COLLAB * D_LAT)
    loss_x = x_mse[0, 0] / (N_CTX * D_IN) + \
        (-0.5) * x_kld[0, 0] / (N_CTX * D_LAT)
    vae_loss = loss_c + loss_x

    return (selected_index, log_probs, collab_embedding, vae_loss)

# --- scband reference (transcript-rebuilt; emitter-appended) ---
"""Pipeline reference for scband-collab-determiner-7773890806136 (READ-ONLY COPY).

The authoritative reference and input builder live on the scoring server;
editing this copy changes nothing except your own understanding.
"""

import jax, jax.numpy as jnp
import numpy as np
import math

STD2 = 0.1
VAR2 = STD2 * STD2
LOG_VAR2 = math.log(VAR2)


def _lin(key, din, dout):
    k1, k2 = jax.random.split(key)
    bound = 1.0 / math.sqrt(din)
    W = jax.random.uniform(k1, (dout, din), minval=-bound, maxval=bound, dtype=jnp.float32)
    b = jax.random.uniform(k2, (dout,), minval=-bound, maxval=bound, dtype=jnp.float32)
    return W, b


def setup_inputs(seed: int = 0) -> dict:
    key = jax.random.key(seed)
    ks = jax.random.split(key, 12)
    inp = {}
    inp['collabs'] = jax.random.normal(ks[0], (4096, 384), dtype=jnp.float32)
    inp['contexts'] = jax.random.normal(ks[1], (16384, 384), dtype=jnp.float32)
    # collab VAE params
    inp['cW1'], inp['cb1'] = _lin(ks[2], 384, 64)
    inp['cW21'], inp['cb21'] = _lin(ks[3], 64, 64)
    inp['cW22'], inp['cb22'] = _lin(ks[4], 64, 64)
    inp['cW3'], inp['cb3'] = _lin(ks[5], 64, 64)
    inp['cW4'], inp['cb4'] = _lin(ks[6], 64, 384)
    # context VAE params
    inp['xW1'], inp['xb1'] = _lin(ks[7], 384, 64)
    inp['xW21'], inp['xb21'] = _lin(ks[8], 64, 64)
    inp['xW22'], inp['xb22'] = _lin(ks[9], 64, 64)
    inp['xW3'], inp['xb3'] = _lin(ks[10], 64, 64)
    inp['xW4'], inp['xb4'] = _lin(ks[11], 64, 384)
    return inp


def _vae(x, W1, b1, W21, b21, W22, b22, W3, b3, W4, b4, eps_key):
    h = jax.nn.relu(x @ W1.T + b1)
    mu = h @ W21.T + b21
    log_var = h @ W22.T + b22
    std = jnp.exp(0.5 * log_var) * STD2
    eps = jax.random.normal(eps_key, std.shape, dtype=std.dtype)
    z = mu + eps * std
    h2 = jax.nn.relu(z @ W3.T + b3)
    x_hat = h2 @ W4.T + b4
    return x_hat, z, mu, log_var


def _vae_loss(x_hat, x, mu, log_var):
    mse = jnp.mean((x_hat - x) ** 2)
    kld = -0.5 * jnp.mean(1.0 - LOG_VAR2 + log_var - (mu ** 2 + jnp.exp(log_var)) / VAR2)
    return mse + kld


def _l2norm(z):
    n = jnp.sqrt(jnp.sum(z * z, axis=1, keepdims=True))
    return z / jnp.maximum(n, 1e-12)


def reference(collabs, contexts,
              cW1, cb1, cW21, cb21, cW22, cb22, cW3, cb3, cW4, cb4,
              xW1, xb1, xW21, xb21, xW22, xb22, xW3, xb3, xW4, xb4):
    temp = 1.0
    k_eps1 = jax.random.key(1)
    k_eps2 = jax.random.key(2)
    k_rand = jax.random.key(3)

    collab_hat, collab_z, collab_mu, collab_logvar = _vae(
        collabs, cW1, cb1, cW21, cb21, cW22, cb22, cW3, cb3, cW4, cb4, k_eps1)
    collab_z = _l2norm(collab_z)

    context_hat, context_z, context_mu, context_logvar = _vae(
        contexts, xW1, xb1, xW21, xb21, xW22, xb22, xW3, xb3, xW4, xb4, k_eps2)
    context_z = _l2norm(context_z)

    scores = context_z @ collab_z.T
    scores = jax.nn.softmax(scores / temp, axis=1)

    vae_loss = _vae_loss(collab_hat, collabs, collab_mu, collab_logvar) + \
               _vae_loss(context_hat, contexts, context_mu, context_logvar)

    scores_cumsum = jnp.cumsum(scores, axis=1)
    random_num = jax.random.uniform(k_rand, (scores.shape[0], 1), dtype=jnp.float32)
    selected_index = jnp.argmax((scores_cumsum > random_num).astype(jnp.float32), axis=1)
    log_probs = jnp.log(scores[jnp.arange(scores.shape[0]), selected_index])[:, None]
    collab_embedding = collab_z[selected_index]
    return (selected_index, log_probs, collab_embedding, vae_loss)

if __name__ == "__main__":
    import jax
    _d = setup_inputs()
    print(jax.jit(kernel)(*tuple(_d.values())))

</pallas_src>

<mosaic_0001>
#map = affine_map<(d0, d1) -> (0, 0)>
#map1 = affine_map<(d0, d1) -> (0)>
module attributes {stable_mosaic.version = 14 : i64} {
  func.func @gather(%arg0: i32, %arg1: i32, %arg2: memref<4096x128xf32, #tpu.memory_space<hbm>>, %arg3: memref<16384xi32, #tpu.memory_space<hbm>>, %arg4: memref<16384x128xf32, #tpu.memory_space<hbm>>, %arg5: memref<512xi32, #tpu.memory_space<vmem>>, %arg6: memref<512x128xf32, #tpu.memory_space<vmem>>, %arg7: memref<!tpu.dma_semaphore, #tpu.memory_space<semaphore_mem>>) attributes {dimension_semantics = [#tpu.dimension_semantics<core_parallel>, #tpu.dimension_semantics<subcore_parallel>], iteration_bounds = array<i64: 2, 16>, scalar_prefetch = 0 : i64, scratch_operands = 3 : i64, tpu.core_type = #tpu.core_type<sc_vector_subcore>, window_params = [{transform_indices = #map}, {transform_indices = #map1}, {transform_indices = #map}]} {
    %mul3A = arith.constant 2 : i32
    %mul3A_0 = arith.muli %arg1, %mul3A : i32
    %add3A = arith.addi %mul3A_0, %arg0 : i32
    %mul3A_1 = arith.constant 512 : i32
    %mul3A_2 = arith.muli %add3A, %mul3A_1 : i32
    "tpu.region"() ({
      %run_scoped3A = tpu.sem_alloc : memref<!tpu.dma_semaphore, #tpu.memory_space<semaphore_mem>>
      %dma_start3A_7 = tpu.memref_slice %arg3[%mul3A_2] : memref<16384xi32, #tpu.memory_space<hbm>> -> memref<512xi32, #tpu.memory_space<hbm>>
      %dma_start3A_8 = tpu.memref_slice %arg3[%mul3A_2] : memref<16384xi32, #tpu.memory_space<hbm>> -> memref<512xi32, #tpu.memory_space<hbm>>
      tpu.enqueue_dma source(%dma_start3A_8 : memref<512xi32, #tpu.memory_space<hbm>>) target(%arg5 : memref<512xi32, #tpu.memory_space<vmem>>) target_semaphore(%run_scoped3A : memref<!tpu.dma_semaphore, #tpu.memory_space<semaphore_mem>>)
      %dma_wait3A_9 = tpu.memref_slice %arg3[%mul3A_2] : memref<16384xi32, #tpu.memory_space<hbm>> -> memref<512xi32, #tpu.memory_space<hbm>>
      %dma_wait3A_10 = tpu.memref_slice %arg3[%mul3A_2] : memref<16384xi32, #tpu.memory_space<hbm>> -> memref<512xi32, #tpu.memory_space<hbm>>
      tpu.wait_dma2 semaphore(%run_scoped3A : memref<!tpu.dma_semaphore, #tpu.memory_space<semaphore_mem>>) src(%dma_wait3A_10 : memref<512xi32, #tpu.memory_space<hbm>>) dst(%arg5 : memref<512xi32, #tpu.memory_space<vmem>>)
      tpu.yield
    }) : () -> ()
    %dma_start3A = arith.constant 0 : i32
    %dma_start3A_3 = arith.constant 0 : i32
    %dma_start3A_4 = tpu.memref_slice %arg2[%dma_start3A, %dma_start3A_3] : memref<4096x128xf32, #tpu.memory_space<hbm>> -> memref<4096x128xf32, #tpu.memory_space<hbm>>
    tpu.enqueue_indirect_dma source(%dma_start3A_4 : memref<4096x128xf32, #tpu.memory_space<hbm>>) target(%arg6 : memref<512x128xf32, #tpu.memory_space<vmem>>) offsets(%arg5 : memref<512xi32, #tpu.memory_space<vmem>>) semaphore(%arg7 : memref<!tpu.dma_semaphore, #tpu.memory_space<semaphore_mem>>)
    %dma_wait3A = arith.constant 0 : i32
    %dma_wait3A_5 = arith.constant 0 : i32
    %dma_wait3A_6 = tpu.memref_slice %arg2[%dma_wait3A, %dma_wait3A_5] : memref<4096x128xf32, #tpu.memory_space<hbm>> -> memref<4096x128xf32, #tpu.memory_space<hbm>>
    tpu.wait_indirect_dma semaphore(%arg7 : memref<!tpu.dma_semaphore, #tpu.memory_space<semaphore_mem>>) src(%dma_wait3A_6 : memref<4096x128xf32, #tpu.memory_space<hbm>>) dst(%arg6 : memref<512x128xf32, #tpu.memory_space<vmem>>)
    "tpu.region"() ({
      %run_scoped3A = tpu.sem_alloc : memref<!tpu.dma_semaphore, #tpu.memory_space<semaphore_mem>>
      %dma_start3A_7 = arith.constant 0 : i32
      %dma_start3A_8 = tpu.memref_slice %arg4[%mul3A_2, %dma_start3A_7] : memref<16384x128xf32, #tpu.memory_space<hbm>> -> memref<512x128xf32, #tpu.memory_space<hbm>>
      %dma_start3A_9 = arith.constant 0 : i32
      %dma_start3A_10 = tpu.memref_slice %arg4[%mul3A_2, %dma_start3A_9] : memref<16384x128xf32, #tpu.memory_space<hbm>> -> memref<512x128xf32, #tpu.memory_space<hbm>>
      tpu.enqueue_dma source(%arg6 : memref<512x128xf32, #tpu.memory_space<vmem>>) target(%dma_start3A_10 : memref<512x128xf32, #tpu.memory_space<hbm>>) target_semaphore(%run_scoped3A : memref<!tpu.dma_semaphore, #tpu.memory_space<semaphore_mem>>)
      %dma_wait3A_11 = arith.constant 0 : i32
      %dma_wait3A_12 = tpu.memref_slice %arg4[%mul3A_2, %dma_wait3A_11] : memref<16384x128xf32, #tpu.memory_space<hbm>> -> memref<512x128xf32, #tpu.memory_space<hbm>>
      %dma_wait3A_13 = arith.constant 0 : i32
      %dma_wait3A_14 = tpu.memref_slice %arg4[%mul3A_2, %dma_wait3A_13] : memref<16384x128xf32, #tpu.memory_space<hbm>> -> memref<512x128xf32, #tpu.memory_space<hbm>>
      tpu.wait_dma2 semaphore(%run_scoped3A : memref<!tpu.dma_semaphore, #tpu.memory_space<semaphore_mem>>) src(%arg6 : memref<512x128xf32, #tpu.memory_space<vmem>>) dst(%dma_wait3A_14 : memref<512x128xf32, #tpu.memory_space<hbm>>)
      tpu.yield
    }) : () -> ()
    return
  }
}

module attributes {stable_mosaic.version = 14 : i64} {
  func.func @_vae_kernel(%arg0: i32, %arg1: memref<1024x384xf32, #tpu.memory_space<vmem>>, %arg2: memref<1024x64xf32, #tpu.memory_space<vmem>>, %arg3: memref<64x384xf32, #tpu.memory_space<vmem>>, %arg4: memref<1x64xf32, #tpu.memory_space<vmem>>, %arg5: memref<64x64xf32, #tpu.memory_space<vmem>>, %arg6: memref<1x64xf32, #tpu.memory_space<vmem>>, %arg7: memref<64x64xf32, #tpu.memory_space<vmem>>, %arg8: memref<1x64xf32, #tpu.memory_space<vmem>>, %arg9: memref<64x64xf32, #tpu.memory_space<vmem>>, %arg10: memref<1x64xf32, #tpu.memory_space<vmem>>, %arg11: memref<384x64xf32, #tpu.memory_space<vmem>>, %arg12: memref<1x384xf32, #tpu.memory_space<vmem>>, %arg13: memref<1024x64xf32, #tpu.memory_space<vmem>>, %arg14: memref<1x1xf32, #tpu.memory_space<vmem>>, %arg15: memref<1x1xf32, #tpu.memory_space<vmem>>) attributes {dimension_semantics = [#tpu.dimension_semantics<arbitrary>], iteration_bounds = array<i64: 16>, scalar_prefetch = 0 : i64, scratch_operands = 0 : i64, tpu.core_type = #tpu.core_type<tc>, window_params = [{transform_indices = @transform_0, window_bounds = array<i64: 1024, 384>}, {transform_indices = @transform_1, window_bounds = array<i64: 1024, 64>}, {pipeline_mode = #tpu.pipeline_mode<synchronous>, transform_indices = @transform_2, window_bounds = array<i64: 64, 384>}, {pipeline_mode = #tpu.pipeline_mode<synchronous>, transform_indices = @transform_3, window_bounds = array<i64: 1, 64>}, {pipeline_mode = #tpu.pipeline_mode<synchronous>, transform_indices = @transform_4, window_bounds = array<i64: 64, 64>}, {pipeline_mode = #tpu.pipeline_mode<synchronous>, transform_indices = @transform_5, window_bounds = array<i64: 1, 64>}, {pipeline_mode = #tpu.pipeline_mode<synchronous>, transform_indices = @transform_6, window_bounds = array<i64: 64, 64>}, {pipeline_mode = #tpu.pipeline_mode<synchronous>, transform_indices = @transform_7, window_bounds = array<i64: 1, 64>}, {pipeline_mode = #tpu.pipeline_mode<synchronous>, transform_indices = @transform_8, window_bounds = array<i64: 64, 64>}, {pipeline_mode = #tpu.pipeline_mode<synchronous>, transform_indices = @transform_9, window_bounds = array<i64: 1, 64>}, {pipeline_mode = #tpu.pipeline_mode<synchronous>, transform_indices = @transform_10, window_bounds = array<i64: 384, 64>}, {pipeline_mode = #tpu.pipeline_mode<synchronous>, transform_indices = @transform_11, window_bounds = array<i64: 1, 384>}, {transform_indices = @transform_12, window_bounds = array<i64: 1024, 64>}, {pipeline_mode = #tpu.pipeline_mode<synchronous>, transform_indices = @transform_13, window_bounds = array<i64: 1, 1>}, {pipeline_mode = #tpu.pipeline_mode<synchronous>, transform_indices = @transform_14, window_bounds = array<i64: 1, 1>}]} {
    %eq3A = arith.constant 0 : i32
    %eq3A_0 = arith.cmpi eq, %arg0, %eq3A : i32
    %convert_element_type3A = arith.extui %eq3A_0 : i1 to i32
    %cond3A = arith.constant 0 : i32
    %cond3A_1 = arith.cmpi ne, %convert_element_type3A, %cond3A : i32
    scf.if %cond3A_1 {
      %broadcast_in_dim3A_120 = arith.constant 0.000000e+00 : f32
      %broadcast_in_dim3A_121 = vector.broadcast %broadcast_in_dim3A_120 : f32 to vector<1x1xf32>
      %swap3A_122 = arith.constant 0 : index
      %swap3A_123 = arith.constant 0 : index
      %swap3A_124 = vector.load %arg14[%swap3A_122, %swap3A_123] : memref<1x1xf32, #tpu.memory_space<vmem>>, vector<1x1xf32>
      tpu.vector_store %arg14[%swap3A_122, %swap3A_123], %broadcast_in_dim3A_121 {strides = array<i32>} : memref<1x1xf32, #tpu.memory_space<vmem>>, vector<1x1xf32>,
      %broadcast_in_dim3A_125 = arith.constant 0.000000e+00 : f32
      %broadcast_in_dim3A_126 = vector.broadcast %broadcast_in_dim3A_125 : f32 to vector<1x1xf32>
      %swap3A_127 = arith.constant 0 : index
      %swap3A_128 = arith.constant 0 : index
      %swap3A_129 = vector.load %arg15[%swap3A_127, %swap3A_128] : memref<1x1xf32, #tpu.memory_space<vmem>>, vector<1x1xf32>
      tpu.vector_store %arg15[%swap3A_127, %swap3A_128], %broadcast_in_dim3A_126 {strides = array<i32>} : memref<1x1xf32, #tpu.memory_space<vmem>>, vector<1x1xf32>,
    } else {
    }
    %get3A = arith.constant 0 : index
    %get3A_2 = arith.constant 0 : index
    %get3A_3 = vector.load %arg1[%get3A, %get3A_2] : memref<1024x384xf32, #tpu.memory_space<vmem>>, vector<1024x384xf32>
    %get3A_4 = arith.constant 0 : index
    %get3A_5 = arith.constant 0 : index
    %get3A_6 = vector.load %arg2[%get3A_4, %get3A_5] : memref<1024x64xf32, #tpu.memory_space<vmem>>, vector<1024x64xf32>
    %get3A_7 = arith.constant 0 : index
    %get3A_8 = arith.constant 0 : index
    %get3A_9 = vector.load %arg3[%get3A_7, %get3A_8] : memref<64x384xf32, #tpu.memory_space<vmem>>, vector<64x384xf32>
    %get3A_10 = arith.constant 0 : index
    %get3A_11 = arith.constant 0 : index
    %get3A_12 = vector.load %arg4[%get3A_10, %get3A_11] : memref<1x64xf32, #tpu.memory_space<vmem>>, vector<1x64xf32>
    %get3A_13 = arith.constant 0 : index
    %get3A_14 = arith.constant 0 : index
    %get3A_15 = vector.load %arg5[%get3A_13, %get3A_14] : memref<64x64xf32, #tpu.memory_space<vmem>>, vector<64x64xf32>
    %get3A_16 = arith.constant 0 : index
    %get3A_17 = arith.constant 0 : index
    %get3A_18 = vector.load %arg6[%get3A_16, %get3A_17] : memref<1x64xf32, #tpu.memory_space<vmem>>, vector<1x64xf32>
    %get3A_19 = arith.constant 0 : index
    %get3A_20 = arith.constant 0 : index
    %get3A_21 = vector.load %arg7[%get3A_19, %get3A_20] : memref<64x64xf32, #tpu.memory_space<vmem>>, vector<64x64xf32>
    %get3A_22 = arith.constant 0 : index
    %get3A_23 = arith.constant 0 : index
    %get3A_24 = vector.load %arg8[%get3A_22, %get3A_23] : memref<1x64xf32, #tpu.memory_space<vmem>>, vector<1x64xf32>
    %convert_element_type3A_25 = arith.truncf %get3A_3 : vector<1024x384xf32> to vector<1024x384xbf16>
    %convert_element_type3A_26 = arith.truncf %get3A_9 : vector<64x384xf32> to vector<64x384xbf16>
    %dot_general3A = arith.constant dense<0.000000e+00> : vector<1024x64xf32>
    %dot_general3A_27 = tpu.matmul %convert_element_type3A_25, %convert_element_type3A_26, %dot_general3A {dimension_numbers = #tpu.dot_dimension_numbers<[1], [1], [0], [0], [0, 0, 1, 0], [], []>, transpose_lhs_hint = false} : vector<1024x384xbf16>, vector<64x384xbf16>, vector<1024x64xf32> -> vector<1024x64xf32>
    %add3A = vector.broadcast %get3A_12 : vector<1x64xf32> to vector<1024x64xf32>
    %add3A_28 = arith.addf %dot_general3A_27, %add3A : vector<1024x64xf32>
    %max3A = arith.constant 0.000000e+00 : f32
    %max3A_29 = vector.broadcast %max3A : f32 to vector<1024x64xf32>
    %max3A_30 = arith.maximumf %add3A_28, %max3A_29 : vector<1024x64xf32>
    %convert_element_type3A_31 = arith.truncf %max3A_30 : vector<1024x64xf32> to vector<1024x64xbf16>
    %convert_element_type3A_32 = arith.truncf %get3A_15 : vector<64x64xf32> to vector<64x64xbf16>
    %dot_general3A_33 = arith.constant dense<0.000000e+00> : vector<1024x64xf32>
    %dot_general3A_34 = tpu.matmul %convert_element_type3A_31, %convert_element_type3A_32, %dot_general3A_33 {dimension_numbers = #tpu.dot_dimension_numbers<[1], [1], [0], [0], [0, 0, 1, 0], [], []>, transpose_lhs_hint = false} : vector<1024x64xbf16>, vector<64x64xbf16>, vector<1024x64xf32> -> vector<1024x64xf32>
    %add3A_35 = vector.broadcast %get3A_18 : vector<1x64xf32> to vector<1024x64xf32>
    %add3A_36 = arith.addf %dot_general3A_34, %add3A_35 : vector<1024x64xf32>
    %convert_element_type3A_37 = arith.truncf %max3A_30 : vector<1024x64xf32> to vector<1024x64xbf16>
    %convert_element_type3A_38 = arith.truncf %get3A_21 : vector<64x64xf32> to vector<64x64xbf16>
    %dot_general3A_39 = arith.constant dense<0.000000e+00> : vector<1024x64xf32>
    %dot_general3A_40 = tpu.matmul %convert_element_type3A_37, %convert_element_type3A_38, %dot_general3A_39 {dimension_numbers = #tpu.dot_dimension_numbers<[1], [1], [0], [0], [0, 0, 1, 0], [], []>, transpose_lhs_hint = false} : vector<1024x64xbf16>, vector<64x64xbf16>, vector<1024x64xf32> -> vector<1024x64xf32>
    %add3A_41 = vector.broadcast %get3A_24 : vector<1x64xf32> to vector<1024x64xf32>
    %add3A_42 = arith.addf %dot_general3A_40, %add3A_41 : vector<1024x64xf32>
    %mul3A = arith.constant 5.000000e-01 : f32
    %mul3A_43 = vector.broadcast %mul3A : f32 to vector<1024x64xf32>
    %mul3A_44 = arith.mulf %mul3A_43, %add3A_42 : vector<1024x64xf32>
    %exp3A = math.exp %mul3A_44 : vector<1024x64xf32>
    %mul3A_45 = arith.constant 1.000000e-01 : f32
    %mul3A_46 = vector.broadcast %mul3A_45 : f32 to vector<1024x64xf32>
    %mul3A_47 = arith.mulf %exp3A, %mul3A_46 : vector<1024x64xf32>
    %mul3A_48 = arith.mulf %get3A_6, %mul3A_47 : vector<1024x64xf32>
    %add3A_49 = arith.addf %add3A_36, %mul3A_48 : vector<1024x64xf32>
    %get3A_50 = arith.constant 0 : index
    %get3A_51 = arith.constant 0 : index
    %get3A_52 = vector.load %arg9[%get3A_50, %get3A_51] : memref<64x64xf32, #tpu.memory_space<vmem>>, vector<64x64xf32>
    %get3A_53 = arith.constant 0 : index
    %get3A_54 = arith.constant 0 : index
    %get3A_55 = vector.load %arg10[%get3A_53, %get3A_54] : memref<1x64xf32, #tpu.memory_space<vmem>>, vector<1x64xf32>
    %get3A_56 = arith.constant 0 : index
    %get3A_57 = arith.constant 0 : index
    %get3A_58 = vector.load %arg11[%get3A_56, %get3A_57] : memref<384x64xf32, #tpu.memory_space<vmem>>, vector<384x64xf32>
    %get3A_59 = arith.constant 0 : index
    %get3A_60 = arith.constant 0 : index
    %get3A_61 = vector.load %arg12[%get3A_59, %get3A_60] : memref<1x384xf32, #tpu.memory_space<vmem>>, vector<1x384xf32>
    %convert_element_type3A_62 = arith.truncf %add3A_49 : vector<1024x64xf32> to vector<1024x64xbf16>
    %convert_element_type3A_63 = arith.truncf %get3A_52 : vector<64x64xf32> to vector<64x64xbf16>
    %dot_general3A_64 = arith.constant dense<0.000000e+00> : vector<1024x64xf32>
    %dot_general3A_65 = tpu.matmul %convert_element_type3A_62, %convert_element_type3A_63, %dot_general3A_64 {dimension_numbers = #tpu.dot_dimension_numbers<[1], [1], [0], [0], [0, 0, 1, 0], [], []>, transpose_lhs_hint = false} : vector<1024x64xbf16>, vector<64x64xbf16>, vector<1024x64xf32> -> vector<1024x64xf32>
    %add3A_66 = vector.broadcast %get3A_55 : vector<1x64xf32> to vector<1024x64xf32>
    %add3A_67 = arith.addf %dot_general3A_65, %add3A_66 : vector<1024x64xf32>
    %max3A_68 = arith.constant 0.000000e+00 : f32
    %max3A_69 = vector.broadcast %max3A_68 : f32 to vector<1024x64xf32>
    %max3A_70 = arith.maximumf %add3A_67, %max3A_69 : vector<1024x64xf32>
    %convert_element_type3A_71 = arith.truncf %max3A_70 : vector<1024x64xf32> to vector<1024x64xbf16>
    %convert_element_type3A_72 = arith.truncf %get3A_58 : vector<384x64xf32> to vector<384x64xbf16>
    %dot_general3A_73 = arith.constant dense<0.000000e+00> : vector<1024x384xf32>
    %dot_general3A_74 = tpu.matmul %convert_element_type3A_71, %convert_element_type3A_72, %dot_general3A_73 {dimension_numbers = #tpu.dot_dimension_numbers<[1], [1], [0], [0], [0, 0, 1, 0], [], []>, transpose_lhs_hint = false} : vector<1024x64xbf16>, vector<384x64xbf16>, vector<1024x384xf32> -> vector<1024x384xf32>
    %add3A_75 = vector.broadcast %get3A_61 : vector<1x384xf32> to vector<1024x384xf32>
    %add3A_76 = arith.addf %dot_general3A_74, %add3A_75 : vector<1024x384xf32>
    %sub3A = arith.subf %add3A_76, %get3A_3 : vector<1024x384xf32>
    %integer_pow3A = arith.mulf %sub3A, %sub3A : vector<1024x384xf32>
    %reduce_sum3A = vector.shape_cast %integer_pow3A : vector<1024x384xf32> to vector<1x1024x384xf32>
    %reduce_sum3A_77 = arith.constant dense<0.000000e+00> : vector<1xf32>
    %reduce_sum3A_78 = vector.multi_reduction <add>, %reduce_sum3A, %reduce_sum3A_77 [1, 2] : vector<1x1024x384xf32> to vector<1xf32>
    %reduce_sum3A_79 = vector.shape_cast %reduce_sum3A_78 : vector<1xf32> to vector<1x1x1xf32>
    %reduce_sum3A_80 = vector.extract %reduce_sum3A_79[0, 0, 0] : f32 from vector<1x1x1xf32>
    %add3A_81 = arith.constant 5.60517025 : f32
    %add3A_82 = vector.broadcast %add3A_81 : f32 to vector<1024x64xf32>
    %add3A_83 = arith.addf %add3A_82, %add3A_42 : vector<1024x64xf32>
    %integer_pow3A_84 = arith.mulf %add3A_36, %add3A_36 : vector<1024x64xf32>
    %exp3A_85 = math.exp %add3A_42 : vector<1024x64xf32>
    %add3A_86 = arith.addf %integer_pow3A_84, %exp3A_85 : vector<1024x64xf32>
    %div3A = arith.constant 0.00999999977 : f32
    %div3A_87 = vector.broadcast %div3A : f32 to vector<1024x64xf32>
    %div3A_88 = arith.divf %add3A_86, %div3A_87 : vector<1024x64xf32>
    %sub3A_89 = arith.subf %add3A_83, %div3A_88 : vector<1024x64xf32>
    %reduce_sum3A_90 = vector.shape_cast %sub3A_89 : vector<1024x64xf32> to vector<1x1024x64xf32>
    %reduce_sum3A_91 = arith.constant dense<0.000000e+00> : vector<1xf32>
    %reduce_sum3A_92 = vector.multi_reduction <add>, %reduce_sum3A_90, %reduce_sum3A_91 [1, 2] : vector<1x1024x64xf32> to vector<1xf32>
    %reduce_sum3A_93 = vector.shape_cast %reduce_sum3A_92 : vector<1xf32> to vector<1x1x1xf32>
    %reduce_sum3A_94 = vector.extract %reduce_sum3A_93[0, 0, 0] : f32 from vector<1x1x1xf32>
    %mul3A_95 = arith.mulf %add3A_49, %add3A_49 : vector<1024x64xf32>
    %reduce_sum3A_96 = arith.constant dense<0.000000e+00> : vector<1024xf32>
    %reduce_sum3A_97 = vector.multi_reduction <add>, %mul3A_95, %reduce_sum3A_96 [1] : vector<1024x64xf32> to vector<1024xf32>
    %broadcast_in_dim3A = vector.shape_cast %reduce_sum3A_97 : vector<1024xf32> to vector<1024x1xf32>
    %sqrt3A = math.sqrt %broadcast_in_dim3A : vector<1024x1xf32>
    %max3A_98 = arith.constant 9.99999996E-13 : f32
    %max3A_99 = vector.broadcast %max3A_98 : f32 to vector<1024x1xf32>
    %max3A_100 = arith.maximumf %sqrt3A, %max3A_99 : vector<1024x1xf32>
    %div3A_101 = vector.broadcast %max3A_100 : vector<1024x1xf32> to vector<1024x64xf32>
    %div3A_102 = arith.divf %add3A_49, %div3A_101 : vector<1024x64xf32>
    %swap3A = arith.constant 0 : index
    %swap3A_103 = arith.constant 0 : index
    %swap3A_104 = vector.load %arg13[%swap3A, %swap3A_103] : memref<1024x64xf32, #tpu.memory_space<vmem>>, vector<1024x64xf32>
    tpu.vector_store %arg13[%swap3A, %swap3A_103], %div3A_102 {strides = array<i32>} : memref<1024x64xf32, #tpu.memory_space<vmem>>, vector<1024x64xf32>,
    %get3A_105 = arith.constant 0 : index
    %get3A_106 = arith.constant 0 : index
    %get3A_107 = vector.load %arg14[%get3A_105, %get3A_106] : memref<1x1xf32, #tpu.memory_space<vmem>>, vector<1x1xf32>
    %reshape3A = vector.broadcast %reduce_sum3A_80 : f32 to vector<1x1xf32>
    %add3A_108 = arith.addf %get3A_107, %reshape3A : vector<1x1xf32>
    %swap3A_109 = arith.constant 0 : index
    %swap3A_110 = arith.constant 0 : index
    %swap3A_111 = vector.load %arg14[%swap3A_109, %swap3A_110] : memref<1x1xf32, #tpu.memory_space<vmem>>, vector<1x1xf32>
    tpu.vector_store %arg14[%swap3A_109, %swap3A_110], %add3A_108 {strides = array<i32>} : memref<1x1xf32, #tpu.memory_space<vmem>>, vector<1x1xf32>,
    %get3A_112 = arith.constant 0 : index
    %get3A_113 = arith.constant 0 : index
    %get3A_114 = vector.load %arg15[%get3A_112, %get3A_113] : memref<1x1xf32, #tpu.memory_space<vmem>>, vector<1x1xf32>
    %reshape3A_115 = vector.broadcast %reduce_sum3A_94 : f32 to vector<1x1xf32>
    %add3A_116 = arith.addf %get3A_114, %reshape3A_115 : vector<1x1xf32>
    %swap3A_117 = arith.constant 0 : index
    %swap3A_118 = arith.constant 0 : index
    %swap3A_119 = vector.load %arg15[%swap3A_117, %swap3A_118] : memref<1x1xf32, #tpu.memory_space<vmem>>, vector<1x1xf32>
    tpu.vector_store %arg15[%swap3A_117, %swap3A_118], %add3A_116 {strides = array<i32>} : memref<1x1xf32, #tpu.memory_space<vmem>>, vector<1x1xf32>,
    return
  }
  func.func @transform_0(%arg0: i32) -> (i32, i32) {
    %c0_i32 = arith.constant 0 : i32
    %c0_i32_0 = arith.constant 0 : i32
    return %arg0, %c0_i32 : i32, i32
  }
  func.func @transform_1(%arg0: i32) -> (i32, i32) {
    %c0_i32 = arith.constant 0 : i32
    %c0_i32_0 = arith.constant 0 : i32
    return %arg0, %c0_i32 : i32, i32
  }
  func.func @transform_2(%arg0: i32) -> (i32, i32) {
    %c0_i32 = arith.constant 0 : i32
    %c0_i32_0 = arith.constant 0 : i32
    %c0_i32_1 = arith.constant 0 : i32
    return %c0_i32, %c0_i32_0 : i32, i32
  }
  func.func @transform_3(%arg0: i32) -> (i32, i32) {
    %c0_i32 = arith.constant 0 : i32
    %c0_i32_0 = arith.constant 0 : i32
    %c0_i32_1 = arith.constant 0 : i32
    return %c0_i32, %c0_i32_0 : i32, i32
  }
  func.func @transform_4(%arg0: i32) -> (i32, i32) {
    %c0_i32 = arith.constant 0 : i32
    %c0_i32_0 = arith.constant 0 : i32
    %c0_i32_1 = arith.constant 0 : i32
    return %c0_i32, %c0_i32_0 : i32, i32
  }
  func.func @transform_5(%arg0: i32) -> (i32, i32) {
    %c0_i32 = arith.constant 0 : i32
    %c0_i32_0 = arith.constant 0 : i32
    %c0_i32_1 = arith.constant 0 : i32
    return %c0_i32, %c0_i32_0 : i32, i32
  }
  func.func @transform_6(%arg0: i32) -> (i32, i32) {
    %c0_i32 = arith.constant 0 : i32
    %c0_i32_0 = arith.constant 0 : i32
    %c0_i32_1 = arith.constant 0 : i32
    return %c0_i32, %c0_i32_0 : i32, i32
  }
  func.func @transform_7(%arg0: i32) -> (i32, i32) {
    %c0_i32 = arith.constant 0 : i32
    %c0_i32_0 = arith.constant 0 : i32
    %c0_i32_1 = arith.constant 0 : i32
    return %c0_i32, %c0_i32_0 : i32, i32
  }
  func.func @transform_8(%arg0: i32) -> (i32, i32) {
    %c0_i32 = arith.constant 0 : i32
    %c0_i32_0 = arith.constant 0 : i32
    %c0_i32_1 = arith.constant 0 : i32
    return %c0_i32, %c0_i32_0 : i32, i32
  }
  func.func @transform_9(%arg0: i32) -> (i32, i32) {
    %c0_i32 = arith.constant 0 : i32
    %c0_i32_0 = arith.constant 0 : i32
    %c0_i32_1 = arith.constant 0 : i32
    return %c0_i32, %c0_i32_0 : i32, i32
  }
  func.func @transform_10(%arg0: i32) -> (i32, i32) {
    %c0_i32 = arith.constant 0 : i32
    %c0_i32_0 = arith.constant 0 : i32
    %c0_i32_1 = arith.constant 0 : i32
    return %c0_i32, %c0_i32_0 : i32, i32
  }
  func.func @transform_11(%arg0: i32) -> (i32, i32) {
    %c0_i32 = arith.constant 0 : i32
    %c0_i32_0 = arith.constant 0 : i32
    %c0_i32_1 = arith.constant 0 : i32
    return %c0_i32, %c0_i32_0 : i32, i32
  }
  func.func @transform_12(%arg0: i32) -> (i32, i32) {
    %c0_i32 = arith.constant 0 : i32
    %c0_i32_0 = arith.constant 0 : i32
    return %arg0, %c0_i32 : i32, i32
  }
  func.func @transform_13(%arg0: i32) -> (i32, i32) {
    %c0_i32 = arith.constant 0 : i32
    %c0_i32_0 = arith.constant 0 : i32
    %c0_i32_1 = arith.constant 0 : i32
    return %c0_i32, %c0_i32_0 : i32, i32
  }
  func.func @transform_14(%arg0: i32) -> (i32, i32) {
    %c0_i32 = arith.constant 0 : i32
    %c0_i32_0 = arith.constant 0 : i32
    %c0_i32_1 = arith.constant 0 : i32
    return %c0_i32, %c0_i32_0 : i32, i32
  }
}

module attributes {stable_mosaic.version = 14 : i64} {
  func.func @_vae_kernel(%arg0: i32, %arg1: memref<1024x384xf32, #tpu.memory_space<vmem>>, %arg2: memref<1024x64xf32, #tpu.memory_space<vmem>>, %arg3: memref<64x384xf32, #tpu.memory_space<vmem>>, %arg4: memref<1x64xf32, #tpu.memory_space<vmem>>, %arg5: memref<64x64xf32, #tpu.memory_space<vmem>>, %arg6: memref<1x64xf32, #tpu.memory_space<vmem>>, %arg7: memref<64x64xf32, #tpu.memory_space<vmem>>, %arg8: memref<1x64xf32, #tpu.memory_space<vmem>>, %arg9: memref<64x64xf32, #tpu.memory_space<vmem>>, %arg10: memref<1x64xf32, #tpu.memory_space<vmem>>, %arg11: memref<384x64xf32, #tpu.memory_space<vmem>>, %arg12: memref<1x384xf32, #tpu.memory_space<vmem>>, %arg13: memref<1024x64xf32, #tpu.memory_space<vmem>>, %arg14: memref<1x1xf32, #tpu.memory_space<vmem>>, %arg15: memref<1x1xf32, #tpu.memory_space<vmem>>) attributes {dimension_semantics = [#tpu.dimension_semantics<arbitrary>], iteration_bounds = array<i64: 4>, scalar_prefetch = 0 : i64, scratch_operands = 0 : i64, tpu.core_type = #tpu.core_type<tc>, window_params = [{transform_indices = @transform_0, window_bounds = array<i64: 1024, 384>}, {transform_indices = @transform_1, window_bounds = array<i64: 1024, 64>}, {pipeline_mode = #tpu.pipeline_mode<synchronous>, transform_indices = @transform_2, window_bounds = array<i64: 64, 384>}, {pipeline_mode = #tpu.pipeline_mode<synchronous>, transform_indices = @transform_3, window_bounds = array<i64: 1, 64>}, {pipeline_mode = #tpu.pipeline_mode<synchronous>, transform_indices = @transform_4, window_bounds = array<i64: 64, 64>}, {pipeline_mode = #tpu.pipeline_mode<synchronous>, transform_indices = @transform_5, window_bounds = array<i64: 1, 64>}, {pipeline_mode = #tpu.pipeline_mode<synchronous>, transform_indices = @transform_6, window_bounds = array<i64: 64, 64>}, {pipeline_mode = #tpu.pipeline_mode<synchronous>, transform_indices = @transform_7, window_bounds = array<i64: 1, 64>}, {pipeline_mode = #tpu.pipeline_mode<synchronous>, transform_indices = @transform_8, window_bounds = array<i64: 64, 64>}, {pipeline_mode = #tpu.pipeline_mode<synchronous>, transform_indices = @transform_9, window_bounds = array<i64: 1, 64>}, {pipeline_mode = #tpu.pipeline_mode<synchronous>, transform_indices = @transform_10, window_bounds = array<i64: 384, 64>}, {pipeline_mode = #tpu.pipeline_mode<synchronous>, transform_indices = @transform_11, window_bounds = array<i64: 1, 384>}, {transform_indices = @transform_12, window_bounds = array<i64: 1024, 64>}, {pipeline_mode = #tpu.pipeline_mode<synchronous>, transform_indices = @transform_13, window_bounds = array<i64: 1, 1>}, {pipeline_mode = #tpu.pipeline_mode<synchronous>, transform_indices = @transform_14, window_bounds = array<i64: 1, 1>}]} {
    %eq3A = arith.constant 0 : i32
    %eq3A_0 = arith.cmpi eq, %arg0, %eq3A : i32
    %convert_element_type3A = arith.extui %eq3A_0 : i1 to i32
    %cond3A = arith.constant 0 : i32
    %cond3A_1 = arith.cmpi ne, %convert_element_type3A, %cond3A : i32
    scf.if %cond3A_1 {
      %broadcast_in_dim3A_120 = arith.constant 0.000000e+00 : f32
      %broadcast_in_dim3A_121 = vector.broadcast %broadcast_in_dim3A_120 : f32 to vector<1x1xf32>
      %swap3A_122 = arith.constant 0 : index
      %swap3A_123 = arith.constant 0 : index
      %swap3A_124 = vector.load %arg14[%swap3A_122, %swap3A_123] : memref<1x1xf32, #tpu.memory_space<vmem>>, vector<1x1xf32>
      tpu.vector_store %arg14[%swap3A_122, %swap3A_123], %broadcast_in_dim3A_121 {strides = array<i32>} : memref<1x1xf32, #tpu.memory_space<vmem>>, vector<1x1xf32>,
      %broadcast_in_dim3A_125 = arith.constant 0.000000e+00 : f32
      %broadcast_in_dim3A_126 = vector.broadcast %broadcast_in_dim3A_125 : f32 to vector<1x1xf32>
      %swap3A_127 = arith.constant 0 : index
      %swap3A_128 = arith.constant 0 : index
      %swap3A_129 = vector.load %arg15[%swap3A_127, %swap3A_128] : memref<1x1xf32, #tpu.memory_space<vmem>>, vector<1x1xf32>
      tpu.vector_store %arg15[%swap3A_127, %swap3A_128], %broadcast_in_dim3A_126 {strides = array<i32>} : memref<1x1xf32, #tpu.memory_space<vmem>>, vector<1x1xf32>,
    } else {
    }
    %get3A = arith.constant 0 : index
    %get3A_2 = arith.constant 0 : index
    %get3A_3 = vector.load %arg1[%get3A, %get3A_2] : memref<1024x384xf32, #tpu.memory_space<vmem>>, vector<1024x384xf32>
    %get3A_4 = arith.constant 0 : index
    %get3A_5 = arith.constant 0 : index
    %get3A_6 = vector.load %arg2[%get3A_4, %get3A_5] : memref<1024x64xf32, #tpu.memory_space<vmem>>, vector<1024x64xf32>
    %get3A_7 = arith.constant 0 : index
    %get3A_8 = arith.constant 0 : index
    %get3A_9 = vector.load %arg3[%get3A_7, %get3A_8] : memref<64x384xf32, #tpu.memory_space<vmem>>, vector<64x384xf32>
    %get3A_10 = arith.constant 0 : index
    %get3A_11 = arith.constant 0 : index
    %get3A_12 = vector.load %arg4[%get3A_10, %get3A_11] : memref<1x64xf32, #tpu.memory_space<vmem>>, vector<1x64xf32>
    %get3A_13 = arith.constant 0 : index
    %get3A_14 = arith.constant 0 : index
    %get3A_15 = vector.load %arg5[%get3A_13, %get3A_14] : memref<64x64xf32, #tpu.memory_space<vmem>>, vector<64x64xf32>
    %get3A_16 = arith.constant 0 : index
    %get3A_17 = arith.constant 0 : index
    %get3A_18 = vector.load %arg6[%get3A_16, %get3A_17] : memref<1x64xf32, #tpu.memory_space<vmem>>, vector<1x64xf32>
    %get3A_19 = arith.constant 0 : index
    %get3A_20 = arith.constant 0 : index
    %get3A_21 = vector.load %arg7[%get3A_19, %get3A_20] : memref<64x64xf32, #tpu.memory_space<vmem>>, vector<64x64xf32>
    %get3A_22 = arith.constant 0 : index
    %get3A_23 = arith.constant 0 : index
    %get3A_24 = vector.load %arg8[%get3A_22, %get3A_23] : memref<1x64xf32, #tpu.memory_space<vmem>>, vector<1x64xf32>
    %convert_element_type3A_25 = arith.truncf %get3A_3 : vector<1024x384xf32> to vector<1024x384xbf16>
    %convert_element_type3A_26 = arith.truncf %get3A_9 : vector<64x384xf32> to vector<64x384xbf16>
    %dot_general3A = arith.constant dense<0.000000e+00> : vector<1024x64xf32>
    %dot_general3A_27 = tpu.matmul %convert_element_type3A_25, %convert_element_type3A_26, %dot_general3A {dimension_numbers = #tpu.dot_dimension_numbers<[1], [1], [0], [0], [0, 0, 1, 0], [], []>, transpose_lhs_hint = false} : vector<1024x384xbf16>, vector<64x384xbf16>, vector<1024x64xf32> -> vector<1024x64xf32>
    %add3A = vector.broadcast %get3A_12 : vector<1x64xf32> to vector<1024x64xf32>
    %add3A_28 = arith.addf %dot_general3A_27, %add3A : vector<1024x64xf32>
    %max3A = arith.constant 0.000000e+00 : f32
    %max3A_29 = vector.broadcast %max3A : f32 to vector<1024x64xf32>
    %max3A_30 = arith.maximumf %add3A_28, %max3A_29 : vector<1024x64xf32>
    %convert_element_type3A_31 = arith.truncf %max3A_30 : vector<1024x64xf32> to vector<1024x64xbf16>
    %convert_element_type3A_32 = arith.truncf %get3A_15 : vector<64x64xf32> to vector<64x64xbf16>
    %dot_general3A_33 = arith.constant dense<0.000000e+00> : vector<1024x64xf32>
    %dot_general3A_34 = tpu.matmul %convert_element_type3A_31, %convert_element_type3A_32, %dot_general3A_33 {dimension_numbers = #tpu.dot_dimension_numbers<[1], [1], [0], [0], [0, 0, 1, 0], [], []>, transpose_lhs_hint = false} : vector<1024x64xbf16>, vector<64x64xbf16>, vector<1024x64xf32> -> vector<1024x64xf32>
    %add3A_35 = vector.broadcast %get3A_18 : vector<1x64xf32> to vector<1024x64xf32>
    %add3A_36 = arith.addf %dot_general3A_34, %add3A_35 : vector<1024x64xf32>
    %convert_element_type3A_37 = arith.truncf %max3A_30 : vector<1024x64xf32> to vector<1024x64xbf16>
    %convert_element_type3A_38 = arith.truncf %get3A_21 : vector<64x64xf32> to vector<64x64xbf16>
    %dot_general3A_39 = arith.constant dense<0.000000e+00> : vector<1024x64xf32>
    %dot_general3A_40 = tpu.matmul %convert_element_type3A_37, %convert_element_type3A_38, %dot_general3A_39 {dimension_numbers = #tpu.dot_dimension_numbers<[1], [1], [0], [0], [0, 0, 1, 0], [], []>, transpose_lhs_hint = false} : vector<1024x64xbf16>, vector<64x64xbf16>, vector<1024x64xf32> -> vector<1024x64xf32>
    %add3A_41 = vector.broadcast %get3A_24 : vector<1x64xf32> to vector<1024x64xf32>
    %add3A_42 = arith.addf %dot_general3A_40, %add3A_41 : vector<1024x64xf32>
    %mul3A = arith.constant 5.000000e-01 : f32
    %mul3A_43 = vector.broadcast %mul3A : f32 to vector<1024x64xf32>
    %mul3A_44 = arith.mulf %mul3A_43, %add3A_42 : vector<1024x64xf32>
    %exp3A = math.exp %mul3A_44 : vector<1024x64xf32>
    %mul3A_45 = arith.constant 1.000000e-01 : f32
    %mul3A_46 = vector.broadcast %mul3A_45 : f32 to vector<1024x64xf32>
    %mul3A_47 = arith.mulf %exp3A, %mul3A_46 : vector<1024x64xf32>
    %mul3A_48 = arith.mulf %get3A_6, %mul3A_47 : vector<1024x64xf32>
    %add3A_49 = arith.addf %add3A_36, %mul3A_48 : vector<1024x64xf32>
    %get3A_50 = arith.constant 0 : index
    %get3A_51 = arith.constant 0 : index
    %get3A_52 = vector.load %arg9[%get3A_50, %get3A_51] : memref<64x64xf32, #tpu.memory_space<vmem>>, vector<64x64xf32>
    %get3A_53 = arith.constant 0 : index
    %get3A_54 = arith.constant 0 : index
    %get3A_55 = vector.load %arg10[%get3A_53, %get3A_54] : memref<1x64xf32, #tpu.memory_space<vmem>>, vector<1x64xf32>
    %get3A_56 = arith.constant 0 : index
    %get3A_57 = arith.constant 0 : index
    %get3A_58 = vector.load %arg11[%get3A_56, %get3A_57] : memref<384x64xf32, #tpu.memory_space<vmem>>, vector<384x64xf32>
    %get3A_59 = arith.constant 0 : index
    %get3A_60 = arith.constant 0 : index
    %get3A_61 = vector.load %arg12[%get3A_59, %get3A_60] : memref<1x384xf32, #tpu.memory_space<vmem>>, vector<1x384xf32>
    %convert_element_type3A_62 = arith.truncf %add3A_49 : vector<1024x64xf32> to vector<1024x64xbf16>
    %convert_element_type3A_63 = arith.truncf %get3A_52 : vector<64x64xf32> to vector<64x64xbf16>
    %dot_general3A_64 = arith.constant dense<0.000000e+00> : vector<1024x64xf32>
    %dot_general3A_65 = tpu.matmul %convert_element_type3A_62, %convert_element_type3A_63, %dot_general3A_64 {dimension_numbers = #tpu.dot_dimension_numbers<[1], [1], [0], [0], [0, 0, 1, 0], [], []>, transpose_lhs_hint = false} : vector<1024x64xbf16>, vector<64x64xbf16>, vector<1024x64xf32> -> vector<1024x64xf32>
    %add3A_66 = vector.broadcast %get3A_55 : vector<1x64xf32> to vector<1024x64xf32>
    %add3A_67 = arith.addf %dot_general3A_65, %add3A_66 : vector<1024x64xf32>
    %max3A_68 = arith.constant 0.000000e+00 : f32
    %max3A_69 = vector.broadcast %max3A_68 : f32 to vector<1024x64xf32>
    %max3A_70 = arith.maximumf %add3A_67, %max3A_69 : vector<1024x64xf32>
    %convert_element_type3A_71 = arith.truncf %max3A_70 : vector<1024x64xf32> to vector<1024x64xbf16>
    %convert_element_type3A_72 = arith.truncf %get3A_58 : vector<384x64xf32> to vector<384x64xbf16>
    %dot_general3A_73 = arith.constant dense<0.000000e+00> : vector<1024x384xf32>
    %dot_general3A_74 = tpu.matmul %convert_element_type3A_71, %convert_element_type3A_72, %dot_general3A_73 {dimension_numbers = #tpu.dot_dimension_numbers<[1], [1], [0], [0], [0, 0, 1, 0], [], []>, transpose_lhs_hint = false} : vector<1024x64xbf16>, vector<384x64xbf16>, vector<1024x384xf32> -> vector<1024x384xf32>
    %add3A_75 = vector.broadcast %get3A_61 : vector<1x384xf32> to vector<1024x384xf32>
    %add3A_76 = arith.addf %dot_general3A_74, %add3A_75 : vector<1024x384xf32>
    %sub3A = arith.subf %add3A_76, %get3A_3 : vector<1024x384xf32>
    %integer_pow3A = arith.mulf %sub3A, %sub3A : vector<1024x384xf32>
    %reduce_sum3A = vector.shape_cast %integer_pow3A : vector<1024x384xf32> to vector<1x1024x384xf32>
    %reduce_sum3A_77 = arith.constant dense<0.000000e+00> : vector<1xf32>
    %reduce_sum3A_78 = vector.multi_reduction <add>, %reduce_sum3A, %reduce_sum3A_77 [1, 2] : vector<1x1024x384xf32> to vector<1xf32>
    %reduce_sum3A_79 = vector.shape_cast %reduce_sum3A_78 : vector<1xf32> to vector<1x1x1xf32>
    %reduce_sum3A_80 = vector.extract %reduce_sum3A_79[0, 0, 0] : f32 from vector<1x1x1xf32>
    %add3A_81 = arith.constant 5.60517025 : f32
    %add3A_82 = vector.broadcast %add3A_81 : f32 to vector<1024x64xf32>
    %add3A_83 = arith.addf %add3A_82, %add3A_42 : vector<1024x64xf32>
    %integer_pow3A_84 = arith.mulf %add3A_36, %add3A_36 : vector<1024x64xf32>
    %exp3A_85 = math.exp %add3A_42 : vector<1024x64xf32>
    %add3A_86 = arith.addf %integer_pow3A_84, %exp3A_85 : vector<1024x64xf32>
    %div3A = arith.constant 0.00999999977 : f32
    %div3A_87 = vector.broadcast %div3A : f32 to vector<1024x64xf32>
    %div3A_88 = arith.divf %add3A_86, %div3A_87 : vector<1024x64xf32>
    %sub3A_89 = arith.subf %add3A_83, %div3A_88 : vector<1024x64xf32>
    %reduce_sum3A_90 = vector.shape_cast %sub3A_89 : vector<1024x64xf32> to vector<1x1024x64xf32>
    %reduce_sum3A_91 = arith.constant dense<0.000000e+00> : vector<1xf32>
    %reduce_sum3A_92 = vector.multi_reduction <add>, %reduce_sum3A_90, %reduce_sum3A_91 [1, 2] : vector<1x1024x64xf32> to vector<1xf32>
    %reduce_sum3A_93 = vector.shape_cast %reduce_sum3A_92 : vector<1xf32> to vector<1x1x1xf32>
    %reduce_sum3A_94 = vector.extract %reduce_sum3A_93[0, 0, 0] : f32 from vector<1x1x1xf32>
    %mul3A_95 = arith.mulf %add3A_49, %add3A_49 : vector<1024x64xf32>
    %reduce_sum3A_96 = arith.constant dense<0.000000e+00> : vector<1024xf32>
    %reduce_sum3A_97 = vector.multi_reduction <add>, %mul3A_95, %reduce_sum3A_96 [1] : vector<1024x64xf32> to vector<1024xf32>
    %broadcast_in_dim3A = vector.shape_cast %reduce_sum3A_97 : vector<1024xf32> to vector<1024x1xf32>
    %sqrt3A = math.sqrt %broadcast_in_dim3A : vector<1024x1xf32>
    %max3A_98 = arith.constant 9.99999996E-13 : f32
    %max3A_99 = vector.broadcast %max3A_98 : f32 to vector<1024x1xf32>
    %max3A_100 = arith.maximumf %sqrt3A, %max3A_99 : vector<1024x1xf32>
    %div3A_101 = vector.broadcast %max3A_100 : vector<1024x1xf32> to vector<1024x64xf32>
    %div3A_102 = arith.divf %add3A_49, %div3A_101 : vector<1024x64xf32>
    %swap3A = arith.constant 0 : index
    %swap3A_103 = arith.constant 0 : index
    %swap3A_104 = vector.load %arg13[%swap3A, %swap3A_103] : memref<1024x64xf32, #tpu.memory_space<vmem>>, vector<1024x64xf32>
    tpu.vector_store %arg13[%swap3A, %swap3A_103], %div3A_102 {strides = array<i32>} : memref<1024x64xf32, #tpu.memory_space<vmem>>, vector<1024x64xf32>,
    %get3A_105 = arith.constant 0 : index
    %get3A_106 = arith.constant 0 : index
    %get3A_107 = vector.load %arg14[%get3A_105, %get3A_106] : memref<1x1xf32, #tpu.memory_space<vmem>>, vector<1x1xf32>
    %reshape3A = vector.broadcast %reduce_sum3A_80 : f32 to vector<1x1xf32>
    %add3A_108 = arith.addf %get3A_107, %reshape3A : vector<1x1xf32>
    %swap3A_109 = arith.constant 0 : index
    %swap3A_110 = arith.constant 0 : index
    %swap3A_111 = vector.load %arg14[%swap3A_109, %swap3A_110] : memref<1x1xf32, #tpu.memory_space<vmem>>, vector<1x1xf32>
    tpu.vector_store %arg14[%swap3A_109, %swap3A_110], %add3A_108 {strides = array<i32>} : memref<1x1xf32, #tpu.memory_space<vmem>>, vector<1x1xf32>,
    %get3A_112 = arith.constant 0 : index
    %get3A_113 = arith.constant 0 : index
    %get3A_114 = vector.load %arg15[%get3A_112, %get3A_113] : memref<1x1xf32, #tpu.memory_space<vmem>>, vector<1x1xf32>
    %reshape3A_115 = vector.broadcast %reduce_sum3A_94 : f32 to vector<1x1xf32>
    %add3A_116 = arith.addf %get3A_114, %reshape3A_115 : vector<1x1xf32>
    %swap3A_117 = arith.constant 0 : index
    %swap3A_118 = arith.constant 0 : index
    %swap3A_119 = vector.load %arg15[%swap3A_117, %swap3A_118] : memref<1x1xf32, #tpu.memory_space<vmem>>, vector<1x1xf32>
    tpu.vector_store %arg15[%swap3A_117, %swap3A_118], %add3A_116 {strides = array<i32>} : memref<1x1xf32, #tpu.memory_space<vmem>>, vector<1x1xf32>,
    return
  }
  func.func @transform_0(%arg0: i32) -> (i32, i32) {
    %c0_i32 = arith.constant 0 : i32
    %c0_i32_0 = arith.constant 0 : i32
    return %arg0, %c0_i32 : i32, i32
  }
  func.func @transform_1(%arg0: i32) -> (i32, i32) {
    %c0_i32 = arith.constant 0 : i32
    %c0_i32_0 = arith.constant 0 : i32
    return %arg0, %c0_i32 : i32, i32
  }
  func.func @transform_2(%arg0: i32) -> (i32, i32) {
    %c0_i32 = arith.constant 0 : i32
    %c0_i32_0 = arith.constant 0 : i32
    %c0_i32_1 = arith.constant 0 : i32
    return %c0_i32, %c0_i32_0 : i32, i32
  }
  func.func @transform_3(%arg0: i32) -> (i32, i32) {
    %c0_i32 = arith.constant 0 : i32
    %c0_i32_0 = arith.constant 0 : i32
    %c0_i32_1 = arith.constant 0 : i32
    return %c0_i32, %c0_i32_0 : i32, i32
  }
  func.func @transform_4(%arg0: i32) -> (i32, i32) {
    %c0_i32 = arith.constant 0 : i32
    %c0_i32_0 = arith.constant 0 : i32
    %c0_i32_1 = arith.constant 0 : i32
    return %c0_i32, %c0_i32_0 : i32, i32
  }
  func.func @transform_5(%arg0: i32) -> (i32, i32) {
    %c0_i32 = arith.constant 0 : i32
    %c0_i32_0 = arith.constant 0 : i32
    %c0_i32_1 = arith.constant 0 : i32
    return %c0_i32, %c0_i32_0 : i32, i32
  }
  func.func @transform_6(%arg0: i32) -> (i32, i32) {
    %c0_i32 = arith.constant 0 : i32
    %c0_i32_0 = arith.constant 0 : i32
    %c0_i32_1 = arith.constant 0 : i32
    return %c0_i32, %c0_i32_0 : i32, i32
  }
  func.func @transform_7(%arg0: i32) -> (i32, i32) {
    %c0_i32 = arith.constant 0 : i32
    %c0_i32_0 = arith.constant 0 : i32
    %c0_i32_1 = arith.constant 0 : i32
    return %c0_i32, %c0_i32_0 : i32, i32
  }
  func.func @transform_8(%arg0: i32) -> (i32, i32) {
    %c0_i32 = arith.constant 0 : i32
    %c0_i32_0 = arith.constant 0 : i32
    %c0_i32_1 = arith.constant 0 : i32
    return %c0_i32, %c0_i32_0 : i32, i32
  }
  func.func @transform_9(%arg0: i32) -> (i32, i32) {
    %c0_i32 = arith.constant 0 : i32
    %c0_i32_0 = arith.constant 0 : i32
    %c0_i32_1 = arith.constant 0 : i32
    return %c0_i32, %c0_i32_0 : i32, i32
  }
  func.func @transform_10(%arg0: i32) -> (i32, i32) {
    %c0_i32 = arith.constant 0 : i32
    %c0_i32_0 = arith.constant 0 : i32
    %c0_i32_1 = arith.constant 0 : i32
    return %c0_i32, %c0_i32_0 : i32, i32
  }
  func.func @transform_11(%arg0: i32) -> (i32, i32) {
    %c0_i32 = arith.constant 0 : i32
    %c0_i32_0 = arith.constant 0 : i32
    %c0_i32_1 = arith.constant 0 : i32
    return %c0_i32, %c0_i32_0 : i32, i32
  }
  func.func @transform_12(%arg0: i32) -> (i32, i32) {
    %c0_i32 = arith.constant 0 : i32
    %c0_i32_0 = arith.constant 0 : i32
    return %arg0, %c0_i32 : i32, i32
  }
  func.func @transform_13(%arg0: i32) -> (i32, i32) {
    %c0_i32 = arith.constant 0 : i32
    %c0_i32_0 = arith.constant 0 : i32
    %c0_i32_1 = arith.constant 0 : i32
    return %c0_i32, %c0_i32_0 : i32, i32
  }
  func.func @transform_14(%arg0: i32) -> (i32, i32) {
    %c0_i32 = arith.constant 0 : i32
    %c0_i32_0 = arith.constant 0 : i32
    %c0_i32_1 = arith.constant 0 : i32
    return %c0_i32, %c0_i32_0 : i32, i32
  }
}

module attributes {stable_mosaic.version = 14 : i64} {
  func.func @_sample_kernel(%arg0: i32, %arg1: memref<4096x256xf32, #tpu.memory_space<vmem>>, %arg2: memref<1x256xf32, #tpu.memory_space<vmem>>, %arg3: memref<1x1x256xi32, #tpu.memory_space<vmem>>, %arg4: memref<1x1x256xf32, #tpu.memory_space<vmem>>) attributes {dimension_semantics = [#tpu.dimension_semantics<arbitrary>], iteration_bounds = array<i64: 64>, scalar_prefetch = 0 : i64, scratch_operands = 0 : i64, tpu.core_type = #tpu.core_type<tc>, window_params = [{transform_indices = @transform_0, window_bounds = array<i64: 4096, 256>}, {transform_indices = @transform_1, window_bounds = array<i64: 1, 256>}, {transform_indices = @transform_2, window_bounds = array<i64: 1, 1, 256>}, {transform_indices = @transform_3, window_bounds = array<i64: 1, 1, 256>}]} {
    %get3A = arith.constant 0 : index
    %get3A_0 = arith.constant 0 : index
    %get3A_1 = vector.load %arg1[%get3A, %get3A_0] : memref<4096x256xf32, #tpu.memory_space<vmem>>, vector<4096x256xf32>
    %reshape3A = vector.shape_cast %get3A_1 : vector<4096x256xf32> to vector<128x32x256xf32>
    %get3A_2 = arith.constant 0 : index
    %get3A_3 = arith.constant 0 : index
    %get3A_4 = vector.load %arg2[%get3A_2, %get3A_3] : memref<1x256xf32, #tpu.memory_space<vmem>>, vector<1x256xf32>
    %slice3A = vector.extract_strided_slice %reshape3A {offsets = [0, 0, 0], sizes = [1, 32, 256], strides = [1, 1, 1]} : vector<128x32x256xf32> to vector<1x32x256xf32>
    %squeeze3A = vector.shape_cast %slice3A : vector<1x32x256xf32> to vector<32x256xf32>
    %slice3A_5 = vector.extract_strided_slice %reshape3A {offsets = [1, 0, 0], sizes = [1, 32, 256], strides = [1, 1, 1]} : vector<128x32x256xf32> to vector<1x32x256xf32>
    %squeeze3A_6 = vector.shape_cast %slice3A_5 : vector<1x32x256xf32> to vector<32x256xf32>
    %add3A = arith.addf %squeeze3A, %squeeze3A_6 : vector<32x256xf32>
    %slice3A_7 = vector.extract_strided_slice %reshape3A {offsets = [2, 0, 0], sizes = [1, 32, 256], strides = [1, 1, 1]} : vector<128x32x256xf32> to vector<1x32x256xf32>
    %squeeze3A_8 = vector.shape_cast %slice3A_7 : vector<1x32x256xf32> to vector<32x256xf32>
    %add3A_9 = arith.addf %add3A, %squeeze3A_8 : vector<32x256xf32>
    %slice3A_10 = vector.extract_strided_slice %reshape3A {offsets = [3, 0, 0], sizes = [1, 32, 256], strides = [1, 1, 1]} : vector<128x32x256xf32> to vector<1x32x256xf32>
    %squeeze3A_11 = vector.shape_cast %slice3A_10 : vector<1x32x256xf32> to vector<32x256xf32>
    %add3A_12 = arith.addf %add3A_9, %squeeze3A_11 : vector<32x256xf32>
    %slice3A_13 = vector.extract_strided_slice %reshape3A {offsets = [4, 0, 0], sizes = [1, 32, 256], strides = [1, 1, 1]} : vector<128x32x256xf32> to vector<1x32x256xf32>
    %squeeze3A_14 = vector.shape_cast %slice3A_13 : vector<1x32x256xf32> to vector<32x256xf32>
    %add3A_15 = arith.addf %add3A_12, %squeeze3A_14 : vector<32x256xf32>
    %slice3A_16 = vector.extract_strided_slice %reshape3A {offsets = [5, 0, 0], sizes = [1, 32, 256], strides = [1, 1, 1]} : vector<128x32x256xf32> to vector<1x32x256xf32>
    %squeeze3A_17 = vector.shape_cast %slice3A_16 : vector<1x32x256xf32> to vector<32x256xf32>
    %add3A_18 = arith.addf %add3A_15, %squeeze3A_17 : vector<32x256xf32>
    %slice3A_19 = vector.extract_strided_slice %reshape3A {offsets = [6, 0, 0], sizes = [1, 32, 256], strides = [1, 1, 1]} : vector<128x32x256xf32> to vector<1x32x256xf32>
    %squeeze3A_20 = vector.shape_cast %slice3A_19 : vector<1x32x256xf32> to vector<32x256xf32>
    %add3A_21 = arith.addf %add3A_18, %squeeze3A_20 : vector<32x256xf32>
    %slice3A_22 = vector.extract_strided_slice %reshape3A {offsets = [7, 0, 0], sizes = [1, 32, 256], strides = [1, 1, 1]} : vector<128x32x256xf32> to vector<1x32x256xf32>
    %squeeze3A_23 = vector.shape_cast %slice3A_22 : vector<1x32x256xf32> to vector<32x256xf32>
    %add3A_24 = arith.addf %add3A_21, %squeeze3A_23 : vector<32x256xf32>
    %slice3A_25 = vector.extract_strided_slice %reshape3A {offsets = [8, 0, 0], sizes = [1, 32, 256], strides = [1, 1, 1]} : vector<128x32x256xf32> to vector<1x32x256xf32>
    %squeeze3A_26 = vector.shape_cast %slice3A_25 : vector<1x32x256xf32> to vector<32x256xf32>
    %add3A_27 = arith.addf %add3A_24, %squeeze3A_26 : vector<32x256xf32>
    %slice3A_28 = vector.extract_strided_slice %reshape3A {offsets = [9, 0, 0], sizes = [1, 32, 256], strides = [1, 1, 1]} : vector<128x32x256xf32> to vector<1x32x256xf32>
    %squeeze3A_29 = vector.shape_cast %slice3A_28 : vector<1x32x256xf32> to vector<32x256xf32>
    %add3A_30 = arith.addf %add3A_27, %squeeze3A_29 : vector<32x256xf32>
    %slice3A_31 = vector.extract_strided_slice %reshape3A {offsets = [10, 0, 0], sizes = [1, 32, 256], strides = [1, 1, 1]} : vector<128x32x256xf32> to vector<1x32x256xf32>
    %squeeze3A_32 = vector.shape_cast %slice3A_31 : vector<1x32x256xf32> to vector<32x256xf32>
    %add3A_33 = arith.addf %add3A_30, %squeeze3A_32 : vector<32x256xf32>
    %slice3A_34 = vector.extract_strided_slice %reshape3A {offsets = [11, 0, 0], sizes = [1, 32, 256], strides = [1, 1, 1]} : vector<128x32x256xf32> to vector<1x32x256xf32>
    %squeeze3A_35 = vector.shape_cast %slice3A_34 : vector<1x32x256xf32> to vector<32x256xf32>
    %add3A_36 = arith.addf %add3A_33, %squeeze3A_35 : vector<32x256xf32>
    %slice3A_37 = vector.extract_strided_slice %reshape3A {offsets = [12, 0, 0], sizes = [1, 32, 256], strides = [1, 1, 1]} : vector<128x32x256xf32> to vector<1x32x256xf32>
    %squeeze3A_38 = vector.shape_cast %slice3A_37 : vector<1x32x256xf32> to vector<32x256xf32>
    %add3A_39 = arith.addf %add3A_36, %squeeze3A_38 : vector<32x256xf32>
    %slice3A_40 = vector.extract_strided_slice %reshape3A {offsets = [13, 0, 0], sizes = [1, 32, 256], strides = [1, 1, 1]} : vector<128x32x256xf32> to vector<1x32x256xf32>
    %squeeze3A_41 = vector.shape_cast %slice3A_40 : vector<1x32x256xf32> to vector<32x256xf32>
    %add3A_42 = arith.addf %add3A_39, %squeeze3A_41 : vector<32x256xf32>
    %slice3A_43 = vector.extract_strided_slice %reshape3A {offsets = [14, 0, 0], sizes = [1, 32, 256], strides = [1, 1, 1]} : vector<128x32x256xf32> to vector<1x32x256xf32>
    %squeeze3A_44 = vector.shape_cast %slice3A_43 : vector<1x32x256xf32> to vector<32x256xf32>
    %add3A_45 = arith.addf %add3A_42, %squeeze3A_44 : vector<32x256xf32>
    %slice3A_46 = vector.extract_strided_slice %reshape3A {offsets = [15, 0, 0], sizes = [1, 32, 256], strides = [1, 1, 1]} : vector<128x32x256xf32> to vector<1x32x256xf32>
    %squeeze3A_47 = vector.shape_cast %slice3A_46 : vector<1x32x256xf32> to vector<32x256xf32>
    %add3A_48 = arith.addf %add3A_45, %squeeze3A_47 : vector<32x256xf32>
    %slice3A_49 = vector.extract_strided_slice %reshape3A {offsets = [16, 0, 0], sizes = [1, 32, 256], strides = [1, 1, 1]} : vector<128x32x256xf32> to vector<1x32x256xf32>
    %squeeze3A_50 = vector.shape_cast %slice3A_49 : vector<1x32x256xf32> to vector<32x256xf32>
    %add3A_51 = arith.addf %add3A_48, %squeeze3A_50 : vector<32x256xf32>
    %slice3A_52 = vector.extract_strided_slice %reshape3A {offsets = [17, 0, 0], sizes = [1, 32, 256], strides = [1, 1, 1]} : vector<128x32x256xf32> to vector<1x32x256xf32>
    %squeeze3A_53 = vector.shape_cast %slice3A_52 : vector<1x32x256xf32> to vector<32x256xf32>
    %add3A_54 = arith.addf %add3A_51, %squeeze3A_53 : vector<32x256xf32>
    %slice3A_55 = vector.extract_strided_slice %reshape3A {offsets = [18, 0, 0], sizes = [1, 32, 256], strides = [1, 1, 1]} : vector<128x32x256xf32> to vector<1x32x256xf32>
    %squeeze3A_56 = vector.shape_cast %slice3A_55 : vector<1x32x256xf32> to vector<32x256xf32>
    %add3A_57 = arith.addf %add3A_54, %squeeze3A_56 : vector<32x256xf32>
    %slice3A_58 = vector.extract_strided_slice %reshape3A {offsets = [19, 0, 0], sizes = [1, 32, 256], strides = [1, 1, 1]} : vector<128x32x256xf32> to vector<1x32x256xf32>
    %squeeze3A_59 = vector.shape_cast %slice3A_58 : vector<1x32x256xf32> to vector<32x256xf32>
    %add3A_60 = arith.addf %add3A_57, %squeeze3A_59 : vector<32x256xf32>
    %slice3A_61 = vector.extract_strided_slice %reshape3A {offsets = [20, 0, 0], sizes = [1, 32, 256], strides = [1, 1, 1]} : vector<128x32x256xf32> to vector<1x32x256xf32>
    %squeeze3A_62 = vector.shape_cast %slice3A_61 : vector<1x32x256xf32> to vector<32x256xf32>
    %add3A_63 = arith.addf %add3A_60, %squeeze3A_62 : vector<32x256xf32>
    %slice3A_64 = vector.extract_strided_slice %reshape3A {offsets = [21, 0, 0], sizes = [1, 32, 256], strides = [1, 1, 1]} : vector<128x32x256xf32> to vector<1x32x256xf32>
    %squeeze3A_65 = vector.shape_cast %slice3A_64 : vector<1x32x256xf32> to vector<32x256xf32>
    %add3A_66 = arith.addf %add3A_63, %squeeze3A_65 : vector<32x256xf32>
    %slice3A_67 = vector.extract_strided_slice %reshape3A {offsets = [22, 0, 0], sizes = [1, 32, 256], strides = [1, 1, 1]} : vector<128x32x256xf32> to vector<1x32x256xf32>
    %squeeze3A_68 = vector.shape_cast %slice3A_67 : vector<1x32x256xf32> to vector<32x256xf32>
    %add3A_69 = arith.addf %add3A_66, %squeeze3A_68 : vector<32x256xf32>
    %slice3A_70 = vector.extract_strided_slice %reshape3A {offsets = [23, 0, 0], sizes = [1, 32, 256], strides = [1, 1, 1]} : vector<128x32x256xf32> to vector<1x32x256xf32>
    %squeeze3A_71 = vector.shape_cast %slice3A_70 : vector<1x32x256xf32> to vector<32x256xf32>
    %add3A_72 = arith.addf %add3A_69, %squeeze3A_71 : vector<32x256xf32>
    %slice3A_73 = vector.extract_strided_slice %reshape3A {offsets = [24, 0, 0], sizes = [1, 32, 256], strides = [1, 1, 1]} : vector<128x32x256xf32> to vector<1x32x256xf32>
    %squeeze3A_74 = vector.shape_cast %slice3A_73 : vector<1x32x256xf32> to vector<32x256xf32>
    %add3A_75 = arith.addf %add3A_72, %squeeze3A_74 : vector<32x256xf32>
    %slice3A_76 = vector.extract_strided_slice %reshape3A {offsets = [25, 0, 0], sizes = [1, 32, 256], strides = [1, 1, 1]} : vector<128x32x256xf32> to vector<1x32x256xf32>
    %squeeze3A_77 = vector.shape_cast %slice3A_76 : vector<1x32x256xf32> to vector<32x256xf32>
    %add3A_78 = arith.addf %add3A_75, %squeeze3A_77 : vector<32x256xf32>
    %slice3A_79 = vector.extract_strided_slice %reshape3A {offsets = [26, 0, 0], sizes = [1, 32, 256], strides = [1, 1, 1]} : vector<128x32x256xf32> to vector<1x32x256xf32>
    %squeeze3A_80 = vector.shape_cast %slice3A_79 : vector<1x32x256xf32> to vector<32x256xf32>
    %add3A_81 = arith.addf %add3A_78, %squeeze3A_80 : vector<32x256xf32>
    %slice3A_82 = vector.extract_strided_slice %reshape3A {offsets = [27, 0, 0], sizes = [1, 32, 256], strides = [1, 1, 1]} : vector<128x32x256xf32> to vector<1x32x256xf32>
    %squeeze3A_83 = vector.shape_cast %slice3A_82 : vector<1x32x256xf32> to vector<32x256xf32>
    %add3A_84 = arith.addf %add3A_81, %squeeze3A_83 : vector<32x256xf32>
    %slice3A_85 = vector.extract_strided_slice %reshape3A {offsets = [28, 0, 0], sizes = [1, 32, 256], strides = [1, 1, 1]} : vector<128x32x256xf32> to vector<1x32x256xf32>
    %squeeze3A_86 = vector.shape_cast %slice3A_85 : vector<1x32x256xf32> to vector<32x256xf32>
    %add3A_87 = arith.addf %add3A_84, %squeeze3A_86 : vector<32x256xf32>
    %slice3A_88 = vector.extract_strided_slice %reshape3A {offsets = [29, 0, 0], sizes = [1, 32, 256], strides = [1, 1, 1]} : vector<128x32x256xf32> to vector<1x32x256xf32>
    %squeeze3A_89 = vector.shape_cast %slice3A_88 : vector<1x32x256xf32> to vector<32x256xf32>
    %add3A_90 = arith.addf %add3A_87, %squeeze3A_89 : vector<32x256xf32>
    %slice3A_91 = vector.extract_strided_slice %reshape3A {offsets = [30, 0, 0], sizes = [1, 32, 256], strides = [1, 1, 1]} : vector<128x32x256xf32> to vector<1x32x256xf32>
    %squeeze3A_92 = vector.shape_cast %slice3A_91 : vector<1x32x256xf32> to vector<32x256xf32>
    %add3A_93 = arith.addf %add3A_90, %squeeze3A_92 : vector<32x256xf32>
    %slice3A_94 = vector.extract_strided_slice %reshape3A {offsets = [31, 0, 0], sizes = [1, 32, 256], strides = [1, 1, 1]} : vector<128x32x256xf32> to vector<1x32x256xf32>
    %squeeze3A_95 = vector.shape_cast %slice3A_94 : vector<1x32x256xf32> to vector<32x256xf32>
    %add3A_96 = arith.addf %add3A_93, %squeeze3A_95 : vector<32x256xf32>
    %slice3A_97 = vector.extract_strided_slice %reshape3A {offsets = [32, 0, 0], sizes = [1, 32, 256], strides = [1, 1, 1]} : vector<128x32x256xf32> to vector<1x32x256xf32>
    %squeeze3A_98 = vector.shape_cast %slice3A_97 : vector<1x32x256xf32> to vector<32x256xf32>
    %add3A_99 = arith.addf %add3A_96, %squeeze3A_98 : vector<32x256xf32>
    %slice3A_100 = vector.extract_strided_slice %reshape3A {offsets = [33, 0, 0], sizes = [1, 32, 256], strides = [1, 1, 1]} : vector<128x32x256xf32> to vector<1x32x256xf32>
    %squeeze3A_101 = vector.shape_cast %slice3A_100 : vector<1x32x256xf32> to vector<32x256xf32>
    %add3A_102 = arith.addf %add3A_99, %squeeze3A_101 : vector<32x256xf32>
    %slice3A_103 = vector.extract_strided_slice %reshape3A {offsets = [34, 0, 0], sizes = [1, 32, 256], strides = [1, 1, 1]} : vector<128x32x256xf32> to vector<1x32x256xf32>
    %squeeze3A_104 = vector.shape_cast %slice3A_103 : vector<1x32x256xf32> to vector<32x256xf32>
    %add3A_105 = arith.addf %add3A_102, %squeeze3A_104 : vector<32x256xf32>
    %slice3A_106 = vector.extract_strided_slice %reshape3A {offsets = [35, 0, 0], sizes = [1, 32, 256], strides = [1, 1, 1]} : vector<128x32x256xf32> to vector<1x32x256xf32>
    %squeeze3A_107 = vector.shape_cast %slice3A_106 : vector<1x32x256xf32> to vector<32x256xf32>
    %add3A_108 = arith.addf %add3A_105, %squeeze3A_107 : vector<32x256xf32>
    %slice3A_109 = vector.extract_strided_slice %reshape3A {offsets = [36, 0, 0], sizes = [1, 32, 256], strides = [1, 1, 1]} : vector<128x32x256xf32> to vector<1x32x256xf32>
    %squeeze3A_110 = vector.shape_cast %slice3A_109 : vector<1x32x256xf32> to vector<32x256xf32>
    %add3A_111 = arith.addf %add3A_108, %squeeze3A_110 : vector<32x256xf32>
    %slice3A_112 = vector.extract_strided_slice %reshape3A {offsets = [37, 0, 0], sizes = [1, 32, 256], strides = [1, 1, 1]} : vector<128x32x256xf32> to vector<1x32x256xf32>
    %squeeze3A_113 = vector.shape_cast %slice3A_112 : vector<1x32x256xf32> to vector<32x256xf32>
    %add3A_114 = arith.addf %add3A_111, %squeeze3A_113 : vector<32x256xf32>
    %slice3A_115 = vector.extract_strided_slice %reshape3A {offsets = [38, 0, 0], sizes = [1, 32, 256], strides = [1, 1, 1]} : vector<128x32x256xf32> to vector<1x32x256xf32>
    %squeeze3A_116 = vector.shape_cast %slice3A_115 : vector<1x32x256xf32> to vector<32x256xf32>
    %add3A_117 = arith.addf %add3A_114, %squeeze3A_116 : vector<32x256xf32>
    %slice3A_118 = vector.extract_strided_slice %reshape3A {offsets = [39, 0, 0], sizes = [1, 32, 256], strides = [1, 1, 1]} : vector<128x32x256xf32> to vector<1x32x256xf32>
    %squeeze3A_119 = vector.shape_cast %slice3A_118 : vector<1x32x256xf32> to vector<32x256xf32>
    %add3A_120 = arith.addf %add3A_117, %squeeze3A_119 : vector<32x256xf32>
    %slice3A_121 = vector.extract_strided_slice %reshape3A {offsets = [40, 0, 0], sizes = [1, 32, 256], strides = [1, 1, 1]} : vector<128x32x256xf32> to vector<1x32x256xf32>
    %squeeze3A_122 = vector.shape_cast %slice3A_121 : vector<1x32x256xf32> to vector<32x256xf32>
    %add3A_123 = arith.addf %add3A_120, %squeeze3A_122 : vector<32x256xf32>
    %slice3A_124 = vector.extract_strided_slice %reshape3A {offsets = [41, 0, 0], sizes = [1, 32, 256], strides = [1, 1, 1]} : vector<128x32x256xf32> to vector<1x32x256xf32>
    %squeeze3A_125 = vector.shape_cast %slice3A_124 : vector<1x32x256xf32> to vector<32x256xf32>
    %add3A_126 = arith.addf %add3A_123, %squeeze3A_125 : vector<32x256xf32>
    %slice3A_127 = vector.extract_strided_slice %reshape3A {offsets = [42, 0, 0], sizes = [1, 32, 256], strides = [1, 1, 1]} : vector<128x32x256xf32> to vector<1x32x256xf32>
    %squeeze3A_128 = vector.shape_cast %slice3A_127 : vector<1x32x256xf32> to vector<32x256xf32>
    %add3A_129 = arith.addf %add3A_126, %squeeze3A_128 : vector<32x256xf32>
    %slice3A_130 = vector.extract_strided_slice %reshape3A {offsets = [43, 0, 0], sizes = [1, 32, 256], strides = [1, 1, 1]} : vector<128x32x256xf32> to vector<1x32x256xf32>
    %squeeze3A_131 = vector.shape_cast %slice3A_130 : vector<1x32x256xf32> to vector<32x256xf32>
    %add3A_132 = arith.addf %add3A_129, %squeeze3A_131 : vector<32x256xf32>
    %slice3A_133 = vector.extract_strided_slice %reshape3A {offsets = [44, 0, 0], sizes = [1, 32, 256], strides = [1, 1, 1]} : vector<128x32x256xf32> to vector<1x32x256xf32>
    %squeeze3A_134 = vector.shape_cast %slice3A_133 : vector<1x32x256xf32> to vector<32x256xf32>
    %add3A_135 = arith.addf %add3A_132, %squeeze3A_134 : vector<32x256xf32>
    %slice3A_136 = vector.extract_strided_slice %reshape3A {offsets = [45, 0, 0], sizes = [1, 32, 256], strides = [1, 1, 1]} : vector<128x32x256xf32> to vector<1x32x256xf32>
    %squeeze3A_137 = vector.shape_cast %slice3A_136 : vector<1x32x256xf32> to vector<32x256xf32>
    %add3A_138 = arith.addf %add3A_135, %squeeze3A_137 : vector<32x256xf32>
    %slice3A_139 = vector.extract_strided_slice %reshape3A {offsets = [46, 0, 0], sizes = [1, 32, 256], strides = [1, 1, 1]} : vector<128x32x256xf32> to vector<1x32x256xf32>
    %squeeze3A_140 = vector.shape_cast %slice3A_139 : vector<1x32x256xf32> to vector<32x256xf32>
    %add3A_141 = arith.addf %add3A_138, %squeeze3A_140 : vector<32x256xf32>
    %slice3A_142 = vector.extract_strided_slice %reshape3A {offsets = [47, 0, 0], sizes = [1, 32, 256], strides = [1, 1, 1]} : vector<128x32x256xf32> to vector<1x32x256xf32>
    %squeeze3A_143 = vector.shape_cast %slice3A_142 : vector<1x32x256xf32> to vector<32x256xf32>
    %add3A_144 = arith.addf %add3A_141, %squeeze3A_143 : vector<32x256xf32>
    %slice3A_145 = vector.extract_strided_slice %reshape3A {offsets = [48, 0, 0], sizes = [1, 32, 256], strides = [1, 1, 1]} : vector<128x32x256xf32> to vector<1x32x256xf32>
    %squeeze3A_146 = vector.shape_cast %slice3A_145 : vector<1x32x256xf32> to vector<32x256xf32>
    %add3A_147 = arith.addf %add3A_144, %squeeze3A_146 : vector<32x256xf32>
    %slice3A_148 = vector.extract_strided_slice %reshape3A {offsets = [49, 0, 0], sizes = [1, 32, 256], strides = [1, 1, 1]} : vector<128x32x256xf32> to vector<1x32x256xf32>
    %squeeze3A_149 = vector.shape_cast %slice3A_148 : vector<1x32x256xf32> to vector<32x256xf32>
    %add3A_150 = arith.addf %add3A_147, %squeeze3A_149 : vector<32x256xf32>
    %slice3A_151 = vector.extract_strided_slice %reshape3A {offsets = [50, 0, 0], sizes = [1, 32, 256], strides = [1, 1, 1]} : vector<128x32x256xf32> to vector<1x32x256xf32>
    %squeeze3A_152 = vector.shape_cast %slice3A_151 : vector<1x32x256xf32> to vector<32x256xf32>
    %add3A_153 = arith.addf %add3A_150, %squeeze3A_152 : vector<32x256xf32>
    %slice3A_154 = vector.extract_strided_slice %reshape3A {offsets = [51, 0, 0], sizes = [1, 32, 256], strides = [1, 1, 1]} : vector<128x32x256xf32> to vector<1x32x256xf32>
    %squeeze3A_155 = vector.shape_cast %slice3A_154 : vector<1x32x256xf32> to vector<32x256xf32>
    %add3A_156 = arith.addf %add3A_153, %squeeze3A_155 : vector<32x256xf32>
    %slice3A_157 = vector.extract_strided_slice %reshape3A {offsets = [52, 0, 0], sizes = [1, 32, 256], strides = [1, 1, 1]} : vector<128x32x256xf32> to vector<1x32x256xf32>
    %squeeze3A_158 = vector.shape_cast %slice3A_157 : vector<1x32x256xf32> to vector<32x256xf32>
    %add3A_159 = arith.addf %add3A_156, %squeeze3A_158 : vector<32x256xf32>
    %slice3A_160 = vector.extract_strided_slice %reshape3A {offsets = [53, 0, 0], sizes = [1, 32, 256], strides = [1, 1, 1]} : vector<128x32x256xf32> to vector<1x32x256xf32>
    %squeeze3A_161 = vector.shape_cast %slice3A_160 : vector<1x32x256xf32> to vector<32x256xf32>
    %add3A_162 = arith.addf %add3A_159, %squeeze3A_161 : vector<32x256xf32>
    %slice3A_163 = vector.extract_strided_slice %reshape3A {offsets = [54, 0, 0], sizes = [1, 32, 256], strides = [1, 1, 1]} : vector<128x32x256xf32> to vector<1x32x256xf32>
    %squeeze3A_164 = vector.shape_cast %slice3A_163 : vector<1x32x256xf32> to vector<32x256xf32>
    %add3A_165 = arith.addf %add3A_162, %squeeze3A_164 : vector<32x256xf32>
    %slice3A_166 = vector.extract_strided_slice %reshape3A {offsets = [55, 0, 0], sizes = [1, 32, 256], strides = [1, 1, 1]} : vector<128x32x256xf32> to vector<1x32x256xf32>
    %squeeze3A_167 = vector.shape_cast %slice3A_166 : vector<1x32x256xf32> to vector<32x256xf32>
    %add3A_168 = arith.addf %add3A_165, %squeeze3A_167 : vector<32x256xf32>
    %slice3A_169 = vector.extract_strided_slice %reshape3A {offsets = [56, 0, 0], sizes = [1, 32, 256], strides = [1, 1, 1]} : vector<128x32x256xf32> to vector<1x32x256xf32>
    %squeeze3A_170 = vector.shape_cast %slice3A_169 : vector<1x32x256xf32> to vector<32x256xf32>
    %add3A_171 = arith.addf %add3A_168, %squeeze3A_170 : vector<32x256xf32>
    %slice3A_172 = vector.extract_strided_slice %reshape3A {offsets = [57, 0, 0], sizes = [1, 32, 256], strides = [1, 1, 1]} : vector<128x32x256xf32> to vector<1x32x256xf32>
    %squeeze3A_173 = vector.shape_cast %slice3A_172 : vector<1x32x256xf32> to vector<32x256xf32>
    %add3A_174 = arith.addf %add3A_171, %squeeze3A_173 : vector<32x256xf32>
    %slice3A_175 = vector.extract_strided_slice %reshape3A {offsets = [58, 0, 0], sizes = [1, 32, 256], strides = [1, 1, 1]} : vector<128x32x256xf32> to vector<1x32x256xf32>
    %squeeze3A_176 = vector.shape_cast %slice3A_175 : vector<1x32x256xf32> to vector<32x256xf32>
    %add3A_177 = arith.addf %add3A_174, %squeeze3A_176 : vector<32x256xf32>
    %slice3A_178 = vector.extract_strided_slice %reshape3A {offsets = [59, 0, 0], sizes = [1, 32, 256], strides = [1, 1, 1]} : vector<128x32x256xf32> to vector<1x32x256xf32>
    %squeeze3A_179 = vector.shape_cast %slice3A_178 : vector<1x32x256xf32> to vector<32x256xf32>
    %add3A_180 = arith.addf %add3A_177, %squeeze3A_179 : vector<32x256xf32>
    %slice3A_181 = vector.extract_strided_slice %reshape3A {offsets = [60, 0, 0], sizes = [1, 32, 256], strides = [1, 1, 1]} : vector<128x32x256xf32> to vector<1x32x256xf32>
    %squeeze3A_182 = vector.shape_cast %slice3A_181 : vector<1x32x256xf32> to vector<32x256xf32>
    %add3A_183 = arith.addf %add3A_180, %squeeze3A_182 : vector<32x256xf32>
    %slice3A_184 = vector.extract_strided_slice %reshape3A {offsets = [61, 0, 0], sizes = [1, 32, 256], strides = [1, 1, 1]} : vector<128x32x256xf32> to vector<1x32x256xf32>
    %squeeze3A_185 = vector.shape_cast %slice3A_184 : vector<1x32x256xf32> to vector<32x256xf32>
    %add3A_186 = arith.addf %add3A_183, %squeeze3A_185 : vector<32x256xf32>
    %slice3A_187 = vector.extract_strided_slice %reshape3A {offsets = [62, 0, 0], sizes = [1, 32, 256], strides = [1, 1, 1]} : vector<128x32x256xf32> to vector<1x32x256xf32>
    %squeeze3A_188 = vector.shape_cast %slice3A_187 : vector<1x32x256xf32> to vector<32x256xf32>
    %add3A_189 = arith.addf %add3A_186, %squeeze3A_188 : vector<32x256xf32>
    %slice3A_190 = vector.extract_strided_slice %reshape3A {offsets = [63, 0, 0], sizes = [1, 32, 256], strides = [1, 1, 1]} : vector<128x32x256xf32> to vector<1x32x256xf32>
    %squeeze3A_191 = vector.shape_cast %slice3A_190 : vector<1x32x256xf32> to vector<32x256xf32>
    %add3A_192 = arith.addf %add3A_189, %squeeze3A_191 : vector<32x256xf32>
    %slice3A_193 = vector.extract_strided_slice %reshape3A {offsets = [64, 0, 0], sizes = [1, 32, 256], strides = [1, 1, 1]} : vector<128x32x256xf32> to vector<1x32x256xf32>
    %squeeze3A_194 = vector.shape_cast %slice3A_193 : vector<1x32x256xf32> to vector<32x256xf32>
    %add3A_195 = arith.addf %add3A_192, %squeeze3A_194 : vector<32x256xf32>
    %slice3A_196 = vector.extract_strided_slice %reshape3A {offsets = [65, 0, 0], sizes = [1, 32, 256], strides = [1, 1, 1]} : vector<128x32x256xf32> to vector<1x32x256xf32>
    %squeeze3A_197 = vector.shape_cast %slice3A_196 : vector<1x32x256xf32> to vector<32x256xf32>
    %add3A_198 = arith.addf %add3A_195, %squeeze3A_197 : vector<32x256xf32>
    %slice3A_199 = vector.extract_strided_slice %reshape3A {offsets = [66, 0, 0], sizes = [1, 32, 256], strides = [1, 1, 1]} : vector<128x32x256xf32> to vector<1x32x256xf32>
    %squeeze3A_200 = vector.shape_cast %slice3A_199 : vector<1x32x256xf32> to vector<32x256xf32>
    %add3A_201 = arith.addf %add3A_198, %squeeze3A_200 : vector<32x256xf32>
    %slice3A_202 = vector.extract_strided_slice %reshape3A {offsets = [67, 0, 0], sizes = [1, 32, 256], strides = [1, 1, 1]} : vector<128x32x256xf32> to vector<1x32x256xf32>
    %squeeze3A_203 = vector.shape_cast %slice3A_202 : vector<1x32x256xf32> to vector<32x256xf32>
    %add3A_204 = arith.addf %add3A_201, %squeeze3A_203 : vector<32x256xf32>
    %slice3A_205 = vector.extract_strided_slice %reshape3A {offsets = [68, 0, 0], sizes = [1, 32, 256], strides = [1, 1, 1]} : vector<128x32x256xf32> to vector<1x32x256xf32>
    %squeeze3A_206 = vector.shape_cast %slice3A_205 : vector<1x32x256xf32> to vector<32x256xf32>
    %add3A_207 = arith.addf %add3A_204, %squeeze3A_206 : vector<32x256xf32>
    %slice3A_208 = vector.extract_strided_slice %reshape3A {offsets = [69, 0, 0], sizes = [1, 32, 256], strides = [1, 1, 1]} : vector<128x32x256xf32> to vector<1x32x256xf32>
    %squeeze3A_209 = vector.shape_cast %slice3A_208 : vector<1x32x256xf32> to vector<32x256xf32>
    %add3A_210 = arith.addf %add3A_207, %squeeze3A_209 : vector<32x256xf32>
    %slice3A_211 = vector.extract_strided_slice %reshape3A {offsets = [70, 0, 0], sizes = [1, 32, 256], strides = [1, 1, 1]} : vector<128x32x256xf32> to vector<1x32x256xf32>
    %squeeze3A_212 = vector.shape_cast %slice3A_211 : vector<1x32x256xf32> to vector<32x256xf32>
    %add3A_213 = arith.addf %add3A_210, %squeeze3A_212 : vector<32x256xf32>
    %slice3A_214 = vector.extract_strided_slice %reshape3A {offsets = [71, 0, 0], sizes = [1, 32, 256], strides = [1, 1, 1]} : vector<128x32x256xf32> to vector<1x32x256xf32>
    %squeeze3A_215 = vector.shape_cast %slice3A_214 : vector<1x32x256xf32> to vector<32x256xf32>
    %add3A_216 = arith.addf %add3A_213, %squeeze3A_215 : vector<32x256xf32>
    %slice3A_217 = vector.extract_strided_slice %reshape3A {offsets = [72, 0, 0], sizes = [1, 32, 256], strides = [1, 1, 1]} : vector<128x32x256xf32> to vector<1x32x256xf32>
    %squeeze3A_218 = vector.shape_cast %slice3A_217 : vector<1x32x256xf32> to vector<32x256xf32>
    %add3A_219 = arith.addf %add3A_216, %squeeze3A_218 : vector<32x256xf32>
    %slice3A_220 = vector.extract_strided_slice %reshape3A {offsets = [73, 0, 0], sizes = [1, 32, 256], strides = [1, 1, 1]} : vector<128x32x256xf32> to vector<1x32x256xf32>
    %squeeze3A_221 = vector.shape_cast %slice3A_220 : vector<1x32x256xf32> to vector<32x256xf32>
    %add3A_222 = arith.addf %add3A_219, %squeeze3A_221 : vector<32x256xf32>
    %slice3A_223 = vector.extract_strided_slice %reshape3A {offsets = [74, 0, 0], sizes = [1, 32, 256], strides = [1, 1, 1]} : vector<128x32x256xf32> to vector<1x32x256xf32>
    %squeeze3A_224 = vector.shape_cast %slice3A_223 : vector<1x32x256xf32> to vector<32x256xf32>
    %add3A_225 = arith.addf %add3A_222, %squeeze3A_224 : vector<32x256xf32>
    %slice3A_226 = vector.extract_strided_slice %reshape3A {offsets = [75, 0, 0], sizes = [1, 32, 256], strides = [1, 1, 1]} : vector<128x32x256xf32> to vector<1x32x256xf32>
    %squeeze3A_227 = vector.shape_cast %slice3A_226 : vector<1x32x256xf32> to vector<32x256xf32>
    %add3A_228 = arith.addf %add3A_225, %squeeze3A_227 : vector<32x256xf32>
    %slice3A_229 = vector.extract_strided_slice %reshape3A {offsets = [76, 0, 0], sizes = [1, 32, 256], strides = [1, 1, 1]} : vector<128x32x256xf32> to vector<1x32x256xf32>
    %squeeze3A_230 = vector.shape_cast %slice3A_229 : vector<1x32x256xf32> to vector<32x256xf32>
    %add3A_231 = arith.addf %add3A_228, %squeeze3A_230 : vector<32x256xf32>
    %slice3A_232 = vector.extract_strided_slice %reshape3A {offsets = [77, 0, 0], sizes = [1, 32, 256], strides = [1, 1, 1]} : vector<128x32x256xf32> to vector<1x32x256xf32>
    %squeeze3A_233 = vector.shape_cast %slice3A_232 : vector<1x32x256xf32> to vector<32x256xf32>
    %add3A_234 = arith.addf %add3A_231, %squeeze3A_233 : vector<32x256xf32>
    %slice3A_235 = vector.extract_strided_slice %reshape3A {offsets = [78, 0, 0], sizes = [1, 32, 256], strides = [1, 1, 1]} : vector<128x32x256xf32> to vector<1x32x256xf32>
    %squeeze3A_236 = vector.shape_cast %slice3A_235 : vector<1x32x256xf32> to vector<32x256xf32>
    %add3A_237 = arith.addf %add3A_234, %squeeze3A_236 : vector<32x256xf32>
    %slice3A_238 = vector.extract_strided_slice %reshape3A {offsets = [79, 0, 0], sizes = [1, 32, 256], strides = [1, 1, 1]} : vector<128x32x256xf32> to vector<1x32x256xf32>
    %squeeze3A_239 = vector.shape_cast %slice3A_238 : vector<1x32x256xf32> to vector<32x256xf32>
    %add3A_240 = arith.addf %add3A_237, %squeeze3A_239 : vector<32x256xf32>
    %slice3A_241 = vector.extract_strided_slice %reshape3A {offsets = [80, 0, 0], sizes = [1, 32, 256], strides = [1, 1, 1]} : vector<128x32x256xf32> to vector<1x32x256xf32>
    %squeeze3A_242 = vector.shape_cast %slice3A_241 : vector<1x32x256xf32> to vector<32x256xf32>
    %add3A_243 = arith.addf %add3A_240, %squeeze3A_242 : vector<32x256xf32>
    %slice3A_244 = vector.extract_strided_slice %reshape3A {offsets = [81, 0, 0], sizes = [1, 32, 256], strides = [1, 1, 1]} : vector<128x32x256xf32> to vector<1x32x256xf32>
    %squeeze3A_245 = vector.shape_cast %slice3A_244 : vector<1x32x256xf32> to vector<32x256xf32>
    %add3A_246 = arith.addf %add3A_243, %squeeze3A_245 : vector<32x256xf32>
    %slice3A_247 = vector.extract_strided_slice %reshape3A {offsets = [82, 0, 0], sizes = [1, 32, 256], strides = [1, 1, 1]} : vector<128x32x256xf32> to vector<1x32x256xf32>
    %squeeze3A_248 = vector.shape_cast %slice3A_247 : vector<1x32x256xf32> to vector<32x256xf32>
    %add3A_249 = arith.addf %add3A_246, %squeeze3A_248 : vector<32x256xf32>
    %slice3A_250 = vector.extract_strided_slice %reshape3A {offsets = [83, 0, 0], sizes = [1, 32, 256], strides = [1, 1, 1]} : vector<128x32x256xf32> to vector<1x32x256xf32>
    %squeeze3A_251 = vector.shape_cast %slice3A_250 : vector<1x32x256xf32> to vector<32x256xf32>
    %add3A_252 = arith.addf %add3A_249, %squeeze3A_251 : vector<32x256xf32>
    %slice3A_253 = vector.extract_strided_slice %reshape3A {offsets = [84, 0, 0], sizes = [1, 32, 256], strides = [1, 1, 1]} : vector<128x32x256xf32> to vector<1x32x256xf32>
    %squeeze3A_254 = vector.shape_cast %slice3A_253 : vector<1x32x256xf32> to vector<32x256xf32>
    %add3A_255 = arith.addf %add3A_252, %squeeze3A_254 : vector<32x256xf32>
    %slice3A_256 = vector.extract_strided_slice %reshape3A {offsets = [85, 0, 0], sizes = [1, 32, 256], strides = [1, 1, 1]} : vector<128x32x256xf32> to vector<1x32x256xf32>
    %squeeze3A_257 = vector.shape_cast %slice3A_256 : vector<1x32x256xf32> to vector<32x256xf32>
    %add3A_258 = arith.addf %add3A_255, %squeeze3A_257 : vector<32x256xf32>
    %slice3A_259 = vector.extract_strided_slice %reshape3A {offsets = [86, 0, 0], sizes = [1, 32, 256], strides = [1, 1, 1]} : vector<128x32x256xf32> to vector<1x32x256xf32>
    %squeeze3A_260 = vector.shape_cast %slice3A_259 : vector<1x32x256xf32> to vector<32x256xf32>
    %add3A_261 = arith.addf %add3A_258, %squeeze3A_260 : vector<32x256xf32>
    %slice3A_262 = vector.extract_strided_slice %reshape3A {offsets = [87, 0, 0], sizes = [1, 32, 256], strides = [1, 1, 1]} : vector<128x32x256xf32> to vector<1x32x256xf32>
    %squeeze3A_263 = vector.shape_cast %slice3A_262 : vector<1x32x256xf32> to vector<32x256xf32>
    %add3A_264 = arith.addf %add3A_261, %squeeze3A_263 : vector<32x256xf32>
    %slice3A_265 = vector.extract_strided_slice %reshape3A {offsets = [88, 0, 0], sizes = [1, 32, 256], strides = [1, 1, 1]} : vector<128x32x256xf32> to vector<1x32x256xf32>
    %squeeze3A_266 = vector.shape_cast %slice3A_265 : vector<1x32x256xf32> to vector<32x256xf32>
    %add3A_267 = arith.addf %add3A_264, %squeeze3A_266 : vector<32x256xf32>
    %slice3A_268 = vector.extract_strided_slice %reshape3A {offsets = [89, 0, 0], sizes = [1, 32, 256], strides = [1, 1, 1]} : vector<128x32x256xf32> to vector<1x32x256xf32>
    %squeeze3A_269 = vector.shape_cast %slice3A_268 : vector<1x32x256xf32> to vector<32x256xf32>
    %add3A_270 = arith.addf %add3A_267, %squeeze3A_269 : vector<32x256xf32>
    %slice3A_271 = vector.extract_strided_slice %reshape3A {offsets = [90, 0, 0], sizes = [1, 32, 256], strides = [1, 1, 1]} : vector<128x32x256xf32> to vector<1x32x256xf32>
    %squeeze3A_272 = vector.shape_cast %slice3A_271 : vector<1x32x256xf32> to vector<32x256xf32>
    %add3A_273 = arith.addf %add3A_270, %squeeze3A_272 : vector<32x256xf32>
    %slice3A_274 = vector.extract_strided_slice %reshape3A {offsets = [91, 0, 0], sizes = [1, 32, 256], strides = [1, 1, 1]} : vector<128x32x256xf32> to vector<1x32x256xf32>
    %squeeze3A_275 = vector.shape_cast %slice3A_274 : vector<1x32x256xf32> to vector<32x256xf32>
    %add3A_276 = arith.addf %add3A_273, %squeeze3A_275 : vector<32x256xf32>
    %slice3A_277 = vector.extract_strided_slice %reshape3A {offsets = [92, 0, 0], sizes = [1, 32, 256], strides = [1, 1, 1]} : vector<128x32x256xf32> to vector<1x32x256xf32>
    %squeeze3A_278 = vector.shape_cast %slice3A_277 : vector<1x32x256xf32> to vector<32x256xf32>
    %add3A_279 = arith.addf %add3A_276, %squeeze3A_278 : vector<32x256xf32>
    %slice3A_280 = vector.extract_strided_slice %reshape3A {offsets = [93, 0, 0], sizes = [1, 32, 256], strides = [1, 1, 1]} : vector<128x32x256xf32> to vector<1x32x256xf32>
    %squeeze3A_281 = vector.shape_cast %slice3A_280 : vector<1x32x256xf32> to vector<32x256xf32>
    %add3A_282 = arith.addf %add3A_279, %squeeze3A_281 : vector<32x256xf32>
    %slice3A_283 = vector.extract_strided_slice %reshape3A {offsets = [94, 0, 0], sizes = [1, 32, 256], strides = [1, 1, 1]} : vector<128x32x256xf32> to vector<1x32x256xf32>
    %squeeze3A_284 = vector.shape_cast %slice3A_283 : vector<1x32x256xf32> to vector<32x256xf32>
    %add3A_285 = arith.addf %add3A_282, %squeeze3A_284 : vector<32x256xf32>
    %slice3A_286 = vector.extract_strided_slice %reshape3A {offsets = [95, 0, 0], sizes = [1, 32, 256], strides = [1, 1, 1]} : vector<128x32x256xf32> to vector<1x32x256xf32>
    %squeeze3A_287 = vector.shape_cast %slice3A_286 : vector<1x32x256xf32> to vector<32x256xf32>
    %add3A_288 = arith.addf %add3A_285, %squeeze3A_287 : vector<32x256xf32>
    %slice3A_289 = vector.extract_strided_slice %reshape3A {offsets = [96, 0, 0], sizes = [1, 32, 256], strides = [1, 1, 1]} : vector<128x32x256xf32> to vector<1x32x256xf32>
    %squeeze3A_290 = vector.shape_cast %slice3A_289 : vector<1x32x256xf32> to vector<32x256xf32>
    %add3A_291 = arith.addf %add3A_288, %squeeze3A_290 : vector<32x256xf32>
    %slice3A_292 = vector.extract_strided_slice %reshape3A {offsets = [97, 0, 0], sizes = [1, 32, 256], strides = [1, 1, 1]} : vector<128x32x256xf32> to vector<1x32x256xf32>
    %squeeze3A_293 = vector.shape_cast %slice3A_292 : vector<1x32x256xf32> to vector<32x256xf32>
    %add3A_294 = arith.addf %add3A_291, %squeeze3A_293 : vector<32x256xf32>
    %slice3A_295 = vector.extract_strided_slice %reshape3A {offsets = [98, 0, 0], sizes = [1, 32, 256], strides = [1, 1, 1]} : vector<128x32x256xf32> to vector<1x32x256xf32>
    %squeeze3A_296 = vector.shape_cast %slice3A_295 : vector<1x32x256xf32> to vector<32x256xf32>
    %add3A_297 = arith.addf %add3A_294, %squeeze3A_296 : vector<32x256xf32>
    %slice3A_298 = vector.extract_strided_slice %reshape3A {offsets = [99, 0, 0], sizes = [1, 32, 256], strides = [1, 1, 1]} : vector<128x32x256xf32> to vector<1x32x256xf32>
    %squeeze3A_299 = vector.shape_cast %slice3A_298 : vector<1x32x256xf32> to vector<32x256xf32>
    %add3A_300 = arith.addf %add3A_297, %squeeze3A_299 : vector<32x256xf32>
    %slice3A_301 = vector.extract_strided_slice %reshape3A {offsets = [100, 0, 0], sizes = [1, 32, 256], strides = [1, 1, 1]} : vector<128x32x256xf32> to vector<1x32x256xf32>
    %squeeze3A_302 = vector.shape_cast %slice3A_301 : vector<1x32x256xf32> to vector<32x256xf32>
    %add3A_303 = arith.addf %add3A_300, %squeeze3A_302 : vector<32x256xf32>
    %slice3A_304 = vector.extract_strided_slice %reshape3A {offsets = [101, 0, 0], sizes = [1, 32, 256], strides = [1, 1, 1]} : vector<128x32x256xf32> to vector<1x32x256xf32>
    %squeeze3A_305 = vector.shape_cast %slice3A_304 : vector<1x32x256xf32> to vector<32x256xf32>
    %add3A_306 = arith.addf %add3A_303, %squeeze3A_305 : vector<32x256xf32>
    %slice3A_307 = vector.extract_strided_slice %reshape3A {offsets = [102, 0, 0], sizes = [1, 32, 256], strides = [1, 1, 1]} : vector<128x32x256xf32> to vector<1x32x256xf32>
    %squeeze3A_308 = vector.shape_cast %slice3A_307 : vector<1x32x256xf32> to vector<32x256xf32>
    %add3A_309 = arith.addf %add3A_306, %squeeze3A_308 : vector<32x256xf32>
    %slice3A_310 = vector.extract_strided_slice %reshape3A {offsets = [103, 0, 0], sizes = [1, 32, 256], strides = [1, 1, 1]} : vector<128x32x256xf32> to vector<1x32x256xf32>
    %squeeze3A_311 = vector.shape_cast %slice3A_310 : vector<1x32x256xf32> to vector<32x256xf32>
    %add3A_312 = arith.addf %add3A_309, %squeeze3A_311 : vector<32x256xf32>
    %slice3A_313 = vector.extract_strided_slice %reshape3A {offsets = [104, 0, 0], sizes = [1, 32, 256], strides = [1, 1, 1]} : vector<128x32x256xf32> to vector<1x32x256xf32>
    %squeeze3A_314 = vector.shape_cast %slice3A_313 : vector<1x32x256xf32> to vector<32x256xf32>
    %add3A_315 = arith.addf %add3A_312, %squeeze3A_314 : vector<32x256xf32>
    %slice3A_316 = vector.extract_strided_slice %reshape3A {offsets = [105, 0, 0], sizes = [1, 32, 256], strides = [1, 1, 1]} : vector<128x32x256xf32> to vector<1x32x256xf32>
    %squeeze3A_317 = vector.shape_cast %slice3A_316 : vector<1x32x256xf32> to vector<32x256xf32>
    %add3A_318 = arith.addf %add3A_315, %squeeze3A_317 : vector<32x256xf32>
    %slice3A_319 = vector.extract_strided_slice %reshape3A {offsets = [106, 0, 0], sizes = [1, 32, 256], strides = [1, 1, 1]} : vector<128x32x256xf32> to vector<1x32x256xf32>
    %squeeze3A_320 = vector.shape_cast %slice3A_319 : vector<1x32x256xf32> to vector<32x256xf32>
    %add3A_321 = arith.addf %add3A_318, %squeeze3A_320 : vector<32x256xf32>
    %slice3A_322 = vector.extract_strided_slice %reshape3A {offsets = [107, 0, 0], sizes = [1, 32, 256], strides = [1, 1, 1]} : vector<128x32x256xf32> to vector<1x32x256xf32>
    %squeeze3A_323 = vector.shape_cast %slice3A_322 : vector<1x32x256xf32> to vector<32x256xf32>
    %add3A_324 = arith.addf %add3A_321, %squeeze3A_323 : vector<32x256xf32>
    %slice3A_325 = vector.extract_strided_slice %reshape3A {offsets = [108, 0, 0], sizes = [1, 32, 256], strides = [1, 1, 1]} : vector<128x32x256xf32> to vector<1x32x256xf32>
    %squeeze3A_326 = vector.shape_cast %slice3A_325 : vector<1x32x256xf32> to vector<32x256xf32>
    %add3A_327 = arith.addf %add3A_324, %squeeze3A_326 : vector<32x256xf32>
    %slice3A_328 = vector.extract_strided_slice %reshape3A {offsets = [109, 0, 0], sizes = [1, 32, 256], strides = [1, 1, 1]} : vector<128x32x256xf32> to vector<1x32x256xf32>
    %squeeze3A_329 = vector.shape_cast %slice3A_328 : vector<1x32x256xf32> to vector<32x256xf32>
    %add3A_330 = arith.addf %add3A_327, %squeeze3A_329 : vector<32x256xf32>
    %slice3A_331 = vector.extract_strided_slice %reshape3A {offsets = [110, 0, 0], sizes = [1, 32, 256], strides = [1, 1, 1]} : vector<128x32x256xf32> to vector<1x32x256xf32>
    %squeeze3A_332 = vector.shape_cast %slice3A_331 : vector<1x32x256xf32> to vector<32x256xf32>
    %add3A_333 = arith.addf %add3A_330, %squeeze3A_332 : vector<32x256xf32>
    %slice3A_334 = vector.extract_strided_slice %reshape3A {offsets = [111, 0, 0], sizes = [1, 32, 256], strides = [1, 1, 1]} : vector<128x32x256xf32> to vector<1x32x256xf32>
    %squeeze3A_335 = vector.shape_cast %slice3A_334 : vector<1x32x256xf32> to vector<32x256xf32>
    %add3A_336 = arith.addf %add3A_333, %squeeze3A_335 : vector<32x256xf32>
    %slice3A_337 = vector.extract_strided_slice %reshape3A {offsets = [112, 0, 0], sizes = [1, 32, 256], strides = [1, 1, 1]} : vector<128x32x256xf32> to vector<1x32x256xf32>
    %squeeze3A_338 = vector.shape_cast %slice3A_337 : vector<1x32x256xf32> to vector<32x256xf32>
    %add3A_339 = arith.addf %add3A_336, %squeeze3A_338 : vector<32x256xf32>
    %slice3A_340 = vector.extract_strided_slice %reshape3A {offsets = [113, 0, 0], sizes = [1, 32, 256], strides = [1, 1, 1]} : vector<128x32x256xf32> to vector<1x32x256xf32>
    %squeeze3A_341 = vector.shape_cast %slice3A_340 : vector<1x32x256xf32> to vector<32x256xf32>
    %add3A_342 = arith.addf %add3A_339, %squeeze3A_341 : vector<32x256xf32>
    %slice3A_343 = vector.extract_strided_slice %reshape3A {offsets = [114, 0, 0], sizes = [1, 32, 256], strides = [1, 1, 1]} : vector<128x32x256xf32> to vector<1x32x256xf32>
    %squeeze3A_344 = vector.shape_cast %slice3A_343 : vector<1x32x256xf32> to vector<32x256xf32>
    %add3A_345 = arith.addf %add3A_342, %squeeze3A_344 : vector<32x256xf32>
    %slice3A_346 = vector.extract_strided_slice %reshape3A {offsets = [115, 0, 0], sizes = [1, 32, 256], strides = [1, 1, 1]} : vector<128x32x256xf32> to vector<1x32x256xf32>
    %squeeze3A_347 = vector.shape_cast %slice3A_346 : vector<1x32x256xf32> to vector<32x256xf32>
    %add3A_348 = arith.addf %add3A_345, %squeeze3A_347 : vector<32x256xf32>
    %slice3A_349 = vector.extract_strided_slice %reshape3A {offsets = [116, 0, 0], sizes = [1, 32, 256], strides = [1, 1, 1]} : vector<128x32x256xf32> to vector<1x32x256xf32>
    %squeeze3A_350 = vector.shape_cast %slice3A_349 : vector<1x32x256xf32> to vector<32x256xf32>
    %add3A_351 = arith.addf %add3A_348, %squeeze3A_350 : vector<32x256xf32>
    %slice3A_352 = vector.extract_strided_slice %reshape3A {offsets = [117, 0, 0], sizes = [1, 32, 256], strides = [1, 1, 1]} : vector<128x32x256xf32> to vector<1x32x256xf32>
    %squeeze3A_353 = vector.shape_cast %slice3A_352 : vector<1x32x256xf32> to vector<32x256xf32>
    %add3A_354 = arith.addf %add3A_351, %squeeze3A_353 : vector<32x256xf32>
    %slice3A_355 = vector.extract_strided_slice %reshape3A {offsets = [118, 0, 0], sizes = [1, 32, 256], strides = [1, 1, 1]} : vector<128x32x256xf32> to vector<1x32x256xf32>
    %squeeze3A_356 = vector.shape_cast %slice3A_355 : vector<1x32x256xf32> to vector<32x256xf32>
    %add3A_357 = arith.addf %add3A_354, %squeeze3A_356 : vector<32x256xf32>
    %slice3A_358 = vector.extract_strided_slice %reshape3A {offsets = [119, 0, 0], sizes = [1, 32, 256], strides = [1, 1, 1]} : vector<128x32x256xf32> to vector<1x32x256xf32>
    %squeeze3A_359 = vector.shape_cast %slice3A_358 : vector<1x32x256xf32> to vector<32x256xf32>
    %add3A_360 = arith.addf %add3A_357, %squeeze3A_359 : vector<32x256xf32>
    %slice3A_361 = vector.extract_strided_slice %reshape3A {offsets = [120, 0, 0], sizes = [1, 32, 256], strides = [1, 1, 1]} : vector<128x32x256xf32> to vector<1x32x256xf32>
    %squeeze3A_362 = vector.shape_cast %slice3A_361 : vector<1x32x256xf32> to vector<32x256xf32>
    %add3A_363 = arith.addf %add3A_360, %squeeze3A_362 : vector<32x256xf32>
    %slice3A_364 = vector.extract_strided_slice %reshape3A {offsets = [121, 0, 0], sizes = [1, 32, 256], strides = [1, 1, 1]} : vector<128x32x256xf32> to vector<1x32x256xf32>
    %squeeze3A_365 = vector.shape_cast %slice3A_364 : vector<1x32x256xf32> to vector<32x256xf32>
    %add3A_366 = arith.addf %add3A_363, %squeeze3A_365 : vector<32x256xf32>
    %slice3A_367 = vector.extract_strided_slice %reshape3A {offsets = [122, 0, 0], sizes = [1, 32, 256], strides = [1, 1, 1]} : vector<128x32x256xf32> to vector<1x32x256xf32>
    %squeeze3A_368 = vector.shape_cast %slice3A_367 : vector<1x32x256xf32> to vector<32x256xf32>
    %add3A_369 = arith.addf %add3A_366, %squeeze3A_368 : vector<32x256xf32>
    %slice3A_370 = vector.extract_strided_slice %reshape3A {offsets = [123, 0, 0], sizes = [1, 32, 256], strides = [1, 1, 1]} : vector<128x32x256xf32> to vector<1x32x256xf32>
    %squeeze3A_371 = vector.shape_cast %slice3A_370 : vector<1x32x256xf32> to vector<32x256xf32>
    %add3A_372 = arith.addf %add3A_369, %squeeze3A_371 : vector<32x256xf32>
    %slice3A_373 = vector.extract_strided_slice %reshape3A {offsets = [124, 0, 0], sizes = [1, 32, 256], strides = [1, 1, 1]} : vector<128x32x256xf32> to vector<1x32x256xf32>
    %squeeze3A_374 = vector.shape_cast %slice3A_373 : vector<1x32x256xf32> to vector<32x256xf32>
    %add3A_375 = arith.addf %add3A_372, %squeeze3A_374 : vector<32x256xf32>
    %slice3A_376 = vector.extract_strided_slice %reshape3A {offsets = [125, 0, 0], sizes = [1, 32, 256], strides = [1, 1, 1]} : vector<128x32x256xf32> to vector<1x32x256xf32>
    %squeeze3A_377 = vector.shape_cast %slice3A_376 : vector<1x32x256xf32> to vector<32x256xf32>
    %add3A_378 = arith.addf %add3A_375, %squeeze3A_377 : vector<32x256xf32>
    %slice3A_379 = vector.extract_strided_slice %reshape3A {offsets = [126, 0, 0], sizes = [1, 32, 256], strides = [1, 1, 1]} : vector<128x32x256xf32> to vector<1x32x256xf32>
    %squeeze3A_380 = vector.shape_cast %slice3A_379 : vector<1x32x256xf32> to vector<32x256xf32>
    %add3A_381 = arith.addf %add3A_378, %squeeze3A_380 : vector<32x256xf32>
    %slice3A_382 = vector.extract_strided_slice %reshape3A {offsets = [127, 0, 0], sizes = [1, 32, 256], strides = [1, 1, 1]} : vector<128x32x256xf32> to vector<1x32x256xf32>
    %squeeze3A_383 = vector.shape_cast %slice3A_382 : vector<1x32x256xf32> to vector<32x256xf32>
    %add3A_384 = arith.addf %add3A_381, %squeeze3A_383 : vector<32x256xf32>
    %broadcast_in_dim3A = arith.constant 0.000000e+00 : f32
    %broadcast_in_dim3A_385 = vector.broadcast %broadcast_in_dim3A : f32 to vector<1x256xf32>
    %slice3A_386 = vector.extract_strided_slice %add3A_384 {offsets = [0, 0], sizes = [1, 256], strides = [1, 1]} : vector<32x256xf32> to vector<1x256xf32>
    %slice3A_387 = vector.extract_strided_slice %add3A_384 {offsets = [1, 0], sizes = [1, 256], strides = [1, 1]} : vector<32x256xf32> to vector<1x256xf32>
    %add3A_388 = arith.addf %slice3A_386, %slice3A_387 : vector<1x256xf32>
    %slice3A_389 = vector.extract_strided_slice %add3A_384 {offsets = [2, 0], sizes = [1, 256], strides = [1, 1]} : vector<32x256xf32> to vector<1x256xf32>
    %add3A_390 = arith.addf %add3A_388, %slice3A_389 : vector<1x256xf32>
    %slice3A_391 = vector.extract_strided_slice %add3A_384 {offsets = [3, 0], sizes = [1, 256], strides = [1, 1]} : vector<32x256xf32> to vector<1x256xf32>
    %add3A_392 = arith.addf %add3A_390, %slice3A_391 : vector<1x256xf32>
    %slice3A_393 = vector.extract_strided_slice %add3A_384 {offsets = [4, 0], sizes = [1, 256], strides = [1, 1]} : vector<32x256xf32> to vector<1x256xf32>
    %add3A_394 = arith.addf %add3A_392, %slice3A_393 : vector<1x256xf32>
    %slice3A_395 = vector.extract_strided_slice %add3A_384 {offsets = [5, 0], sizes = [1, 256], strides = [1, 1]} : vector<32x256xf32> to vector<1x256xf32>
    %add3A_396 = arith.addf %add3A_394, %slice3A_395 : vector<1x256xf32>
    %slice3A_397 = vector.extract_strided_slice %add3A_384 {offsets = [6, 0], sizes = [1, 256], strides = [1, 1]} : vector<32x256xf32> to vector<1x256xf32>
    %add3A_398 = arith.addf %add3A_396, %slice3A_397 : vector<1x256xf32>
    %slice3A_399 = vector.extract_strided_slice %add3A_384 {offsets = [7, 0], sizes = [1, 256], strides = [1, 1]} : vector<32x256xf32> to vector<1x256xf32>
    %add3A_400 = arith.addf %add3A_398, %slice3A_399 : vector<1x256xf32>
    %slice3A_401 = vector.extract_strided_slice %add3A_384 {offsets = [8, 0], sizes = [1, 256], strides = [1, 1]} : vector<32x256xf32> to vector<1x256xf32>
    %add3A_402 = arith.addf %add3A_400, %slice3A_401 : vector<1x256xf32>
    %slice3A_403 = vector.extract_strided_slice %add3A_384 {offsets = [9, 0], sizes = [1, 256], strides = [1, 1]} : vector<32x256xf32> to vector<1x256xf32>
    %add3A_404 = arith.addf %add3A_402, %slice3A_403 : vector<1x256xf32>
    %slice3A_405 = vector.extract_strided_slice %add3A_384 {offsets = [10, 0], sizes = [1, 256], strides = [1, 1]} : vector<32x256xf32> to vector<1x256xf32>
    %add3A_406 = arith.addf %add3A_404, %slice3A_405 : vector<1x256xf32>
    %slice3A_407 = vector.extract_strided_slice %add3A_384 {offsets = [11, 0], sizes = [1, 256], strides = [1, 1]} : vector<32x256xf32> to vector<1x256xf32>
    %add3A_408 = arith.addf %add3A_406, %slice3A_407 : vector<1x256xf32>
    %slice3A_409 = vector.extract_strided_slice %add3A_384 {offsets = [12, 0], sizes = [1, 256], strides = [1, 1]} : vector<32x256xf32> to vector<1x256xf32>
    %add3A_410 = arith.addf %add3A_408, %slice3A_409 : vector<1x256xf32>
    %slice3A_411 = vector.extract_strided_slice %add3A_384 {offsets = [13, 0], sizes = [1, 256], strides = [1, 1]} : vector<32x256xf32> to vector<1x256xf32>
    %add3A_412 = arith.addf %add3A_410, %slice3A_411 : vector<1x256xf32>
    %slice3A_413 = vector.extract_strided_slice %add3A_384 {offsets = [14, 0], sizes = [1, 256], strides = [1, 1]} : vector<32x256xf32> to vector<1x256xf32>
    %add3A_414 = arith.addf %add3A_412, %slice3A_413 : vector<1x256xf32>
    %slice3A_415 = vector.extract_strided_slice %add3A_384 {offsets = [15, 0], sizes = [1, 256], strides = [1, 1]} : vector<32x256xf32> to vector<1x256xf32>
    %add3A_416 = arith.addf %add3A_414, %slice3A_415 : vector<1x256xf32>
    %slice3A_417 = vector.extract_strided_slice %add3A_384 {offsets = [16, 0], sizes = [1, 256], strides = [1, 1]} : vector<32x256xf32> to vector<1x256xf32>
    %add3A_418 = arith.addf %add3A_416, %slice3A_417 : vector<1x256xf32>
    %slice3A_419 = vector.extract_strided_slice %add3A_384 {offsets = [17, 0], sizes = [1, 256], strides = [1, 1]} : vector<32x256xf32> to vector<1x256xf32>
    %add3A_420 = arith.addf %add3A_418, %slice3A_419 : vector<1x256xf32>
    %slice3A_421 = vector.extract_strided_slice %add3A_384 {offsets = [18, 0], sizes = [1, 256], strides = [1, 1]} : vector<32x256xf32> to vector<1x256xf32>
    %add3A_422 = arith.addf %add3A_420, %slice3A_421 : vector<1x256xf32>
    %slice3A_423 = vector.extract_strided_slice %add3A_384 {offsets = [19, 0], sizes = [1, 256], strides = [1, 1]} : vector<32x256xf32> to vector<1x256xf32>
    %add3A_424 = arith.addf %add3A_422, %slice3A_423 : vector<1x256xf32>
    %slice3A_425 = vector.extract_strided_slice %add3A_384 {offsets = [20, 0], sizes = [1, 256], strides = [1, 1]} : vector<32x256xf32> to vector<1x256xf32>
    %add3A_426 = arith.addf %add3A_424, %slice3A_425 : vector<1x256xf32>
    %slice3A_427 = vector.extract_strided_slice %add3A_384 {offsets = [21, 0], sizes = [1, 256], strides = [1, 1]} : vector<32x256xf32> to vector<1x256xf32>
    %add3A_428 = arith.addf %add3A_426, %slice3A_427 : vector<1x256xf32>
    %slice3A_429 = vector.extract_strided_slice %add3A_384 {offsets = [22, 0], sizes = [1, 256], strides = [1, 1]} : vector<32x256xf32> to vector<1x256xf32>
    %add3A_430 = arith.addf %add3A_428, %slice3A_429 : vector<1x256xf32>
    %slice3A_431 = vector.extract_strided_slice %add3A_384 {offsets = [23, 0], sizes = [1, 256], strides = [1, 1]} : vector<32x256xf32> to vector<1x256xf32>
    %add3A_432 = arith.addf %add3A_430, %slice3A_431 : vector<1x256xf32>
    %slice3A_433 = vector.extract_strided_slice %add3A_384 {offsets = [24, 0], sizes = [1, 256], strides = [1, 1]} : vector<32x256xf32> to vector<1x256xf32>
    %add3A_434 = arith.addf %add3A_432, %slice3A_433 : vector<1x256xf32>
    %slice3A_435 = vector.extract_strided_slice %add3A_384 {offsets = [25, 0], sizes = [1, 256], strides = [1, 1]} : vector<32x256xf32> to vector<1x256xf32>
    %add3A_436 = arith.addf %add3A_434, %slice3A_435 : vector<1x256xf32>
    %slice3A_437 = vector.extract_strided_slice %add3A_384 {offsets = [26, 0], sizes = [1, 256], strides = [1, 1]} : vector<32x256xf32> to vector<1x256xf32>
    %add3A_438 = arith.addf %add3A_436, %slice3A_437 : vector<1x256xf32>
    %slice3A_439 = vector.extract_strided_slice %add3A_384 {offsets = [27, 0], sizes = [1, 256], strides = [1, 1]} : vector<32x256xf32> to vector<1x256xf32>
    %add3A_440 = arith.addf %add3A_438, %slice3A_439 : vector<1x256xf32>
    %slice3A_441 = vector.extract_strided_slice %add3A_384 {offsets = [28, 0], sizes = [1, 256], strides = [1, 1]} : vector<32x256xf32> to vector<1x256xf32>
    %add3A_442 = arith.addf %add3A_440, %slice3A_441 : vector<1x256xf32>
    %slice3A_443 = vector.extract_strided_slice %add3A_384 {offsets = [29, 0], sizes = [1, 256], strides = [1, 1]} : vector<32x256xf32> to vector<1x256xf32>
    %add3A_444 = arith.addf %add3A_442, %slice3A_443 : vector<1x256xf32>
    %slice3A_445 = vector.extract_strided_slice %add3A_384 {offsets = [30, 0], sizes = [1, 256], strides = [1, 1]} : vector<32x256xf32> to vector<1x256xf32>
    %add3A_446 = arith.addf %add3A_444, %slice3A_445 : vector<1x256xf32>
    %concatenate3A = tpu.concatenate %broadcast_in_dim3A_385, %slice3A_386, %add3A_388, %add3A_390, %add3A_392, %add3A_394, %add3A_396, %add3A_398, %add3A_400, %add3A_402, %add3A_404, %add3A_406, %add3A_408, %add3A_410, %add3A_412, %add3A_414, %add3A_416, %add3A_418, %add3A_420, %add3A_422, %add3A_424, %add3A_426, %add3A_428, %add3A_430, %add3A_432, %add3A_434, %add3A_436, %add3A_438, %add3A_440, %add3A_442, %add3A_444, %add3A_446 in 0 : vector<1x256xf32>, vector<1x256xf32>, vector<1x256xf32>, vector<1x256xf32>, vector<1x256xf32>, vector<1x256xf32>, vector<1x256xf32>, vector<1x256xf32>, vector<1x256xf32>, vector<1x256xf32>, vector<1x256xf32>, vector<1x256xf32>, vector<1x256xf32>, vector<1x256xf32>, vector<1x256xf32>, vector<1x256xf32>, vector<1x256xf32>, vector<1x256xf32>, vector<1x256xf32>, vector<1x256xf32>, vector<1x256xf32>, vector<1x256xf32>, vector<1x256xf32>, vector<1x256xf32>, vector<1x256xf32>, vector<1x256xf32>, vector<1x256xf32>, vector<1x256xf32>, vector<1x256xf32>, vector<1x256xf32>, vector<1x256xf32>, vector<1x256xf32> -> vector<32x256xf32>
    %broadcast_in_dim3A_447 = arith.constant 0 : i32
    %broadcast_in_dim3A_448 = vector.broadcast %broadcast_in_dim3A_447 : i32 to vector<32x256xi32>
    %add3A_449 = arith.addf %squeeze3A, %concatenate3A : vector<32x256xf32>
    %le3A = vector.broadcast %get3A_4 : vector<1x256xf32> to vector<32x256xf32>
    %le3A_450 = arith.cmpf ole, %add3A_449, %le3A : vector<32x256xf32>
    %convert_element_type3A = arith.extui %le3A_450 : vector<32x256xi1> to vector<32x256xi32>
    %add3A_451 = arith.addi %broadcast_in_dim3A_448, %convert_element_type3A : vector<32x256xi32>
    %add3A_452 = arith.addf %add3A, %concatenate3A : vector<32x256xf32>
    %le3A_453 = vector.broadcast %get3A_4 : vector<1x256xf32> to vector<32x256xf32>
    %le3A_454 = arith.cmpf ole, %add3A_452, %le3A_453 : vector<32x256xf32>
    %convert_element_type3A_455 = arith.extui %le3A_454 : vector<32x256xi1> to vector<32x256xi32>
    %add3A_456 = arith.addi %add3A_451, %convert_element_type3A_455 : vector<32x256xi32>
    %add3A_457 = arith.addf %add3A_9, %concatenate3A : vector<32x256xf32>
    %le3A_458 = vector.broadcast %get3A_4 : vector<1x256xf32> to vector<32x256xf32>
    %le3A_459 = arith.cmpf ole, %add3A_457, %le3A_458 : vector<32x256xf32>
    %convert_element_type3A_460 = arith.extui %le3A_459 : vector<32x256xi1> to vector<32x256xi32>
    %add3A_461 = arith.addi %add3A_456, %convert_element_type3A_460 : vector<32x256xi32>
    %add3A_462 = arith.addf %add3A_12, %concatenate3A : vector<32x256xf32>
    %le3A_463 = vector.broadcast %get3A_4 : vector<1x256xf32> to vector<32x256xf32>
    %le3A_464 = arith.cmpf ole, %add3A_462, %le3A_463 : vector<32x256xf32>
    %convert_element_type3A_465 = arith.extui %le3A_464 : vector<32x256xi1> to vector<32x256xi32>
    %add3A_466 = arith.addi %add3A_461, %convert_element_type3A_465 : vector<32x256xi32>
    %add3A_467 = arith.addf %add3A_15, %concatenate3A : vector<32x256xf32>
    %le3A_468 = vector.broadcast %get3A_4 : vector<1x256xf32> to vector<32x256xf32>
    %le3A_469 = arith.cmpf ole, %add3A_467, %le3A_468 : vector<32x256xf32>
    %convert_element_type3A_470 = arith.extui %le3A_469 : vector<32x256xi1> to vector<32x256xi32>
    %add3A_471 = arith.addi %add3A_466, %convert_element_type3A_470 : vector<32x256xi32>
    %add3A_472 = arith.addf %add3A_18, %concatenate3A : vector<32x256xf32>
    %le3A_473 = vector.broadcast %get3A_4 : vector<1x256xf32> to vector<32x256xf32>
    %le3A_474 = arith.cmpf ole, %add3A_472, %le3A_473 : vector<32x256xf32>
    %convert_element_type3A_475 = arith.extui %le3A_474 : vector<32x256xi1> to vector<32x256xi32>
    %add3A_476 = arith.addi %add3A_471, %convert_element_type3A_475 : vector<32x256xi32>
    %add3A_477 = arith.addf %add3A_21, %concatenate3A : vector<32x256xf32>
    %le3A_478 = vector.broadcast %get3A_4 : vector<1x256xf32> to vector<32x256xf32>
    %le3A_479 = arith.cmpf ole, %add3A_477, %le3A_478 : vector<32x256xf32>
    %convert_element_type3A_480 = arith.extui %le3A_479 : vector<32x256xi1> to vector<32x256xi32>
    %add3A_481 = arith.addi %add3A_476, %convert_element_type3A_480 : vector<32x256xi32>
    %add3A_482 = arith.addf %add3A_24, %concatenate3A : vector<32x256xf32>
    %le3A_483 = vector.broadcast %get3A_4 : vector<1x256xf32> to vector<32x256xf32>
    %le3A_484 = arith.cmpf ole, %add3A_482, %le3A_483 : vector<32x256xf32>
    %convert_element_type3A_485 = arith.extui %le3A_484 : vector<32x256xi1> to vector<32x256xi32>
    %add3A_486 = arith.addi %add3A_481, %convert_element_type3A_485 : vector<32x256xi32>
    %add3A_487 = arith.addf %add3A_27, %concatenate3A : vector<32x256xf32>
    %le3A_488 = vector.broadcast %get3A_4 : vector<1x256xf32> to vector<32x256xf32>
    %le3A_489 = arith.cmpf ole, %add3A_487, %le3A_488 : vector<32x256xf32>
    %convert_element_type3A_490 = arith.extui %le3A_489 : vector<32x256xi1> to vector<32x256xi32>
    %add3A_491 = arith.addi %add3A_486, %convert_element_type3A_490 : vector<32x256xi32>
    %add3A_492 = arith.addf %add3A_30, %concatenate3A : vector<32x256xf32>
    %le3A_493 = vector.broadcast %get3A_4 : vector<1x256xf32> to vector<32x256xf32>
    %le3A_494 = arith.cmpf ole, %add3A_492, %le3A_493 : vector<32x256xf32>
    %convert_element_type3A_495 = arith.extui %le3A_494 : vector<32x256xi1> to vector<32x256xi32>
    %add3A_496 = arith.addi %add3A_491, %convert_element_type3A_495 : vector<32x256xi32>
    %add3A_497 = arith.addf %add3A_33, %concatenate3A : vector<32x256xf32>
    %le3A_498 = vector.broadcast %get3A_4 : vector<1x256xf32> to vector<32x256xf32>
    %le3A_499 = arith.cmpf ole, %add3A_497, %le3A_498 : vector<32x256xf32>
    %convert_element_type3A_500 = arith.extui %le3A_499 : vector<32x256xi1> to vector<32x256xi32>
    %add3A_501 = arith.addi %add3A_496, %convert_element_type3A_500 : vector<32x256xi32>
    %add3A_502 = arith.addf %add3A_36, %concatenate3A : vector<32x256xf32>
    %le3A_503 = vector.broadcast %get3A_4 : vector<1x256xf32> to vector<32x256xf32>
    %le3A_504 = arith.cmpf ole, %add3A_502, %le3A_503 : vector<32x256xf32>
    %convert_element_type3A_505 = arith.extui %le3A_504 : vector<32x256xi1> to vector<32x256xi32>
    %add3A_506 = arith.addi %add3A_501, %convert_element_type3A_505 : vector<32x256xi32>
    %add3A_507 = arith.addf %add3A_39, %concatenate3A : vector<32x256xf32>
    %le3A_508 = vector.broadcast %get3A_4 : vector<1x256xf32> to vector<32x256xf32>
    %le3A_509 = arith.cmpf ole, %add3A_507, %le3A_508 : vector<32x256xf32>
    %convert_element_type3A_510 = arith.extui %le3A_509 : vector<32x256xi1> to vector<32x256xi32>
    %add3A_511 = arith.addi %add3A_506, %convert_element_type3A_510 : vector<32x256xi32>
    %add3A_512 = arith.addf %add3A_42, %concatenate3A : vector<32x256xf32>
    %le3A_513 = vector.broadcast %get3A_4 : vector<1x256xf32> to vector<32x256xf32>
    %le3A_514 = arith.cmpf ole, %add3A_512, %le3A_513 : vector<32x256xf32>
    %convert_element_type3A_515 = arith.extui %le3A_514 : vector<32x256xi1> to vector<32x256xi32>
    %add3A_516 = arith.addi %add3A_511, %convert_element_type3A_515 : vector<32x256xi32>
    %add3A_517 = arith.addf %add3A_45, %concatenate3A : vector<32x256xf32>
    %le3A_518 = vector.broadcast %get3A_4 : vector<1x256xf32> to vector<32x256xf32>
    %le3A_519 = arith.cmpf ole, %add3A_517, %le3A_518 : vector<32x256xf32>
    %convert_element_type3A_520 = arith.extui %le3A_519 : vector<32x256xi1> to vector<32x256xi32>
    %add3A_521 = arith.addi %add3A_516, %convert_element_type3A_520 : vector<32x256xi32>
    %add3A_522 = arith.addf %add3A_48, %concatenate3A : vector<32x256xf32>
    %le3A_523 = vector.broadcast %get3A_4 : vector<1x256xf32> to vector<32x256xf32>
    %le3A_524 = arith.cmpf ole, %add3A_522, %le3A_523 : vector<32x256xf32>
    %convert_element_type3A_525 = arith.extui %le3A_524 : vector<32x256xi1> to vector<32x256xi32>
    %add3A_526 = arith.addi %add3A_521, %convert_element_type3A_525 : vector<32x256xi32>
    %add3A_527 = arith.addf %add3A_51, %concatenate3A : vector<32x256xf32>
    %le3A_528 = vector.broadcast %get3A_4 : vector<1x256xf32> to vector<32x256xf32>
    %le3A_529 = arith.cmpf ole, %add3A_527, %le3A_528 : vector<32x256xf32>
    %convert_element_type3A_530 = arith.extui %le3A_529 : vector<32x256xi1> to vector<32x256xi32>
    %add3A_531 = arith.addi %add3A_526, %convert_element_type3A_530 : vector<32x256xi32>
    %add3A_532 = arith.addf %add3A_54, %concatenate3A : vector<32x256xf32>
    %le3A_533 = vector.broadcast %get3A_4 : vector<1x256xf32> to vector<32x256xf32>
    %le3A_534 = arith.cmpf ole, %add3A_532, %le3A_533 : vector<32x256xf32>
    %convert_element_type3A_535 = arith.extui %le3A_534 : vector<32x256xi1> to vector<32x256xi32>
    %add3A_536 = arith.addi %add3A_531, %convert_element_type3A_535 : vector<32x256xi32>
    %add3A_537 = arith.addf %add3A_57, %concatenate3A : vector<32x256xf32>
    %le3A_538 = vector.broadcast %get3A_4 : vector<1x256xf32> to vector<32x256xf32>
    %le3A_539 = arith.cmpf ole, %add3A_537, %le3A_538 : vector<32x256xf32>
    %convert_element_type3A_540 = arith.extui %le3A_539 : vector<32x256xi1> to vector<32x256xi32>
    %add3A_541 = arith.addi %add3A_536, %convert_element_type3A_540 : vector<32x256xi32>
    %add3A_542 = arith.addf %add3A_60, %concatenate3A : vector<32x256xf32>
    %le3A_543 = vector.broadcast %get3A_4 : vector<1x256xf32> to vector<32x256xf32>
    %le3A_544 = arith.cmpf ole, %add3A_542, %le3A_543 : vector<32x256xf32>
    %convert_element_type3A_545 = arith.extui %le3A_544 : vector<32x256xi1> to vector<32x256xi32>
    %add3A_546 = arith.addi %add3A_541, %convert_element_type3A_545 : vector<32x256xi32>
    %add3A_547 = arith.addf %add3A_63, %concatenate3A : vector<32x256xf32>
    %le3A_548 = vector.broadcast %get3A_4 : vector<1x256xf32> to vector<32x256xf32>
    %le3A_549 = arith.cmpf ole, %add3A_547, %le3A_548 : vector<32x256xf32>
    %convert_element_type3A_550 = arith.extui %le3A_549 : vector<32x256xi1> to vector<32x256xi32>
    %add3A_551 = arith.addi %add3A_546, %convert_element_type3A_550 : vector<32x256xi32>
    %add3A_552 = arith.addf %add3A_66, %concatenate3A : vector<32x256xf32>
    %le3A_553 = vector.broadcast %get3A_4 : vector<1x256xf32> to vector<32x256xf32>
    %le3A_554 = arith.cmpf ole, %add3A_552, %le3A_553 : vector<32x256xf32>
    %convert_element_type3A_555 = arith.extui %le3A_554 : vector<32x256xi1> to vector<32x256xi32>
    %add3A_556 = arith.addi %add3A_551, %convert_element_type3A_555 : vector<32x256xi32>
    %add3A_557 = arith.addf %add3A_69, %concatenate3A : vector<32x256xf32>
    %le3A_558 = vector.broadcast %get3A_4 : vector<1x256xf32> to vector<32x256xf32>
    %le3A_559 = arith.cmpf ole, %add3A_557, %le3A_558 : vector<32x256xf32>
    %convert_element_type3A_560 = arith.extui %le3A_559 : vector<32x256xi1> to vector<32x256xi32>
    %add3A_561 = arith.addi %add3A_556, %convert_element_type3A_560 : vector<32x256xi32>
    %add3A_562 = arith.addf %add3A_72, %concatenate3A : vector<32x256xf32>
    %le3A_563 = vector.broadcast %get3A_4 : vector<1x256xf32> to vector<32x256xf32>
    %le3A_564 = arith.cmpf ole, %add3A_562, %le3A_563 : vector<32x256xf32>
    %convert_element_type3A_565 = arith.extui %le3A_564 : vector<32x256xi1> to vector<32x256xi32>
    %add3A_566 = arith.addi %add3A_561, %convert_element_type3A_565 : vector<32x256xi32>
    %add3A_567 = arith.addf %add3A_75, %concatenate3A : vector<32x256xf32>
    %le3A_568 = vector.broadcast %get3A_4 : vector<1x256xf32> to vector<32x256xf32>
    %le3A_569 = arith.cmpf ole, %add3A_567, %le3A_568 : vector<32x256xf32>
    %convert_element_type3A_570 = arith.extui %le3A_569 : vector<32x256xi1> to vector<32x256xi32>
    %add3A_571 = arith.addi %add3A_566, %convert_element_type3A_570 : vector<32x256xi32>
    %add3A_572 = arith.addf %add3A_78, %concatenate3A : vector<32x256xf32>
    %le3A_573 = vector.broadcast %get3A_4 : vector<1x256xf32> to vector<32x256xf32>
    %le3A_574 = arith.cmpf ole, %add3A_572, %le3A_573 : vector<32x256xf32>
    %convert_element_type3A_575 = arith.extui %le3A_574 : vector<32x256xi1> to vector<32x256xi32>
    %add3A_576 = arith.addi %add3A_571, %convert_element_type3A_575 : vector<32x256xi32>
    %add3A_577 = arith.addf %add3A_81, %concatenate3A : vector<32x256xf32>
    %le3A_578 = vector.broadcast %get3A_4 : vector<1x256xf32> to vector<32x256xf32>
    %le3A_579 = arith.cmpf ole, %add3A_577, %le3A_578 : vector<32x256xf32>
    %convert_element_type3A_580 = arith.extui %le3A_579 : vector<32x256xi1> to vector<32x256xi32>
    %add3A_581 = arith.addi %add3A_576, %convert_element_type3A_580 : vector<32x256xi32>
    %add3A_582 = arith.addf %add3A_84, %concatenate3A : vector<32x256xf32>
    %le3A_583 = vector.broadcast %get3A_4 : vector<1x256xf32> to vector<32x256xf32>
    %le3A_584 = arith.cmpf ole, %add3A_582, %le3A_583 : vector<32x256xf32>
    %convert_element_type3A_585 = arith.extui %le3A_584 : vector<32x256xi1> to vector<32x256xi32>
    %add3A_586 = arith.addi %add3A_581, %convert_element_type3A_585 : vector<32x256xi32>
    %add3A_587 = arith.addf %add3A_87, %concatenate3A : vector<32x256xf32>
    %le3A_588 = vector.broadcast %get3A_4 : vector<1x256xf32> to vector<32x256xf32>
    %le3A_589 = arith.cmpf ole, %add3A_587, %le3A_588 : vector<32x256xf32>
    %convert_element_type3A_590 = arith.extui %le3A_589 : vector<32x256xi1> to vector<32x256xi32>
    %add3A_591 = arith.addi %add3A_586, %convert_element_type3A_590 : vector<32x256xi32>
    %add3A_592 = arith.addf %add3A_90, %concatenate3A : vector<32x256xf32>
    %le3A_593 = vector.broadcast %get3A_4 : vector<1x256xf32> to vector<32x256xf32>
    %le3A_594 = arith.cmpf ole, %add3A_592, %le3A_593 : vector<32x256xf32>
    %convert_element_type3A_595 = arith.extui %le3A_594 : vector<32x256xi1> to vector<32x256xi32>
    %add3A_596 = arith.addi %add3A_591, %convert_element_type3A_595 : vector<32x256xi32>
    %add3A_597 = arith.addf %add3A_93, %concatenate3A : vector<32x256xf32>
    %le3A_598 = vector.broadcast %get3A_4 : vector<1x256xf32> to vector<32x256xf32>
    %le3A_599 = arith.cmpf ole, %add3A_597, %le3A_598 : vector<32x256xf32>
    %convert_element_type3A_600 = arith.extui %le3A_599 : vector<32x256xi1> to vector<32x256xi32>
    %add3A_601 = arith.addi %add3A_596, %convert_element_type3A_600 : vector<32x256xi32>
    %add3A_602 = arith.addf %add3A_96, %concatenate3A : vector<32x256xf32>
    %le3A_603 = vector.broadcast %get3A_4 : vector<1x256xf32> to vector<32x256xf32>
    %le3A_604 = arith.cmpf ole, %add3A_602, %le3A_603 : vector<32x256xf32>
    %convert_element_type3A_605 = arith.extui %le3A_604 : vector<32x256xi1> to vector<32x256xi32>
    %add3A_606 = arith.addi %add3A_601, %convert_element_type3A_605 : vector<32x256xi32>
    %add3A_607 = arith.addf %add3A_99, %concatenate3A : vector<32x256xf32>
    %le3A_608 = vector.broadcast %get3A_4 : vector<1x256xf32> to vector<32x256xf32>
    %le3A_609 = arith.cmpf ole, %add3A_607, %le3A_608 : vector<32x256xf32>
    %convert_element_type3A_610 = arith.extui %le3A_609 : vector<32x256xi1> to vector<32x256xi32>
    %add3A_611 = arith.addi %add3A_606, %convert_element_type3A_610 : vector<32x256xi32>
    %add3A_612 = arith.addf %add3A_102, %concatenate3A : vector<32x256xf32>
    %le3A_613 = vector.broadcast %get3A_4 : vector<1x256xf32> to vector<32x256xf32>
    %le3A_614 = arith.cmpf ole, %add3A_612, %le3A_613 : vector<32x256xf32>
    %convert_element_type3A_615 = arith.extui %le3A_614 : vector<32x256xi1> to vector<32x256xi32>
    %add3A_616 = arith.addi %add3A_611, %convert_element_type3A_615 : vector<32x256xi32>
    %add3A_617 = arith.addf %add3A_105, %concatenate3A : vector<32x256xf32>
    %le3A_618 = vector.broadcast %get3A_4 : vector<1x256xf32> to vector<32x256xf32>
    %le3A_619 = arith.cmpf ole, %add3A_617, %le3A_618 : vector<32x256xf32>
    %convert_element_type3A_620 = arith.extui %le3A_619 : vector<32x256xi1> to vector<32x256xi32>
    %add3A_621 = arith.addi %add3A_616, %convert_element_type3A_620 : vector<32x256xi32>
    %add3A_622 = arith.addf %add3A_108, %concatenate3A : vector<32x256xf32>
    %le3A_623 = vector.broadcast %get3A_4 : vector<1x256xf32> to vector<32x256xf32>
    %le3A_624 = arith.cmpf ole, %add3A_622, %le3A_623 : vector<32x256xf32>
    %convert_element_type3A_625 = arith.extui %le3A_624 : vector<32x256xi1> to vector<32x256xi32>
    %add3A_626 = arith.addi %add3A_621, %convert_element_type3A_625 : vector<32x256xi32>
    %add3A_627 = arith.addf %add3A_111, %concatenate3A : vector<32x256xf32>
    %le3A_628 = vector.broadcast %get3A_4 : vector<1x256xf32> to vector<32x256xf32>
    %le3A_629 = arith.cmpf ole, %add3A_627, %le3A_628 : vector<32x256xf32>
    %convert_element_type3A_630 = arith.extui %le3A_629 : vector<32x256xi1> to vector<32x256xi32>
    %add3A_631 = arith.addi %add3A_626, %convert_element_type3A_630 : vector<32x256xi32>
    %add3A_632 = arith.addf %add3A_114, %concatenate3A : vector<32x256xf32>
    %le3A_633 = vector.broadcast %get3A_4 : vector<1x256xf32> to vector<32x256xf32>
    %le3A_634 = arith.cmpf ole, %add3A_632, %le3A_633 : vector<32x256xf32>
    %convert_element_type3A_635 = arith.extui %le3A_634 : vector<32x256xi1> to vector<32x256xi32>
    %add3A_636 = arith.addi %add3A_631, %convert_element_type3A_635 : vector<32x256xi32>
    %add3A_637 = arith.addf %add3A_117, %concatenate3A : vector<32x256xf32>
    %le3A_638 = vector.broadcast %get3A_4 : vector<1x256xf32> to vector<32x256xf32>
    %le3A_639 = arith.cmpf ole, %add3A_637, %le3A_638 : vector<32x256xf32>
    %convert_element_type3A_640 = arith.extui %le3A_639 : vector<32x256xi1> to vector<32x256xi32>
    %add3A_641 = arith.addi %add3A_636, %convert_element_type3A_640 : vector<32x256xi32>
    %add3A_642 = arith.addf %add3A_120, %concatenate3A : vector<32x256xf32>
    %le3A_643 = vector.broadcast %get3A_4 : vector<1x256xf32> to vector<32x256xf32>
    %le3A_644 = arith.cmpf ole, %add3A_642, %le3A_643 : vector<32x256xf32>
    %convert_element_type3A_645 = arith.extui %le3A_644 : vector<32x256xi1> to vector<32x256xi32>
    %add3A_646 = arith.addi %add3A_641, %convert_element_type3A_645 : vector<32x256xi32>
    %add3A_647 = arith.addf %add3A_123, %concatenate3A : vector<32x256xf32>
    %le3A_648 = vector.broadcast %get3A_4 : vector<1x256xf32> to vector<32x256xf32>
    %le3A_649 = arith.cmpf ole, %add3A_647, %le3A_648 : vector<32x256xf32>
    %convert_element_type3A_650 = arith.extui %le3A_649 : vector<32x256xi1> to vector<32x256xi32>
    %add3A_651 = arith.addi %add3A_646, %convert_element_type3A_650 : vector<32x256xi32>
    %add3A_652 = arith.addf %add3A_126, %concatenate3A : vector<32x256xf32>
    %le3A_653 = vector.broadcast %get3A_4 : vector<1x256xf32> to vector<32x256xf32>
    %le3A_654 = arith.cmpf ole, %add3A_652, %le3A_653 : vector<32x256xf32>
    %convert_element_type3A_655 = arith.extui %le3A_654 : vector<32x256xi1> to vector<32x256xi32>
    %add3A_656 = arith.addi %add3A_651, %convert_element_type3A_655 : vector<32x256xi32>
    %add3A_657 = arith.addf %add3A_129, %concatenate3A : vector<32x256xf32>
    %le3A_658 = vector.broadcast %get3A_4 : vector<1x256xf32> to vector<32x256xf32>
    %le3A_659 = arith.cmpf ole, %add3A_657, %le3A_658 : vector<32x256xf32>
    %convert_element_type3A_660 = arith.extui %le3A_659 : vector<32x256xi1> to vector<32x256xi32>
    %add3A_661 = arith.addi %add3A_656, %convert_element_type3A_660 : vector<32x256xi32>
    %add3A_662 = arith.addf %add3A_132, %concatenate3A : vector<32x256xf32>
    %le3A_663 = vector.broadcast %get3A_4 : vector<1x256xf32> to vector<32x256xf32>
    %le3A_664 = arith.cmpf ole, %add3A_662, %le3A_663 : vector<32x256xf32>
    %convert_element_type3A_665 = arith.extui %le3A_664 : vector<32x256xi1> to vector<32x256xi32>
    %add3A_666 = arith.addi %add3A_661, %convert_element_type3A_665 : vector<32x256xi32>
    %add3A_667 = arith.addf %add3A_135, %concatenate3A : vector<32x256xf32>
    %le3A_668 = vector.broadcast %get3A_4 : vector<1x256xf32> to vector<32x256xf32>
    %le3A_669 = arith.cmpf ole, %add3A_667, %le3A_668 : vector<32x256xf32>
    %convert_element_type3A_670 = arith.extui %le3A_669 : vector<32x256xi1> to vector<32x256xi32>
    %add3A_671 = arith.addi %add3A_666, %convert_element_type3A_670 : vector<32x256xi32>
    %add3A_672 = arith.addf %add3A_138, %concatenate3A : vector<32x256xf32>
    %le3A_673 = vector.broadcast %get3A_4 : vector<1x256xf32> to vector<32x256xf32>
    %le3A_674 = arith.cmpf ole, %add3A_672, %le3A_673 : vector<32x256xf32>
    %convert_element_type3A_675 = arith.extui %le3A_674 : vector<32x256xi1> to vector<32x256xi32>
    %add3A_676 = arith.addi %add3A_671, %convert_element_type3A_675 : vector<32x256xi32>
    %add3A_677 = arith.addf %add3A_141, %concatenate3A : vector<32x256xf32>
    %le3A_678 = vector.broadcast %get3A_4 : vector<1x256xf32> to vector<32x256xf32>
    %le3A_679 = arith.cmpf ole, %add3A_677, %le3A_678 : vector<32x256xf32>
    %convert_element_type3A_680 = arith.extui %le3A_679 : vector<32x256xi1> to vector<32x256xi32>
    %add3A_681 = arith.addi %add3A_676, %convert_element_type3A_680 : vector<32x256xi32>
    %add3A_682 = arith.addf %add3A_144, %concatenate3A : vector<32x256xf32>
    %le3A_683 = vector.broadcast %get3A_4 : vector<1x256xf32> to vector<32x256xf32>
    %le3A_684 = arith.cmpf ole, %add3A_682, %le3A_683 : vector<32x256xf32>
    %convert_element_type3A_685 = arith.extui %le3A_684 : vector<32x256xi1> to vector<32x256xi32>
    %add3A_686 = arith.addi %add3A_681, %convert_element_type3A_685 : vector<32x256xi32>
    %add3A_687 = arith.addf %add3A_147, %concatenate3A : vector<32x256xf32>
    %le3A_688 = vector.broadcast %get3A_4 : vector<1x256xf32> to vector<32x256xf32>
    %le3A_689 = arith.cmpf ole, %add3A_687, %le3A_688 : vector<32x256xf32>
    %convert_element_type3A_690 = arith.extui %le3A_689 : vector<32x256xi1> to vector<32x256xi32>
    %add3A_691 = arith.addi %add3A_686, %convert_element_type3A_690 : vector<32x256xi32>
    %add3A_692 = arith.addf %add3A_150, %concatenate3A : vector<32x256xf32>
    %le3A_693 = vector.broadcast %get3A_4 : vector<1x256xf32> to vector<32x256xf32>
    %le3A_694 = arith.cmpf ole, %add3A_692, %le3A_693 : vector<32x256xf32>
    %convert_element_type3A_695 = arith.extui %le3A_694 : vector<32x256xi1> to vector<32x256xi32>
    %add3A_696 = arith.addi %add3A_691, %convert_element_type3A_695 : vector<32x256xi32>
    %add3A_697 = arith.addf %add3A_153, %concatenate3A : vector<32x256xf32>
    %le3A_698 = vector.broadcast %get3A_4 : vector<1x256xf32> to vector<32x256xf32>
    %le3A_699 = arith.cmpf ole, %add3A_697, %le3A_698 : vector<32x256xf32>
    %convert_element_type3A_700 = arith.extui %le3A_699 : vector<32x256xi1> to vector<32x256xi32>
    %add3A_701 = arith.addi %add3A_696, %convert_element_type3A_700 : vector<32x256xi32>
    %add3A_702 = arith.addf %add3A_156, %concatenate3A : vector<32x256xf32>
    %le3A_703 = vector.broadcast %get3A_4 : vector<1x256xf32> to vector<32x256xf32>
    %le3A_704 = arith.cmpf ole, %add3A_702, %le3A_703 : vector<32x256xf32>
    %convert_element_type3A_705 = arith.extui %le3A_704 : vector<32x256xi1> to vector<32x256xi32>
    %add3A_706 = arith.addi %add3A_701, %convert_element_type3A_705 : vector<32x256xi32>
    %add3A_707 = arith.addf %add3A_159, %concatenate3A : vector<32x256xf32>
    %le3A_708 = vector.broadcast %get3A_4 : vector<1x256xf32> to vector<32x256xf32>
    %le3A_709 = arith.cmpf ole, %add3A_707, %le3A_708 : vector<32x256xf32>
    %convert_element_type3A_710 = arith.extui %le3A_709 : vector<32x256xi1> to vector<32x256xi32>
    %add3A_711 = arith.addi %add3A_706, %convert_element_type3A_710 : vector<32x256xi32>
    %add3A_712 = arith.addf %add3A_162, %concatenate3A : vector<32x256xf32>
    %le3A_713 = vector.broadcast %get3A_4 : vector<1x256xf32> to vector<32x256xf32>
    %le3A_714 = arith.cmpf ole, %add3A_712, %le3A_713 : vector<32x256xf32>
    %convert_element_type3A_715 = arith.extui %le3A_714 : vector<32x256xi1> to vector<32x256xi32>
    %add3A_716 = arith.addi %add3A_711, %convert_element_type3A_715 : vector<32x256xi32>
    %add3A_717 = arith.addf %add3A_165, %concatenate3A : vector<32x256xf32>
    %le3A_718 = vector.broadcast %get3A_4 : vector<1x256xf32> to vector<32x256xf32>
    %le3A_719 = arith.cmpf ole, %add3A_717, %le3A_718 : vector<32x256xf32>
    %convert_element_type3A_720 = arith.extui %le3A_719 : vector<32x256xi1> to vector<32x256xi32>
    %add3A_721 = arith.addi %add3A_716, %convert_element_type3A_720 : vector<32x256xi32>
    %add3A_722 = arith.addf %add3A_168, %concatenate3A : vector<32x256xf32>
    %le3A_723 = vector.broadcast %get3A_4 : vector<1x256xf32> to vector<32x256xf32>
    %le3A_724 = arith.cmpf ole, %add3A_722, %le3A_723 : vector<32x256xf32>
    %convert_element_type3A_725 = arith.extui %le3A_724 : vector<32x256xi1> to vector<32x256xi32>
    %add3A_726 = arith.addi %add3A_721, %convert_element_type3A_725 : vector<32x256xi32>
    %add3A_727 = arith.addf %add3A_171, %concatenate3A : vector<32x256xf32>
    %le3A_728 = vector.broadcast %get3A_4 : vector<1x256xf32> to vector<32x256xf32>
    %le3A_729 = arith.cmpf ole, %add3A_727, %le3A_728 : vector<32x256xf32>
    %convert_element_type3A_730 = arith.extui %le3A_729 : vector<32x256xi1> to vector<32x256xi32>
    %add3A_731 = arith.addi %add3A_726, %convert_element_type3A_730 : vector<32x256xi32>
    %add3A_732 = arith.addf %add3A_174, %concatenate3A : vector<32x256xf32>
    %le3A_733 = vector.broadcast %get3A_4 : vector<1x256xf32> to vector<32x256xf32>
    %le3A_734 = arith.cmpf ole, %add3A_732, %le3A_733 : vector<32x256xf32>
    %convert_element_type3A_735 = arith.extui %le3A_734 : vector<32x256xi1> to vector<32x256xi32>
    %add3A_736 = arith.addi %add3A_731, %convert_element_type3A_735 : vector<32x256xi32>
    %add3A_737 = arith.addf %add3A_177, %concatenate3A : vector<32x256xf32>
    %le3A_738 = vector.broadcast %get3A_4 : vector<1x256xf32> to vector<32x256xf32>
    %le3A_739 = arith.cmpf ole, %add3A_737, %le3A_738 : vector<32x256xf32>
    %convert_element_type3A_740 = arith.extui %le3A_739 : vector<32x256xi1> to vector<32x256xi32>
    %add3A_741 = arith.addi %add3A_736, %convert_element_type3A_740 : vector<32x256xi32>
    %add3A_742 = arith.addf %add3A_180, %concatenate3A : vector<32x256xf32>
    %le3A_743 = vector.broadcast %get3A_4 : vector<1x256xf32> to vector<32x256xf32>
    %le3A_744 = arith.cmpf ole, %add3A_742, %le3A_743 : vector<32x256xf32>
    %convert_element_type3A_745 = arith.extui %le3A_744 : vector<32x256xi1> to vector<32x256xi32>
    %add3A_746 = arith.addi %add3A_741, %convert_element_type3A_745 : vector<32x256xi32>
    %add3A_747 = arith.addf %add3A_183, %concatenate3A : vector<32x256xf32>
    %le3A_748 = vector.broadcast %get3A_4 : vector<1x256xf32> to vector<32x256xf32>
    %le3A_749 = arith.cmpf ole, %add3A_747, %le3A_748 : vector<32x256xf32>
    %convert_element_type3A_750 = arith.extui %le3A_749 : vector<32x256xi1> to vector<32x256xi32>
    %add3A_751 = arith.addi %add3A_746, %convert_element_type3A_750 : vector<32x256xi32>
    %add3A_752 = arith.addf %add3A_186, %concatenate3A : vector<32x256xf32>
    %le3A_753 = vector.broadcast %get3A_4 : vector<1x256xf32> to vector<32x256xf32>
    %le3A_754 = arith.cmpf ole, %add3A_752, %le3A_753 : vector<32x256xf32>
    %convert_element_type3A_755 = arith.extui %le3A_754 : vector<32x256xi1> to vector<32x256xi32>
    %add3A_756 = arith.addi %add3A_751, %convert_element_type3A_755 : vector<32x256xi32>
    %add3A_757 = arith.addf %add3A_189, %concatenate3A : vector<32x256xf32>
    %le3A_758 = vector.broadcast %get3A_4 : vector<1x256xf32> to vector<32x256xf32>
    %le3A_759 = arith.cmpf ole, %add3A_757, %le3A_758 : vector<32x256xf32>
    %convert_element_type3A_760 = arith.extui %le3A_759 : vector<32x256xi1> to vector<32x256xi32>
    %add3A_761 = arith.addi %add3A_756, %convert_element_type3A_760 : vector<32x256xi32>
    %add3A_762 = arith.addf %add3A_192, %concatenate3A : vector<32x256xf32>
    %le3A_763 = vector.broadcast %get3A_4 : vector<1x256xf32> to vector<32x256xf32>
    %le3A_764 = arith.cmpf ole, %add3A_762, %le3A_763 : vector<32x256xf32>
    %convert_element_type3A_765 = arith.extui %le3A_764 : vector<32x256xi1> to vector<32x256xi32>
    %add3A_766 = arith.addi %add3A_761, %convert_element_type3A_765 : vector<32x256xi32>
    %add3A_767 = arith.addf %add3A_195, %concatenate3A : vector<32x256xf32>
    %le3A_768 = vector.broadcast %get3A_4 : vector<1x256xf32> to vector<32x256xf32>
    %le3A_769 = arith.cmpf ole, %add3A_767, %le3A_768 : vector<32x256xf32>
    %convert_element_type3A_770 = arith.extui %le3A_769 : vector<32x256xi1> to vector<32x256xi32>
    %add3A_771 = arith.addi %add3A_766, %convert_element_type3A_770 : vector<32x256xi32>
    %add3A_772 = arith.addf %add3A_198, %concatenate3A : vector<32x256xf32>
    %le3A_773 = vector.broadcast %get3A_4 : vector<1x256xf32> to vector<32x256xf32>
    %le3A_774 = arith.cmpf ole, %add3A_772, %le3A_773 : vector<32x256xf32>
    %convert_element_type3A_775 = arith.extui %le3A_774 : vector<32x256xi1> to vector<32x256xi32>
    %add3A_776 = arith.addi %add3A_771, %convert_element_type3A_775 : vector<32x256xi32>
    %add3A_777 = arith.addf %add3A_201, %concatenate3A : vector<32x256xf32>
    %le3A_778 = vector.broadcast %get3A_4 : vector<1x256xf32> to vector<32x256xf32>
    %le3A_779 = arith.cmpf ole, %add3A_777, %le3A_778 : vector<32x256xf32>
    %convert_element_type3A_780 = arith.extui %le3A_779 : vector<32x256xi1> to vector<32x256xi32>
    %add3A_781 = arith.addi %add3A_776, %convert_element_type3A_780 : vector<32x256xi32>
    %add3A_782 = arith.addf %add3A_204, %concatenate3A : vector<32x256xf32>
    %le3A_783 = vector.broadcast %get3A_4 : vector<1x256xf32> to vector<32x256xf32>
    %le3A_784 = arith.cmpf ole, %add3A_782, %le3A_783 : vector<32x256xf32>
    %convert_element_type3A_785 = arith.extui %le3A_784 : vector<32x256xi1> to vector<32x256xi32>
    %add3A_786 = arith.addi %add3A_781, %convert_element_type3A_785 : vector<32x256xi32>
    %add3A_787 = arith.addf %add3A_207, %concatenate3A : vector<32x256xf32>
    %le3A_788 = vector.broadcast %get3A_4 : vector<1x256xf32> to vector<32x256xf32>
    %le3A_789 = arith.cmpf ole, %add3A_787, %le3A_788 : vector<32x256xf32>
    %convert_element_type3A_790 = arith.extui %le3A_789 : vector<32x256xi1> to vector<32x256xi32>
    %add3A_791 = arith.addi %add3A_786, %convert_element_type3A_790 : vector<32x256xi32>
    %add3A_792 = arith.addf %add3A_210, %concatenate3A : vector<32x256xf32>
    %le3A_793 = vector.broadcast %get3A_4 : vector<1x256xf32> to vector<32x256xf32>
    %le3A_794 = arith.cmpf ole, %add3A_792, %le3A_793 : vector<32x256xf32>
    %convert_element_type3A_795 = arith.extui %le3A_794 : vector<32x256xi1> to vector<32x256xi32>
    %add3A_796 = arith.addi %add3A_791, %convert_element_type3A_795 : vector<32x256xi32>
    %add3A_797 = arith.addf %add3A_213, %concatenate3A : vector<32x256xf32>
    %le3A_798 = vector.broadcast %get3A_4 : vector<1x256xf32> to vector<32x256xf32>
    %le3A_799 = arith.cmpf ole, %add3A_797, %le3A_798 : vector<32x256xf32>
    %convert_element_type3A_800 = arith.extui %le3A_799 : vector<32x256xi1> to vector<32x256xi32>
    %add3A_801 = arith.addi %add3A_796, %convert_element_type3A_800 : vector<32x256xi32>
    %add3A_802 = arith.addf %add3A_216, %concatenate3A : vector<32x256xf32>
    %le3A_803 = vector.broadcast %get3A_4 : vector<1x256xf32> to vector<32x256xf32>
    %le3A_804 = arith.cmpf ole, %add3A_802, %le3A_803 : vector<32x256xf32>
    %convert_element_type3A_805 = arith.extui %le3A_804 : vector<32x256xi1> to vector<32x256xi32>
    %add3A_806 = arith.addi %add3A_801, %convert_element_type3A_805 : vector<32x256xi32>
    %add3A_807 = arith.addf %add3A_219, %concatenate3A : vector<32x256xf32>
    %le3A_808 = vector.broadcast %get3A_4 : vector<1x256xf32> to vector<32x256xf32>
    %le3A_809 = arith.cmpf ole, %add3A_807, %le3A_808 : vector<32x256xf32>
    %convert_element_type3A_810 = arith.extui %le3A_809 : vector<32x256xi1> to vector<32x256xi32>
    %add3A_811 = arith.addi %add3A_806, %convert_element_type3A_810 : vector<32x256xi32>
    %add3A_812 = arith.addf %add3A_222, %concatenate3A : vector<32x256xf32>
    %le3A_813 = vector.broadcast %get3A_4 : vector<1x256xf32> to vector<32x256xf32>
    %le3A_814 = arith.cmpf ole, %add3A_812, %le3A_813 : vector<32x256xf32>
    %convert_element_type3A_815 = arith.extui %le3A_814 : vector<32x256xi1> to vector<32x256xi32>
    %add3A_816 = arith.addi %add3A_811, %convert_element_type3A_815 : vector<32x256xi32>
    %add3A_817 = arith.addf %add3A_225, %concatenate3A : vector<32x256xf32>
    %le3A_818 = vector.broadcast %get3A_4 : vector<1x256xf32> to vector<32x256xf32>
    %le3A_819 = arith.cmpf ole, %add3A_817, %le3A_818 : vector<32x256xf32>
    %convert_element_type3A_820 = arith.extui %le3A_819 : vector<32x256xi1> to vector<32x256xi32>
    %add3A_821 = arith.addi %add3A_816, %convert_element_type3A_820 : vector<32x256xi32>
    %add3A_822 = arith.addf %add3A_228, %concatenate3A : vector<32x256xf32>
    %le3A_823 = vector.broadcast %get3A_4 : vector<1x256xf32> to vector<32x256xf32>
    %le3A_824 = arith.cmpf ole, %add3A_822, %le3A_823 : vector<32x256xf32>
    %convert_element_type3A_825 = arith.extui %le3A_824 : vector<32x256xi1> to vector<32x256xi32>
    %add3A_826 = arith.addi %add3A_821, %convert_element_type3A_825 : vector<32x256xi32>
    %add3A_827 = arith.addf %add3A_231, %concatenate3A : vector<32x256xf32>
    %le3A_828 = vector.broadcast %get3A_4 : vector<1x256xf32> to vector<32x256xf32>
    %le3A_829 = arith.cmpf ole, %add3A_827, %le3A_828 : vector<32x256xf32>
    %convert_element_type3A_830 = arith.extui %le3A_829 : vector<32x256xi1> to vector<32x256xi32>
    %add3A_831 = arith.addi %add3A_826, %convert_element_type3A_830 : vector<32x256xi32>
    %add3A_832 = arith.addf %add3A_234, %concatenate3A : vector<32x256xf32>
    %le3A_833 = vector.broadcast %get3A_4 : vector<1x256xf32> to vector<32x256xf32>
    %le3A_834 = arith.cmpf ole, %add3A_832, %le3A_833 : vector<32x256xf32>
    %convert_element_type3A_835 = arith.extui %le3A_834 : vector<32x256xi1> to vector<32x256xi32>
    %add3A_836 = arith.addi %add3A_831, %convert_element_type3A_835 : vector<32x256xi32>
    %add3A_837 = arith.addf %add3A_237, %concatenate3A : vector<32x256xf32>
    %le3A_838 = vector.broadcast %get3A_4 : vector<1x256xf32> to vector<32x256xf32>
    %le3A_839 = arith.cmpf ole, %add3A_837, %le3A_838 : vector<32x256xf32>
    %convert_element_type3A_840 = arith.extui %le3A_839 : vector<32x256xi1> to vector<32x256xi32>
    %add3A_841 = arith.addi %add3A_836, %convert_element_type3A_840 : vector<32x256xi32>
    %add3A_842 = arith.addf %add3A_240, %concatenate3A : vector<32x256xf32>
    %le3A_843 = vector.broadcast %get3A_4 : vector<1x256xf32> to vector<32x256xf32>
    %le3A_844 = arith.cmpf ole, %add3A_842, %le3A_843 : vector<32x256xf32>
    %convert_element_type3A_845 = arith.extui %le3A_844 : vector<32x256xi1> to vector<32x256xi32>
    %add3A_846 = arith.addi %add3A_841, %convert_element_type3A_845 : vector<32x256xi32>
    %add3A_847 = arith.addf %add3A_243, %concatenate3A : vector<32x256xf32>
    %le3A_848 = vector.broadcast %get3A_4 : vector<1x256xf32> to vector<32x256xf32>
    %le3A_849 = arith.cmpf ole, %add3A_847, %le3A_848 : vector<32x256xf32>
    %convert_element_type3A_850 = arith.extui %le3A_849 : vector<32x256xi1> to vector<32x256xi32>
    %add3A_851 = arith.addi %add3A_846, %convert_element_type3A_850 : vector<32x256xi32>
    %add3A_852 = arith.addf %add3A_246, %concatenate3A : vector<32x256xf32>
    %le3A_853 = vector.broadcast %get3A_4 : vector<1x256xf32> to vector<32x256xf32>
    %le3A_854 = arith.cmpf ole, %add3A_852, %le3A_853 : vector<32x256xf32>
    %convert_element_type3A_855 = arith.extui %le3A_854 : vector<32x256xi1> to vector<32x256xi32>
    %add3A_856 = arith.addi %add3A_851, %convert_element_type3A_855 : vector<32x256xi32>
    %add3A_857 = arith.addf %add3A_249, %concatenate3A : vector<32x256xf32>
    %le3A_858 = vector.broadcast %get3A_4 : vector<1x256xf32> to vector<32x256xf32>
    %le3A_859 = arith.cmpf ole, %add3A_857, %le3A_858 : vector<32x256xf32>
    %convert_element_type3A_860 = arith.extui %le3A_859 : vector<32x256xi1> to vector<32x256xi32>
    %add3A_861 = arith.addi %add3A_856, %convert_element_type3A_860 : vector<32x256xi32>
    %add3A_862 = arith.addf %add3A_252, %concatenate3A : vector<32x256xf32>
    %le3A_863 = vector.broadcast %get3A_4 : vector<1x256xf32> to vector<32x256xf32>
    %le3A_864 = arith.cmpf ole, %add3A_862, %le3A_863 : vector<32x256xf32>
    %convert_element_type3A_865 = arith.extui %le3A_864 : vector<32x256xi1> to vector<32x256xi32>
    %add3A_866 = arith.addi %add3A_861, %convert_element_type3A_865 : vector<32x256xi32>
    %add3A_867 = arith.addf %add3A_255, %concatenate3A : vector<32x256xf32>
    %le3A_868 = vector.broadcast %get3A_4 : vector<1x256xf32> to vector<32x256xf32>
    %le3A_869 = arith.cmpf ole, %add3A_867, %le3A_868 : vector<32x256xf32>
    %convert_element_type3A_870 = arith.extui %le3A_869 : vector<32x256xi1> to vector<32x256xi32>
    %add3A_871 = arith.addi %add3A_866, %convert_element_type3A_870 : vector<32x256xi32>
    %add3A_872 = arith.addf %add3A_258, %concatenate3A : vector<32x256xf32>
    %le3A_873 = vector.broadcast %get3A_4 : vector<1x256xf32> to vector<32x256xf32>
    %le3A_874 = arith.cmpf ole, %add3A_872, %le3A_873 : vector<32x256xf32>
    %convert_element_type3A_875 = arith.extui %le3A_874 : vector<32x256xi1> to vector<32x256xi32>
    %add3A_876 = arith.addi %add3A_871, %convert_element_type3A_875 : vector<32x256xi32>
    %add3A_877 = arith.addf %add3A_261, %concatenate3A : vector<32x256xf32>
    %le3A_878 = vector.broadcast %get3A_4 : vector<1x256xf32> to vector<32x256xf32>
    %le3A_879 = arith.cmpf ole, %add3A_877, %le3A_878 : vector<32x256xf32>
    %convert_element_type3A_880 = arith.extui %le3A_879 : vector<32x256xi1> to vector<32x256xi32>
    %add3A_881 = arith.addi %add3A_876, %convert_element_type3A_880 : vector<32x256xi32>
    %add3A_882 = arith.addf %add3A_264, %concatenate3A : vector<32x256xf32>
    %le3A_883 = vector.broadcast %get3A_4 : vector<1x256xf32> to vector<32x256xf32>
    %le3A_884 = arith.cmpf ole, %add3A_882, %le3A_883 : vector<32x256xf32>
    %convert_element_type3A_885 = arith.extui %le3A_884 : vector<32x256xi1> to vector<32x256xi32>
    %add3A_886 = arith.addi %add3A_881, %convert_element_type3A_885 : vector<32x256xi32>
    %add3A_887 = arith.addf %add3A_267, %concatenate3A : vector<32x256xf32>
    %le3A_888 = vector.broadcast %get3A_4 : vector<1x256xf32> to vector<32x256xf32>
    %le3A_889 = arith.cmpf ole, %add3A_887, %le3A_888 : vector<32x256xf32>
    %convert_element_type3A_890 = arith.extui %le3A_889 : vector<32x256xi1> to vector<32x256xi32>
    %add3A_891 = arith.addi %add3A_886, %convert_element_type3A_890 : vector<32x256xi32>
    %add3A_892 = arith.addf %add3A_270, %concatenate3A : vector<32x256xf32>
    %le3A_893 = vector.broadcast %get3A_4 : vector<1x256xf32> to vector<32x256xf32>
    %le3A_894 = arith.cmpf ole, %add3A_892, %le3A_893 : vector<32x256xf32>
    %convert_element_type3A_895 = arith.extui %le3A_894 : vector<32x256xi1> to vector<32x256xi32>
    %add3A_896 = arith.addi %add3A_891, %convert_element_type3A_895 : vector<32x256xi32>
    %add3A_897 = arith.addf %add3A_273, %concatenate3A : vector<32x256xf32>
    %le3A_898 = vector.broadcast %get3A_4 : vector<1x256xf32> to vector<32x256xf32>
    %le3A_899 = arith.cmpf ole, %add3A_897, %le3A_898 : vector<32x256xf32>
    %convert_element_type3A_900 = arith.extui %le3A_899 : vector<32x256xi1> to vector<32x256xi32>
    %add3A_901 = arith.addi %add3A_896, %convert_element_type3A_900 : vector<32x256xi32>
    %add3A_902 = arith.addf %add3A_276, %concatenate3A : vector<32x256xf32>
    %le3A_903 = vector.broadcast %get3A_4 : vector<1x256xf32> to vector<32x256xf32>
    %le3A_904 = arith.cmpf ole, %add3A_902, %le3A_903 : vector<32x256xf32>
    %convert_element_type3A_905 = arith.extui %le3A_904 : vector<32x256xi1> to vector<32x256xi32>
    %add3A_906 = arith.addi %add3A_901, %convert_element_type3A_905 : vector<32x256xi32>
    %add3A_907 = arith.addf %add3A_279, %concatenate3A : vector<32x256xf32>
    %le3A_908 = vector.broadcast %get3A_4 : vector<1x256xf32> to vector<32x256xf32>
    %le3A_909 = arith.cmpf ole, %add3A_907, %le3A_908 : vector<32x256xf32>
    %convert_element_type3A_910 = arith.extui %le3A_909 : vector<32x256xi1> to vector<32x256xi32>
    %add3A_911 = arith.addi %add3A_906, %convert_element_type3A_910 : vector<32x256xi32>
    %add3A_912 = arith.addf %add3A_282, %concatenate3A : vector<32x256xf32>
    %le3A_913 = vector.broadcast %get3A_4 : vector<1x256xf32> to vector<32x256xf32>
    %le3A_914 = arith.cmpf ole, %add3A_912, %le3A_913 : vector<32x256xf32>
    %convert_element_type3A_915 = arith.extui %le3A_914 : vector<32x256xi1> to vector<32x256xi32>
    %add3A_916 = arith.addi %add3A_911, %convert_element_type3A_915 : vector<32x256xi32>
    %add3A_917 = arith.addf %add3A_285, %concatenate3A : vector<32x256xf32>
    %le3A_918 = vector.broadcast %get3A_4 : vector<1x256xf32> to vector<32x256xf32>
    %le3A_919 = arith.cmpf ole, %add3A_917, %le3A_918 : vector<32x256xf32>
    %convert_element_type3A_920 = arith.extui %le3A_919 : vector<32x256xi1> to vector<32x256xi32>
    %add3A_921 = arith.addi %add3A_916, %convert_element_type3A_920 : vector<32x256xi32>
    %add3A_922 = arith.addf %add3A_288, %concatenate3A : vector<32x256xf32>
    %le3A_923 = vector.broadcast %get3A_4 : vector<1x256xf32> to vector<32x256xf32>
    %le3A_924 = arith.cmpf ole, %add3A_922, %le3A_923 : vector<32x256xf32>
    %convert_element_type3A_925 = arith.extui %le3A_924 : vector<32x256xi1> to vector<32x256xi32>
    %add3A_926 = arith.addi %add3A_921, %convert_element_type3A_925 : vector<32x256xi32>
    %add3A_927 = arith.addf %add3A_291, %concatenate3A : vector<32x256xf32>
    %le3A_928 = vector.broadcast %get3A_4 : vector<1x256xf32> to vector<32x256xf32>
    %le3A_929 = arith.cmpf ole, %add3A_927, %le3A_928 : vector<32x256xf32>
    %convert_element_type3A_930 = arith.extui %le3A_929 : vector<32x256xi1> to vector<32x256xi32>
    %add3A_931 = arith.addi %add3A_926, %convert_element_type3A_930 : vector<32x256xi32>
    %add3A_932 = arith.addf %add3A_294, %concatenate3A : vector<32x256xf32>
    %le3A_933 = vector.broadcast %get3A_4 : vector<1x256xf32> to vector<32x256xf32>
    %le3A_934 = arith.cmpf ole, %add3A_932, %le3A_933 : vector<32x256xf32>
    %convert_element_type3A_935 = arith.extui %le3A_934 : vector<32x256xi1> to vector<32x256xi32>
    %add3A_936 = arith.addi %add3A_931, %convert_element_type3A_935 : vector<32x256xi32>
    %add3A_937 = arith.addf %add3A_297, %concatenate3A : vector<32x256xf32>
    %le3A_938 = vector.broadcast %get3A_4 : vector<1x256xf32> to vector<32x256xf32>
    %le3A_939 = arith.cmpf ole, %add3A_937, %le3A_938 : vector<32x256xf32>
    %convert_element_type3A_940 = arith.extui %le3A_939 : vector<32x256xi1> to vector<32x256xi32>
    %add3A_941 = arith.addi %add3A_936, %convert_element_type3A_940 : vector<32x256xi32>
    %add3A_942 = arith.addf %add3A_300, %concatenate3A : vector<32x256xf32>
    %le3A_943 = vector.broadcast %get3A_4 : vector<1x256xf32> to vector<32x256xf32>
    %le3A_944 = arith.cmpf ole, %add3A_942, %le3A_943 : vector<32x256xf32>
    %convert_element_type3A_945 = arith.extui %le3A_944 : vector<32x256xi1> to vector<32x256xi32>
    %add3A_946 = arith.addi %add3A_941, %convert_element_type3A_945 : vector<32x256xi32>
    %add3A_947 = arith.addf %add3A_303, %concatenate3A : vector<32x256xf32>
    %le3A_948 = vector.broadcast %get3A_4 : vector<1x256xf32> to vector<32x256xf32>
    %le3A_949 = arith.cmpf ole, %add3A_947, %le3A_948 : vector<32x256xf32>
    %convert_element_type3A_950 = arith.extui %le3A_949 : vector<32x256xi1> to vector<32x256xi32>
    %add3A_951 = arith.addi %add3A_946, %convert_element_type3A_950 : vector<32x256xi32>
    %add3A_952 = arith.addf %add3A_306, %concatenate3A : vector<32x256xf32>
    %le3A_953 = vector.broadcast %get3A_4 : vector<1x256xf32> to vector<32x256xf32>
    %le3A_954 = arith.cmpf ole, %add3A_952, %le3A_953 : vector<32x256xf32>
    %convert_element_type3A_955 = arith.extui %le3A_954 : vector<32x256xi1> to vector<32x256xi32>
    %add3A_956 = arith.addi %add3A_951, %convert_element_type3A_955 : vector<32x256xi32>
    %add3A_957 = arith.addf %add3A_309, %concatenate3A : vector<32x256xf32>
    %le3A_958 = vector.broadcast %get3A_4 : vector<1x256xf32> to vector<32x256xf32>
    %le3A_959 = arith.cmpf ole, %add3A_957, %le3A_958 : vector<32x256xf32>
    %convert_element_type3A_960 = arith.extui %le3A_959 : vector<32x256xi1> to vector<32x256xi32>
    %add3A_961 = arith.addi %add3A_956, %convert_element_type3A_960 : vector<32x256xi32>
    %add3A_962 = arith.addf %add3A_312, %concatenate3A : vector<32x256xf32>
    %le3A_963 = vector.broadcast %get3A_4 : vector<1x256xf32> to vector<32x256xf32>
    %le3A_964 = arith.cmpf ole, %add3A_962, %le3A_963 : vector<32x256xf32>
    %convert_element_type3A_965 = arith.extui %le3A_964 : vector<32x256xi1> to vector<32x256xi32>
    %add3A_966 = arith.addi %add3A_961, %convert_element_type3A_965 : vector<32x256xi32>
    %add3A_967 = arith.addf %add3A_315, %concatenate3A : vector<32x256xf32>
    %le3A_968 = vector.broadcast %get3A_4 : vector<1x256xf32> to vector<32x256xf32>
    %le3A_969 = arith.cmpf ole, %add3A_967, %le3A_968 : vector<32x256xf32>
    %convert_element_type3A_970 = arith.extui %le3A_969 : vector<32x256xi1> to vector<32x256xi32>
    %add3A_971 = arith.addi %add3A_966, %convert_element_type3A_970 : vector<32x256xi32>
    %add3A_972 = arith.addf %add3A_318, %concatenate3A : vector<32x256xf32>
    %le3A_973 = vector.broadcast %get3A_4 : vector<1x256xf32> to vector<32x256xf32>
    %le3A_974 = arith.cmpf ole, %add3A_972, %le3A_973 : vector<32x256xf32>
    %convert_element_type3A_975 = arith.extui %le3A_974 : vector<32x256xi1> to vector<32x256xi32>
    %add3A_976 = arith.addi %add3A_971, %convert_element_type3A_975 : vector<32x256xi32>
    %add3A_977 = arith.addf %add3A_321, %concatenate3A : vector<32x256xf32>
    %le3A_978 = vector.broadcast %get3A_4 : vector<1x256xf32> to vector<32x256xf32>
    %le3A_979 = arith.cmpf ole, %add3A_977, %le3A_978 : vector<32x256xf32>
    %convert_element_type3A_980 = arith.extui %le3A_979 : vector<32x256xi1> to vector<32x256xi32>
    %add3A_981 = arith.addi %add3A_976, %convert_element_type3A_980 : vector<32x256xi32>
    %add3A_982 = arith.addf %add3A_324, %concatenate3A : vector<32x256xf32>
    %le3A_983 = vector.broadcast %get3A_4 : vector<1x256xf32> to vector<32x256xf32>
    %le3A_984 = arith.cmpf ole, %add3A_982, %le3A_983 : vector<32x256xf32>
    %convert_element_type3A_985 = arith.extui %le3A_984 : vector<32x256xi1> to vector<32x256xi32>
    %add3A_986 = arith.addi %add3A_981, %convert_element_type3A_985 : vector<32x256xi32>
    %add3A_987 = arith.addf %add3A_327, %concatenate3A : vector<32x256xf32>
    %le3A_988 = vector.broadcast %get3A_4 : vector<1x256xf32> to vector<32x256xf32>
    %le3A_989 = arith.cmpf ole, %add3A_987, %le3A_988 : vector<32x256xf32>
    %convert_element_type3A_990 = arith.extui %le3A_989 : vector<32x256xi1> to vector<32x256xi32>
    %add3A_991 = arith.addi %add3A_986, %convert_element_type3A_990 : vector<32x256xi32>
    %add3A_992 = arith.addf %add3A_330, %concatenate3A : vector<32x256xf32>
    %le3A_993 = vector.broadcast %get3A_4 : vector<1x256xf32> to vector<32x256xf32>
    %le3A_994 = arith.cmpf ole, %add3A_992, %le3A_993 : vector<32x256xf32>
    %convert_element_type3A_995 = arith.extui %le3A_994 : vector<32x256xi1> to vector<32x256xi32>
    %add3A_996 = arith.addi %add3A_991, %convert_element_type3A_995 : vector<32x256xi32>
    %add3A_997 = arith.addf %add3A_333, %concatenate3A : vector<32x256xf32>
    %le3A_998 = vector.broadcast %get3A_4 : vector<1x256xf32> to vector<32x256xf32>
    %le3A_999 = arith.cmpf ole, %add3A_997, %le3A_998 : vector<32x256xf32>
    %convert_element_type3A_1000 = arith.extui %le3A_999 : vector<32x256xi1> to vector<32x256xi32>
    %add3A_1001 = arith.addi %add3A_996, %convert_element_type3A_1000 : vector<32x256xi32>
    %add3A_1002 = arith.addf %add3A_336, %concatenate3A : vector<32x256xf32>
    %le3A_1003 = vector.broadcast %get3A_4 : vector<1x256xf32> to vector<32x256xf32>
    %le3A_1004 = arith.cmpf ole, %add3A_1002, %le3A_1003 : vector<32x256xf32>
    %convert_element_type3A_1005 = arith.extui %le3A_1004 : vector<32x256xi1> to vector<32x256xi32>
    %add3A_1006 = arith.addi %add3A_1001, %convert_element_type3A_1005 : vector<32x256xi32>
    %add3A_1007 = arith.addf %add3A_339, %concatenate3A : vector<32x256xf32>
    %le3A_1008 = vector.broadcast %get3A_4 : vector<1x256xf32> to vector<32x256xf32>
    %le3A_1009 = arith.cmpf ole, %add3A_1007, %le3A_1008 : vector<32x256xf32>
    %convert_element_type3A_1010 = arith.extui %le3A_1009 : vector<32x256xi1> to vector<32x256xi32>
    %add3A_1011 = arith.addi %add3A_1006, %convert_element_type3A_1010 : vector<32x256xi32>
    %add3A_1012 = arith.addf %add3A_342, %concatenate3A : vector<32x256xf32>
    %le3A_1013 = vector.broadcast %get3A_4 : vector<1x256xf32> to vector<32x256xf32>
    %le3A_1014 = arith.cmpf ole, %add3A_1012, %le3A_1013 : vector<32x256xf32>
    %convert_element_type3A_1015 = arith.extui %le3A_1014 : vector<32x256xi1> to vector<32x256xi32>
    %add3A_1016 = arith.addi %add3A_1011, %convert_element_type3A_1015 : vector<32x256xi32>
    %add3A_1017 = arith.addf %add3A_345, %concatenate3A : vector<32x256xf32>
    %le3A_1018 = vector.broadcast %get3A_4 : vector<1x256xf32> to vector<32x256xf32>
    %le3A_1019 = arith.cmpf ole, %add3A_1017, %le3A_1018 : vector<32x256xf32>
    %convert_element_type3A_1020 = arith.extui %le3A_1019 : vector<32x256xi1> to vector<32x256xi32>
    %add3A_1021 = arith.addi %add3A_1016, %convert_element_type3A_1020 : vector<32x256xi32>
    %add3A_1022 = arith.addf %add3A_348, %concatenate3A : vector<32x256xf32>
    %le3A_1023 = vector.broadcast %get3A_4 : vector<1x256xf32> to vector<32x256xf32>
    %le3A_1024 = arith.cmpf ole, %add3A_1022, %le3A_1023 : vector<32x256xf32>
    %convert_element_type3A_1025 = arith.extui %le3A_1024 : vector<32x256xi1> to vector<32x256xi32>
    %add3A_1026 = arith.addi %add3A_1021, %convert_element_type3A_1025 : vector<32x256xi32>
    %add3A_1027 = arith.addf %add3A_351, %concatenate3A : vector<32x256xf32>
    %le3A_1028 = vector.broadcast %get3A_4 : vector<1x256xf32> to vector<32x256xf32>
    %le3A_1029 = arith.cmpf ole, %add3A_1027, %le3A_1028 : vector<32x256xf32>
    %convert_element_type3A_1030 = arith.extui %le3A_1029 : vector<32x256xi1> to vector<32x256xi32>
    %add3A_1031 = arith.addi %add3A_1026, %convert_element_type3A_1030 : vector<32x256xi32>
    %add3A_1032 = arith.addf %add3A_354, %concatenate3A : vector<32x256xf32>
    %le3A_1033 = vector.broadcast %get3A_4 : vector<1x256xf32> to vector<32x256xf32>
    %le3A_1034 = arith.cmpf ole, %add3A_1032, %le3A_1033 : vector<32x256xf32>
    %convert_element_type3A_1035 = arith.extui %le3A_1034 : vector<32x256xi1> to vector<32x256xi32>
    %add3A_1036 = arith.addi %add3A_1031, %convert_element_type3A_1035 : vector<32x256xi32>
    %add3A_1037 = arith.addf %add3A_357, %concatenate3A : vector<32x256xf32>
    %le3A_1038 = vector.broadcast %get3A_4 : vector<1x256xf32> to vector<32x256xf32>
    %le3A_1039 = arith.cmpf ole, %add3A_1037, %le3A_1038 : vector<32x256xf32>
    %convert_element_type3A_1040 = arith.extui %le3A_1039 : vector<32x256xi1> to vector<32x256xi32>
    %add3A_1041 = arith.addi %add3A_1036, %convert_element_type3A_1040 : vector<32x256xi32>
    %add3A_1042 = arith.addf %add3A_360, %concatenate3A : vector<32x256xf32>
    %le3A_1043 = vector.broadcast %get3A_4 : vector<1x256xf32> to vector<32x256xf32>
    %le3A_1044 = arith.cmpf ole, %add3A_1042, %le3A_1043 : vector<32x256xf32>
    %convert_element_type3A_1045 = arith.extui %le3A_1044 : vector<32x256xi1> to vector<32x256xi32>
    %add3A_1046 = arith.addi %add3A_1041, %convert_element_type3A_1045 : vector<32x256xi32>
    %add3A_1047 = arith.addf %add3A_363, %concatenate3A : vector<32x256xf32>
    %le3A_1048 = vector.broadcast %get3A_4 : vector<1x256xf32> to vector<32x256xf32>
    %le3A_1049 = arith.cmpf ole, %add3A_1047, %le3A_1048 : vector<32x256xf32>
    %convert_element_type3A_1050 = arith.extui %le3A_1049 : vector<32x256xi1> to vector<32x256xi32>
    %add3A_1051 = arith.addi %add3A_1046, %convert_element_type3A_1050 : vector<32x256xi32>
    %add3A_1052 = arith.addf %add3A_366, %concatenate3A : vector<32x256xf32>
    %le3A_1053 = vector.broadcast %get3A_4 : vector<1x256xf32> to vector<32x256xf32>
    %le3A_1054 = arith.cmpf ole, %add3A_1052, %le3A_1053 : vector<32x256xf32>
    %convert_element_type3A_1055 = arith.extui %le3A_1054 : vector<32x256xi1> to vector<32x256xi32>
    %add3A_1056 = arith.addi %add3A_1051, %convert_element_type3A_1055 : vector<32x256xi32>
    %add3A_1057 = arith.addf %add3A_369, %concatenate3A : vector<32x256xf32>
    %le3A_1058 = vector.broadcast %get3A_4 : vector<1x256xf32> to vector<32x256xf32>
    %le3A_1059 = arith.cmpf ole, %add3A_1057, %le3A_1058 : vector<32x256xf32>
    %convert_element_type3A_1060 = arith.extui %le3A_1059 : vector<32x256xi1> to vector<32x256xi32>
    %add3A_1061 = arith.addi %add3A_1056, %convert_element_type3A_1060 : vector<32x256xi32>
    %add3A_1062 = arith.addf %add3A_372, %concatenate3A : vector<32x256xf32>
    %le3A_1063 = vector.broadcast %get3A_4 : vector<1x256xf32> to vector<32x256xf32>
    %le3A_1064 = arith.cmpf ole, %add3A_1062, %le3A_1063 : vector<32x256xf32>
    %convert_element_type3A_1065 = arith.extui %le3A_1064 : vector<32x256xi1> to vector<32x256xi32>
    %add3A_1066 = arith.addi %add3A_1061, %convert_element_type3A_1065 : vector<32x256xi32>
    %add3A_1067 = arith.addf %add3A_375, %concatenate3A : vector<32x256xf32>
    %le3A_1068 = vector.broadcast %get3A_4 : vector<1x256xf32> to vector<32x256xf32>
    %le3A_1069 = arith.cmpf ole, %add3A_1067, %le3A_1068 : vector<32x256xf32>
    %convert_element_type3A_1070 = arith.extui %le3A_1069 : vector<32x256xi1> to vector<32x256xi32>
    %add3A_1071 = arith.addi %add3A_1066, %convert_element_type3A_1070 : vector<32x256xi32>
    %add3A_1072 = arith.addf %add3A_378, %concatenate3A : vector<32x256xf32>
    %le3A_1073 = vector.broadcast %get3A_4 : vector<1x256xf32> to vector<32x256xf32>
    %le3A_1074 = arith.cmpf ole, %add3A_1072, %le3A_1073 : vector<32x256xf32>
    %convert_element_type3A_1075 = arith.extui %le3A_1074 : vector<32x256xi1> to vector<32x256xi32>
    %add3A_1076 = arith.addi %add3A_1071, %convert_element_type3A_1075 : vector<32x256xi32>
    %add3A_1077 = arith.addf %add3A_381, %concatenate3A : vector<32x256xf32>
    %le3A_1078 = vector.broadcast %get3A_4 : vector<1x256xf32> to vector<32x256xf32>
    %le3A_1079 = arith.cmpf ole, %add3A_1077, %le3A_1078 : vector<32x256xf32>
    %convert_element_type3A_1080 = arith.extui %le3A_1079 : vector<32x256xi1> to vector<32x256xi32>
    %add3A_1081 = arith.addi %add3A_1076, %convert_element_type3A_1080 : vector<32x256xi32>
    %add3A_1082 = arith.addf %add3A_384, %concatenate3A : vector<32x256xf32>
    %le3A_1083 = vector.broadcast %get3A_4 : vector<1x256xf32> to vector<32x256xf32>
    %le3A_1084 = arith.cmpf ole, %add3A_1082, %le3A_1083 : vector<32x256xf32>
    %convert_element_type3A_1085 = arith.extui %le3A_1084 : vector<32x256xi1> to vector<32x256xi32>
    %add3A_1086 = arith.addi %add3A_1081, %convert_element_type3A_1085 : vector<32x256xi32>
    %reduce_sum3A = arith.constant dense<0> : vector<256xi32>
    %reduce_sum3A_1087 = vector.multi_reduction <add>, %add3A_1086, %reduce_sum3A [0] : vector<32x256xi32> to vector<256xi32>
    %broadcast_in_dim3A_1088 = vector.shape_cast %reduce_sum3A_1087 : vector<256xi32> to vector<1x256xi32>
    %ge3A = arith.constant 4096 : i32
    %ge3A_1089 = vector.broadcast %ge3A : i32 to vector<1x256xi32>
    %ge3A_1090 = arith.cmpi sge, %broadcast_in_dim3A_1088, %ge3A_1089 : vector<1x256xi32>
    %jit3A = arith.constant 0 : i32
    %broadcast_in_dim3A_1091 = vector.broadcast %jit3A : i32 to vector<1x256xi32>
    %select_n3A = arith.select %ge3A_1090, %broadcast_in_dim3A_1091, %broadcast_in_dim3A_1088 : vector<1x256xi1>, vector<1x256xi32>
    %reshape3A_1092 = vector.shape_cast %select_n3A : vector<1x256xi32> to vector<1x1x256xi32>
    %swap3A = arith.constant 0 : index
    %swap3A_1093 = arith.constant 0 : index
    %swap3A_1094 = arith.constant 0 : index
    %swap3A_1095 = vector.load %arg3[%swap3A, %swap3A_1093, %swap3A_1094] : memref<1x1x256xi32, #tpu.memory_space<vmem>>, vector<1x1x256xi32>
    tpu.vector_store %arg3[%swap3A, %swap3A_1093, %swap3A_1094], %reshape3A_1092 {strides = array<i32>} : memref<1x1x256xi32, #tpu.memory_space<vmem>>, vector<1x1x256xi32>,
    %iota3A = tpu.iota {dimensions = array<i32: 0>} : vector<32x256xi32>
    %broadcast_in_dim3A_1096 = arith.constant 0.000000e+00 : f32
    %broadcast_in_dim3A_1097 = vector.broadcast %broadcast_in_dim3A_1096 : f32 to vector<32x256xf32>
    %mul3A = arith.constant 128 : i32
    %mul3A_1098 = vector.broadcast %mul3A : i32 to vector<32x256xi32>
    %mul3A_1099 = arith.muli %iota3A, %mul3A_1098 : vector<32x256xi32>
    %add3A_1100 = arith.constant 0 : i32
    %add3A_1101 = vector.broadcast %add3A_1100 : i32 to vector<32x256xi32>
    %add3A_1102 = arith.addi %mul3A_1099, %add3A_1101 : vector<32x256xi32>
    %eq3A = vector.broadcast %select_n3A : vector<1x256xi32> to vector<32x256xi32>
    %eq3A_1103 = arith.cmpi eq, %add3A_1102, %eq3A : vector<32x256xi32>
    %slice3A_1104 = vector.extract_strided_slice %reshape3A {offsets = [0, 0, 0], sizes = [1, 32, 256], strides = [1, 1, 1]} : vector<128x32x256xf32> to vector<1x32x256xf32>
    %squeeze3A_1105 = vector.shape_cast %slice3A_1104 : vector<1x32x256xf32> to vector<32x256xf32>
    %jit3A_1106 = arith.constant 0.000000e+00 : f32
    %broadcast_in_dim3A_1107 = vector.broadcast %jit3A_1106 : f32 to vector<32x256xf32>
    %select_n3A_1108 = arith.select %eq3A_1103, %squeeze3A_1105, %broadcast_in_dim3A_1107 : vector<32x256xi1>, vector<32x256xf32>
    %add3A_1109 = arith.addf %broadcast_in_dim3A_1097, %select_n3A_1108 : vector<32x256xf32>
    %mul3A_1110 = arith.constant 128 : i32
    %mul3A_1111 = vector.broadcast %mul3A_1110 : i32 to vector<32x256xi32>
    %mul3A_1112 = arith.muli %iota3A, %mul3A_1111 : vector<32x256xi32>
    %add3A_1113 = arith.constant 1 : i32
    %add3A_1114 = vector.broadcast %add3A_1113 : i32 to vector<32x256xi32>
    %add3A_1115 = arith.addi %mul3A_1112, %add3A_1114 : vector<32x256xi32>
    %eq3A_1116 = vector.broadcast %select_n3A : vector<1x256xi32> to vector<32x256xi32>
    %eq3A_1117 = arith.cmpi eq, %add3A_1115, %eq3A_1116 : vector<32x256xi32>
    %slice3A_1118 = vector.extract_strided_slice %reshape3A {offsets = [1, 0, 0], sizes = [1, 32, 256], strides = [1, 1, 1]} : vector<128x32x256xf32> to vector<1x32x256xf32>
    %squeeze3A_1119 = vector.shape_cast %slice3A_1118 : vector<1x32x256xf32> to vector<32x256xf32>
    %jit3A_1120 = arith.constant 0.000000e+00 : f32
    %broadcast_in_dim3A_1121 = vector.broadcast %jit3A_1120 : f32 to vector<32x256xf32>
    %select_n3A_1122 = arith.select %eq3A_1117, %squeeze3A_1119, %broadcast_in_dim3A_1121 : vector<32x256xi1>, vector<32x256xf32>
    %add3A_1123 = arith.addf %add3A_1109, %select_n3A_1122 : vector<32x256xf32>
    %mul3A_1124 = arith.constant 128 : i32
    %mul3A_1125 = vector.broadcast %mul3A_1124 : i32 to vector<32x256xi32>
    %mul3A_1126 = arith.muli %iota3A, %mul3A_1125 : vector<32x256xi32>
    %add3A_1127 = arith.constant 2 : i32
    %add3A_1128 = vector.broadcast %add3A_1127 : i32 to vector<32x256xi32>
    %add3A_1129 = arith.addi %mul3A_1126, %add3A_1128 : vector<32x256xi32>
    %eq3A_1130 = vector.broadcast %select_n3A : vector<1x256xi32> to vector<32x256xi32>
    %eq3A_1131 = arith.cmpi eq, %add3A_1129, %eq3A_1130 : vector<32x256xi32>
    %slice3A_1132 = vector.extract_strided_slice %reshape3A {offsets = [2, 0, 0], sizes = [1, 32, 256], strides = [1, 1, 1]} : vector<128x32x256xf32> to vector<1x32x256xf32>
    %squeeze3A_1133 = vector.shape_cast %slice3A_1132 : vector<1x32x256xf32> to vector<32x256xf32>
    %jit3A_1134 = arith.constant 0.000000e+00 : f32
    %broadcast_in_dim3A_1135 = vector.broadcast %jit3A_1134 : f32 to vector<32x256xf32>
    %select_n3A_1136 = arith.select %eq3A_1131, %squeeze3A_1133, %broadcast_in_dim3A_1135 : vector<32x256xi1>, vector<32x256xf32>
    %add3A_1137 = arith.addf %add3A_1123, %select_n3A_1136 : vector<32x256xf32>
    %mul3A_1138 = arith.constant 128 : i32
    %mul3A_1139 = vector.broadcast %mul3A_1138 : i32 to vector<32x256xi32>
    %mul3A_1140 = arith.muli %iota3A, %mul3A_1139 : vector<32x256xi32>
    %add3A_1141 = arith.constant 3 : i32
    %add3A_1142 = vector.broadcast %add3A_1141 : i32 to vector<32x256xi32>
    %add3A_1143 = arith.addi %mul3A_1140, %add3A_1142 : vector<32x256xi32>
    %eq3A_1144 = vector.broadcast %select_n3A : vector<1x256xi32> to vector<32x256xi32>
    %eq3A_1145 = arith.cmpi eq, %add3A_1143, %eq3A_1144 : vector<32x256xi32>
    %slice3A_1146 = vector.extract_strided_slice %reshape3A {offsets = [3, 0, 0], sizes = [1, 32, 256], strides = [1, 1, 1]} : vector<128x32x256xf32> to vector<1x32x256xf32>
    %squeeze3A_1147 = vector.shape_cast %slice3A_1146 : vector<1x32x256xf32> to vector<32x256xf32>
    %jit3A_1148 = arith.constant 0.000000e+00 : f32
    %broadcast_in_dim3A_1149 = vector.broadcast %jit3A_1148 : f32 to vector<32x256xf32>
    %select_n3A_1150 = arith.select %eq3A_1145, %squeeze3A_1147, %broadcast_in_dim3A_1149 : vector<32x256xi1>, vector<32x256xf32>
    %add3A_1151 = arith.addf %add3A_1137, %select_n3A_1150 : vector<32x256xf32>
    %mul3A_1152 = arith.constant 128 : i32
    %mul3A_1153 = vector.broadcast %mul3A_1152 : i32 to vector<32x256xi32>
    %mul3A_1154 = arith.muli %iota3A, %mul3A_1153 : vector<32x256xi32>
    %add3A_1155 = arith.constant 4 : i32
    %add3A_1156 = vector.broadcast %add3A_1155 : i32 to vector<32x256xi32>
    %add3A_1157 = arith.addi %mul3A_1154, %add3A_1156 : vector<32x256xi32>
    %eq3A_1158 = vector.broadcast %select_n3A : vector<1x256xi32> to vector<32x256xi32>
    %eq3A_1159 = arith.cmpi eq, %add3A_1157, %eq3A_1158 : vector<32x256xi32>
    %slice3A_1160 = vector.extract_strided_slice %reshape3A {offsets = [4, 0, 0], sizes = [1, 32, 256], strides = [1, 1, 1]} : vector<128x32x256xf32> to vector<1x32x256xf32>
    %squeeze3A_1161 = vector.shape_cast %slice3A_1160 : vector<1x32x256xf32> to vector<32x256xf32>
    %jit3A_1162 = arith.constant 0.000000e+00 : f32
    %broadcast_in_dim3A_1163 = vector.broadcast %jit3A_1162 : f32 to vector<32x256xf32>
    %select_n3A_1164 = arith.select %eq3A_1159, %squeeze3A_1161, %broadcast_in_dim3A_1163 : vector<32x256xi1>, vector<32x256xf32>
    %add3A_1165 = arith.addf %add3A_1151, %select_n3A_1164 : vector<32x256xf32>
    %mul3A_1166 = arith.constant 128 : i32
    %mul3A_1167 = vector.broadcast %mul3A_1166 : i32 to vector<32x256xi32>
    %mul3A_1168 = arith.muli %iota3A, %mul3A_1167 : vector<32x256xi32>
    %add3A_1169 = arith.constant 5 : i32
    %add3A_1170 = vector.broadcast %add3A_1169 : i32 to vector<32x256xi32>
    %add3A_1171 = arith.addi %mul3A_1168, %add3A_1170 : vector<32x256xi32>
    %eq3A_1172 = vector.broadcast %select_n3A : vector<1x256xi32> to vector<32x256xi32>
    %eq3A_1173 = arith.cmpi eq, %add3A_1171, %eq3A_1172 : vector<32x256xi32>
    %slice3A_1174 = vector.extract_strided_slice %reshape3A {offsets = [5, 0, 0], sizes = [1, 32, 256], strides = [1, 1, 1]} : vector<128x32x256xf32> to vector<1x32x256xf32>
    %squeeze3A_1175 = vector.shape_cast %slice3A_1174 : vector<1x32x256xf32> to vector<32x256xf32>
    %jit3A_1176 = arith.constant 0.000000e+00 : f32
    %broadcast_in_dim3A_1177 = vector.broadcast %jit3A_1176 : f32 to vector<32x256xf32>
    %select_n3A_1178 = arith.select %eq3A_1173, %squeeze3A_1175, %broadcast_in_dim3A_1177 : vector<32x256xi1>, vector<32x256xf32>
    %add3A_1179 = arith.addf %add3A_1165, %select_n3A_1178 : vector<32x256xf32>
    %mul3A_1180 = arith.constant 128 : i32
    %mul3A_1181 = vector.broadcast %mul3A_1180 : i32 to vector<32x256xi32>
    %mul3A_1182 = arith.muli %iota3A, %mul3A_1181 : vector<32x256xi32>
    %add3A_1183 = arith.constant 6 : i32
    %add3A_1184 = vector.broadcast %add3A_1183 : i32 to vector<32x256xi32>
    %add3A_1185 = arith.addi %mul3A_1182, %add3A_1184 : vector<32x256xi32>
    %eq3A_1186 = vector.broadcast %select_n3A : vector<1x256xi32> to vector<32x256xi32>
    %eq3A_1187 = arith.cmpi eq, %add3A_1185, %eq3A_1186 : vector<32x256xi32>
    %slice3A_1188 = vector.extract_strided_slice %reshape3A {offsets = [6, 0, 0], sizes = [1, 32, 256], strides = [1, 1, 1]} : vector<128x32x256xf32> to vector<1x32x256xf32>
    %squeeze3A_1189 = vector.shape_cast %slice3A_1188 : vector<1x32x256xf32> to vector<32x256xf32>
    %jit3A_1190 = arith.constant 0.000000e+00 : f32
    %broadcast_in_dim3A_1191 = vector.broadcast %jit3A_1190 : f32 to vector<32x256xf32>
    %select_n3A_1192 = arith.select %eq3A_1187, %squeeze3A_1189, %broadcast_in_dim3A_1191 : vector<32x256xi1>, vector<32x256xf32>
    %add3A_1193 = arith.addf %add3A_1179, %select_n3A_1192 : vector<32x256xf32>
    %mul3A_1194 = arith.constant 128 : i32
    %mul3A_1195 = vector.broadcast %mul3A_1194 : i32 to vector<32x256xi32>
    %mul3A_1196 = arith.muli %iota3A, %mul3A_1195 : vector<32x256xi32>
    %add3A_1197 = arith.constant 7 : i32
    %add3A_1198 = vector.broadcast %add3A_1197 : i32 to vector<32x256xi32>
    %add3A_1199 = arith.addi %mul3A_1196, %add3A_1198 : vector<32x256xi32>
    %eq3A_1200 = vector.broadcast %select_n3A : vector<1x256xi32> to vector<32x256xi32>
    %eq3A_1201 = arith.cmpi eq, %add3A_1199, %eq3A_1200 : vector<32x256xi32>
    %slice3A_1202 = vector.extract_strided_slice %reshape3A {offsets = [7, 0, 0], sizes = [1, 32, 256], strides = [1, 1, 1]} : vector<128x32x256xf32> to vector<1x32x256xf32>
    %squeeze3A_1203 = vector.shape_cast %slice3A_1202 : vector<1x32x256xf32> to vector<32x256xf32>
    %jit3A_1204 = arith.constant 0.000000e+00 : f32
    %broadcast_in_dim3A_1205 = vector.broadcast %jit3A_1204 : f32 to vector<32x256xf32>
    %select_n3A_1206 = arith.select %eq3A_1201, %squeeze3A_1203, %broadcast_in_dim3A_1205 : vector<32x256xi1>, vector<32x256xf32>
    %add3A_1207 = arith.addf %add3A_1193, %select_n3A_1206 : vector<32x256xf32>
    %mul3A_1208 = arith.constant 128 : i32
    %mul3A_1209 = vector.broadcast %mul3A_1208 : i32 to vector<32x256xi32>
    %mul3A_1210 = arith.muli %iota3A, %mul3A_1209 : vector<32x256xi32>
    %add3A_1211 = arith.constant 8 : i32
    %add3A_1212 = vector.broadcast %add3A_1211 : i32 to vector<32x256xi32>
    %add3A_1213 = arith.addi %mul3A_1210, %add3A_1212 : vector<32x256xi32>
    %eq3A_1214 = vector.broadcast %select_n3A : vector<1x256xi32> to vector<32x256xi32>
    %eq3A_1215 = arith.cmpi eq, %add3A_1213, %eq3A_1214 : vector<32x256xi32>
    %slice3A_1216 = vector.extract_strided_slice %reshape3A {offsets = [8, 0, 0], sizes = [1, 32, 256], strides = [1, 1, 1]} : vector<128x32x256xf32> to vector<1x32x256xf32>
    %squeeze3A_1217 = vector.shape_cast %slice3A_1216 : vector<1x32x256xf32> to vector<32x256xf32>
    %jit3A_1218 = arith.constant 0.000000e+00 : f32
    %broadcast_in_dim3A_1219 = vector.broadcast %jit3A_1218 : f32 to vector<32x256xf32>
    %select_n3A_1220 = arith.select %eq3A_1215, %squeeze3A_1217, %broadcast_in_dim3A_1219 : vector<32x256xi1>, vector<32x256xf32>
    %add3A_1221 = arith.addf %add3A_1207, %select_n3A_1220 : vector<32x256xf32>
    %mul3A_1222 = arith.constant 128 : i32
    %mul3A_1223 = vector.broadcast %mul3A_1222 : i32 to vector<32x256xi32>
    %mul3A_1224 = arith.muli %iota3A, %mul3A_1223 : vector<32x256xi32>
    %add3A_1225 = arith.constant 9 : i32
    %add3A_1226 = vector.broadcast %add3A_1225 : i32 to vector<32x256xi32>
    %add3A_1227 = arith.addi %mul3A_1224, %add3A_1226 : vector<32x256xi32>
    %eq3A_1228 = vector.broadcast %select_n3A : vector<1x256xi32> to vector<32x256xi32>
    %eq3A_1229 = arith.cmpi eq, %add3A_1227, %eq3A_1228 : vector<32x256xi32>
    %slice3A_1230 = vector.extract_strided_slice %reshape3A {offsets = [9, 0, 0], sizes = [1, 32, 256], strides = [1, 1, 1]} : vector<128x32x256xf32> to vector<1x32x256xf32>
    %squeeze3A_1231 = vector.shape_cast %slice3A_1230 : vector<1x32x256xf32> to vector<32x256xf32>
    %jit3A_1232 = arith.constant 0.000000e+00 : f32
    %broadcast_in_dim3A_1233 = vector.broadcast %jit3A_1232 : f32 to vector<32x256xf32>
    %select_n3A_1234 = arith.select %eq3A_1229, %squeeze3A_1231, %broadcast_in_dim3A_1233 : vector<32x256xi1>, vector<32x256xf32>
    %add3A_1235 = arith.addf %add3A_1221, %select_n3A_1234 : vector<32x256xf32>
    %mul3A_1236 = arith.constant 128 : i32
    %mul3A_1237 = vector.broadcast %mul3A_1236 : i32 to vector<32x256xi32>
    %mul3A_1238 = arith.muli %iota3A, %mul3A_1237 : vector<32x256xi32>
    %add3A_1239 = arith.constant 10 : i32
    %add3A_1240 = vector.broadcast %add3A_1239 : i32 to vector<32x256xi32>
    %add3A_1241 = arith.addi %mul3A_1238, %add3A_1240 : vector<32x256xi32>
    %eq3A_1242 = vector.broadcast %select_n3A : vector<1x256xi32> to vector<32x256xi32>
    %eq3A_1243 = arith.cmpi eq, %add3A_1241, %eq3A_1242 : vector<32x256xi32>
    %slice3A_1244 = vector.extract_strided_slice %reshape3A {offsets = [10, 0, 0], sizes = [1, 32, 256], strides = [1, 1, 1]} : vector<128x32x256xf32> to vector<1x32x256xf32>
    %squeeze3A_1245 = vector.shape_cast %slice3A_1244 : vector<1x32x256xf32> to vector<32x256xf32>
    %jit3A_1246 = arith.constant 0.000000e+00 : f32
    %broadcast_in_dim3A_1247 = vector.broadcast %jit3A_1246 : f32 to vector<32x256xf32>
    %select_n3A_1248 = arith.select %eq3A_1243, %squeeze3A_1245, %broadcast_in_dim3A_1247 : vector<32x256xi1>, vector<32x256xf32>
    %add3A_1249 = arith.addf %add3A_1235, %select_n3A_1248 : vector<32x256xf32>
    %mul3A_1250 = arith.constant 128 : i32
    %mul3A_1251 = vector.broadcast %mul3A_1250 : i32 to vector<32x256xi32>
    %mul3A_1252 = arith.muli %iota3A, %mul3A_1251 : vector<32x256xi32>
    %add3A_1253 = arith.constant 11 : i32
    %add3A_1254 = vector.broadcast %add3A_1253 : i32 to vector<32x256xi32>
    %add3A_1255 = arith.addi %mul3A_1252, %add3A_1254 : vector<32x256xi32>
    %eq3A_1256 = vector.broadcast %select_n3A : vector<1x256xi32> to vector<32x256xi32>
    %eq3A_1257 = arith.cmpi eq, %add3A_1255, %eq3A_1256 : vector<32x256xi32>
    %slice3A_1258 = vector.extract_strided_slice %reshape3A {offsets = [11, 0, 0], sizes = [1, 32, 256], strides = [1, 1, 1]} : vector<128x32x256xf32> to vector<1x32x256xf32>
    %squeeze3A_1259 = vector.shape_cast %slice3A_1258 : vector<1x32x256xf32> to vector<32x256xf32>
    %jit3A_1260 = arith.constant 0.000000e+00 : f32
    %broadcast_in_dim3A_1261 = vector.broadcast %jit3A_1260 : f32 to vector<32x256xf32>
    %select_n3A_1262 = arith.select %eq3A_1257, %squeeze3A_1259, %broadcast_in_dim3A_1261 : vector<32x256xi1>, vector<32x256xf32>
    %add3A_1263 = arith.addf %add3A_1249, %select_n3A_1262 : vector<32x256xf32>
    %mul3A_1264 = arith.constant 128 : i32
    %mul3A_1265 = vector.broadcast %mul3A_1264 : i32 to vector<32x256xi32>
    %mul3A_1266 = arith.muli %iota3A, %mul3A_1265 : vector<32x256xi32>
    %add3A_1267 = arith.constant 12 : i32
    %add3A_1268 = vector.broadcast %add3A_1267 : i32 to vector<32x256xi32>
    %add3A_1269 = arith.addi %mul3A_1266, %add3A_1268 : vector<32x256xi32>
    %eq3A_1270 = vector.broadcast %select_n3A : vector<1x256xi32> to vector<32x256xi32>
    %eq3A_1271 = arith.cmpi eq, %add3A_1269, %eq3A_1270 : vector<32x256xi32>
    %slice3A_1272 = vector.extract_strided_slice %reshape3A {offsets = [12, 0, 0], sizes = [1, 32, 256], strides = [1, 1, 1]} : vector<128x32x256xf32> to vector<1x32x256xf32>
    %squeeze3A_1273 = vector.shape_cast %slice3A_1272 : vector<1x32x256xf32> to vector<32x256xf32>
    %jit3A_1274 = arith.constant 0.000000e+00 : f32
    %broadcast_in_dim3A_1275 = vector.broadcast %jit3A_1274 : f32 to vector<32x256xf32>
    %select_n3A_1276 = arith.select %eq3A_1271, %squeeze3A_1273, %broadcast_in_dim3A_1275 : vector<32x256xi1>, vector<32x256xf32>
    %add3A_1277 = arith.addf %add3A_1263, %select_n3A_1276 : vector<32x256xf32>
    %mul3A_1278 = arith.constant 128 : i32
    %mul3A_1279 = vector.broadcast %mul3A_1278 : i32 to vector<32x256xi32>
    %mul3A_1280 = arith.muli %iota3A, %mul3A_1279 : vector<32x256xi32>
    %add3A_1281 = arith.constant 13 : i32
    %add3A_1282 = vector.broadcast %add3A_1281 : i32 to vector<32x256xi32>
    %add3A_1283 = arith.addi %mul3A_1280, %add3A_1282 : vector<32x256xi32>
    %eq3A_1284 = vector.broadcast %select_n3A : vector<1x256xi32> to vector<32x256xi32>
    %eq3A_1285 = arith.cmpi eq, %add3A_1283, %eq3A_1284 : vector<32x256xi32>
    %slice3A_1286 = vector.extract_strided_slice %reshape3A {offsets = [13, 0, 0], sizes = [1, 32, 256], strides = [1, 1, 1]} : vector<128x32x256xf32> to vector<1x32x256xf32>
    %squeeze3A_1287 = vector.shape_cast %slice3A_1286 : vector<1x32x256xf32> to vector<32x256xf32>
    %jit3A_1288 = arith.constant 0.000000e+00 : f32
    %broadcast_in_dim3A_1289 = vector.broadcast %jit3A_1288 : f32 to vector<32x256xf32>
    %select_n3A_1290 = arith.select %eq3A_1285, %squeeze3A_1287, %broadcast_in_dim3A_1289 : vector<32x256xi1>, vector<32x256xf32>
    %add3A_1291 = arith.addf %add3A_1277, %select_n3A_1290 : vector<32x256xf32>
    %mul3A_1292 = arith.constant 128 : i32
    %mul3A_1293 = vector.broadcast %mul3A_1292 : i32 to vector<32x256xi32>
    %mul3A_1294 = arith.muli %iota3A, %mul3A_1293 : vector<32x256xi32>
    %add3A_1295 = arith.constant 14 : i32
    %add3A_1296 = vector.broadcast %add3A_1295 : i32 to vector<32x256xi32>
    %add3A_1297 = arith.addi %mul3A_1294, %add3A_1296 : vector<32x256xi32>
    %eq3A_1298 = vector.broadcast %select_n3A : vector<1x256xi32> to vector<32x256xi32>
    %eq3A_1299 = arith.cmpi eq, %add3A_1297, %eq3A_1298 : vector<32x256xi32>
    %slice3A_1300 = vector.extract_strided_slice %reshape3A {offsets = [14, 0, 0], sizes = [1, 32, 256], strides = [1, 1, 1]} : vector<128x32x256xf32> to vector<1x32x256xf32>
    %squeeze3A_1301 = vector.shape_cast %slice3A_1300 : vector<1x32x256xf32> to vector<32x256xf32>
    %jit3A_1302 = arith.constant 0.000000e+00 : f32
    %broadcast_in_dim3A_1303 = vector.broadcast %jit3A_1302 : f32 to vector<32x256xf32>
    %select_n3A_1304 = arith.select %eq3A_1299, %squeeze3A_1301, %broadcast_in_dim3A_1303 : vector<32x256xi1>, vector<32x256xf32>
    %add3A_1305 = arith.addf %add3A_1291, %select_n3A_1304 : vector<32x256xf32>
    %mul3A_1306 = arith.constant 128 : i32
    %mul3A_1307 = vector.broadcast %mul3A_1306 : i32 to vector<32x256xi32>
    %mul3A_1308 = arith.muli %iota3A, %mul3A_1307 : vector<32x256xi32>
    %add3A_1309 = arith.constant 15 : i32
    %add3A_1310 = vector.broadcast %add3A_1309 : i32 to vector<32x256xi32>
    %add3A_1311 = arith.addi %mul3A_1308, %add3A_1310 : vector<32x256xi32>
    %eq3A_1312 = vector.broadcast %select_n3A : vector<1x256xi32> to vector<32x256xi32>
    %eq3A_1313 = arith.cmpi eq, %add3A_1311, %eq3A_1312 : vector<32x256xi32>
    %slice3A_1314 = vector.extract_strided_slice %reshape3A {offsets = [15, 0, 0], sizes = [1, 32, 256], strides = [1, 1, 1]} : vector<128x32x256xf32> to vector<1x32x256xf32>
    %squeeze3A_1315 = vector.shape_cast %slice3A_1314 : vector<1x32x256xf32> to vector<32x256xf32>
    %jit3A_1316 = arith.constant 0.000000e+00 : f32
    %broadcast_in_dim3A_1317 = vector.broadcast %jit3A_1316 : f32 to vector<32x256xf32>
    %select_n3A_1318 = arith.select %eq3A_1313, %squeeze3A_1315, %broadcast_in_dim3A_1317 : vector<32x256xi1>, vector<32x256xf32>
    %add3A_1319 = arith.addf %add3A_1305, %select_n3A_1318 : vector<32x256xf32>
    %mul3A_1320 = arith.constant 128 : i32
    %mul3A_1321 = vector.broadcast %mul3A_1320 : i32 to vector<32x256xi32>
    %mul3A_1322 = arith.muli %iota3A, %mul3A_1321 : vector<32x256xi32>
    %add3A_1323 = arith.constant 16 : i32
    %add3A_1324 = vector.broadcast %add3A_1323 : i32 to vector<32x256xi32>
    %add3A_1325 = arith.addi %mul3A_1322, %add3A_1324 : vector<32x256xi32>
    %eq3A_1326 = vector.broadcast %select_n3A : vector<1x256xi32> to vector<32x256xi32>
    %eq3A_1327 = arith.cmpi eq, %add3A_1325, %eq3A_1326 : vector<32x256xi32>
    %slice3A_1328 = vector.extract_strided_slice %reshape3A {offsets = [16, 0, 0], sizes = [1, 32, 256], strides = [1, 1, 1]} : vector<128x32x256xf32> to vector<1x32x256xf32>
    %squeeze3A_1329 = vector.shape_cast %slice3A_1328 : vector<1x32x256xf32> to vector<32x256xf32>
    %jit3A_1330 = arith.constant 0.000000e+00 : f32
    %broadcast_in_dim3A_1331 = vector.broadcast %jit3A_1330 : f32 to vector<32x256xf32>
    %select_n3A_1332 = arith.select %eq3A_1327, %squeeze3A_1329, %broadcast_in_dim3A_1331 : vector<32x256xi1>, vector<32x256xf32>
    %add3A_1333 = arith.addf %add3A_1319, %select_n3A_1332 : vector<32x256xf32>
    %mul3A_1334 = arith.constant 128 : i32
    %mul3A_1335 = vector.broadcast %mul3A_1334 : i32 to vector<32x256xi32>
    %mul3A_1336 = arith.muli %iota3A, %mul3A_1335 : vector<32x256xi32>
    %add3A_1337 = arith.constant 17 : i32
    %add3A_1338 = vector.broadcast %add3A_1337 : i32 to vector<32x256xi32>
    %add3A_1339 = arith.addi %mul3A_1336, %add3A_1338 : vector<32x256xi32>
    %eq3A_1340 = vector.broadcast %select_n3A : vector<1x256xi32> to vector<32x256xi32>
    %eq3A_1341 = arith.cmpi eq, %add3A_1339, %eq3A_1340 : vector<32x256xi32>
    %slice3A_1342 = vector.extract_strided_slice %reshape3A {offsets = [17, 0, 0], sizes = [1, 32, 256], strides = [1, 1, 1]} : vector<128x32x256xf32> to vector<1x32x256xf32>
    %squeeze3A_1343 = vector.shape_cast %slice3A_1342 : vector<1x32x256xf32> to vector<32x256xf32>
    %jit3A_1344 = arith.constant 0.000000e+00 : f32
    %broadcast_in_dim3A_1345 = vector.broadcast %jit3A_1344 : f32 to vector<32x256xf32>
    %select_n3A_1346 = arith.select %eq3A_1341, %squeeze3A_1343, %broadcast_in_dim3A_1345 : vector<32x256xi1>, vector<32x256xf32>
    %add3A_1347 = arith.addf %add3A_1333, %select_n3A_1346 : vector<32x256xf32>
    %mul3A_1348 = arith.constant 128 : i32
    %mul3A_1349 = vector.broadcast %mul3A_1348 : i32 to vector<32x256xi32>
    %mul3A_1350 = arith.muli %iota3A, %mul3A_1349 : vector<32x256xi32>
    %add3A_1351 = arith.constant 18 : i32
    %add3A_1352 = vector.broadcast %add3A_1351 : i32 to vector<32x256xi32>
    %add3A_1353 = arith.addi %mul3A_1350, %add3A_1352 : vector<32x256xi32>
    %eq3A_1354 = vector.broadcast %select_n3A : vector<1x256xi32> to vector<32x256xi32>
    %eq3A_1355 = arith.cmpi eq, %add3A_1353, %eq3A_1354 : vector<32x256xi32>
    %slice3A_1356 = vector.extract_strided_slice %reshape3A {offsets = [18, 0, 0], sizes = [1, 32, 256], strides = [1, 1, 1]} : vector<128x32x256xf32> to vector<1x32x256xf32>
    %squeeze3A_1357 = vector.shape_cast %slice3A_1356 : vector<1x32x256xf32> to vector<32x256xf32>
    %jit3A_1358 = arith.constant 0.000000e+00 : f32
    %broadcast_in_dim3A_1359 = vector.broadcast %jit3A_1358 : f32 to vector<32x256xf32>
    %select_n3A_1360 = arith.select %eq3A_1355, %squeeze3A_1357, %broadcast_in_dim3A_1359 : vector<32x256xi1>, vector<32x256xf32>
    %add3A_1361 = arith.addf %add3A_1347, %select_n3A_1360 : vector<32x256xf32>
    %mul3A_1362 = arith.constant 128 : i32
    %mul3A_1363 = vector.broadcast %mul3A_1362 : i32 to vector<32x256xi32>
    %mul3A_1364 = arith.muli %iota3A, %mul3A_1363 : vector<32x256xi32>
    %add3A_1365 = arith.constant 19 : i32
    %add3A_1366 = vector.broadcast %add3A_1365 : i32 to vector<32x256xi32>
    %add3A_1367 = arith.addi %mul3A_1364, %add3A_1366 : vector<32x256xi32>
    %eq3A_1368 = vector.broadcast %select_n3A : vector<1x256xi32> to vector<32x256xi32>
    %eq3A_1369 = arith.cmpi eq, %add3A_1367, %eq3A_1368 : vector<32x256xi32>
    %slice3A_1370 = vector.extract_strided_slice %reshape3A {offsets = [19, 0, 0], sizes = [1, 32, 256], strides = [1, 1, 1]} : vector<128x32x256xf32> to vector<1x32x256xf32>
    %squeeze3A_1371 = vector.shape_cast %slice3A_1370 : vector<1x32x256xf32> to vector<32x256xf32>
    %jit3A_1372 = arith.constant 0.000000e+00 : f32
    %broadcast_in_dim3A_1373 = vector.broadcast %jit3A_1372 : f32 to vector<32x256xf32>
    %select_n3A_1374 = arith.select %eq3A_1369, %squeeze3A_1371, %broadcast_in_dim3A_1373 : vector<32x256xi1>, vector<32x256xf32>
    %add3A_1375 = arith.addf %add3A_1361, %select_n3A_1374 : vector<32x256xf32>
    %mul3A_1376 = arith.constant 128 : i32
    %mul3A_1377 = vector.broadcast %mul3A_1376 : i32 to vector<32x256xi32>
    %mul3A_1378 = arith.muli %iota3A, %mul3A_1377 : vector<32x256xi32>
    %add3A_1379 = arith.constant 20 : i32
    %add3A_1380 = vector.broadcast %add3A_1379 : i32 to vector<32x256xi32>
    %add3A_1381 = arith.addi %mul3A_1378, %add3A_1380 : vector<32x256xi32>
    %eq3A_1382 = vector.broadcast %select_n3A : vector<1x256xi32> to vector<32x256xi32>
    %eq3A_1383 = arith.cmpi eq, %add3A_1381, %eq3A_1382 : vector<32x256xi32>
    %slice3A_1384 = vector.extract_strided_slice %reshape3A {offsets = [20, 0, 0], sizes = [1, 32, 256], strides = [1, 1, 1]} : vector<128x32x256xf32> to vector<1x32x256xf32>
    %squeeze3A_1385 = vector.shape_cast %slice3A_1384 : vector<1x32x256xf32> to vector<32x256xf32>
    %jit3A_1386 = arith.constant 0.000000e+00 : f32
    %broadcast_in_dim3A_1387 = vector.broadcast %jit3A_1386 : f32 to vector<32x256xf32>
    %select_n3A_1388 = arith.select %eq3A_1383, %squeeze3A_1385, %broadcast_in_dim3A_1387 : vector<32x256xi1>, vector<32x256xf32>
    %add3A_1389 = arith.addf %add3A_1375, %select_n3A_1388 : vector<32x256xf32>
    %mul3A_1390 = arith.constant 128 : i32
    %mul3A_1391 = vector.broadcast %mul3A_1390 : i32 to vector<32x256xi32>
    %mul3A_1392 = arith.muli %iota3A, %mul3A_1391 : vector<32x256xi32>
    %add3A_1393 = arith.constant 21 : i32
    %add3A_1394 = vector.broadcast %add3A_1393 : i32 to vector<32x256xi32>
    %add3A_1395 = arith.addi %mul3A_1392, %add3A_1394 : vector<32x256xi32>
    %eq3A_1396 = vector.broadcast %select_n3A : vector<1x256xi32> to vector<32x256xi32>
    %eq3A_1397 = arith.cmpi eq, %add3A_1395, %eq3A_1396 : vector<32x256xi32>
    %slice3A_1398 = vector.extract_strided_slice %reshape3A {offsets = [21, 0, 0], sizes = [1, 32, 256], strides = [1, 1, 1]} : vector<128x32x256xf32> to vector<1x32x256xf32>
    %squeeze3A_1399 = vector.shape_cast %slice3A_1398 : vector<1x32x256xf32> to vector<32x256xf32>
    %jit3A_1400 = arith.constant 0.000000e+00 : f32
    %broadcast_in_dim3A_1401 = vector.broadcast %jit3A_1400 : f32 to vector<32x256xf32>
    %select_n3A_1402 = arith.select %eq3A_1397, %squeeze3A_1399, %broadcast_in_dim3A_1401 : vector<32x256xi1>, vector<32x256xf32>
    %add3A_1403 = arith.addf %add3A_1389, %select_n3A_1402 : vector<32x256xf32>
    %mul3A_1404 = arith.constant 128 : i32
    %mul3A_1405 = vector.broadcast %mul3A_1404 : i32 to vector<32x256xi32>
    %mul3A_1406 = arith.muli %iota3A, %mul3A_1405 : vector<32x256xi32>
    %add3A_1407 = arith.constant 22 : i32
    %add3A_1408 = vector.broadcast %add3A_1407 : i32 to vector<32x256xi32>
    %add3A_1409 = arith.addi %mul3A_1406, %add3A_1408 : vector<32x256xi32>
    %eq3A_1410 = vector.broadcast %select_n3A : vector<1x256xi32> to vector<32x256xi32>
    %eq3A_1411 = arith.cmpi eq, %add3A_1409, %eq3A_1410 : vector<32x256xi32>
    %slice3A_1412 = vector.extract_strided_slice %reshape3A {offsets = [22, 0, 0], sizes = [1, 32, 256], strides = [1, 1, 1]} : vector<128x32x256xf32> to vector<1x32x256xf32>
    %squeeze3A_1413 = vector.shape_cast %slice3A_1412 : vector<1x32x256xf32> to vector<32x256xf32>
    %jit3A_1414 = arith.constant 0.000000e+00 : f32
    %broadcast_in_dim3A_1415 = vector.broadcast %jit3A_1414 : f32 to vector<32x256xf32>
    %select_n3A_1416 = arith.select %eq3A_1411, %squeeze3A_1413, %broadcast_in_dim3A_1415 : vector<32x256xi1>, vector<32x256xf32>
    %add3A_1417 = arith.addf %add3A_1403, %select_n3A_1416 : vector<32x256xf32>
    %mul3A_1418 = arith.constant 128 : i32
    %mul3A_1419 = vector.broadcast %mul3A_1418 : i32 to vector<32x256xi32>
    %mul3A_1420 = arith.muli %iota3A, %mul3A_1419 : vector<32x256xi32>
    %add3A_1421 = arith.constant 23 : i32
    %add3A_1422 = vector.broadcast %add3A_1421 : i32 to vector<32x256xi32>
    %add3A_1423 = arith.addi %mul3A_1420, %add3A_1422 : vector<32x256xi32>
    %eq3A_1424 = vector.broadcast %select_n3A : vector<1x256xi32> to vector<32x256xi32>
    %eq3A_1425 = arith.cmpi eq, %add3A_1423, %eq3A_1424 : vector<32x256xi32>
    %slice3A_1426 = vector.extract_strided_slice %reshape3A {offsets = [23, 0, 0], sizes = [1, 32, 256], strides = [1, 1, 1]} : vector<128x32x256xf32> to vector<1x32x256xf32>
    %squeeze3A_1427 = vector.shape_cast %slice3A_1426 : vector<1x32x256xf32> to vector<32x256xf32>
    %jit3A_1428 = arith.constant 0.000000e+00 : f32
    %broadcast_in_dim3A_1429 = vector.broadcast %jit3A_1428 : f32 to vector<32x256xf32>
    %select_n3A_1430 = arith.select %eq3A_1425, %squeeze3A_1427, %broadcast_in_dim3A_1429 : vector<32x256xi1>, vector<32x256xf32>
    %add3A_1431 = arith.addf %add3A_1417, %select_n3A_1430 : vector<32x256xf32>
    %mul3A_1432 = arith.constant 128 : i32
    %mul3A_1433 = vector.broadcast %mul3A_1432 : i32 to vector<32x256xi32>
    %mul3A_1434 = arith.muli %iota3A, %mul3A_1433 : vector<32x256xi32>
    %add3A_1435 = arith.constant 24 : i32
    %add3A_1436 = vector.broadcast %add3A_1435 : i32 to vector<32x256xi32>
    %add3A_1437 = arith.addi %mul3A_1434, %add3A_1436 : vector<32x256xi32>
    %eq3A_1438 = vector.broadcast %select_n3A : vector<1x256xi32> to vector<32x256xi32>
    %eq3A_1439 = arith.cmpi eq, %add3A_1437, %eq3A_1438 : vector<32x256xi32>
    %slice3A_1440 = vector.extract_strided_slice %reshape3A {offsets = [24, 0, 0], sizes = [1, 32, 256], strides = [1, 1, 1]} : vector<128x32x256xf32> to vector<1x32x256xf32>
    %squeeze3A_1441 = vector.shape_cast %slice3A_1440 : vector<1x32x256xf32> to vector<32x256xf32>
    %jit3A_1442 = arith.constant 0.000000e+00 : f32
    %broadcast_in_dim3A_1443 = vector.broadcast %jit3A_1442 : f32 to vector<32x256xf32>
    %select_n3A_1444 = arith.select %eq3A_1439, %squeeze3A_1441, %broadcast_in_dim3A_1443 : vector<32x256xi1>, vector<32x256xf32>
    %add3A_1445 = arith.addf %add3A_1431, %select_n3A_1444 : vector<32x256xf32>
    %mul3A_1446 = arith.constant 128 : i32
    %mul3A_1447 = vector.broadcast %mul3A_1446 : i32 to vector<32x256xi32>
    %mul3A_1448 = arith.muli %iota3A, %mul3A_1447 : vector<32x256xi32>
    %add3A_1449 = arith.constant 25 : i32
    %add3A_1450 = vector.broadcast %add3A_1449 : i32 to vector<32x256xi32>
    %add3A_1451 = arith.addi %mul3A_1448, %add3A_1450 : vector<32x256xi32>
    %eq3A_1452 = vector.broadcast %select_n3A : vector<1x256xi32> to vector<32x256xi32>
    %eq3A_1453 = arith.cmpi eq, %add3A_1451, %eq3A_1452 : vector<32x256xi32>
    %slice3A_1454 = vector.extract_strided_slice %reshape3A {offsets = [25, 0, 0], sizes = [1, 32, 256], strides = [1, 1, 1]} : vector<128x32x256xf32> to vector<1x32x256xf32>
    %squeeze3A_1455 = vector.shape_cast %slice3A_1454 : vector<1x32x256xf32> to vector<32x256xf32>
    %jit3A_1456 = arith.constant 0.000000e+00 : f32
    %broadcast_in_dim3A_1457 = vector.broadcast %jit3A_1456 : f32 to vector<32x256xf32>
    %select_n3A_1458 = arith.select %eq3A_1453, %squeeze3A_1455, %broadcast_in_dim3A_1457 : vector<32x256xi1>, vector<32x256xf32>
    %add3A_1459 = arith.addf %add3A_1445, %select_n3A_1458 : vector<32x256xf32>
    %mul3A_1460 = arith.constant 128 : i32
    %mul3A_1461 = vector.broadcast %mul3A_1460 : i32 to vector<32x256xi32>
    %mul3A_1462 = arith.muli %iota3A, %mul3A_1461 : vector<32x256xi32>
    %add3A_1463 = arith.constant 26 : i32
    %add3A_1464 = vector.broadcast %add3A_1463 : i32 to vector<32x256xi32>
    %add3A_1465 = arith.addi %mul3A_1462, %add3A_1464 : vector<32x256xi32>
    %eq3A_1466 = vector.broadcast %select_n3A : vector<1x256xi32> to vector<32x256xi32>
    %eq3A_1467 = arith.cmpi eq, %add3A_1465, %eq3A_1466 : vector<32x256xi32>
    %slice3A_1468 = vector.extract_strided_slice %reshape3A {offsets = [26, 0, 0], sizes = [1, 32, 256], strides = [1, 1, 1]} : vector<128x32x256xf32> to vector<1x32x256xf32>
    %squeeze3A_1469 = vector.shape_cast %slice3A_1468 : vector<1x32x256xf32> to vector<32x256xf32>
    %jit3A_1470 = arith.constant 0.000000e+00 : f32
    %broadcast_in_dim3A_1471 = vector.broadcast %jit3A_1470 : f32 to vector<32x256xf32>
    %select_n3A_1472 = arith.select %eq3A_1467, %squeeze3A_1469, %broadcast_in_dim3A_1471 : vector<32x256xi1>, vector<32x256xf32>
    %add3A_1473 = arith.addf %add3A_1459, %select_n3A_1472 : vector<32x256xf32>
    %mul3A_1474 = arith.constant 128 : i32
    %mul3A_1475 = vector.broadcast %mul3A_1474 : i32 to vector<32x256xi32>
    %mul3A_1476 = arith.muli %iota3A, %mul3A_1475 : vector<32x256xi32>
    %add3A_1477 = arith.constant 27 : i32
    %add3A_1478 = vector.broadcast %add3A_1477 : i32 to vector<32x256xi32>
    %add3A_1479 = arith.addi %mul3A_1476, %add3A_1478 : vector<32x256xi32>
    %eq3A_1480 = vector.broadcast %select_n3A : vector<1x256xi32> to vector<32x256xi32>
    %eq3A_1481 = arith.cmpi eq, %add3A_1479, %eq3A_1480 : vector<32x256xi32>
    %slice3A_1482 = vector.extract_strided_slice %reshape3A {offsets = [27, 0, 0], sizes = [1, 32, 256], strides = [1, 1, 1]} : vector<128x32x256xf32> to vector<1x32x256xf32>
    %squeeze3A_1483 = vector.shape_cast %slice3A_1482 : vector<1x32x256xf32> to vector<32x256xf32>
    %jit3A_1484 = arith.constant 0.000000e+00 : f32
    %broadcast_in_dim3A_1485 = vector.broadcast %jit3A_1484 : f32 to vector<32x256xf32>
    %select_n3A_1486 = arith.select %eq3A_1481, %squeeze3A_1483, %broadcast_in_dim3A_1485 : vector<32x256xi1>, vector<32x256xf32>
    %add3A_1487 = arith.addf %add3A_1473, %select_n3A_1486 : vector<32x256xf32>
    %mul3A_1488 = arith.constant 128 : i32
    %mul3A_1489 = vector.broadcast %mul3A_1488 : i32 to vector<32x256xi32>
    %mul3A_1490 = arith.muli %iota3A, %mul3A_1489 : vector<32x256xi32>
    %add3A_1491 = arith.constant 28 : i32
    %add3A_1492 = vector.broadcast %add3A_1491 : i32 to vector<32x256xi32>
    %add3A_1493 = arith.addi %mul3A_1490, %add3A_1492 : vector<32x256xi32>
    %eq3A_1494 = vector.broadcast %select_n3A : vector<1x256xi32> to vector<32x256xi32>
    %eq3A_1495 = arith.cmpi eq, %add3A_1493, %eq3A_1494 : vector<32x256xi32>
    %slice3A_1496 = vector.extract_strided_slice %reshape3A {offsets = [28, 0, 0], sizes = [1, 32, 256], strides = [1, 1, 1]} : vector<128x32x256xf32> to vector<1x32x256xf32>
    %squeeze3A_1497 = vector.shape_cast %slice3A_1496 : vector<1x32x256xf32> to vector<32x256xf32>
    %jit3A_1498 = arith.constant 0.000000e+00 : f32
    %broadcast_in_dim3A_1499 = vector.broadcast %jit3A_1498 : f32 to vector<32x256xf32>
    %select_n3A_1500 = arith.select %eq3A_1495, %squeeze3A_1497, %broadcast_in_dim3A_1499 : vector<32x256xi1>, vector<32x256xf32>
    %add3A_1501 = arith.addf %add3A_1487, %select_n3A_1500 : vector<32x256xf32>
    %mul3A_1502 = arith.constant 128 : i32
    %mul3A_1503 = vector.broadcast %mul3A_1502 : i32 to vector<32x256xi32>
    %mul3A_1504 = arith.muli %iota3A, %mul3A_1503 : vector<32x256xi32>
    %add3A_1505 = arith.constant 29 : i32
    %add3A_1506 = vector.broadcast %add3A_1505 : i32 to vector<32x256xi32>
    %add3A_1507 = arith.addi %mul3A_1504, %add3A_1506 : vector<32x256xi32>
    %eq3A_1508 = vector.broadcast %select_n3A : vector<1x256xi32> to vector<32x256xi32>
    %eq3A_1509 = arith.cmpi eq, %add3A_1507, %eq3A_1508 : vector<32x256xi32>
    %slice3A_1510 = vector.extract_strided_slice %reshape3A {offsets = [29, 0, 0], sizes = [1, 32, 256], strides = [1, 1, 1]} : vector<128x32x256xf32> to vector<1x32x256xf32>
    %squeeze3A_1511 = vector.shape_cast %slice3A_1510 : vector<1x32x256xf32> to vector<32x256xf32>
    %jit3A_1512 = arith.constant 0.000000e+00 : f32
    %broadcast_in_dim3A_1513 = vector.broadcast %jit3A_1512 : f32 to vector<32x256xf32>
    %select_n3A_1514 = arith.select %eq3A_1509, %squeeze3A_1511, %broadcast_in_dim3A_1513 : vector<32x256xi1>, vector<32x256xf32>
    %add3A_1515 = arith.addf %add3A_1501, %select_n3A_1514 : vector<32x256xf32>
    %mul3A_1516 = arith.constant 128 : i32
    %mul3A_1517 = vector.broadcast %mul3A_1516 : i32 to vector<32x256xi32>
    %mul3A_1518 = arith.muli %iota3A, %mul3A_1517 : vector<32x256xi32>
    %add3A_1519 = arith.constant 30 : i32
    %add3A_1520 = vector.broadcast %add3A_1519 : i32 to vector<32x256xi32>
    %add3A_1521 = arith.addi %mul3A_1518, %add3A_1520 : vector<32x256xi32>
    %eq3A_1522 = vector.broadcast %select_n3A : vector<1x256xi32> to vector<32x256xi32>
    %eq3A_1523 = arith.cmpi eq, %add3A_1521, %eq3A_1522 : vector<32x256xi32>
    %slice3A_1524 = vector.extract_strided_slice %reshape3A {offsets = [30, 0, 0], sizes = [1, 32, 256], strides = [1, 1, 1]} : vector<128x32x256xf32> to vector<1x32x256xf32>
    %squeeze3A_1525 = vector.shape_cast %slice3A_1524 : vector<1x32x256xf32> to vector<32x256xf32>
    %jit3A_1526 = arith.constant 0.000000e+00 : f32
    %broadcast_in_dim3A_1527 = vector.broadcast %jit3A_1526 : f32 to vector<32x256xf32>
    %select_n3A_1528 = arith.select %eq3A_1523, %squeeze3A_1525, %broadcast_in_dim3A_1527 : vector<32x256xi1>, vector<32x256xf32>
    %add3A_1529 = arith.addf %add3A_1515, %select_n3A_1528 : vector<32x256xf32>
    %mul3A_1530 = arith.constant 128 : i32
    %mul3A_1531 = vector.broadcast %mul3A_1530 : i32 to vector<32x256xi32>
    %mul3A_1532 = arith.muli %iota3A, %mul3A_1531 : vector<32x256xi32>
    %add3A_1533 = arith.constant 31 : i32
    %add3A_1534 = vector.broadcast %add3A_1533 : i32 to vector<32x256xi32>
    %add3A_1535 = arith.addi %mul3A_1532, %add3A_1534 : vector<32x256xi32>
    %eq3A_1536 = vector.broadcast %select_n3A : vector<1x256xi32> to vector<32x256xi32>
    %eq3A_1537 = arith.cmpi eq, %add3A_1535, %eq3A_1536 : vector<32x256xi32>
    %slice3A_1538 = vector.extract_strided_slice %reshape3A {offsets = [31, 0, 0], sizes = [1, 32, 256], strides = [1, 1, 1]} : vector<128x32x256xf32> to vector<1x32x256xf32>
    %squeeze3A_1539 = vector.shape_cast %slice3A_1538 : vector<1x32x256xf32> to vector<32x256xf32>
    %jit3A_1540 = arith.constant 0.000000e+00 : f32
    %broadcast_in_dim3A_1541 = vector.broadcast %jit3A_1540 : f32 to vector<32x256xf32>
    %select_n3A_1542 = arith.select %eq3A_1537, %squeeze3A_1539, %broadcast_in_dim3A_1541 : vector<32x256xi1>, vector<32x256xf32>
    %add3A_1543 = arith.addf %add3A_1529, %select_n3A_1542 : vector<32x256xf32>
    %mul3A_1544 = arith.constant 128 : i32
    %mul3A_1545 = vector.broadcast %mul3A_1544 : i32 to vector<32x256xi32>
    %mul3A_1546 = arith.muli %iota3A, %mul3A_1545 : vector<32x256xi32>
    %add3A_1547 = arith.constant 32 : i32
    %add3A_1548 = vector.broadcast %add3A_1547 : i32 to vector<32x256xi32>
    %add3A_1549 = arith.addi %mul3A_1546, %add3A_1548 : vector<32x256xi32>
    %eq3A_1550 = vector.broadcast %select_n3A : vector<1x256xi32> to vector<32x256xi32>
    %eq3A_1551 = arith.cmpi eq, %add3A_1549, %eq3A_1550 : vector<32x256xi32>
    %slice3A_1552 = vector.extract_strided_slice %reshape3A {offsets = [32, 0, 0], sizes = [1, 32, 256], strides = [1, 1, 1]} : vector<128x32x256xf32> to vector<1x32x256xf32>
    %squeeze3A_1553 = vector.shape_cast %slice3A_1552 : vector<1x32x256xf32> to vector<32x256xf32>
    %jit3A_1554 = arith.constant 0.000000e+00 : f32
    %broadcast_in_dim3A_1555 = vector.broadcast %jit3A_1554 : f32 to vector<32x256xf32>
    %select_n3A_1556 = arith.select %eq3A_1551, %squeeze3A_1553, %broadcast_in_dim3A_1555 : vector<32x256xi1>, vector<32x256xf32>
    %add3A_1557 = arith.addf %add3A_1543, %select_n3A_1556 : vector<32x256xf32>
    %mul3A_1558 = arith.constant 128 : i32
    %mul3A_1559 = vector.broadcast %mul3A_1558 : i32 to vector<32x256xi32>
    %mul3A_1560 = arith.muli %iota3A, %mul3A_1559 : vector<32x256xi32>
    %add3A_1561 = arith.constant 33 : i32
    %add3A_1562 = vector.broadcast %add3A_1561 : i32 to vector<32x256xi32>
    %add3A_1563 = arith.addi %mul3A_1560, %add3A_1562 : vector<32x256xi32>
    %eq3A_1564 = vector.broadcast %select_n3A : vector<1x256xi32> to vector<32x256xi32>
    %eq3A_1565 = arith.cmpi eq, %add3A_1563, %eq3A_1564 : vector<32x256xi32>
    %slice3A_1566 = vector.extract_strided_slice %reshape3A {offsets = [33, 0, 0], sizes = [1, 32, 256], strides = [1, 1, 1]} : vector<128x32x256xf32> to vector<1x32x256xf32>
    %squeeze3A_1567 = vector.shape_cast %slice3A_1566 : vector<1x32x256xf32> to vector<32x256xf32>
    %jit3A_1568 = arith.constant 0.000000e+00 : f32
    %broadcast_in_dim3A_1569 = vector.broadcast %jit3A_1568 : f32 to vector<32x256xf32>
    %select_n3A_1570 = arith.select %eq3A_1565, %squeeze3A_1567, %broadcast_in_dim3A_1569 : vector<32x256xi1>, vector<32x256xf32>
    %add3A_1571 = arith.addf %add3A_1557, %select_n3A_1570 : vector<32x256xf32>
    %mul3A_1572 = arith.constant 128 : i32
    %mul3A_1573 = vector.broadcast %mul3A_1572 : i32 to vector<32x256xi32>
    %mul3A_1574 = arith.muli %iota3A, %mul3A_1573 : vector<32x256xi32>
    %add3A_1575 = arith.constant 34 : i32
    %add3A_1576 = vector.broadcast %add3A_1575 : i32 to vector<32x256xi32>
    %add3A_1577 = arith.addi %mul3A_1574, %add3A_1576 : vector<32x256xi32>
    %eq3A_1578 = vector.broadcast %select_n3A : vector<1x256xi32> to vector<32x256xi32>
    %eq3A_1579 = arith.cmpi eq, %add3A_1577, %eq3A_1578 : vector<32x256xi32>
    %slice3A_1580 = vector.extract_strided_slice %reshape3A {offsets = [34, 0, 0], sizes = [1, 32, 256], strides = [1, 1, 1]} : vector<128x32x256xf32> to vector<1x32x256xf32>
    %squeeze3A_1581 = vector.shape_cast %slice3A_1580 : vector<1x32x256xf32> to vector<32x256xf32>
    %jit3A_1582 = arith.constant 0.000000e+00 : f32
    %broadcast_in_dim3A_1583 = vector.broadcast %jit3A_1582 : f32 to vector<32x256xf32>
    %select_n3A_1584 = arith.select %eq3A_1579, %squeeze3A_1581, %broadcast_in_dim3A_1583 : vector<32x256xi1>, vector<32x256xf32>
    %add3A_1585 = arith.addf %add3A_1571, %select_n3A_1584 : vector<32x256xf32>
    %mul3A_1586 = arith.constant 128 : i32
    %mul3A_1587 = vector.broadcast %mul3A_1586 : i32 to vector<32x256xi32>
    %mul3A_1588 = arith.muli %iota3A, %mul3A_1587 : vector<32x256xi32>
    %add3A_1589 = arith.constant 35 : i32
    %add3A_1590 = vector.broadcast %add3A_1589 : i32 to vector<32x256xi32>
    %add3A_1591 = arith.addi %mul3A_1588, %add3A_1590 : vector<32x256xi32>
    %eq3A_1592 = vector.broadcast %select_n3A : vector<1x256xi32> to vector<32x256xi32>
    %eq3A_1593 = arith.cmpi eq, %add3A_1591, %eq3A_1592 : vector<32x256xi32>
    %slice3A_1594 = vector.extract_strided_slice %reshape3A {offsets = [35, 0, 0], sizes = [1, 32, 256], strides = [1, 1, 1]} : vector<128x32x256xf32> to vector<1x32x256xf32>
    %squeeze3A_1595 = vector.shape_cast %slice3A_1594 : vector<1x32x256xf32> to vector<32x256xf32>
    %jit3A_1596 = arith.constant 0.000000e+00 : f32
    %broadcast_in_dim3A_1597 = vector.broadcast %jit3A_1596 : f32 to vector<32x256xf32>
    %select_n3A_1598 = arith.select %eq3A_1593, %squeeze3A_1595, %broadcast_in_dim3A_1597 : vector<32x256xi1>, vector<32x256xf32>
    %add3A_1599 = arith.addf %add3A_1585, %select_n3A_1598 : vector<32x256xf32>
    %mul3A_1600 = arith.constant 128 : i32
    %mul3A_1601 = vector.broadcast %mul3A_1600 : i32 to vector<32x256xi32>
    %mul3A_1602 = arith.muli %iota3A, %mul3A_1601 : vector<32x256xi32>
    %add3A_1603 = arith.constant 36 : i32
    %add3A_1604 = vector.broadcast %add3A_1603 : i32 to vector<32x256xi32>
    %add3A_1605 = arith.addi %mul3A_1602, %add3A_1604 : vector<32x256xi32>
    %eq3A_1606 = vector.broadcast %select_n3A : vector<1x256xi32> to vector<32x256xi32>
    %eq3A_1607 = arith.cmpi eq, %add3A_1605, %eq3A_1606 : vector<32x256xi32>
    %slice3A_1608 = vector.extract_strided_slice %reshape3A {offsets = [36, 0, 0], sizes = [1, 32, 256], strides = [1, 1, 1]} : vector<128x32x256xf32> to vector<1x32x256xf32>
    %squeeze3A_1609 = vector.shape_cast %slice3A_1608 : vector<1x32x256xf32> to vector<32x256xf32>
    %jit3A_1610 = arith.constant 0.000000e+00 : f32
    %broadcast_in_dim3A_1611 = vector.broadcast %jit3A_1610 : f32 to vector<32x256xf32>
    %select_n3A_1612 = arith.select %eq3A_1607, %squeeze3A_1609, %broadcast_in_dim3A_1611 : vector<32x256xi1>, vector<32x256xf32>
    %add3A_1613 = arith.addf %add3A_1599, %select_n3A_1612 : vector<32x256xf32>
    %mul3A_1614 = arith.constant 128 : i32
    %mul3A_1615 = vector.broadcast %mul3A_1614 : i32 to vector<32x256xi32>
    %mul3A_1616 = arith.muli %iota3A, %mul3A_1615 : vector<32x256xi32>
    %add3A_1617 = arith.constant 37 : i32
    %add3A_1618 = vector.broadcast %add3A_1617 : i32 to vector<32x256xi32>
    %add3A_1619 = arith.addi %mul3A_1616, %add3A_1618 : vector<32x256xi32>
    %eq3A_1620 = vector.broadcast %select_n3A : vector<1x256xi32> to vector<32x256xi32>
    %eq3A_1621 = arith.cmpi eq, %add3A_1619, %eq3A_1620 : vector<32x256xi32>
    %slice3A_1622 = vector.extract_strided_slice %reshape3A {offsets = [37, 0, 0], sizes = [1, 32, 256], strides = [1, 1, 1]} : vector<128x32x256xf32> to vector<1x32x256xf32>
    %squeeze3A_1623 = vector.shape_cast %slice3A_1622 : vector<1x32x256xf32> to vector<32x256xf32>
    %jit3A_1624 = arith.constant 0.000000e+00 : f32
    %broadcast_in_dim3A_1625 = vector.broadcast %jit3A_1624 : f32 to vector<32x256xf32>
    %select_n3A_1626 = arith.select %eq3A_1621, %squeeze3A_1623, %broadcast_in_dim3A_1625 : vector<32x256xi1>, vector<32x256xf32>
    %add3A_1627 = arith.addf %add3A_1613, %select_n3A_1626 : vector<32x256xf32>
    %mul3A_1628 = arith.constant 128 : i32
    %mul3A_1629 = vector.broadcast %mul3A_1628 : i32 to vector<32x256xi32>
    %mul3A_1630 = arith.muli %iota3A, %mul3A_1629 : vector<32x256xi32>
    %add3A_1631 = arith.constant 38 : i32
    %add3A_1632 = vector.broadcast %add3A_1631 : i32 to vector<32x256xi32>
    %add3A_1633 = arith.addi %mul3A_1630, %add3A_1632 : vector<32x256xi32>
    %eq3A_1634 = vector.broadcast %select_n3A : vector<1x256xi32> to vector<32x256xi32>
    %eq3A_1635 = arith.cmpi eq, %add3A_1633, %eq3A_1634 : vector<32x256xi32>
    %slice3A_1636 = vector.extract_strided_slice %reshape3A {offsets = [38, 0, 0], sizes = [1, 32, 256], strides = [1, 1, 1]} : vector<128x32x256xf32> to vector<1x32x256xf32>
    %squeeze3A_1637 = vector.shape_cast %slice3A_1636 : vector<1x32x256xf32> to vector<32x256xf32>
    %jit3A_1638 = arith.constant 0.000000e+00 : f32
    %broadcast_in_dim3A_1639 = vector.broadcast %jit3A_1638 : f32 to vector<32x256xf32>
    %select_n3A_1640 = arith.select %eq3A_1635, %squeeze3A_1637, %broadcast_in_dim3A_1639 : vector<32x256xi1>, vector<32x256xf32>
    %add3A_1641 = arith.addf %add3A_1627, %select_n3A_1640 : vector<32x256xf32>
    %mul3A_1642 = arith.constant 128 : i32
    %mul3A_1643 = vector.broadcast %mul3A_1642 : i32 to vector<32x256xi32>
    %mul3A_1644 = arith.muli %iota3A, %mul3A_1643 : vector<32x256xi32>
    %add3A_1645 = arith.constant 39 : i32
    %add3A_1646 = vector.broadcast %add3A_1645 : i32 to vector<32x256xi32>
    %add3A_1647 = arith.addi %mul3A_1644, %add3A_1646 : vector<32x256xi32>
    %eq3A_1648 = vector.broadcast %select_n3A : vector<1x256xi32> to vector<32x256xi32>
    %eq3A_1649 = arith.cmpi eq, %add3A_1647, %eq3A_1648 : vector<32x256xi32>
    %slice3A_1650 = vector.extract_strided_slice %reshape3A {offsets = [39, 0, 0], sizes = [1, 32, 256], strides = [1, 1, 1]} : vector<128x32x256xf32> to vector<1x32x256xf32>
    %squeeze3A_1651 = vector.shape_cast %slice3A_1650 : vector<1x32x256xf32> to vector<32x256xf32>
    %jit3A_1652 = arith.constant 0.000000e+00 : f32
    %broadcast_in_dim3A_1653 = vector.broadcast %jit3A_1652 : f32 to vector<32x256xf32>
    %select_n3A_1654 = arith.select %eq3A_1649, %squeeze3A_1651, %broadcast_in_dim3A_1653 : vector<32x256xi1>, vector<32x256xf32>
    %add3A_1655 = arith.addf %add3A_1641, %select_n3A_1654 : vector<32x256xf32>
    %mul3A_1656 = arith.constant 128 : i32
    %mul3A_1657 = vector.broadcast %mul3A_1656 : i32 to vector<32x256xi32>
    %mul3A_1658 = arith.muli %iota3A, %mul3A_1657 : vector<32x256xi32>
    %add3A_1659 = arith.constant 40 : i32
    %add3A_1660 = vector.broadcast %add3A_1659 : i32 to vector<32x256xi32>
    %add3A_1661 = arith.addi %mul3A_1658, %add3A_1660 : vector<32x256xi32>
    %eq3A_1662 = vector.broadcast %select_n3A : vector<1x256xi32> to vector<32x256xi32>
    %eq3A_1663 = arith.cmpi eq, %add3A_1661, %eq3A_1662 : vector<32x256xi32>
    %slice3A_1664 = vector.extract_strided_slice %reshape3A {offsets = [40, 0, 0], sizes = [1, 32, 256], strides = [1, 1, 1]} : vector<128x32x256xf32> to vector<1x32x256xf32>
    %squeeze3A_1665 = vector.shape_cast %slice3A_1664 : vector<1x32x256xf32> to vector<32x256xf32>
    %jit3A_1666 = arith.constant 0.000000e+00 : f32
    %broadcast_in_dim3A_1667 = vector.broadcast %jit3A_1666 : f32 to vector<32x256xf32>
    %select_n3A_1668 = arith.select %eq3A_1663, %squeeze3A_1665, %broadcast_in_dim3A_1667 : vector<32x256xi1>, vector<32x256xf32>
    %add3A_1669 = arith.addf %add3A_1655, %select_n3A_1668 : vector<32x256xf32>
    %mul3A_1670 = arith.constant 128 : i32
    %mul3A_1671 = vector.broadcast %mul3A_1670 : i32 to vector<32x256xi32>
    %mul3A_1672 = arith.muli %iota3A, %mul3A_1671 : vector<32x256xi32>
    %add3A_1673 = arith.constant 41 : i32
    %add3A_1674 = vector.broadcast %add3A_1673 : i32 to vector<32x256xi32>
    %add3A_1675 = arith.addi %mul3A_1672, %add3A_1674 : vector<32x256xi32>
    %eq3A_1676 = vector.broadcast %select_n3A : vector<1x256xi32> to vector<32x256xi32>
    %eq3A_1677 = arith.cmpi eq, %add3A_1675, %eq3A_1676 : vector<32x256xi32>
    %slice3A_1678 = vector.extract_strided_slice %reshape3A {offsets = [41, 0, 0], sizes = [1, 32, 256], strides = [1, 1, 1]} : vector<128x32x256xf32> to vector<1x32x256xf32>
    %squeeze3A_1679 = vector.shape_cast %slice3A_1678 : vector<1x32x256xf32> to vector<32x256xf32>
    %jit3A_1680 = arith.constant 0.000000e+00 : f32
    %broadcast_in_dim3A_1681 = vector.broadcast %jit3A_1680 : f32 to vector<32x256xf32>
    %select_n3A_1682 = arith.select %eq3A_1677, %squeeze3A_1679, %broadcast_in_dim3A_1681 : vector<32x256xi1>, vector<32x256xf32>
    %add3A_1683 = arith.addf %add3A_1669, %select_n3A_1682 : vector<32x256xf32>
    %mul3A_1684 = arith.constant 128 : i32
    %mul3A_1685 = vector.broadcast %mul3A_1684 : i32 to vector<32x256xi32>
    %mul3A_1686 = arith.muli %iota3A, %mul3A_1685 : vector<32x256xi32>
    %add3A_1687 = arith.constant 42 : i32
    %add3A_1688 = vector.broadcast %add3A_1687 : i32 to vector<32x256xi32>
    %add3A_1689 = arith.addi %mul3A_1686, %add3A_1688 : vector<32x256xi32>
    %eq3A_1690 = vector.broadcast %select_n3A : vector<1x256xi32> to vector<32x256xi32>
    %eq3A_1691 = arith.cmpi eq, %add3A_1689, %eq3A_1690 : vector<32x256xi32>
    %slice3A_1692 = vector.extract_strided_slice %reshape3A {offsets = [42, 0, 0], sizes = [1, 32, 256], strides = [1, 1, 1]} : vector<128x32x256xf32> to vector<1x32x256xf32>
    %squeeze3A_1693 = vector.shape_cast %slice3A_1692 : vector<1x32x256xf32> to vector<32x256xf32>
    %jit3A_1694 = arith.constant 0.000000e+00 : f32
    %broadcast_in_dim3A_1695 = vector.broadcast %jit3A_1694 : f32 to vector<32x256xf32>
    %select_n3A_1696 = arith.select %eq3A_1691, %squeeze3A_1693, %broadcast_in_dim3A_1695 : vector<32x256xi1>, vector<32x256xf32>
    %add3A_1697 = arith.addf %add3A_1683, %select_n3A_1696 : vector<32x256xf32>
    %mul3A_1698 = arith.constant 128 : i32
    %mul3A_1699 = vector.broadcast %mul3A_1698 : i32 to vector<32x256xi32>
    %mul3A_1700 = arith.muli %iota3A, %mul3A_1699 : vector<32x256xi32>
    %add3A_1701 = arith.constant 43 : i32
    %add3A_1702 = vector.broadcast %add3A_1701 : i32 to vector<32x256xi32>
    %add3A_1703 = arith.addi %mul3A_1700, %add3A_1702 : vector<32x256xi32>
    %eq3A_1704 = vector.broadcast %select_n3A : vector<1x256xi32> to vector<32x256xi32>
    %eq3A_1705 = arith.cmpi eq, %add3A_1703, %eq3A_1704 : vector<32x256xi32>
    %slice3A_1706 = vector.extract_strided_slice %reshape3A {offsets = [43, 0, 0], sizes = [1, 32, 256], strides = [1, 1, 1]} : vector<128x32x256xf32> to vector<1x32x256xf32>
    %squeeze3A_1707 = vector.shape_cast %slice3A_1706 : vector<1x32x256xf32> to vector<32x256xf32>
    %jit3A_1708 = arith.constant 0.000000e+00 : f32
    %broadcast_in_dim3A_1709 = vector.broadcast %jit3A_1708 : f32 to vector<32x256xf32>
    %select_n3A_1710 = arith.select %eq3A_1705, %squeeze3A_1707, %broadcast_in_dim3A_1709 : vector<32x256xi1>, vector<32x256xf32>
    %add3A_1711 = arith.addf %add3A_1697, %select_n3A_1710 : vector<32x256xf32>
    %mul3A_1712 = arith.constant 128 : i32
    %mul3A_1713 = vector.broadcast %mul3A_1712 : i32 to vector<32x256xi32>
    %mul3A_1714 = arith.muli %iota3A, %mul3A_1713 : vector<32x256xi32>
    %add3A_1715 = arith.constant 44 : i32
    %add3A_1716 = vector.broadcast %add3A_1715 : i32 to vector<32x256xi32>
    %add3A_1717 = arith.addi %mul3A_1714, %add3A_1716 : vector<32x256xi32>
    %eq3A_1718 = vector.broadcast %select_n3A : vector<1x256xi32> to vector<32x256xi32>
    %eq3A_1719 = arith.cmpi eq, %add3A_1717, %eq3A_1718 : vector<32x256xi32>
    %slice3A_1720 = vector.extract_strided_slice %reshape3A {offsets = [44, 0, 0], sizes = [1, 32, 256], strides = [1, 1, 1]} : vector<128x32x256xf32> to vector<1x32x256xf32>
    %squeeze3A_1721 = vector.shape_cast %slice3A_1720 : vector<1x32x256xf32> to vector<32x256xf32>
    %jit3A_1722 = arith.constant 0.000000e+00 : f32
    %broadcast_in_dim3A_1723 = vector.broadcast %jit3A_1722 : f32 to vector<32x256xf32>
    %select_n3A_1724 = arith.select %eq3A_1719, %squeeze3A_1721, %broadcast_in_dim3A_1723 : vector<32x256xi1>, vector<32x256xf32>
    %add3A_1725 = arith.addf %add3A_1711, %select_n3A_1724 : vector<32x256xf32>
    %mul3A_1726 = arith.constant 128 : i32
    %mul3A_1727 = vector.broadcast %mul3A_1726 : i32 to vector<32x256xi32>
    %mul3A_1728 = arith.muli %iota3A, %mul3A_1727 : vector<32x256xi32>
    %add3A_1729 = arith.constant 45 : i32
    %add3A_1730 = vector.broadcast %add3A_1729 : i32 to vector<32x256xi32>
    %add3A_1731 = arith.addi %mul3A_1728, %add3A_1730 : vector<32x256xi32>
    %eq3A_1732 = vector.broadcast %select_n3A : vector<1x256xi32> to vector<32x256xi32>
    %eq3A_1733 = arith.cmpi eq, %add3A_1731, %eq3A_1732 : vector<32x256xi32>
    %slice3A_1734 = vector.extract_strided_slice %reshape3A {offsets = [45, 0, 0], sizes = [1, 32, 256], strides = [1, 1, 1]} : vector<128x32x256xf32> to vector<1x32x256xf32>
    %squeeze3A_1735 = vector.shape_cast %slice3A_1734 : vector<1x32x256xf32> to vector<32x256xf32>
    %jit3A_1736 = arith.constant 0.000000e+00 : f32
    %broadcast_in_dim3A_1737 = vector.broadcast %jit3A_1736 : f32 to vector<32x256xf32>
    %select_n3A_1738 = arith.select %eq3A_1733, %squeeze3A_1735, %broadcast_in_dim3A_1737 : vector<32x256xi1>, vector<32x256xf32>
    %add3A_1739 = arith.addf %add3A_1725, %select_n3A_1738 : vector<32x256xf32>
    %mul3A_1740 = arith.constant 128 : i32
    %mul3A_1741 = vector.broadcast %mul3A_1740 : i32 to vector<32x256xi32>
    %mul3A_1742 = arith.muli %iota3A, %mul3A_1741 : vector<32x256xi32>
    %add3A_1743 = arith.constant 46 : i32
    %add3A_1744 = vector.broadcast %add3A_1743 : i32 to vector<32x256xi32>
    %add3A_1745 = arith.addi %mul3A_1742, %add3A_1744 : vector<32x256xi32>
    %eq3A_1746 = vector.broadcast %select_n3A : vector<1x256xi32> to vector<32x256xi32>
    %eq3A_1747 = arith.cmpi eq, %add3A_1745, %eq3A_1746 : vector<32x256xi32>
    %slice3A_1748 = vector.extract_strided_slice %reshape3A {offsets = [46, 0, 0], sizes = [1, 32, 256], strides = [1, 1, 1]} : vector<128x32x256xf32> to vector<1x32x256xf32>
    %squeeze3A_1749 = vector.shape_cast %slice3A_1748 : vector<1x32x256xf32> to vector<32x256xf32>
    %jit3A_1750 = arith.constant 0.000000e+00 : f32
    %broadcast_in_dim3A_1751 = vector.broadcast %jit3A_1750 : f32 to vector<32x256xf32>
    %select_n3A_1752 = arith.select %eq3A_1747, %squeeze3A_1749, %broadcast_in_dim3A_1751 : vector<32x256xi1>, vector<32x256xf32>
    %add3A_1753 = arith.addf %add3A_1739, %select_n3A_1752 : vector<32x256xf32>
    %mul3A_1754 = arith.constant 128 : i32
    %mul3A_1755 = vector.broadcast %mul3A_1754 : i32 to vector<32x256xi32>
    %mul3A_1756 = arith.muli %iota3A, %mul3A_1755 : vector<32x256xi32>
    %add3A_1757 = arith.constant 47 : i32
    %add3A_1758 = vector.broadcast %add3A_1757 : i32 to vector<32x256xi32>
    %add3A_1759 = arith.addi %mul3A_1756, %add3A_1758 : vector<32x256xi32>
    %eq3A_1760 = vector.broadcast %select_n3A : vector<1x256xi32> to vector<32x256xi32>
    %eq3A_1761 = arith.cmpi eq, %add3A_1759, %eq3A_1760 : vector<32x256xi32>
    %slice3A_1762 = vector.extract_strided_slice %reshape3A {offsets = [47, 0, 0], sizes = [1, 32, 256], strides = [1, 1, 1]} : vector<128x32x256xf32> to vector<1x32x256xf32>
    %squeeze3A_1763 = vector.shape_cast %slice3A_1762 : vector<1x32x256xf32> to vector<32x256xf32>
    %jit3A_1764 = arith.constant 0.000000e+00 : f32
    %broadcast_in_dim3A_1765 = vector.broadcast %jit3A_1764 : f32 to vector<32x256xf32>
    %select_n3A_1766 = arith.select %eq3A_1761, %squeeze3A_1763, %broadcast_in_dim3A_1765 : vector<32x256xi1>, vector<32x256xf32>
    %add3A_1767 = arith.addf %add3A_1753, %select_n3A_1766 : vector<32x256xf32>
    %mul3A_1768 = arith.constant 128 : i32
    %mul3A_1769 = vector.broadcast %mul3A_1768 : i32 to vector<32x256xi32>
    %mul3A_1770 = arith.muli %iota3A, %mul3A_1769 : vector<32x256xi32>
    %add3A_1771 = arith.constant 48 : i32
    %add3A_1772 = vector.broadcast %add3A_1771 : i32 to vector<32x256xi32>
    %add3A_1773 = arith.addi %mul3A_1770, %add3A_1772 : vector<32x256xi32>
    %eq3A_1774 = vector.broadcast %select_n3A : vector<1x256xi32> to vector<32x256xi32>
    %eq3A_1775 = arith.cmpi eq, %add3A_1773, %eq3A_1774 : vector<32x256xi32>
    %slice3A_1776 = vector.extract_strided_slice %reshape3A {offsets = [48, 0, 0], sizes = [1, 32, 256], strides = [1, 1, 1]} : vector<128x32x256xf32> to vector<1x32x256xf32>
    %squeeze3A_1777 = vector.shape_cast %slice3A_1776 : vector<1x32x256xf32> to vector<32x256xf32>
    %jit3A_1778 = arith.constant 0.000000e+00 : f32
    %broadcast_in_dim3A_1779 = vector.broadcast %jit3A_1778 : f32 to vector<32x256xf32>
    %select_n3A_1780 = arith.select %eq3A_1775, %squeeze3A_1777, %broadcast_in_dim3A_1779 : vector<32x256xi1>, vector<32x256xf32>
    %add3A_1781 = arith.addf %add3A_1767, %select_n3A_1780 : vector<32x256xf32>
    %mul3A_1782 = arith.constant 128 : i32
    %mul3A_1783 = vector.broadcast %mul3A_1782 : i32 to vector<32x256xi32>
    %mul3A_1784 = arith.muli %iota3A, %mul3A_1783 : vector<32x256xi32>
    %add3A_1785 = arith.constant 49 : i32
    %add3A_1786 = vector.broadcast %add3A_1785 : i32 to vector<32x256xi32>
    %add3A_1787 = arith.addi %mul3A_1784, %add3A_1786 : vector<32x256xi32>
    %eq3A_1788 = vector.broadcast %select_n3A : vector<1x256xi32> to vector<32x256xi32>
    %eq3A_1789 = arith.cmpi eq, %add3A_1787, %eq3A_1788 : vector<32x256xi32>
    %slice3A_1790 = vector.extract_strided_slice %reshape3A {offsets = [49, 0, 0], sizes = [1, 32, 256], strides = [1, 1, 1]} : vector<128x32x256xf32> to vector<1x32x256xf32>
    %squeeze3A_1791 = vector.shape_cast %slice3A_1790 : vector<1x32x256xf32> to vector<32x256xf32>
    %jit3A_1792 = arith.constant 0.000000e+00 : f32
    %broadcast_in_dim3A_1793 = vector.broadcast %jit3A_1792 : f32 to vector<32x256xf32>
    %select_n3A_1794 = arith.select %eq3A_1789, %squeeze3A_1791, %broadcast_in_dim3A_1793 : vector<32x256xi1>, vector<32x256xf32>
    %add3A_1795 = arith.addf %add3A_1781, %select_n3A_1794 : vector<32x256xf32>
    %mul3A_1796 = arith.constant 128 : i32
    %mul3A_1797 = vector.broadcast %mul3A_1796 : i32 to vector<32x256xi32>
    %mul3A_1798 = arith.muli %iota3A, %mul3A_1797 : vector<32x256xi32>
    %add3A_1799 = arith.constant 50 : i32
    %add3A_1800 = vector.broadcast %add3A_1799 : i32 to vector<32x256xi32>
    %add3A_1801 = arith.addi %mul3A_1798, %add3A_1800 : vector<32x256xi32>
    %eq3A_1802 = vector.broadcast %select_n3A : vector<1x256xi32> to vector<32x256xi32>
    %eq3A_1803 = arith.cmpi eq, %add3A_1801, %eq3A_1802 : vector<32x256xi32>
    %slice3A_1804 = vector.extract_strided_slice %reshape3A {offsets = [50, 0, 0], sizes = [1, 32, 256], strides = [1, 1, 1]} : vector<128x32x256xf32> to vector<1x32x256xf32>
    %squeeze3A_1805 = vector.shape_cast %slice3A_1804 : vector<1x32x256xf32> to vector<32x256xf32>
    %jit3A_1806 = arith.constant 0.000000e+00 : f32
    %broadcast_in_dim3A_1807 = vector.broadcast %jit3A_1806 : f32 to vector<32x256xf32>
    %select_n3A_1808 = arith.select %eq3A_1803, %squeeze3A_1805, %broadcast_in_dim3A_1807 : vector<32x256xi1>, vector<32x256xf32>
    %add3A_1809 = arith.addf %add3A_1795, %select_n3A_1808 : vector<32x256xf32>
    %mul3A_1810 = arith.constant 128 : i32
    %mul3A_1811 = vector.broadcast %mul3A_1810 : i32 to vector<32x256xi32>
    %mul3A_1812 = arith.muli %iota3A, %mul3A_1811 : vector<32x256xi32>
    %add3A_1813 = arith.constant 51 : i32
    %add3A_1814 = vector.broadcast %add3A_1813 : i32 to vector<32x256xi32>
    %add3A_1815 = arith.addi %mul3A_1812, %add3A_1814 : vector<32x256xi32>
    %eq3A_1816 = vector.broadcast %select_n3A : vector<1x256xi32> to vector<32x256xi32>
    %eq3A_1817 = arith.cmpi eq, %add3A_1815, %eq3A_1816 : vector<32x256xi32>
    %slice3A_1818 = vector.extract_strided_slice %reshape3A {offsets = [51, 0, 0], sizes = [1, 32, 256], strides = [1, 1, 1]} : vector<128x32x256xf32> to vector<1x32x256xf32>
    %squeeze3A_1819 = vector.shape_cast %slice3A_1818 : vector<1x32x256xf32> to vector<32x256xf32>
    %jit3A_1820 = arith.constant 0.000000e+00 : f32
    %broadcast_in_dim3A_1821 = vector.broadcast %jit3A_1820 : f32 to vector<32x256xf32>
    %select_n3A_1822 = arith.select %eq3A_1817, %squeeze3A_1819, %broadcast_in_dim3A_1821 : vector<32x256xi1>, vector<32x256xf32>
    %add3A_1823 = arith.addf %add3A_1809, %select_n3A_1822 : vector<32x256xf32>
    %mul3A_1824 = arith.constant 128 : i32
    %mul3A_1825 = vector.broadcast %mul3A_1824 : i32 to vector<32x256xi32>
    %mul3A_1826 = arith.muli %iota3A, %mul3A_1825 : vector<32x256xi32>
    %add3A_1827 = arith.constant 52 : i32
    %add3A_1828 = vector.broadcast %add3A_1827 : i32 to vector<32x256xi32>
    %add3A_1829 = arith.addi %mul3A_1826, %add3A_1828 : vector<32x256xi32>
    %eq3A_1830 = vector.broadcast %select_n3A : vector<1x256xi32> to vector<32x256xi32>
    %eq3A_1831 = arith.cmpi eq, %add3A_1829, %eq3A_1830 : vector<32x256xi32>
    %slice3A_1832 = vector.extract_strided_slice %reshape3A {offsets = [52, 0, 0], sizes = [1, 32, 256], strides = [1, 1, 1]} : vector<128x32x256xf32> to vector<1x32x256xf32>
    %squeeze3A_1833 = vector.shape_cast %slice3A_1832 : vector<1x32x256xf32> to vector<32x256xf32>
    %jit3A_1834 = arith.constant 0.000000e+00 : f32
    %broadcast_in_dim3A_1835 = vector.broadcast %jit3A_1834 : f32 to vector<32x256xf32>
    %select_n3A_1836 = arith.select %eq3A_1831, %squeeze3A_1833, %broadcast_in_dim3A_1835 : vector<32x256xi1>, vector<32x256xf32>
    %add3A_1837 = arith.addf %add3A_1823, %select_n3A_1836 : vector<32x256xf32>
    %mul3A_1838 = arith.constant 128 : i32
    %mul3A_1839 = vector.broadcast %mul3A_1838 : i32 to vector<32x256xi32>
    %mul3A_1840 = arith.muli %iota3A, %mul3A_1839 : vector<32x256xi32>
    %add3A_1841 = arith.constant 53 : i32
    %add3A_1842 = vector.broadcast %add3A_1841 : i32 to vector<32x256xi32>
    %add3A_1843 = arith.addi %mul3A_1840, %add3A_1842 : vector<32x256xi32>
    %eq3A_1844 = vector.broadcast %select_n3A : vector<1x256xi32> to vector<32x256xi32>
    %eq3A_1845 = arith.cmpi eq, %add3A_1843, %eq3A_1844 : vector<32x256xi32>
    %slice3A_1846 = vector.extract_strided_slice %reshape3A {offsets = [53, 0, 0], sizes = [1, 32, 256], strides = [1, 1, 1]} : vector<128x32x256xf32> to vector<1x32x256xf32>
    %squeeze3A_1847 = vector.shape_cast %slice3A_1846 : vector<1x32x256xf32> to vector<32x256xf32>
    %jit3A_1848 = arith.constant 0.000000e+00 : f32
    %broadcast_in_dim3A_1849 = vector.broadcast %jit3A_1848 : f32 to vector<32x256xf32>
    %select_n3A_1850 = arith.select %eq3A_1845, %squeeze3A_1847, %broadcast_in_dim3A_1849 : vector<32x256xi1>, vector<32x256xf32>
    %add3A_1851 = arith.addf %add3A_1837, %select_n3A_1850 : vector<32x256xf32>
    %mul3A_1852 = arith.constant 128 : i32
    %mul3A_1853 = vector.broadcast %mul3A_1852 : i32 to vector<32x256xi32>
    %mul3A_1854 = arith.muli %iota3A, %mul3A_1853 : vector<32x256xi32>
    %add3A_1855 = arith.constant 54 : i32
    %add3A_1856 = vector.broadcast %add3A_1855 : i32 to vector<32x256xi32>
    %add3A_1857 = arith.addi %mul3A_1854, %add3A_1856 : vector<32x256xi32>
    %eq3A_1858 = vector.broadcast %select_n3A : vector<1x256xi32> to vector<32x256xi32>
    %eq3A_1859 = arith.cmpi eq, %add3A_1857, %eq3A_1858 : vector<32x256xi32>
    %slice3A_1860 = vector.extract_strided_slice %reshape3A {offsets = [54, 0, 0], sizes = [1, 32, 256], strides = [1, 1, 1]} : vector<128x32x256xf32> to vector<1x32x256xf32>
    %squeeze3A_1861 = vector.shape_cast %slice3A_1860 : vector<1x32x256xf32> to vector<32x256xf32>
    %jit3A_1862 = arith.constant 0.000000e+00 : f32
    %broadcast_in_dim3A_1863 = vector.broadcast %jit3A_1862 : f32 to vector<32x256xf32>
    %select_n3A_1864 = arith.select %eq3A_1859, %squeeze3A_1861, %broadcast_in_dim3A_1863 : vector<32x256xi1>, vector<32x256xf32>
    %add3A_1865 = arith.addf %add3A_1851, %select_n3A_1864 : vector<32x256xf32>
    %mul3A_1866 = arith.constant 128 : i32
    %mul3A_1867 = vector.broadcast %mul3A_1866 : i32 to vector<32x256xi32>
    %mul3A_1868 = arith.muli %iota3A, %mul3A_1867 : vector<32x256xi32>
    %add3A_1869 = arith.constant 55 : i32
    %add3A_1870 = vector.broadcast %add3A_1869 : i32 to vector<32x256xi32>
    %add3A_1871 = arith.addi %mul3A_1868, %add3A_1870 : vector<32x256xi32>
    %eq3A_1872 = vector.broadcast %select_n3A : vector<1x256xi32> to vector<32x256xi32>
    %eq3A_1873 = arith.cmpi eq, %add3A_1871, %eq3A_1872 : vector<32x256xi32>
    %slice3A_1874 = vector.extract_strided_slice %reshape3A {offsets = [55, 0, 0], sizes = [1, 32, 256], strides = [1, 1, 1]} : vector<128x32x256xf32> to vector<1x32x256xf32>
    %squeeze3A_1875 = vector.shape_cast %slice3A_1874 : vector<1x32x256xf32> to vector<32x256xf32>
    %jit3A_1876 = arith.constant 0.000000e+00 : f32
    %broadcast_in_dim3A_1877 = vector.broadcast %jit3A_1876 : f32 to vector<32x256xf32>
    %select_n3A_1878 = arith.select %eq3A_1873, %squeeze3A_1875, %broadcast_in_dim3A_1877 : vector<32x256xi1>, vector<32x256xf32>
    %add3A_1879 = arith.addf %add3A_1865, %select_n3A_1878 : vector<32x256xf32>
    %mul3A_1880 = arith.constant 128 : i32
    %mul3A_1881 = vector.broadcast %mul3A_1880 : i32 to vector<32x256xi32>
    %mul3A_1882 = arith.muli %iota3A, %mul3A_1881 : vector<32x256xi32>
    %add3A_1883 = arith.constant 56 : i32
    %add3A_1884 = vector.broadcast %add3A_1883 : i32 to vector<32x256xi32>
    %add3A_1885 = arith.addi %mul3A_1882, %add3A_1884 : vector<32x256xi32>
    %eq3A_1886 = vector.broadcast %select_n3A : vector<1x256xi32> to vector<32x256xi32>
    %eq3A_1887 = arith.cmpi eq, %add3A_1885, %eq3A_1886 : vector<32x256xi32>
    %slice3A_1888 = vector.extract_strided_slice %reshape3A {offsets = [56, 0, 0], sizes = [1, 32, 256], strides = [1, 1, 1]} : vector<128x32x256xf32> to vector<1x32x256xf32>
    %squeeze3A_1889 = vector.shape_cast %slice3A_1888 : vector<1x32x256xf32> to vector<32x256xf32>
    %jit3A_1890 = arith.constant 0.000000e+00 : f32
    %broadcast_in_dim3A_1891 = vector.broadcast %jit3A_1890 : f32 to vector<32x256xf32>
    %select_n3A_1892 = arith.select %eq3A_1887, %squeeze3A_1889, %broadcast_in_dim3A_1891 : vector<32x256xi1>, vector<32x256xf32>
    %add3A_1893 = arith.addf %add3A_1879, %select_n3A_1892 : vector<32x256xf32>
    %mul3A_1894 = arith.constant 128 : i32
    %mul3A_1895 = vector.broadcast %mul3A_1894 : i32 to vector<32x256xi32>
    %mul3A_1896 = arith.muli %iota3A, %mul3A_1895 : vector<32x256xi32>
    %add3A_1897 = arith.constant 57 : i32
    %add3A_1898 = vector.broadcast %add3A_1897 : i32 to vector<32x256xi32>
    %add3A_1899 = arith.addi %mul3A_1896, %add3A_1898 : vector<32x256xi32>
    %eq3A_1900 = vector.broadcast %select_n3A : vector<1x256xi32> to vector<32x256xi32>
    %eq3A_1901 = arith.cmpi eq, %add3A_1899, %eq3A_1900 : vector<32x256xi32>
    %slice3A_1902 = vector.extract_strided_slice %reshape3A {offsets = [57, 0, 0], sizes = [1, 32, 256], strides = [1, 1, 1]} : vector<128x32x256xf32> to vector<1x32x256xf32>
    %squeeze3A_1903 = vector.shape_cast %slice3A_1902 : vector<1x32x256xf32> to vector<32x256xf32>
    %jit3A_1904 = arith.constant 0.000000e+00 : f32
    %broadcast_in_dim3A_1905 = vector.broadcast %jit3A_1904 : f32 to vector<32x256xf32>
    %select_n3A_1906 = arith.select %eq3A_1901, %squeeze3A_1903, %broadcast_in_dim3A_1905 : vector<32x256xi1>, vector<32x256xf32>
    %add3A_1907 = arith.addf %add3A_1893, %select_n3A_1906 : vector<32x256xf32>
    %mul3A_1908 = arith.constant 128 : i32
    %mul3A_1909 = vector.broadcast %mul3A_1908 : i32 to vector<32x256xi32>
    %mul3A_1910 = arith.muli %iota3A, %mul3A_1909 : vector<32x256xi32>
    %add3A_1911 = arith.constant 58 : i32
    %add3A_1912 = vector.broadcast %add3A_1911 : i32 to vector<32x256xi32>
    %add3A_1913 = arith.addi %mul3A_1910, %add3A_1912 : vector<32x256xi32>
    %eq3A_1914 = vector.broadcast %select_n3A : vector<1x256xi32> to vector<32x256xi32>
    %eq3A_1915 = arith.cmpi eq, %add3A_1913, %eq3A_1914 : vector<32x256xi32>
    %slice3A_1916 = vector.extract_strided_slice %reshape3A {offsets = [58, 0, 0], sizes = [1, 32, 256], strides = [1, 1, 1]} : vector<128x32x256xf32> to vector<1x32x256xf32>
    %squeeze3A_1917 = vector.shape_cast %slice3A_1916 : vector<1x32x256xf32> to vector<32x256xf32>
    %jit3A_1918 = arith.constant 0.000000e+00 : f32
    %broadcast_in_dim3A_1919 = vector.broadcast %jit3A_1918 : f32 to vector<32x256xf32>
    %select_n3A_1920 = arith.select %eq3A_1915, %squeeze3A_1917, %broadcast_in_dim3A_1919 : vector<32x256xi1>, vector<32x256xf32>
    %add3A_1921 = arith.addf %add3A_1907, %select_n3A_1920 : vector<32x256xf32>
    %mul3A_1922 = arith.constant 128 : i32
    %mul3A_1923 = vector.broadcast %mul3A_1922 : i32 to vector<32x256xi32>
    %mul3A_1924 = arith.muli %iota3A, %mul3A_1923 : vector<32x256xi32>
    %add3A_1925 = arith.constant 59 : i32
    %add3A_1926 = vector.broadcast %add3A_1925 : i32 to vector<32x256xi32>
    %add3A_1927 = arith.addi %mul3A_1924, %add3A_1926 : vector<32x256xi32>
    %eq3A_1928 = vector.broadcast %select_n3A : vector<1x256xi32> to vector<32x256xi32>
    %eq3A_1929 = arith.cmpi eq, %add3A_1927, %eq3A_1928 : vector<32x256xi32>
    %slice3A_1930 = vector.extract_strided_slice %reshape3A {offsets = [59, 0, 0], sizes = [1, 32, 256], strides = [1, 1, 1]} : vector<128x32x256xf32> to vector<1x32x256xf32>
    %squeeze3A_1931 = vector.shape_cast %slice3A_1930 : vector<1x32x256xf32> to vector<32x256xf32>
    %jit3A_1932 = arith.constant 0.000000e+00 : f32
    %broadcast_in_dim3A_1933 = vector.broadcast %jit3A_1932 : f32 to vector<32x256xf32>
    %select_n3A_1934 = arith.select %eq3A_1929, %squeeze3A_1931, %broadcast_in_dim3A_1933 : vector<32x256xi1>, vector<32x256xf32>
    %add3A_1935 = arith.addf %add3A_1921, %select_n3A_1934 : vector<32x256xf32>
    %mul3A_1936 = arith.constant 128 : i32
    %mul3A_1937 = vector.broadcast %mul3A_1936 : i32 to vector<32x256xi32>
    %mul3A_1938 = arith.muli %iota3A, %mul3A_1937 : vector<32x256xi32>
    %add3A_1939 = arith.constant 60 : i32
    %add3A_1940 = vector.broadcast %add3A_1939 : i32 to vector<32x256xi32>
    %add3A_1941 = arith.addi %mul3A_1938, %add3A_1940 : vector<32x256xi32>
    %eq3A_1942 = vector.broadcast %select_n3A : vector<1x256xi32> to vector<32x256xi32>
    %eq3A_1943 = arith.cmpi eq, %add3A_1941, %eq3A_1942 : vector<32x256xi32>
    %slice3A_1944 = vector.extract_strided_slice %reshape3A {offsets = [60, 0, 0], sizes = [1, 32, 256], strides = [1, 1, 1]} : vector<128x32x256xf32> to vector<1x32x256xf32>
    %squeeze3A_1945 = vector.shape_cast %slice3A_1944 : vector<1x32x256xf32> to vector<32x256xf32>
    %jit3A_1946 = arith.constant 0.000000e+00 : f32
    %broadcast_in_dim3A_1947 = vector.broadcast %jit3A_1946 : f32 to vector<32x256xf32>
    %select_n3A_1948 = arith.select %eq3A_1943, %squeeze3A_1945, %broadcast_in_dim3A_1947 : vector<32x256xi1>, vector<32x256xf32>
    %add3A_1949 = arith.addf %add3A_1935, %select_n3A_1948 : vector<32x256xf32>
    %mul3A_1950 = arith.constant 128 : i32
    %mul3A_1951 = vector.broadcast %mul3A_1950 : i32 to vector<32x256xi32>
    %mul3A_1952 = arith.muli %iota3A, %mul3A_1951 : vector<32x256xi32>
    %add3A_1953 = arith.constant 61 : i32
    %add3A_1954 = vector.broadcast %add3A_1953 : i32 to vector<32x256xi32>
    %add3A_1955 = arith.addi %mul3A_1952, %add3A_1954 : vector<32x256xi32>
    %eq3A_1956 = vector.broadcast %select_n3A : vector<1x256xi32> to vector<32x256xi32>
    %eq3A_1957 = arith.cmpi eq, %add3A_1955, %eq3A_1956 : vector<32x256xi32>
    %slice3A_1958 = vector.extract_strided_slice %reshape3A {offsets = [61, 0, 0], sizes = [1, 32, 256], strides = [1, 1, 1]} : vector<128x32x256xf32> to vector<1x32x256xf32>
    %squeeze3A_1959 = vector.shape_cast %slice3A_1958 : vector<1x32x256xf32> to vector<32x256xf32>
    %jit3A_1960 = arith.constant 0.000000e+00 : f32
    %broadcast_in_dim3A_1961 = vector.broadcast %jit3A_1960 : f32 to vector<32x256xf32>
    %select_n3A_1962 = arith.select %eq3A_1957, %squeeze3A_1959, %broadcast_in_dim3A_1961 : vector<32x256xi1>, vector<32x256xf32>
    %add3A_1963 = arith.addf %add3A_1949, %select_n3A_1962 : vector<32x256xf32>
    %mul3A_1964 = arith.constant 128 : i32
    %mul3A_1965 = vector.broadcast %mul3A_1964 : i32 to vector<32x256xi32>
    %mul3A_1966 = arith.muli %iota3A, %mul3A_1965 : vector<32x256xi32>
    %add3A_1967 = arith.constant 62 : i32
    %add3A_1968 = vector.broadcast %add3A_1967 : i32 to vector<32x256xi32>
    %add3A_1969 = arith.addi %mul3A_1966, %add3A_1968 : vector<32x256xi32>
    %eq3A_1970 = vector.broadcast %select_n3A : vector<1x256xi32> to vector<32x256xi32>
    %eq3A_1971 = arith.cmpi eq, %add3A_1969, %eq3A_1970 : vector<32x256xi32>
    %slice3A_1972 = vector.extract_strided_slice %reshape3A {offsets = [62, 0, 0], sizes = [1, 32, 256], strides = [1, 1, 1]} : vector<128x32x256xf32> to vector<1x32x256xf32>
    %squeeze3A_1973 = vector.shape_cast %slice3A_1972 : vector<1x32x256xf32> to vector<32x256xf32>
    %jit3A_1974 = arith.constant 0.000000e+00 : f32
    %broadcast_in_dim3A_1975 = vector.broadcast %jit3A_1974 : f32 to vector<32x256xf32>
    %select_n3A_1976 = arith.select %eq3A_1971, %squeeze3A_1973, %broadcast_in_dim3A_1975 : vector<32x256xi1>, vector<32x256xf32>
    %add3A_1977 = arith.addf %add3A_1963, %select_n3A_1976 : vector<32x256xf32>
    %mul3A_1978 = arith.constant 128 : i32
    %mul3A_1979 = vector.broadcast %mul3A_1978 : i32 to vector<32x256xi32>
    %mul3A_1980 = arith.muli %iota3A, %mul3A_1979 : vector<32x256xi32>
    %add3A_1981 = arith.constant 63 : i32
    %add3A_1982 = vector.broadcast %add3A_1981 : i32 to vector<32x256xi32>
    %add3A_1983 = arith.addi %mul3A_1980, %add3A_1982 : vector<32x256xi32>
    %eq3A_1984 = vector.broadcast %select_n3A : vector<1x256xi32> to vector<32x256xi32>
    %eq3A_1985 = arith.cmpi eq, %add3A_1983, %eq3A_1984 : vector<32x256xi32>
    %slice3A_1986 = vector.extract_strided_slice %reshape3A {offsets = [63, 0, 0], sizes = [1, 32, 256], strides = [1, 1, 1]} : vector<128x32x256xf32> to vector<1x32x256xf32>
    %squeeze3A_1987 = vector.shape_cast %slice3A_1986 : vector<1x32x256xf32> to vector<32x256xf32>
    %jit3A_1988 = arith.constant 0.000000e+00 : f32
    %broadcast_in_dim3A_1989 = vector.broadcast %jit3A_1988 : f32 to vector<32x256xf32>
    %select_n3A_1990 = arith.select %eq3A_1985, %squeeze3A_1987, %broadcast_in_dim3A_1989 : vector<32x256xi1>, vector<32x256xf32>
    %add3A_1991 = arith.addf %add3A_1977, %select_n3A_1990 : vector<32x256xf32>
    %mul3A_1992 = arith.constant 128 : i32
    %mul3A_1993 = vector.broadcast %mul3A_1992 : i32 to vector<32x256xi32>
    %mul3A_1994 = arith.muli %iota3A, %mul3A_1993 : vector<32x256xi32>
    %add3A_1995 = arith.constant 64 : i32
    %add3A_1996 = vector.broadcast %add3A_1995 : i32 to vector<32x256xi32>
    %add3A_1997 = arith.addi %mul3A_1994, %add3A_1996 : vector<32x256xi32>
    %eq3A_1998 = vector.broadcast %select_n3A : vector<1x256xi32> to vector<32x256xi32>
    %eq3A_1999 = arith.cmpi eq, %add3A_1997, %eq3A_1998 : vector<32x256xi32>
    %slice3A_2000 = vector.extract_strided_slice %reshape3A {offsets = [64, 0, 0], sizes = [1, 32, 256], strides = [1, 1, 1]} : vector<128x32x256xf32> to vector<1x32x256xf32>
    %squeeze3A_2001 = vector.shape_cast %slice3A_2000 : vector<1x32x256xf32> to vector<32x256xf32>
    %jit3A_2002 = arith.constant 0.000000e+00 : f32
    %broadcast_in_dim3A_2003 = vector.broadcast %jit3A_2002 : f32 to vector<32x256xf32>
    %select_n3A_2004 = arith.select %eq3A_1999, %squeeze3A_2001, %broadcast_in_dim3A_2003 : vector<32x256xi1>, vector<32x256xf32>
    %add3A_2005 = arith.addf %add3A_1991, %select_n3A_2004 : vector<32x256xf32>
    %mul3A_2006 = arith.constant 128 : i32
    %mul3A_2007 = vector.broadcast %mul3A_2006 : i32 to vector<32x256xi32>
    %mul3A_2008 = arith.muli %iota3A, %mul3A_2007 : vector<32x256xi32>
    %add3A_2009 = arith.constant 65 : i32
    %add3A_2010 = vector.broadcast %add3A_2009 : i32 to vector<32x256xi32>
    %add3A_2011 = arith.addi %mul3A_2008, %add3A_2010 : vector<32x256xi32>
    %eq3A_2012 = vector.broadcast %select_n3A : vector<1x256xi32> to vector<32x256xi32>
    %eq3A_2013 = arith.cmpi eq, %add3A_2011, %eq3A_2012 : vector<32x256xi32>
    %slice3A_2014 = vector.extract_strided_slice %reshape3A {offsets = [65, 0, 0], sizes = [1, 32, 256], strides = [1, 1, 1]} : vector<128x32x256xf32> to vector<1x32x256xf32>
    %squeeze3A_2015 = vector.shape_cast %slice3A_2014 : vector<1x32x256xf32> to vector<32x256xf32>
    %jit3A_2016 = arith.constant 0.000000e+00 : f32
    %broadcast_in_dim3A_2017 = vector.broadcast %jit3A_2016 : f32 to vector<32x256xf32>
    %select_n3A_2018 = arith.select %eq3A_2013, %squeeze3A_2015, %broadcast_in_dim3A_2017 : vector<32x256xi1>, vector<32x256xf32>
    %add3A_2019 = arith.addf %add3A_2005, %select_n3A_2018 : vector<32x256xf32>
    %mul3A_2020 = arith.constant 128 : i32
    %mul3A_2021 = vector.broadcast %mul3A_2020 : i32 to vector<32x256xi32>
    %mul3A_2022 = arith.muli %iota3A, %mul3A_2021 : vector<32x256xi32>
    %add3A_2023 = arith.constant 66 : i32
    %add3A_2024 = vector.broadcast %add3A_2023 : i32 to vector<32x256xi32>
    %add3A_2025 = arith.addi %mul3A_2022, %add3A_2024 : vector<32x256xi32>
    %eq3A_2026 = vector.broadcast %select_n3A : vector<1x256xi32> to vector<32x256xi32>
    %eq3A_2027 = arith.cmpi eq, %add3A_2025, %eq3A_2026 : vector<32x256xi32>
    %slice3A_2028 = vector.extract_strided_slice %reshape3A {offsets = [66, 0, 0], sizes = [1, 32, 256], strides = [1, 1, 1]} : vector<128x32x256xf32> to vector<1x32x256xf32>
    %squeeze3A_2029 = vector.shape_cast %slice3A_2028 : vector<1x32x256xf32> to vector<32x256xf32>
    %jit3A_2030 = arith.constant 0.000000e+00 : f32
    %broadcast_in_dim3A_2031 = vector.broadcast %jit3A_2030 : f32 to vector<32x256xf32>
    %select_n3A_2032 = arith.select %eq3A_2027, %squeeze3A_2029, %broadcast_in_dim3A_2031 : vector<32x256xi1>, vector<32x256xf32>
    %add3A_2033 = arith.addf %add3A_2019, %select_n3A_2032 : vector<32x256xf32>
    %mul3A_2034 = arith.constant 128 : i32
    %mul3A_2035 = vector.broadcast %mul3A_2034 : i32 to vector<32x256xi32>
    %mul3A_2036 = arith.muli %iota3A, %mul3A_2035 : vector<32x256xi32>
    %add3A_2037 = arith.constant 67 : i32
    %add3A_2038 = vector.broadcast %add3A_2037 : i32 to vector<32x256xi32>
    %add3A_2039 = arith.addi %mul3A_2036, %add3A_2038 : vector<32x256xi32>
    %eq3A_2040 = vector.broadcast %select_n3A : vector<1x256xi32> to vector<32x256xi32>
    %eq3A_2041 = arith.cmpi eq, %add3A_2039, %eq3A_2040 : vector<32x256xi32>
    %slice3A_2042 = vector.extract_strided_slice %reshape3A {offsets = [67, 0, 0], sizes = [1, 32, 256], strides = [1, 1, 1]} : vector<128x32x256xf32> to vector<1x32x256xf32>
    %squeeze3A_2043 = vector.shape_cast %slice3A_2042 : vector<1x32x256xf32> to vector<32x256xf32>
    %jit3A_2044 = arith.constant 0.000000e+00 : f32
    %broadcast_in_dim3A_2045 = vector.broadcast %jit3A_2044 : f32 to vector<32x256xf32>
    %select_n3A_2046 = arith.select %eq3A_2041, %squeeze3A_2043, %broadcast_in_dim3A_2045 : vector<32x256xi1>, vector<32x256xf32>
    %add3A_2047 = arith.addf %add3A_2033, %select_n3A_2046 : vector<32x256xf32>
    %mul3A_2048 = arith.constant 128 : i32
    %mul3A_2049 = vector.broadcast %mul3A_2048 : i32 to vector<32x256xi32>
    %mul3A_2050 = arith.muli %iota3A, %mul3A_2049 : vector<32x256xi32>
    %add3A_2051 = arith.constant 68 : i32
    %add3A_2052 = vector.broadcast %add3A_2051 : i32 to vector<32x256xi32>
    %add3A_2053 = arith.addi %mul3A_2050, %add3A_2052 : vector<32x256xi32>
    %eq3A_2054 = vector.broadcast %select_n3A : vector<1x256xi32> to vector<32x256xi32>
    %eq3A_2055 = arith.cmpi eq, %add3A_2053, %eq3A_2054 : vector<32x256xi32>
    %slice3A_2056 = vector.extract_strided_slice %reshape3A {offsets = [68, 0, 0], sizes = [1, 32, 256], strides = [1, 1, 1]} : vector<128x32x256xf32> to vector<1x32x256xf32>
    %squeeze3A_2057 = vector.shape_cast %slice3A_2056 : vector<1x32x256xf32> to vector<32x256xf32>
    %jit3A_2058 = arith.constant 0.000000e+00 : f32
    %broadcast_in_dim3A_2059 = vector.broadcast %jit3A_2058 : f32 to vector<32x256xf32>
    %select_n3A_2060 = arith.select %eq3A_2055, %squeeze3A_2057, %broadcast_in_dim3A_2059 : vector<32x256xi1>, vector<32x256xf32>
    %add3A_2061 = arith.addf %add3A_2047, %select_n3A_2060 : vector<32x256xf32>
    %mul3A_2062 = arith.constant 128 : i32
    %mul3A_2063 = vector.broadcast %mul3A_2062 : i32 to vector<32x256xi32>
    %mul3A_2064 = arith.muli %iota3A, %mul3A_2063 : vector<32x256xi32>
    %add3A_2065 = arith.constant 69 : i32
    %add3A_2066 = vector.broadcast %add3A_2065 : i32 to vector<32x256xi32>
    %add3A_2067 = arith.addi %mul3A_2064, %add3A_2066 : vector<32x256xi32>
    %eq3A_2068 = vector.broadcast %select_n3A : vector<1x256xi32> to vector<32x256xi32>
    %eq3A_2069 = arith.cmpi eq, %add3A_2067, %eq3A_2068 : vector<32x256xi32>
    %slice3A_2070 = vector.extract_strided_slice %reshape3A {offsets = [69, 0, 0], sizes = [1, 32, 256], strides = [1, 1, 1]} : vector<128x32x256xf32> to vector<1x32x256xf32>
    %squeeze3A_2071 = vector.shape_cast %slice3A_2070 : vector<1x32x256xf32> to vector<32x256xf32>
    %jit3A_2072 = arith.constant 0.000000e+00 : f32
    %broadcast_in_dim3A_2073 = vector.broadcast %jit3A_2072 : f32 to vector<32x256xf32>
    %select_n3A_2074 = arith.select %eq3A_2069, %squeeze3A_2071, %broadcast_in_dim3A_2073 : vector<32x256xi1>, vector<32x256xf32>
    %add3A_2075 = arith.addf %add3A_2061, %select_n3A_2074 : vector<32x256xf32>
    %mul3A_2076 = arith.constant 128 : i32
    %mul3A_2077 = vector.broadcast %mul3A_2076 : i32 to vector<32x256xi32>
    %mul3A_2078 = arith.muli %iota3A, %mul3A_2077 : vector<32x256xi32>
    %add3A_2079 = arith.constant 70 : i32
    %add3A_2080 = vector.broadcast %add3A_2079 : i32 to vector<32x256xi32>
    %add3A_2081 = arith.addi %mul3A_2078, %add3A_2080 : vector<32x256xi32>
    %eq3A_2082 = vector.broadcast %select_n3A : vector<1x256xi32> to vector<32x256xi32>
    %eq3A_2083 = arith.cmpi eq, %add3A_2081, %eq3A_2082 : vector<32x256xi32>
    %slice3A_2084 = vector.extract_strided_slice %reshape3A {offsets = [70, 0, 0], sizes = [1, 32, 256], strides = [1, 1, 1]} : vector<128x32x256xf32> to vector<1x32x256xf32>
    %squeeze3A_2085 = vector.shape_cast %slice3A_2084 : vector<1x32x256xf32> to vector<32x256xf32>
    %jit3A_2086 = arith.constant 0.000000e+00 : f32
    %broadcast_in_dim3A_2087 = vector.broadcast %jit3A_2086 : f32 to vector<32x256xf32>
    %select_n3A_2088 = arith.select %eq3A_2083, %squeeze3A_2085, %broadcast_in_dim3A_2087 : vector<32x256xi1>, vector<32x256xf32>
    %add3A_2089 = arith.addf %add3A_2075, %select_n3A_2088 : vector<32x256xf32>
    %mul3A_2090 = arith.constant 128 : i32
    %mul3A_2091 = vector.broadcast %mul3A_2090 : i32 to vector<32x256xi32>
    %mul3A_2092 = arith.muli %iota3A, %mul3A_2091 : vector<32x256xi32>
    %add3A_2093 = arith.constant 71 : i32
    %add3A_2094 = vector.broadcast %add3A_2093 : i32 to vector<32x256xi32>
    %add3A_2095 = arith.addi %mul3A_2092, %add3A_2094 : vector<32x256xi32>
    %eq3A_2096 = vector.broadcast %select_n3A : vector<1x256xi32> to vector<32x256xi32>
    %eq3A_2097 = arith.cmpi eq, %add3A_2095, %eq3A_2096 : vector<32x256xi32>
    %slice3A_2098 = vector.extract_strided_slice %reshape3A {offsets = [71, 0, 0], sizes = [1, 32, 256], strides = [1, 1, 1]} : vector<128x32x256xf32> to vector<1x32x256xf32>
    %squeeze3A_2099 = vector.shape_cast %slice3A_2098 : vector<1x32x256xf32> to vector<32x256xf32>
    %jit3A_2100 = arith.constant 0.000000e+00 : f32
    %broadcast_in_dim3A_2101 = vector.broadcast %jit3A_2100 : f32 to vector<32x256xf32>
    %select_n3A_2102 = arith.select %eq3A_2097, %squeeze3A_2099, %broadcast_in_dim3A_2101 : vector<32x256xi1>, vector<32x256xf32>
    %add3A_2103 = arith.addf %add3A_2089, %select_n3A_2102 : vector<32x256xf32>
    %mul3A_2104 = arith.constant 128 : i32
    %mul3A_2105 = vector.broadcast %mul3A_2104 : i32 to vector<32x256xi32>
    %mul3A_2106 = arith.muli %iota3A, %mul3A_2105 : vector<32x256xi32>
    %add3A_2107 = arith.constant 72 : i32
    %add3A_2108 = vector.broadcast %add3A_2107 : i32 to vector<32x256xi32>
    %add3A_2109 = arith.addi %mul3A_2106, %add3A_2108 : vector<32x256xi32>
    %eq3A_2110 = vector.broadcast %select_n3A : vector<1x256xi32> to vector<32x256xi32>
    %eq3A_2111 = arith.cmpi eq, %add3A_2109, %eq3A_2110 : vector<32x256xi32>
    %slice3A_2112 = vector.extract_strided_slice %reshape3A {offsets = [72, 0, 0], sizes = [1, 32, 256], strides = [1, 1, 1]} : vector<128x32x256xf32> to vector<1x32x256xf32>
    %squeeze3A_2113 = vector.shape_cast %slice3A_2112 : vector<1x32x256xf32> to vector<32x256xf32>
    %jit3A_2114 = arith.constant 0.000000e+00 : f32
    %broadcast_in_dim3A_2115 = vector.broadcast %jit3A_2114 : f32 to vector<32x256xf32>
    %select_n3A_2116 = arith.select %eq3A_2111, %squeeze3A_2113, %broadcast_in_dim3A_2115 : vector<32x256xi1>, vector<32x256xf32>
    %add3A_2117 = arith.addf %add3A_2103, %select_n3A_2116 : vector<32x256xf32>
    %mul3A_2118 = arith.constant 128 : i32
    %mul3A_2119 = vector.broadcast %mul3A_2118 : i32 to vector<32x256xi32>
    %mul3A_2120 = arith.muli %iota3A, %mul3A_2119 : vector<32x256xi32>
    %add3A_2121 = arith.constant 73 : i32
    %add3A_2122 = vector.broadcast %add3A_2121 : i32 to vector<32x256xi32>
    %add3A_2123 = arith.addi %mul3A_2120, %add3A_2122 : vector<32x256xi32>
    %eq3A_2124 = vector.broadcast %select_n3A : vector<1x256xi32> to vector<32x256xi32>
    %eq3A_2125 = arith.cmpi eq, %add3A_2123, %eq3A_2124 : vector<32x256xi32>
    %slice3A_2126 = vector.extract_strided_slice %reshape3A {offsets = [73, 0, 0], sizes = [1, 32, 256], strides = [1, 1, 1]} : vector<128x32x256xf32> to vector<1x32x256xf32>
    %squeeze3A_2127 = vector.shape_cast %slice3A_2126 : vector<1x32x256xf32> to vector<32x256xf32>
    %jit3A_2128 = arith.constant 0.000000e+00 : f32
    %broadcast_in_dim3A_2129 = vector.broadcast %jit3A_2128 : f32 to vector<32x256xf32>
    %select_n3A_2130 = arith.select %eq3A_2125, %squeeze3A_2127, %broadcast_in_dim3A_2129 : vector<32x256xi1>, vector<32x256xf32>
    %add3A_2131 = arith.addf %add3A_2117, %select_n3A_2130 : vector<32x256xf32>
    %mul3A_2132 = arith.constant 128 : i32
    %mul3A_2133 = vector.broadcast %mul3A_2132 : i32 to vector<32x256xi32>
    %mul3A_2134 = arith.muli %iota3A, %mul3A_2133 : vector<32x256xi32>
    %add3A_2135 = arith.constant 74 : i32
    %add3A_2136 = vector.broadcast %add3A_2135 : i32 to vector<32x256xi32>
    %add3A_2137 = arith.addi %mul3A_2134, %add3A_2136 : vector<32x256xi32>
    %eq3A_2138 = vector.broadcast %select_n3A : vector<1x256xi32> to vector<32x256xi32>
    %eq3A_2139 = arith.cmpi eq, %add3A_2137, %eq3A_2138 : vector<32x256xi32>
    %slice3A_2140 = vector.extract_strided_slice %reshape3A {offsets = [74, 0, 0], sizes = [1, 32, 256], strides = [1, 1, 1]} : vector<128x32x256xf32> to vector<1x32x256xf32>
    %squeeze3A_2141 = vector.shape_cast %slice3A_2140 : vector<1x32x256xf32> to vector<32x256xf32>
    %jit3A_2142 = arith.constant 0.000000e+00 : f32
    %broadcast_in_dim3A_2143 = vector.broadcast %jit3A_2142 : f32 to vector<32x256xf32>
    %select_n3A_2144 = arith.select %eq3A_2139, %squeeze3A_2141, %broadcast_in_dim3A_2143 : vector<32x256xi1>, vector<32x256xf32>
    %add3A_2145 = arith.addf %add3A_2131, %select_n3A_2144 : vector<32x256xf32>
    %mul3A_2146 = arith.constant 128 : i32
    %mul3A_2147 = vector.broadcast %mul3A_2146 : i32 to vector<32x256xi32>
    %mul3A_2148 = arith.muli %iota3A, %mul3A_2147 : vector<32x256xi32>
    %add3A_2149 = arith.constant 75 : i32
    %add3A_2150 = vector.broadcast %add3A_2149 : i32 to vector<32x256xi32>
    %add3A_2151 = arith.addi %mul3A_2148, %add3A_2150 : vector<32x256xi32>
    %eq3A_2152 = vector.broadcast %select_n3A : vector<1x256xi32> to vector<32x256xi32>
    %eq3A_2153 = arith.cmpi eq, %add3A_2151, %eq3A_2152 : vector<32x256xi32>
    %slice3A_2154 = vector.extract_strided_slice %reshape3A {offsets = [75, 0, 0], sizes = [1, 32, 256], strides = [1, 1, 1]} : vector<128x32x256xf32> to vector<1x32x256xf32>
    %squeeze3A_2155 = vector.shape_cast %slice3A_2154 : vector<1x32x256xf32> to vector<32x256xf32>
    %jit3A_2156 = arith.constant 0.000000e+00 : f32
    %broadcast_in_dim3A_2157 = vector.broadcast %jit3A_2156 : f32 to vector<32x256xf32>
    %select_n3A_2158 = arith.select %eq3A_2153, %squeeze3A_2155, %broadcast_in_dim3A_2157 : vector<32x256xi1>, vector<32x256xf32>
    %add3A_2159 = arith.addf %add3A_2145, %select_n3A_2158 : vector<32x256xf32>
    %mul3A_2160 = arith.constant 128 : i32
    %mul3A_2161 = vector.broadcast %mul3A_2160 : i32 to vector<32x256xi32>
    %mul3A_2162 = arith.muli %iota3A, %mul3A_2161 : vector<32x256xi32>
    %add3A_2163 = arith.constant 76 : i32
    %add3A_2164 = vector.broadcast %add3A_2163 : i32 to vector<32x256xi32>
    %add3A_2165 = arith.addi %mul3A_2162, %add3A_2164 : vector<32x256xi32>
    %eq3A_2166 = vector.broadcast %select_n3A : vector<1x256xi32> to vector<32x256xi32>
    %eq3A_2167 = arith.cmpi eq, %add3A_2165, %eq3A_2166 : vector<32x256xi32>
    %slice3A_2168 = vector.extract_strided_slice %reshape3A {offsets = [76, 0, 0], sizes = [1, 32, 256], strides = [1, 1, 1]} : vector<128x32x256xf32> to vector<1x32x256xf32>
    %squeeze3A_2169 = vector.shape_cast %slice3A_2168 : vector<1x32x256xf32> to vector<32x256xf32>
    %jit3A_2170 = arith.constant 0.000000e+00 : f32
    %broadcast_in_dim3A_2171 = vector.broadcast %jit3A_2170 : f32 to vector<32x256xf32>
    %select_n3A_2172 = arith.select %eq3A_2167, %squeeze3A_2169, %broadcast_in_dim3A_2171 : vector<32x256xi1>, vector<32x256xf32>
    %add3A_2173 = arith.addf %add3A_2159, %select_n3A_2172 : vector<32x256xf32>
    %mul3A_2174 = arith.constant 128 : i32
    %mul3A_2175 = vector.broadcast %mul3A_2174 : i32 to vector<32x256xi32>
    %mul3A_2176 = arith.muli %iota3A, %mul3A_2175 : vector<32x256xi32>
    %add3A_2177 = arith.constant 77 : i32
    %add3A_2178 = vector.broadcast %add3A_2177 : i32 to vector<32x256xi32>
    %add3A_2179 = arith.addi %mul3A_2176, %add3A_2178 : vector<32x256xi32>
    %eq3A_2180 = vector.broadcast %select_n3A : vector<1x256xi32> to vector<32x256xi32>
    %eq3A_2181 = arith.cmpi eq, %add3A_2179, %eq3A_2180 : vector<32x256xi32>
    %slice3A_2182 = vector.extract_strided_slice %reshape3A {offsets = [77, 0, 0], sizes = [1, 32, 256], strides = [1, 1, 1]} : vector<128x32x256xf32> to vector<1x32x256xf32>
    %squeeze3A_2183 = vector.shape_cast %slice3A_2182 : vector<1x32x256xf32> to vector<32x256xf32>
    %jit3A_2184 = arith.constant 0.000000e+00 : f32
    %broadcast_in_dim3A_2185 = vector.broadcast %jit3A_2184 : f32 to vector<32x256xf32>
    %select_n3A_2186 = arith.select %eq3A_2181, %squeeze3A_2183, %broadcast_in_dim3A_2185 : vector<32x256xi1>, vector<32x256xf32>
    %add3A_2187 = arith.addf %add3A_2173, %select_n3A_2186 : vector<32x256xf32>
    %mul3A_2188 = arith.constant 128 : i32
    %mul3A_2189 = vector.broadcast %mul3A_2188 : i32 to vector<32x256xi32>
    %mul3A_2190 = arith.muli %iota3A, %mul3A_2189 : vector<32x256xi32>
    %add3A_2191 = arith.constant 78 : i32
    %add3A_2192 = vector.broadcast %add3A_2191 : i32 to vector<32x256xi32>
    %add3A_2193 = arith.addi %mul3A_2190, %add3A_2192 : vector<32x256xi32>
    %eq3A_2194 = vector.broadcast %select_n3A : vector<1x256xi32> to vector<32x256xi32>
    %eq3A_2195 = arith.cmpi eq, %add3A_2193, %eq3A_2194 : vector<32x256xi32>
    %slice3A_2196 = vector.extract_strided_slice %reshape3A {offsets = [78, 0, 0], sizes = [1, 32, 256], strides = [1, 1, 1]} : vector<128x32x256xf32> to vector<1x32x256xf32>
    %squeeze3A_2197 = vector.shape_cast %slice3A_2196 : vector<1x32x256xf32> to vector<32x256xf32>
    %jit3A_2198 = arith.constant 0.000000e+00 : f32
    %broadcast_in_dim3A_2199 = vector.broadcast %jit3A_2198 : f32 to vector<32x256xf32>
    %select_n3A_2200 = arith.select %eq3A_2195, %squeeze3A_2197, %broadcast_in_dim3A_2199 : vector<32x256xi1>, vector<32x256xf32>
    %add3A_2201 = arith.addf %add3A_2187, %select_n3A_2200 : vector<32x256xf32>
    %mul3A_2202 = arith.constant 128 : i32
    %mul3A_2203 = vector.broadcast %mul3A_2202 : i32 to vector<32x256xi32>
    %mul3A_2204 = arith.muli %iota3A, %mul3A_2203 : vector<32x256xi32>
    %add3A_2205 = arith.constant 79 : i32
    %add3A_2206 = vector.broadcast %add3A_2205 : i32 to vector<32x256xi32>
    %add3A_2207 = arith.addi %mul3A_2204, %add3A_2206 : vector<32x256xi32>
    %eq3A_2208 = vector.broadcast %select_n3A : vector<1x256xi32> to vector<32x256xi32>
    %eq3A_2209 = arith.cmpi eq, %add3A_2207, %eq3A_2208 : vector<32x256xi32>
    %slice3A_2210 = vector.extract_strided_slice %reshape3A {offsets = [79, 0, 0], sizes = [1, 32, 256], strides = [1, 1, 1]} : vector<128x32x256xf32> to vector<1x32x256xf32>
    %squeeze3A_2211 = vector.shape_cast %slice3A_2210 : vector<1x32x256xf32> to vector<32x256xf32>
    %jit3A_2212 = arith.constant 0.000000e+00 : f32
    %broadcast_in_dim3A_2213 = vector.broadcast %jit3A_2212 : f32 to vector<32x256xf32>
    %select_n3A_2214 = arith.select %eq3A_2209, %squeeze3A_2211, %broadcast_in_dim3A_2213 : vector<32x256xi1>, vector<32x256xf32>
    %add3A_2215 = arith.addf %add3A_2201, %select_n3A_2214 : vector<32x256xf32>
    %mul3A_2216 = arith.constant 128 : i32
    %mul3A_2217 = vector.broadcast %mul3A_2216 : i32 to vector<32x256xi32>
    %mul3A_2218 = arith.muli %iota3A, %mul3A_2217 : vector<32x256xi32>
    %add3A_2219 = arith.constant 80 : i32
    %add3A_2220 = vector.broadcast %add3A_2219 : i32 to vector<32x256xi32>
    %add3A_2221 = arith.addi %mul3A_2218, %add3A_2220 : vector<32x256xi32>
    %eq3A_2222 = vector.broadcast %select_n3A : vector<1x256xi32> to vector<32x256xi32>
    %eq3A_2223 = arith.cmpi eq, %add3A_2221, %eq3A_2222 : vector<32x256xi32>
    %slice3A_2224 = vector.extract_strided_slice %reshape3A {offsets = [80, 0, 0], sizes = [1, 32, 256], strides = [1, 1, 1]} : vector<128x32x256xf32> to vector<1x32x256xf32>
    %squeeze3A_2225 = vector.shape_cast %slice3A_2224 : vector<1x32x256xf32> to vector<32x256xf32>
    %jit3A_2226 = arith.constant 0.000000e+00 : f32
    %broadcast_in_dim3A_2227 = vector.broadcast %jit3A_2226 : f32 to vector<32x256xf32>
    %select_n3A_2228 = arith.select %eq3A_2223, %squeeze3A_2225, %broadcast_in_dim3A_2227 : vector<32x256xi1>, vector<32x256xf32>
    %add3A_2229 = arith.addf %add3A_2215, %select_n3A_2228 : vector<32x256xf32>
    %mul3A_2230 = arith.constant 128 : i32
    %mul3A_2231 = vector.broadcast %mul3A_2230 : i32 to vector<32x256xi32>
    %mul3A_2232 = arith.muli %iota3A, %mul3A_2231 : vector<32x256xi32>
    %add3A_2233 = arith.constant 81 : i32
    %add3A_2234 = vector.broadcast %add3A_2233 : i32 to vector<32x256xi32>
    %add3A_2235 = arith.addi %mul3A_2232, %add3A_2234 : vector<32x256xi32>
    %eq3A_2236 = vector.broadcast %select_n3A : vector<1x256xi32> to vector<32x256xi32>
    %eq3A_2237 = arith.cmpi eq, %add3A_2235, %eq3A_2236 : vector<32x256xi32>
    %slice3A_2238 = vector.extract_strided_slice %reshape3A {offsets = [81, 0, 0], sizes = [1, 32, 256], strides = [1, 1, 1]} : vector<128x32x256xf32> to vector<1x32x256xf32>
    %squeeze3A_2239 = vector.shape_cast %slice3A_2238 : vector<1x32x256xf32> to vector<32x256xf32>
    %jit3A_2240 = arith.constant 0.000000e+00 : f32
    %broadcast_in_dim3A_2241 = vector.broadcast %jit3A_2240 : f32 to vector<32x256xf32>
    %select_n3A_2242 = arith.select %eq3A_2237, %squeeze3A_2239, %broadcast_in_dim3A_2241 : vector<32x256xi1>, vector<32x256xf32>
    %add3A_2243 = arith.addf %add3A_2229, %select_n3A_2242 : vector<32x256xf32>
    %mul3A_2244 = arith.constant 128 : i32
    %mul3A_2245 = vector.broadcast %mul3A_2244 : i32 to vector<32x256xi32>
    %mul3A_2246 = arith.muli %iota3A, %mul3A_2245 : vector<32x256xi32>
    %add3A_2247 = arith.constant 82 : i32
    %add3A_2248 = vector.broadcast %add3A_2247 : i32 to vector<32x256xi32>
    %add3A_2249 = arith.addi %mul3A_2246, %add3A_2248 : vector<32x256xi32>
    %eq3A_2250 = vector.broadcast %select_n3A : vector<1x256xi32> to vector<32x256xi32>
    %eq3A_2251 = arith.cmpi eq, %add3A_2249, %eq3A_2250 : vector<32x256xi32>
    %slice3A_2252 = vector.extract_strided_slice %reshape3A {offsets = [82, 0, 0], sizes = [1, 32, 256], strides = [1, 1, 1]} : vector<128x32x256xf32> to vector<1x32x256xf32>
    %squeeze3A_2253 = vector.shape_cast %slice3A_2252 : vector<1x32x256xf32> to vector<32x256xf32>
    %jit3A_2254 = arith.constant 0.000000e+00 : f32
    %broadcast_in_dim3A_2255 = vector.broadcast %jit3A_2254 : f32 to vector<32x256xf32>
    %select_n3A_2256 = arith.select %eq3A_2251, %squeeze3A_2253, %broadcast_in_dim3A_2255 : vector<32x256xi1>, vector<32x256xf32>
    %add3A_2257 = arith.addf %add3A_2243, %select_n3A_2256 : vector<32x256xf32>
    %mul3A_2258 = arith.constant 128 : i32
    %mul3A_2259 = vector.broadcast %mul3A_2258 : i32 to vector<32x256xi32>
    %mul3A_2260 = arith.muli %iota3A, %mul3A_2259 : vector<32x256xi32>
    %add3A_2261 = arith.constant 83 : i32
    %add3A_2262 = vector.broadcast %add3A_2261 : i32 to vector<32x256xi32>
    %add3A_2263 = arith.addi %mul3A_2260, %add3A_2262 : vector<32x256xi32>
    %eq3A_2264 = vector.broadcast %select_n3A : vector<1x256xi32> to vector<32x256xi32>
    %eq3A_2265 = arith.cmpi eq, %add3A_2263, %eq3A_2264 : vector<32x256xi32>
    %slice3A_2266 = vector.extract_strided_slice %reshape3A {offsets = [83, 0, 0], sizes = [1, 32, 256], strides = [1, 1, 1]} : vector<128x32x256xf32> to vector<1x32x256xf32>
    %squeeze3A_2267 = vector.shape_cast %slice3A_2266 : vector<1x32x256xf32> to vector<32x256xf32>
    %jit3A_2268 = arith.constant 0.000000e+00 : f32
    %broadcast_in_dim3A_2269 = vector.broadcast %jit3A_2268 : f32 to vector<32x256xf32>
    %select_n3A_2270 = arith.select %eq3A_2265, %squeeze3A_2267, %broadcast_in_dim3A_2269 : vector<32x256xi1>, vector<32x256xf32>
    %add3A_2271 = arith.addf %add3A_2257, %select_n3A_2270 : vector<32x256xf32>
    %mul3A_2272 = arith.constant 128 : i32
    %mul3A_2273 = vector.broadcast %mul3A_2272 : i32 to vector<32x256xi32>
    %mul3A_2274 = arith.muli %iota3A, %mul3A_2273 : vector<32x256xi32>
    %add3A_2275 = arith.constant 84 : i32
    %add3A_2276 = vector.broadcast %add3A_2275 : i32 to vector<32x256xi32>
    %add3A_2277 = arith.addi %mul3A_2274, %add3A_2276 : vector<32x256xi32>
    %eq3A_2278 = vector.broadcast %select_n3A : vector<1x256xi32> to vector<32x256xi32>
    %eq3A_2279 = arith.cmpi eq, %add3A_2277, %eq3A_2278 : vector<32x256xi32>
    %slice3A_2280 = vector.extract_strided_slice %reshape3A {offsets = [84, 0, 0], sizes = [1, 32, 256], strides = [1, 1, 1]} : vector<128x32x256xf32> to vector<1x32x256xf32>
    %squeeze3A_2281 = vector.shape_cast %slice3A_2280 : vector<1x32x256xf32> to vector<32x256xf32>
    %jit3A_2282 = arith.constant 0.000000e+00 : f32
    %broadcast_in_dim3A_2283 = vector.broadcast %jit3A_2282 : f32 to vector<32x256xf32>
    %select_n3A_2284 = arith.select %eq3A_2279, %squeeze3A_2281, %broadcast_in_dim3A_2283 : vector<32x256xi1>, vector<32x256xf32>
    %add3A_2285 = arith.addf %add3A_2271, %select_n3A_2284 : vector<32x256xf32>
    %mul3A_2286 = arith.constant 128 : i32
    %mul3A_2287 = vector.broadcast %mul3A_2286 : i32 to vector<32x256xi32>
    %mul3A_2288 = arith.muli %iota3A, %mul3A_2287 : vector<32x256xi32>
    %add3A_2289 = arith.constant 85 : i32
    %add3A_2290 = vector.broadcast %add3A_2289 : i32 to vector<32x256xi32>
    %add3A_2291 = arith.addi %mul3A_2288, %add3A_2290 : vector<32x256xi32>
    %eq3A_2292 = vector.broadcast %select_n3A : vector<1x256xi32> to vector<32x256xi32>
    %eq3A_2293 = arith.cmpi eq, %add3A_2291, %eq3A_2292 : vector<32x256xi32>
    %slice3A_2294 = vector.extract_strided_slice %reshape3A {offsets = [85, 0, 0], sizes = [1, 32, 256], strides = [1, 1, 1]} : vector<128x32x256xf32> to vector<1x32x256xf32>
    %squeeze3A_2295 = vector.shape_cast %slice3A_2294 : vector<1x32x256xf32> to vector<32x256xf32>
    %jit3A_2296 = arith.constant 0.000000e+00 : f32
    %broadcast_in_dim3A_2297 = vector.broadcast %jit3A_2296 : f32 to vector<32x256xf32>
    %select_n3A_2298 = arith.select %eq3A_2293, %squeeze3A_2295, %broadcast_in_dim3A_2297 : vector<32x256xi1>, vector<32x256xf32>
    %add3A_2299 = arith.addf %add3A_2285, %select_n3A_2298 : vector<32x256xf32>
    %mul3A_2300 = arith.constant 128 : i32
    %mul3A_2301 = vector.broadcast %mul3A_2300 : i32 to vector<32x256xi32>
    %mul3A_2302 = arith.muli %iota3A, %mul3A_2301 : vector<32x256xi32>
    %add3A_2303 = arith.constant 86 : i32
    %add3A_2304 = vector.broadcast %add3A_2303 : i32 to vector<32x256xi32>
    %add3A_2305 = arith.addi %mul3A_2302, %add3A_2304 : vector<32x256xi32>
    %eq3A_2306 = vector.broadcast %select_n3A : vector<1x256xi32> to vector<32x256xi32>
    %eq3A_2307 = arith.cmpi eq, %add3A_2305, %eq3A_2306 : vector<32x256xi32>
    %slice3A_2308 = vector.extract_strided_slice %reshape3A {offsets = [86, 0, 0], sizes = [1, 32, 256], strides = [1, 1, 1]} : vector<128x32x256xf32> to vector<1x32x256xf32>
    %squeeze3A_2309 = vector.shape_cast %slice3A_2308 : vector<1x32x256xf32> to vector<32x256xf32>
    %jit3A_2310 = arith.constant 0.000000e+00 : f32
    %broadcast_in_dim3A_2311 = vector.broadcast %jit3A_2310 : f32 to vector<32x256xf32>
    %select_n3A_2312 = arith.select %eq3A_2307, %squeeze3A_2309, %broadcast_in_dim3A_2311 : vector<32x256xi1>, vector<32x256xf32>
    %add3A_2313 = arith.addf %add3A_2299, %select_n3A_2312 : vector<32x256xf32>
    %mul3A_2314 = arith.constant 128 : i32
    %mul3A_2315 = vector.broadcast %mul3A_2314 : i32 to vector<32x256xi32>
    %mul3A_2316 = arith.muli %iota3A, %mul3A_2315 : vector<32x256xi32>
    %add3A_2317 = arith.constant 87 : i32
    %add3A_2318 = vector.broadcast %add3A_2317 : i32 to vector<32x256xi32>
    %add3A_2319 = arith.addi %mul3A_2316, %add3A_2318 : vector<32x256xi32>
    %eq3A_2320 = vector.broadcast %select_n3A : vector<1x256xi32> to vector<32x256xi32>
    %eq3A_2321 = arith.cmpi eq, %add3A_2319, %eq3A_2320 : vector<32x256xi32>
    %slice3A_2322 = vector.extract_strided_slice %reshape3A {offsets = [87, 0, 0], sizes = [1, 32, 256], strides = [1, 1, 1]} : vector<128x32x256xf32> to vector<1x32x256xf32>
    %squeeze3A_2323 = vector.shape_cast %slice3A_2322 : vector<1x32x256xf32> to vector<32x256xf32>
    %jit3A_2324 = arith.constant 0.000000e+00 : f32
    %broadcast_in_dim3A_2325 = vector.broadcast %jit3A_2324 : f32 to vector<32x256xf32>
    %select_n3A_2326 = arith.select %eq3A_2321, %squeeze3A_2323, %broadcast_in_dim3A_2325 : vector<32x256xi1>, vector<32x256xf32>
    %add3A_2327 = arith.addf %add3A_2313, %select_n3A_2326 : vector<32x256xf32>
    %mul3A_2328 = arith.constant 128 : i32
    %mul3A_2329 = vector.broadcast %mul3A_2328 : i32 to vector<32x256xi32>
    %mul3A_2330 = arith.muli %iota3A, %mul3A_2329 : vector<32x256xi32>
    %add3A_2331 = arith.constant 88 : i32
    %add3A_2332 = vector.broadcast %add3A_2331 : i32 to vector<32x256xi32>
    %add3A_2333 = arith.addi %mul3A_2330, %add3A_2332 : vector<32x256xi32>
    %eq3A_2334 = vector.broadcast %select_n3A : vector<1x256xi32> to vector<32x256xi32>
    %eq3A_2335 = arith.cmpi eq, %add3A_2333, %eq3A_2334 : vector<32x256xi32>
    %slice3A_2336 = vector.extract_strided_slice %reshape3A {offsets = [88, 0, 0], sizes = [1, 32, 256], strides = [1, 1, 1]} : vector<128x32x256xf32> to vector<1x32x256xf32>
    %squeeze3A_2337 = vector.shape_cast %slice3A_2336 : vector<1x32x256xf32> to vector<32x256xf32>
    %jit3A_2338 = arith.constant 0.000000e+00 : f32
    %broadcast_in_dim3A_2339 = vector.broadcast %jit3A_2338 : f32 to vector<32x256xf32>
    %select_n3A_2340 = arith.select %eq3A_2335, %squeeze3A_2337, %broadcast_in_dim3A_2339 : vector<32x256xi1>, vector<32x256xf32>
    %add3A_2341 = arith.addf %add3A_2327, %select_n3A_2340 : vector<32x256xf32>
    %mul3A_2342 = arith.constant 128 : i32
    %mul3A_2343 = vector.broadcast %mul3A_2342 : i32 to vector<32x256xi32>
    %mul3A_2344 = arith.muli %iota3A, %mul3A_2343 : vector<32x256xi32>
    %add3A_2345 = arith.constant 89 : i32
    %add3A_2346 = vector.broadcast %add3A_2345 : i32 to vector<32x256xi32>
    %add3A_2347 = arith.addi %mul3A_2344, %add3A_2346 : vector<32x256xi32>
    %eq3A_2348 = vector.broadcast %select_n3A : vector<1x256xi32> to vector<32x256xi32>
    %eq3A_2349 = arith.cmpi eq, %add3A_2347, %eq3A_2348 : vector<32x256xi32>
    %slice3A_2350 = vector.extract_strided_slice %reshape3A {offsets = [89, 0, 0], sizes = [1, 32, 256], strides = [1, 1, 1]} : vector<128x32x256xf32> to vector<1x32x256xf32>
    %squeeze3A_2351 = vector.shape_cast %slice3A_2350 : vector<1x32x256xf32> to vector<32x256xf32>
    %jit3A_2352 = arith.constant 0.000000e+00 : f32
    %broadcast_in_dim3A_2353 = vector.broadcast %jit3A_2352 : f32 to vector<32x256xf32>
    %select_n3A_2354 = arith.select %eq3A_2349, %squeeze3A_2351, %broadcast_in_dim3A_2353 : vector<32x256xi1>, vector<32x256xf32>
    %add3A_2355 = arith.addf %add3A_2341, %select_n3A_2354 : vector<32x256xf32>
    %mul3A_2356 = arith.constant 128 : i32
    %mul3A_2357 = vector.broadcast %mul3A_2356 : i32 to vector<32x256xi32>
    %mul3A_2358 = arith.muli %iota3A, %mul3A_2357 : vector<32x256xi32>
    %add3A_2359 = arith.constant 90 : i32
    %add3A_2360 = vector.broadcast %add3A_2359 : i32 to vector<32x256xi32>
    %add3A_2361 = arith.addi %mul3A_2358, %add3A_2360 : vector<32x256xi32>
    %eq3A_2362 = vector.broadcast %select_n3A : vector<1x256xi32> to vector<32x256xi32>
    %eq3A_2363 = arith.cmpi eq, %add3A_2361, %eq3A_2362 : vector<32x256xi32>
    %slice3A_2364 = vector.extract_strided_slice %reshape3A {offsets = [90, 0, 0], sizes = [1, 32, 256], strides = [1, 1, 1]} : vector<128x32x256xf32> to vector<1x32x256xf32>
    %squeeze3A_2365 = vector.shape_cast %slice3A_2364 : vector<1x32x256xf32> to vector<32x256xf32>
    %jit3A_2366 = arith.constant 0.000000e+00 : f32
    %broadcast_in_dim3A_2367 = vector.broadcast %jit3A_2366 : f32 to vector<32x256xf32>
    %select_n3A_2368 = arith.select %eq3A_2363, %squeeze3A_2365, %broadcast_in_dim3A_2367 : vector<32x256xi1>, vector<32x256xf32>
    %add3A_2369 = arith.addf %add3A_2355, %select_n3A_2368 : vector<32x256xf32>
    %mul3A_2370 = arith.constant 128 : i32
    %mul3A_2371 = vector.broadcast %mul3A_2370 : i32 to vector<32x256xi32>
    %mul3A_2372 = arith.muli %iota3A, %mul3A_2371 : vector<32x256xi32>
    %add3A_2373 = arith.constant 91 : i32
    %add3A_2374 = vector.broadcast %add3A_2373 : i32 to vector<32x256xi32>
    %add3A_2375 = arith.addi %mul3A_2372, %add3A_2374 : vector<32x256xi32>
    %eq3A_2376 = vector.broadcast %select_n3A : vector<1x256xi32> to vector<32x256xi32>
    %eq3A_2377 = arith.cmpi eq, %add3A_2375, %eq3A_2376 : vector<32x256xi32>
    %slice3A_2378 = vector.extract_strided_slice %reshape3A {offsets = [91, 0, 0], sizes = [1, 32, 256], strides = [1, 1, 1]} : vector<128x32x256xf32> to vector<1x32x256xf32>
    %squeeze3A_2379 = vector.shape_cast %slice3A_2378 : vector<1x32x256xf32> to vector<32x256xf32>
    %jit3A_2380 = arith.constant 0.000000e+00 : f32
    %broadcast_in_dim3A_2381 = vector.broadcast %jit3A_2380 : f32 to vector<32x256xf32>
    %select_n3A_2382 = arith.select %eq3A_2377, %squeeze3A_2379, %broadcast_in_dim3A_2381 : vector<32x256xi1>, vector<32x256xf32>
    %add3A_2383 = arith.addf %add3A_2369, %select_n3A_2382 : vector<32x256xf32>
    %mul3A_2384 = arith.constant 128 : i32
    %mul3A_2385 = vector.broadcast %mul3A_2384 : i32 to vector<32x256xi32>
    %mul3A_2386 = arith.muli %iota3A, %mul3A_2385 : vector<32x256xi32>
    %add3A_2387 = arith.constant 92 : i32
    %add3A_2388 = vector.broadcast %add3A_2387 : i32 to vector<32x256xi32>
    %add3A_2389 = arith.addi %mul3A_2386, %add3A_2388 : vector<32x256xi32>
    %eq3A_2390 = vector.broadcast %select_n3A : vector<1x256xi32> to vector<32x256xi32>
    %eq3A_2391 = arith.cmpi eq, %add3A_2389, %eq3A_2390 : vector<32x256xi32>
    %slice3A_2392 = vector.extract_strided_slice %reshape3A {offsets = [92, 0, 0], sizes = [1, 32, 256], strides = [1, 1, 1]} : vector<128x32x256xf32> to vector<1x32x256xf32>
    %squeeze3A_2393 = vector.shape_cast %slice3A_2392 : vector<1x32x256xf32> to vector<32x256xf32>
    %jit3A_2394 = arith.constant 0.000000e+00 : f32
    %broadcast_in_dim3A_2395 = vector.broadcast %jit3A_2394 : f32 to vector<32x256xf32>
    %select_n3A_2396 = arith.select %eq3A_2391, %squeeze3A_2393, %broadcast_in_dim3A_2395 : vector<32x256xi1>, vector<32x256xf32>
    %add3A_2397 = arith.addf %add3A_2383, %select_n3A_2396 : vector<32x256xf32>
    %mul3A_2398 = arith.constant 128 : i32
    %mul3A_2399 = vector.broadcast %mul3A_2398 : i32 to vector<32x256xi32>
    %mul3A_2400 = arith.muli %iota3A, %mul3A_2399 : vector<32x256xi32>
    %add3A_2401 = arith.constant 93 : i32
    %add3A_2402 = vector.broadcast %add3A_2401 : i32 to vector<32x256xi32>
    %add3A_2403 = arith.addi %mul3A_2400, %add3A_2402 : vector<32x256xi32>
    %eq3A_2404 = vector.broadcast %select_n3A : vector<1x256xi32> to vector<32x256xi32>
    %eq3A_2405 = arith.cmpi eq, %add3A_2403, %eq3A_2404 : vector<32x256xi32>
    %slice3A_2406 = vector.extract_strided_slice %reshape3A {offsets = [93, 0, 0], sizes = [1, 32, 256], strides = [1, 1, 1]} : vector<128x32x256xf32> to vector<1x32x256xf32>
    %squeeze3A_2407 = vector.shape_cast %slice3A_2406 : vector<1x32x256xf32> to vector<32x256xf32>
    %jit3A_2408 = arith.constant 0.000000e+00 : f32
    %broadcast_in_dim3A_2409 = vector.broadcast %jit3A_2408 : f32 to vector<32x256xf32>
    %select_n3A_2410 = arith.select %eq3A_2405, %squeeze3A_2407, %broadcast_in_dim3A_2409 : vector<32x256xi1>, vector<32x256xf32>
    %add3A_2411 = arith.addf %add3A_2397, %select_n3A_2410 : vector<32x256xf32>
    %mul3A_2412 = arith.constant 128 : i32
    %mul3A_2413 = vector.broadcast %mul3A_2412 : i32 to vector<32x256xi32>
    %mul3A_2414 = arith.muli %iota3A, %mul3A_2413 : vector<32x256xi32>
    %add3A_2415 = arith.constant 94 : i32
    %add3A_2416 = vector.broadcast %add3A_2415 : i32 to vector<32x256xi32>
    %add3A_2417 = arith.addi %mul3A_2414, %add3A_2416 : vector<32x256xi32>
    %eq3A_2418 = vector.broadcast %select_n3A : vector<1x256xi32> to vector<32x256xi32>
    %eq3A_2419 = arith.cmpi eq, %add3A_2417, %eq3A_2418 : vector<32x256xi32>
    %slice3A_2420 = vector.extract_strided_slice %reshape3A {offsets = [94, 0, 0], sizes = [1, 32, 256], strides = [1, 1, 1]} : vector<128x32x256xf32> to vector<1x32x256xf32>
    %squeeze3A_2421 = vector.shape_cast %slice3A_2420 : vector<1x32x256xf32> to vector<32x256xf32>
    %jit3A_2422 = arith.constant 0.000000e+00 : f32
    %broadcast_in_dim3A_2423 = vector.broadcast %jit3A_2422 : f32 to vector<32x256xf32>
    %select_n3A_2424 = arith.select %eq3A_2419, %squeeze3A_2421, %broadcast_in_dim3A_2423 : vector<32x256xi1>, vector<32x256xf32>
    %add3A_2425 = arith.addf %add3A_2411, %select_n3A_2424 : vector<32x256xf32>
    %mul3A_2426 = arith.constant 128 : i32
    %mul3A_2427 = vector.broadcast %mul3A_2426 : i32 to vector<32x256xi32>
    %mul3A_2428 = arith.muli %iota3A, %mul3A_2427 : vector<32x256xi32>
    %add3A_2429 = arith.constant 95 : i32
    %add3A_2430 = vector.broadcast %add3A_2429 : i32 to vector<32x256xi32>
    %add3A_2431 = arith.addi %mul3A_2428, %add3A_2430 : vector<32x256xi32>
    %eq3A_2432 = vector.broadcast %select_n3A : vector<1x256xi32> to vector<32x256xi32>
    %eq3A_2433 = arith.cmpi eq, %add3A_2431, %eq3A_2432 : vector<32x256xi32>
    %slice3A_2434 = vector.extract_strided_slice %reshape3A {offsets = [95, 0, 0], sizes = [1, 32, 256], strides = [1, 1, 1]} : vector<128x32x256xf32> to vector<1x32x256xf32>
    %squeeze3A_2435 = vector.shape_cast %slice3A_2434 : vector<1x32x256xf32> to vector<32x256xf32>
    %jit3A_2436 = arith.constant 0.000000e+00 : f32
    %broadcast_in_dim3A_2437 = vector.broadcast %jit3A_2436 : f32 to vector<32x256xf32>
    %select_n3A_2438 = arith.select %eq3A_2433, %squeeze3A_2435, %broadcast_in_dim3A_2437 : vector<32x256xi1>, vector<32x256xf32>
    %add3A_2439 = arith.addf %add3A_2425, %select_n3A_2438 : vector<32x256xf32>
    %mul3A_2440 = arith.constant 128 : i32
    %mul3A_2441 = vector.broadcast %mul3A_2440 : i32 to vector<32x256xi32>
    %mul3A_2442 = arith.muli %iota3A, %mul3A_2441 : vector<32x256xi32>
    %add3A_2443 = arith.constant 96 : i32
    %add3A_2444 = vector.broadcast %add3A_2443 : i32 to vector<32x256xi32>
    %add3A_2445 = arith.addi %mul3A_2442, %add3A_2444 : vector<32x256xi32>
    %eq3A_2446 = vector.broadcast %select_n3A : vector<1x256xi32> to vector<32x256xi32>
    %eq3A_2447 = arith.cmpi eq, %add3A_2445, %eq3A_2446 : vector<32x256xi32>
    %slice3A_2448 = vector.extract_strided_slice %reshape3A {offsets = [96, 0, 0], sizes = [1, 32, 256], strides = [1, 1, 1]} : vector<128x32x256xf32> to vector<1x32x256xf32>
    %squeeze3A_2449 = vector.shape_cast %slice3A_2448 : vector<1x32x256xf32> to vector<32x256xf32>
    %jit3A_2450 = arith.constant 0.000000e+00 : f32
    %broadcast_in_dim3A_2451 = vector.broadcast %jit3A_2450 : f32 to vector<32x256xf32>
    %select_n3A_2452 = arith.select %eq3A_2447, %squeeze3A_2449, %broadcast_in_dim3A_2451 : vector<32x256xi1>, vector<32x256xf32>
    %add3A_2453 = arith.addf %add3A_2439, %select_n3A_2452 : vector<32x256xf32>
    %mul3A_2454 = arith.constant 128 : i32
    %mul3A_2455 = vector.broadcast %mul3A_2454 : i32 to vector<32x256xi32>
    %mul3A_2456 = arith.muli %iota3A, %mul3A_2455 : vector<32x256xi32>
    %add3A_2457 = arith.constant 97 : i32
    %add3A_2458 = vector.broadcast %add3A_2457 : i32 to vector<32x256xi32>
    %add3A_2459 = arith.addi %mul3A_2456, %add3A_2458 : vector<32x256xi32>
    %eq3A_2460 = vector.broadcast %select_n3A : vector<1x256xi32> to vector<32x256xi32>
    %eq3A_2461 = arith.cmpi eq, %add3A_2459, %eq3A_2460 : vector<32x256xi32>
    %slice3A_2462 = vector.extract_strided_slice %reshape3A {offsets = [97, 0, 0], sizes = [1, 32, 256], strides = [1, 1, 1]} : vector<128x32x256xf32> to vector<1x32x256xf32>
    %squeeze3A_2463 = vector.shape_cast %slice3A_2462 : vector<1x32x256xf32> to vector<32x256xf32>
    %jit3A_2464 = arith.constant 0.000000e+00 : f32
    %broadcast_in_dim3A_2465 = vector.broadcast %jit3A_2464 : f32 to vector<32x256xf32>
    %select_n3A_2466 = arith.select %eq3A_2461, %squeeze3A_2463, %broadcast_in_dim3A_2465 : vector<32x256xi1>, vector<32x256xf32>
    %add3A_2467 = arith.addf %add3A_2453, %select_n3A_2466 : vector<32x256xf32>
    %mul3A_2468 = arith.constant 128 : i32
    %mul3A_2469 = vector.broadcast %mul3A_2468 : i32 to vector<32x256xi32>
    %mul3A_2470 = arith.muli %iota3A, %mul3A_2469 : vector<32x256xi32>
    %add3A_2471 = arith.constant 98 : i32
    %add3A_2472 = vector.broadcast %add3A_2471 : i32 to vector<32x256xi32>
    %add3A_2473 = arith.addi %mul3A_2470, %add3A_2472 : vector<32x256xi32>
    %eq3A_2474 = vector.broadcast %select_n3A : vector<1x256xi32> to vector<32x256xi32>
    %eq3A_2475 = arith.cmpi eq, %add3A_2473, %eq3A_2474 : vector<32x256xi32>
    %slice3A_2476 = vector.extract_strided_slice %reshape3A {offsets = [98, 0, 0], sizes = [1, 32, 256], strides = [1, 1, 1]} : vector<128x32x256xf32> to vector<1x32x256xf32>
    %squeeze3A_2477 = vector.shape_cast %slice3A_2476 : vector<1x32x256xf32> to vector<32x256xf32>
    %jit3A_2478 = arith.constant 0.000000e+00 : f32
    %broadcast_in_dim3A_2479 = vector.broadcast %jit3A_2478 : f32 to vector<32x256xf32>
    %select_n3A_2480 = arith.select %eq3A_2475, %squeeze3A_2477, %broadcast_in_dim3A_2479 : vector<32x256xi1>, vector<32x256xf32>
    %add3A_2481 = arith.addf %add3A_2467, %select_n3A_2480 : vector<32x256xf32>
    %mul3A_2482 = arith.constant 128 : i32
    %mul3A_2483 = vector.broadcast %mul3A_2482 : i32 to vector<32x256xi32>
    %mul3A_2484 = arith.muli %iota3A, %mul3A_2483 : vector<32x256xi32>
    %add3A_2485 = arith.constant 99 : i32
    %add3A_2486 = vector.broadcast %add3A_2485 : i32 to vector<32x256xi32>
    %add3A_2487 = arith.addi %mul3A_2484, %add3A_2486 : vector<32x256xi32>
    %eq3A_2488 = vector.broadcast %select_n3A : vector<1x256xi32> to vector<32x256xi32>
    %eq3A_2489 = arith.cmpi eq, %add3A_2487, %eq3A_2488 : vector<32x256xi32>
    %slice3A_2490 = vector.extract_strided_slice %reshape3A {offsets = [99, 0, 0], sizes = [1, 32, 256], strides = [1, 1, 1]} : vector<128x32x256xf32> to vector<1x32x256xf32>
    %squeeze3A_2491 = vector.shape_cast %slice3A_2490 : vector<1x32x256xf32> to vector<32x256xf32>
    %jit3A_2492 = arith.constant 0.000000e+00 : f32
    %broadcast_in_dim3A_2493 = vector.broadcast %jit3A_2492 : f32 to vector<32x256xf32>
    %select_n3A_2494 = arith.select %eq3A_2489, %squeeze3A_2491, %broadcast_in_dim3A_2493 : vector<32x256xi1>, vector<32x256xf32>
    %add3A_2495 = arith.addf %add3A_2481, %select_n3A_2494 : vector<32x256xf32>
    %mul3A_2496 = arith.constant 128 : i32
    %mul3A_2497 = vector.broadcast %mul3A_2496 : i32 to vector<32x256xi32>
    %mul3A_2498 = arith.muli %iota3A, %mul3A_2497 : vector<32x256xi32>
    %add3A_2499 = arith.constant 100 : i32
    %add3A_2500 = vector.broadcast %add3A_2499 : i32 to vector<32x256xi32>
    %add3A_2501 = arith.addi %mul3A_2498, %add3A_2500 : vector<32x256xi32>
    %eq3A_2502 = vector.broadcast %select_n3A : vector<1x256xi32> to vector<32x256xi32>
    %eq3A_2503 = arith.cmpi eq, %add3A_2501, %eq3A_2502 : vector<32x256xi32>
    %slice3A_2504 = vector.extract_strided_slice %reshape3A {offsets = [100, 0, 0], sizes = [1, 32, 256], strides = [1, 1, 1]} : vector<128x32x256xf32> to vector<1x32x256xf32>
    %squeeze3A_2505 = vector.shape_cast %slice3A_2504 : vector<1x32x256xf32> to vector<32x256xf32>
    %jit3A_2506 = arith.constant 0.000000e+00 : f32
    %broadcast_in_dim3A_2507 = vector.broadcast %jit3A_2506 : f32 to vector<32x256xf32>
    %select_n3A_2508 = arith.select %eq3A_2503, %squeeze3A_2505, %broadcast_in_dim3A_2507 : vector<32x256xi1>, vector<32x256xf32>
    %add3A_2509 = arith.addf %add3A_2495, %select_n3A_2508 : vector<32x256xf32>
    %mul3A_2510 = arith.constant 128 : i32
    %mul3A_2511 = vector.broadcast %mul3A_2510 : i32 to vector<32x256xi32>
    %mul3A_2512 = arith.muli %iota3A, %mul3A_2511 : vector<32x256xi32>
    %add3A_2513 = arith.constant 101 : i32
    %add3A_2514 = vector.broadcast %add3A_2513 : i32 to vector<32x256xi32>
    %add3A_2515 = arith.addi %mul3A_2512, %add3A_2514 : vector<32x256xi32>
    %eq3A_2516 = vector.broadcast %select_n3A : vector<1x256xi32> to vector<32x256xi32>
    %eq3A_2517 = arith.cmpi eq, %add3A_2515, %eq3A_2516 : vector<32x256xi32>
    %slice3A_2518 = vector.extract_strided_slice %reshape3A {offsets = [101, 0, 0], sizes = [1, 32, 256], strides = [1, 1, 1]} : vector<128x32x256xf32> to vector<1x32x256xf32>
    %squeeze3A_2519 = vector.shape_cast %slice3A_2518 : vector<1x32x256xf32> to vector<32x256xf32>
    %jit3A_2520 = arith.constant 0.000000e+00 : f32
    %broadcast_in_dim3A_2521 = vector.broadcast %jit3A_2520 : f32 to vector<32x256xf32>
    %select_n3A_2522 = arith.select %eq3A_2517, %squeeze3A_2519, %broadcast_in_dim3A_2521 : vector<32x256xi1>, vector<32x256xf32>
    %add3A_2523 = arith.addf %add3A_2509, %select_n3A_2522 : vector<32x256xf32>
    %mul3A_2524 = arith.constant 128 : i32
    %mul3A_2525 = vector.broadcast %mul3A_2524 : i32 to vector<32x256xi32>
    %mul3A_2526 = arith.muli %iota3A, %mul3A_2525 : vector<32x256xi32>
    %add3A_2527 = arith.constant 102 : i32
    %add3A_2528 = vector.broadcast %add3A_2527 : i32 to vector<32x256xi32>
    %add3A_2529 = arith.addi %mul3A_2526, %add3A_2528 : vector<32x256xi32>
    %eq3A_2530 = vector.broadcast %select_n3A : vector<1x256xi32> to vector<32x256xi32>
    %eq3A_2531 = arith.cmpi eq, %add3A_2529, %eq3A_2530 : vector<32x256xi32>
    %slice3A_2532 = vector.extract_strided_slice %reshape3A {offsets = [102, 0, 0], sizes = [1, 32, 256], strides = [1, 1, 1]} : vector<128x32x256xf32> to vector<1x32x256xf32>
    %squeeze3A_2533 = vector.shape_cast %slice3A_2532 : vector<1x32x256xf32> to vector<32x256xf32>
    %jit3A_2534 = arith.constant 0.000000e+00 : f32
    %broadcast_in_dim3A_2535 = vector.broadcast %jit3A_2534 : f32 to vector<32x256xf32>
    %select_n3A_2536 = arith.select %eq3A_2531, %squeeze3A_2533, %broadcast_in_dim3A_2535 : vector<32x256xi1>, vector<32x256xf32>
    %add3A_2537 = arith.addf %add3A_2523, %select_n3A_2536 : vector<32x256xf32>
    %mul3A_2538 = arith.constant 128 : i32
    %mul3A_2539 = vector.broadcast %mul3A_2538 : i32 to vector<32x256xi32>
    %mul3A_2540 = arith.muli %iota3A, %mul3A_2539 : vector<32x256xi32>
    %add3A_2541 = arith.constant 103 : i32
    %add3A_2542 = vector.broadcast %add3A_2541 : i32 to vector<32x256xi32>
    %add3A_2543 = arith.addi %mul3A_2540, %add3A_2542 : vector<32x256xi32>
    %eq3A_2544 = vector.broadcast %select_n3A : vector<1x256xi32> to vector<32x256xi32>
    %eq3A_2545 = arith.cmpi eq, %add3A_2543, %eq3A_2544 : vector<32x256xi32>
    %slice3A_2546 = vector.extract_strided_slice %reshape3A {offsets = [103, 0, 0], sizes = [1, 32, 256], strides = [1, 1, 1]} : vector<128x32x256xf32> to vector<1x32x256xf32>
    %squeeze3A_2547 = vector.shape_cast %slice3A_2546 : vector<1x32x256xf32> to vector<32x256xf32>
    %jit3A_2548 = arith.constant 0.000000e+00 : f32
    %broadcast_in_dim3A_2549 = vector.broadcast %jit3A_2548 : f32 to vector<32x256xf32>
    %select_n3A_2550 = arith.select %eq3A_2545, %squeeze3A_2547, %broadcast_in_dim3A_2549 : vector<32x256xi1>, vector<32x256xf32>
    %add3A_2551 = arith.addf %add3A_2537, %select_n3A_2550 : vector<32x256xf32>
    %mul3A_2552 = arith.constant 128 : i32
    %mul3A_2553 = vector.broadcast %mul3A_2552 : i32 to vector<32x256xi32>
    %mul3A_2554 = arith.muli %iota3A, %mul3A_2553 : vector<32x256xi32>
    %add3A_2555 = arith.constant 104 : i32
    %add3A_2556 = vector.broadcast %add3A_2555 : i32 to vector<32x256xi32>
    %add3A_2557 = arith.addi %mul3A_2554, %add3A_2556 : vector<32x256xi32>
    %eq3A_2558 = vector.broadcast %select_n3A : vector<1x256xi32> to vector<32x256xi32>
    %eq3A_2559 = arith.cmpi eq, %add3A_2557, %eq3A_2558 : vector<32x256xi32>
    %slice3A_2560 = vector.extract_strided_slice %reshape3A {offsets = [104, 0, 0], sizes = [1, 32, 256], strides = [1, 1, 1]} : vector<128x32x256xf32> to vector<1x32x256xf32>
    %squeeze3A_2561 = vector.shape_cast %slice3A_2560 : vector<1x32x256xf32> to vector<32x256xf32>
    %jit3A_2562 = arith.constant 0.000000e+00 : f32
    %broadcast_in_dim3A_2563 = vector.broadcast %jit3A_2562 : f32 to vector<32x256xf32>
    %select_n3A_2564 = arith.select %eq3A_2559, %squeeze3A_2561, %broadcast_in_dim3A_2563 : vector<32x256xi1>, vector<32x256xf32>
    %add3A_2565 = arith.addf %add3A_2551, %select_n3A_2564 : vector<32x256xf32>
    %mul3A_2566 = arith.constant 128 : i32
    %mul3A_2567 = vector.broadcast %mul3A_2566 : i32 to vector<32x256xi32>
    %mul3A_2568 = arith.muli %iota3A, %mul3A_2567 : vector<32x256xi32>
    %add3A_2569 = arith.constant 105 : i32
    %add3A_2570 = vector.broadcast %add3A_2569 : i32 to vector<32x256xi32>
    %add3A_2571 = arith.addi %mul3A_2568, %add3A_2570 : vector<32x256xi32>
    %eq3A_2572 = vector.broadcast %select_n3A : vector<1x256xi32> to vector<32x256xi32>
    %eq3A_2573 = arith.cmpi eq, %add3A_2571, %eq3A_2572 : vector<32x256xi32>
    %slice3A_2574 = vector.extract_strided_slice %reshape3A {offsets = [105, 0, 0], sizes = [1, 32, 256], strides = [1, 1, 1]} : vector<128x32x256xf32> to vector<1x32x256xf32>
    %squeeze3A_2575 = vector.shape_cast %slice3A_2574 : vector<1x32x256xf32> to vector<32x256xf32>
    %jit3A_2576 = arith.constant 0.000000e+00 : f32
    %broadcast_in_dim3A_2577 = vector.broadcast %jit3A_2576 : f32 to vector<32x256xf32>
    %select_n3A_2578 = arith.select %eq3A_2573, %squeeze3A_2575, %broadcast_in_dim3A_2577 : vector<32x256xi1>, vector<32x256xf32>
    %add3A_2579 = arith.addf %add3A_2565, %select_n3A_2578 : vector<32x256xf32>
    %mul3A_2580 = arith.constant 128 : i32
    %mul3A_2581 = vector.broadcast %mul3A_2580 : i32 to vector<32x256xi32>
    %mul3A_2582 = arith.muli %iota3A, %mul3A_2581 : vector<32x256xi32>
    %add3A_2583 = arith.constant 106 : i32
    %add3A_2584 = vector.broadcast %add3A_2583 : i32 to vector<32x256xi32>
    %add3A_2585 = arith.addi %mul3A_2582, %add3A_2584 : vector<32x256xi32>
    %eq3A_2586 = vector.broadcast %select_n3A : vector<1x256xi32> to vector<32x256xi32>
    %eq3A_2587 = arith.cmpi eq, %add3A_2585, %eq3A_2586 : vector<32x256xi32>
    %slice3A_2588 = vector.extract_strided_slice %reshape3A {offsets = [106, 0, 0], sizes = [1, 32, 256], strides = [1, 1, 1]} : vector<128x32x256xf32> to vector<1x32x256xf32>
    %squeeze3A_2589 = vector.shape_cast %slice3A_2588 : vector<1x32x256xf32> to vector<32x256xf32>
    %jit3A_2590 = arith.constant 0.000000e+00 : f32
    %broadcast_in_dim3A_2591 = vector.broadcast %jit3A_2590 : f32 to vector<32x256xf32>
    %select_n3A_2592 = arith.select %eq3A_2587, %squeeze3A_2589, %broadcast_in_dim3A_2591 : vector<32x256xi1>, vector<32x256xf32>
    %add3A_2593 = arith.addf %add3A_2579, %select_n3A_2592 : vector<32x256xf32>
    %mul3A_2594 = arith.constant 128 : i32
    %mul3A_2595 = vector.broadcast %mul3A_2594 : i32 to vector<32x256xi32>
    %mul3A_2596 = arith.muli %iota3A, %mul3A_2595 : vector<32x256xi32>
    %add3A_2597 = arith.constant 107 : i32
    %add3A_2598 = vector.broadcast %add3A_2597 : i32 to vector<32x256xi32>
    %add3A_2599 = arith.addi %mul3A_2596, %add3A_2598 : vector<32x256xi32>
    %eq3A_2600 = vector.broadcast %select_n3A : vector<1x256xi32> to vector<32x256xi32>
    %eq3A_2601 = arith.cmpi eq, %add3A_2599, %eq3A_2600 : vector<32x256xi32>
    %slice3A_2602 = vector.extract_strided_slice %reshape3A {offsets = [107, 0, 0], sizes = [1, 32, 256], strides = [1, 1, 1]} : vector<128x32x256xf32> to vector<1x32x256xf32>
    %squeeze3A_2603 = vector.shape_cast %slice3A_2602 : vector<1x32x256xf32> to vector<32x256xf32>
    %jit3A_2604 = arith.constant 0.000000e+00 : f32
    %broadcast_in_dim3A_2605 = vector.broadcast %jit3A_2604 : f32 to vector<32x256xf32>
    %select_n3A_2606 = arith.select %eq3A_2601, %squeeze3A_2603, %broadcast_in_dim3A_2605 : vector<32x256xi1>, vector<32x256xf32>
    %add3A_2607 = arith.addf %add3A_2593, %select_n3A_2606 : vector<32x256xf32>
    %mul3A_2608 = arith.constant 128 : i32
    %mul3A_2609 = vector.broadcast %mul3A_2608 : i32 to vector<32x256xi32>
    %mul3A_2610 = arith.muli %iota3A, %mul3A_2609 : vector<32x256xi32>
    %add3A_2611 = arith.constant 108 : i32
    %add3A_2612 = vector.broadcast %add3A_2611 : i32 to vector<32x256xi32>
    %add3A_2613 = arith.addi %mul3A_2610, %add3A_2612 : vector<32x256xi32>
    %eq3A_2614 = vector.broadcast %select_n3A : vector<1x256xi32> to vector<32x256xi32>
    %eq3A_2615 = arith.cmpi eq, %add3A_2613, %eq3A_2614 : vector<32x256xi32>
    %slice3A_2616 = vector.extract_strided_slice %reshape3A {offsets = [108, 0, 0], sizes = [1, 32, 256], strides = [1, 1, 1]} : vector<128x32x256xf32> to vector<1x32x256xf32>
    %squeeze3A_2617 = vector.shape_cast %slice3A_2616 : vector<1x32x256xf32> to vector<32x256xf32>
    %jit3A_2618 = arith.constant 0.000000e+00 : f32
    %broadcast_in_dim3A_2619 = vector.broadcast %jit3A_2618 : f32 to vector<32x256xf32>
    %select_n3A_2620 = arith.select %eq3A_2615, %squeeze3A_2617, %broadcast_in_dim3A_2619 : vector<32x256xi1>, vector<32x256xf32>
    %add3A_2621 = arith.addf %add3A_2607, %select_n3A_2620 : vector<32x256xf32>
    %mul3A_2622 = arith.constant 128 : i32
    %mul3A_2623 = vector.broadcast %mul3A_2622 : i32 to vector<32x256xi32>
    %mul3A_2624 = arith.muli %iota3A, %mul3A_2623 : vector<32x256xi32>
    %add3A_2625 = arith.constant 109 : i32
    %add3A_2626 = vector.broadcast %add3A_2625 : i32 to vector<32x256xi32>
    %add3A_2627 = arith.addi %mul3A_2624, %add3A_2626 : vector<32x256xi32>
    %eq3A_2628 = vector.broadcast %select_n3A : vector<1x256xi32> to vector<32x256xi32>
    %eq3A_2629 = arith.cmpi eq, %add3A_2627, %eq3A_2628 : vector<32x256xi32>
    %slice3A_2630 = vector.extract_strided_slice %reshape3A {offsets = [109, 0, 0], sizes = [1, 32, 256], strides = [1, 1, 1]} : vector<128x32x256xf32> to vector<1x32x256xf32>
    %squeeze3A_2631 = vector.shape_cast %slice3A_2630 : vector<1x32x256xf32> to vector<32x256xf32>
    %jit3A_2632 = arith.constant 0.000000e+00 : f32
    %broadcast_in_dim3A_2633 = vector.broadcast %jit3A_2632 : f32 to vector<32x256xf32>
    %select_n3A_2634 = arith.select %eq3A_2629, %squeeze3A_2631, %broadcast_in_dim3A_2633 : vector<32x256xi1>, vector<32x256xf32>
    %add3A_2635 = arith.addf %add3A_2621, %select_n3A_2634 : vector<32x256xf32>
    %mul3A_2636 = arith.constant 128 : i32
    %mul3A_2637 = vector.broadcast %mul3A_2636 : i32 to vector<32x256xi32>
    %mul3A_2638 = arith.muli %iota3A, %mul3A_2637 : vector<32x256xi32>
    %add3A_2639 = arith.constant 110 : i32
    %add3A_2640 = vector.broadcast %add3A_2639 : i32 to vector<32x256xi32>
    %add3A_2641 = arith.addi %mul3A_2638, %add3A_2640 : vector<32x256xi32>
    %eq3A_2642 = vector.broadcast %select_n3A : vector<1x256xi32> to vector<32x256xi32>
    %eq3A_2643 = arith.cmpi eq, %add3A_2641, %eq3A_2642 : vector<32x256xi32>
    %slice3A_2644 = vector.extract_strided_slice %reshape3A {offsets = [110, 0, 0], sizes = [1, 32, 256], strides = [1, 1, 1]} : vector<128x32x256xf32> to vector<1x32x256xf32>
    %squeeze3A_2645 = vector.shape_cast %slice3A_2644 : vector<1x32x256xf32> to vector<32x256xf32>
    %jit3A_2646 = arith.constant 0.000000e+00 : f32
    %broadcast_in_dim3A_2647 = vector.broadcast %jit3A_2646 : f32 to vector<32x256xf32>
    %select_n3A_2648 = arith.select %eq3A_2643, %squeeze3A_2645, %broadcast_in_dim3A_2647 : vector<32x256xi1>, vector<32x256xf32>
    %add3A_2649 = arith.addf %add3A_2635, %select_n3A_2648 : vector<32x256xf32>
    %mul3A_2650 = arith.constant 128 : i32
    %mul3A_2651 = vector.broadcast %mul3A_2650 : i32 to vector<32x256xi32>
    %mul3A_2652 = arith.muli %iota3A, %mul3A_2651 : vector<32x256xi32>
    %add3A_2653 = arith.constant 111 : i32
    %add3A_2654 = vector.broadcast %add3A_2653 : i32 to vector<32x256xi32>
    %add3A_2655 = arith.addi %mul3A_2652, %add3A_2654 : vector<32x256xi32>
    %eq3A_2656 = vector.broadcast %select_n3A : vector<1x256xi32> to vector<32x256xi32>
    %eq3A_2657 = arith.cmpi eq, %add3A_2655, %eq3A_2656 : vector<32x256xi32>
    %slice3A_2658 = vector.extract_strided_slice %reshape3A {offsets = [111, 0, 0], sizes = [1, 32, 256], strides = [1, 1, 1]} : vector<128x32x256xf32> to vector<1x32x256xf32>
    %squeeze3A_2659 = vector.shape_cast %slice3A_2658 : vector<1x32x256xf32> to vector<32x256xf32>
    %jit3A_2660 = arith.constant 0.000000e+00 : f32
    %broadcast_in_dim3A_2661 = vector.broadcast %jit3A_2660 : f32 to vector<32x256xf32>
    %select_n3A_2662 = arith.select %eq3A_2657, %squeeze3A_2659, %broadcast_in_dim3A_2661 : vector<32x256xi1>, vector<32x256xf32>
    %add3A_2663 = arith.addf %add3A_2649, %select_n3A_2662 : vector<32x256xf32>
    %mul3A_2664 = arith.constant 128 : i32
    %mul3A_2665 = vector.broadcast %mul3A_2664 : i32 to vector<32x256xi32>
    %mul3A_2666 = arith.muli %iota3A, %mul3A_2665 : vector<32x256xi32>
    %add3A_2667 = arith.constant 112 : i32
    %add3A_2668 = vector.broadcast %add3A_2667 : i32 to vector<32x256xi32>
    %add3A_2669 = arith.addi %mul3A_2666, %add3A_2668 : vector<32x256xi32>
    %eq3A_2670 = vector.broadcast %select_n3A : vector<1x256xi32> to vector<32x256xi32>
    %eq3A_2671 = arith.cmpi eq, %add3A_2669, %eq3A_2670 : vector<32x256xi32>
    %slice3A_2672 = vector.extract_strided_slice %reshape3A {offsets = [112, 0, 0], sizes = [1, 32, 256], strides = [1, 1, 1]} : vector<128x32x256xf32> to vector<1x32x256xf32>
    %squeeze3A_2673 = vector.shape_cast %slice3A_2672 : vector<1x32x256xf32> to vector<32x256xf32>
    %jit3A_2674 = arith.constant 0.000000e+00 : f32
    %broadcast_in_dim3A_2675 = vector.broadcast %jit3A_2674 : f32 to vector<32x256xf32>
    %select_n3A_2676 = arith.select %eq3A_2671, %squeeze3A_2673, %broadcast_in_dim3A_2675 : vector<32x256xi1>, vector<32x256xf32>
    %add3A_2677 = arith.addf %add3A_2663, %select_n3A_2676 : vector<32x256xf32>
    %mul3A_2678 = arith.constant 128 : i32
    %mul3A_2679 = vector.broadcast %mul3A_2678 : i32 to vector<32x256xi32>
    %mul3A_2680 = arith.muli %iota3A, %mul3A_2679 : vector<32x256xi32>
    %add3A_2681 = arith.constant 113 : i32
    %add3A_2682 = vector.broadcast %add3A_2681 : i32 to vector<32x256xi32>
    %add3A_2683 = arith.addi %mul3A_2680, %add3A_2682 : vector<32x256xi32>
    %eq3A_2684 = vector.broadcast %select_n3A : vector<1x256xi32> to vector<32x256xi32>
    %eq3A_2685 = arith.cmpi eq, %add3A_2683, %eq3A_2684 : vector<32x256xi32>
    %slice3A_2686 = vector.extract_strided_slice %reshape3A {offsets = [113, 0, 0], sizes = [1, 32, 256], strides = [1, 1, 1]} : vector<128x32x256xf32> to vector<1x32x256xf32>
    %squeeze3A_2687 = vector.shape_cast %slice3A_2686 : vector<1x32x256xf32> to vector<32x256xf32>
    %jit3A_2688 = arith.constant 0.000000e+00 : f32
    %broadcast_in_dim3A_2689 = vector.broadcast %jit3A_2688 : f32 to vector<32x256xf32>
    %select_n3A_2690 = arith.select %eq3A_2685, %squeeze3A_2687, %broadcast_in_dim3A_2689 : vector<32x256xi1>, vector<32x256xf32>
    %add3A_2691 = arith.addf %add3A_2677, %select_n3A_2690 : vector<32x256xf32>
    %mul3A_2692 = arith.constant 128 : i32
    %mul3A_2693 = vector.broadcast %mul3A_2692 : i32 to vector<32x256xi32>
    %mul3A_2694 = arith.muli %iota3A, %mul3A_2693 : vector<32x256xi32>
    %add3A_2695 = arith.constant 114 : i32
    %add3A_2696 = vector.broadcast %add3A_2695 : i32 to vector<32x256xi32>
    %add3A_2697 = arith.addi %mul3A_2694, %add3A_2696 : vector<32x256xi32>
    %eq3A_2698 = vector.broadcast %select_n3A : vector<1x256xi32> to vector<32x256xi32>
    %eq3A_2699 = arith.cmpi eq, %add3A_2697, %eq3A_2698 : vector<32x256xi32>
    %slice3A_2700 = vector.extract_strided_slice %reshape3A {offsets = [114, 0, 0], sizes = [1, 32, 256], strides = [1, 1, 1]} : vector<128x32x256xf32> to vector<1x32x256xf32>
    %squeeze3A_2701 = vector.shape_cast %slice3A_2700 : vector<1x32x256xf32> to vector<32x256xf32>
    %jit3A_2702 = arith.constant 0.000000e+00 : f32
    %broadcast_in_dim3A_2703 = vector.broadcast %jit3A_2702 : f32 to vector<32x256xf32>
    %select_n3A_2704 = arith.select %eq3A_2699, %squeeze3A_2701, %broadcast_in_dim3A_2703 : vector<32x256xi1>, vector<32x256xf32>
    %add3A_2705 = arith.addf %add3A_2691, %select_n3A_2704 : vector<32x256xf32>
    %mul3A_2706 = arith.constant 128 : i32
    %mul3A_2707 = vector.broadcast %mul3A_2706 : i32 to vector<32x256xi32>
    %mul3A_2708 = arith.muli %iota3A, %mul3A_2707 : vector<32x256xi32>
    %add3A_2709 = arith.constant 115 : i32
    %add3A_2710 = vector.broadcast %add3A_2709 : i32 to vector<32x256xi32>
    %add3A_2711 = arith.addi %mul3A_2708, %add3A_2710 : vector<32x256xi32>
    %eq3A_2712 = vector.broadcast %select_n3A : vector<1x256xi32> to vector<32x256xi32>
    %eq3A_2713 = arith.cmpi eq, %add3A_2711, %eq3A_2712 : vector<32x256xi32>
    %slice3A_2714 = vector.extract_strided_slice %reshape3A {offsets = [115, 0, 0], sizes = [1, 32, 256], strides = [1, 1, 1]} : vector<128x32x256xf32> to vector<1x32x256xf32>
    %squeeze3A_2715 = vector.shape_cast %slice3A_2714 : vector<1x32x256xf32> to vector<32x256xf32>
    %jit3A_2716 = arith.constant 0.000000e+00 : f32
    %broadcast_in_dim3A_2717 = vector.broadcast %jit3A_2716 : f32 to vector<32x256xf32>
    %select_n3A_2718 = arith.select %eq3A_2713, %squeeze3A_2715, %broadcast_in_dim3A_2717 : vector<32x256xi1>, vector<32x256xf32>
    %add3A_2719 = arith.addf %add3A_2705, %select_n3A_2718 : vector<32x256xf32>
    %mul3A_2720 = arith.constant 128 : i32
    %mul3A_2721 = vector.broadcast %mul3A_2720 : i32 to vector<32x256xi32>
    %mul3A_2722 = arith.muli %iota3A, %mul3A_2721 : vector<32x256xi32>
    %add3A_2723 = arith.constant 116 : i32
    %add3A_2724 = vector.broadcast %add3A_2723 : i32 to vector<32x256xi32>
    %add3A_2725 = arith.addi %mul3A_2722, %add3A_2724 : vector<32x256xi32>
    %eq3A_2726 = vector.broadcast %select_n3A : vector<1x256xi32> to vector<32x256xi32>
    %eq3A_2727 = arith.cmpi eq, %add3A_2725, %eq3A_2726 : vector<32x256xi32>
    %slice3A_2728 = vector.extract_strided_slice %reshape3A {offsets = [116, 0, 0], sizes = [1, 32, 256], strides = [1, 1, 1]} : vector<128x32x256xf32> to vector<1x32x256xf32>
    %squeeze3A_2729 = vector.shape_cast %slice3A_2728 : vector<1x32x256xf32> to vector<32x256xf32>
    %jit3A_2730 = arith.constant 0.000000e+00 : f32
    %broadcast_in_dim3A_2731 = vector.broadcast %jit3A_2730 : f32 to vector<32x256xf32>
    %select_n3A_2732 = arith.select %eq3A_2727, %squeeze3A_2729, %broadcast_in_dim3A_2731 : vector<32x256xi1>, vector<32x256xf32>
    %add3A_2733 = arith.addf %add3A_2719, %select_n3A_2732 : vector<32x256xf32>
    %mul3A_2734 = arith.constant 128 : i32
    %mul3A_2735 = vector.broadcast %mul3A_2734 : i32 to vector<32x256xi32>
    %mul3A_2736 = arith.muli %iota3A, %mul3A_2735 : vector<32x256xi32>
    %add3A_2737 = arith.constant 117 : i32
    %add3A_2738 = vector.broadcast %add3A_2737 : i32 to vector<32x256xi32>
    %add3A_2739 = arith.addi %mul3A_2736, %add3A_2738 : vector<32x256xi32>
    %eq3A_2740 = vector.broadcast %select_n3A : vector<1x256xi32> to vector<32x256xi32>
    %eq3A_2741 = arith.cmpi eq, %add3A_2739, %eq3A_2740 : vector<32x256xi32>
    %slice3A_2742 = vector.extract_strided_slice %reshape3A {offsets = [117, 0, 0], sizes = [1, 32, 256], strides = [1, 1, 1]} : vector<128x32x256xf32> to vector<1x32x256xf32>
    %squeeze3A_2743 = vector.shape_cast %slice3A_2742 : vector<1x32x256xf32> to vector<32x256xf32>
    %jit3A_2744 = arith.constant 0.000000e+00 : f32
    %broadcast_in_dim3A_2745 = vector.broadcast %jit3A_2744 : f32 to vector<32x256xf32>
    %select_n3A_2746 = arith.select %eq3A_2741, %squeeze3A_2743, %broadcast_in_dim3A_2745 : vector<32x256xi1>, vector<32x256xf32>
    %add3A_2747 = arith.addf %add3A_2733, %select_n3A_2746 : vector<32x256xf32>
    %mul3A_2748 = arith.constant 128 : i32
    %mul3A_2749 = vector.broadcast %mul3A_2748 : i32 to vector<32x256xi32>
    %mul3A_2750 = arith.muli %iota3A, %mul3A_2749 : vector<32x256xi32>
    %add3A_2751 = arith.constant 118 : i32
    %add3A_2752 = vector.broadcast %add3A_2751 : i32 to vector<32x256xi32>
    %add3A_2753 = arith.addi %mul3A_2750, %add3A_2752 : vector<32x256xi32>
    %eq3A_2754 = vector.broadcast %select_n3A : vector<1x256xi32> to vector<32x256xi32>
    %eq3A_2755 = arith.cmpi eq, %add3A_2753, %eq3A_2754 : vector<32x256xi32>
    %slice3A_2756 = vector.extract_strided_slice %reshape3A {offsets = [118, 0, 0], sizes = [1, 32, 256], strides = [1, 1, 1]} : vector<128x32x256xf32> to vector<1x32x256xf32>
    %squeeze3A_2757 = vector.shape_cast %slice3A_2756 : vector<1x32x256xf32> to vector<32x256xf32>
    %jit3A_2758 = arith.constant 0.000000e+00 : f32
    %broadcast_in_dim3A_2759 = vector.broadcast %jit3A_2758 : f32 to vector<32x256xf32>
    %select_n3A_2760 = arith.select %eq3A_2755, %squeeze3A_2757, %broadcast_in_dim3A_2759 : vector<32x256xi1>, vector<32x256xf32>
    %add3A_2761 = arith.addf %add3A_2747, %select_n3A_2760 : vector<32x256xf32>
    %mul3A_2762 = arith.constant 128 : i32
    %mul3A_2763 = vector.broadcast %mul3A_2762 : i32 to vector<32x256xi32>
    %mul3A_2764 = arith.muli %iota3A, %mul3A_2763 : vector<32x256xi32>
    %add3A_2765 = arith.constant 119 : i32
    %add3A_2766 = vector.broadcast %add3A_2765 : i32 to vector<32x256xi32>
    %add3A_2767 = arith.addi %mul3A_2764, %add3A_2766 : vector<32x256xi32>
    %eq3A_2768 = vector.broadcast %select_n3A : vector<1x256xi32> to vector<32x256xi32>
    %eq3A_2769 = arith.cmpi eq, %add3A_2767, %eq3A_2768 : vector<32x256xi32>
    %slice3A_2770 = vector.extract_strided_slice %reshape3A {offsets = [119, 0, 0], sizes = [1, 32, 256], strides = [1, 1, 1]} : vector<128x32x256xf32> to vector<1x32x256xf32>
    %squeeze3A_2771 = vector.shape_cast %slice3A_2770 : vector<1x32x256xf32> to vector<32x256xf32>
    %jit3A_2772 = arith.constant 0.000000e+00 : f32
    %broadcast_in_dim3A_2773 = vector.broadcast %jit3A_2772 : f32 to vector<32x256xf32>
    %select_n3A_2774 = arith.select %eq3A_2769, %squeeze3A_2771, %broadcast_in_dim3A_2773 : vector<32x256xi1>, vector<32x256xf32>
    %add3A_2775 = arith.addf %add3A_2761, %select_n3A_2774 : vector<32x256xf32>
    %mul3A_2776 = arith.constant 128 : i32
    %mul3A_2777 = vector.broadcast %mul3A_2776 : i32 to vector<32x256xi32>
    %mul3A_2778 = arith.muli %iota3A, %mul3A_2777 : vector<32x256xi32>
    %add3A_2779 = arith.constant 120 : i32
    %add3A_2780 = vector.broadcast %add3A_2779 : i32 to vector<32x256xi32>
    %add3A_2781 = arith.addi %mul3A_2778, %add3A_2780 : vector<32x256xi32>
    %eq3A_2782 = vector.broadcast %select_n3A : vector<1x256xi32> to vector<32x256xi32>
    %eq3A_2783 = arith.cmpi eq, %add3A_2781, %eq3A_2782 : vector<32x256xi32>
    %slice3A_2784 = vector.extract_strided_slice %reshape3A {offsets = [120, 0, 0], sizes = [1, 32, 256], strides = [1, 1, 1]} : vector<128x32x256xf32> to vector<1x32x256xf32>
    %squeeze3A_2785 = vector.shape_cast %slice3A_2784 : vector<1x32x256xf32> to vector<32x256xf32>
    %jit3A_2786 = arith.constant 0.000000e+00 : f32
    %broadcast_in_dim3A_2787 = vector.broadcast %jit3A_2786 : f32 to vector<32x256xf32>
    %select_n3A_2788 = arith.select %eq3A_2783, %squeeze3A_2785, %broadcast_in_dim3A_2787 : vector<32x256xi1>, vector<32x256xf32>
    %add3A_2789 = arith.addf %add3A_2775, %select_n3A_2788 : vector<32x256xf32>
    %mul3A_2790 = arith.constant 128 : i32
    %mul3A_2791 = vector.broadcast %mul3A_2790 : i32 to vector<32x256xi32>
    %mul3A_2792 = arith.muli %iota3A, %mul3A_2791 : vector<32x256xi32>
    %add3A_2793 = arith.constant 121 : i32
    %add3A_2794 = vector.broadcast %add3A_2793 : i32 to vector<32x256xi32>
    %add3A_2795 = arith.addi %mul3A_2792, %add3A_2794 : vector<32x256xi32>
    %eq3A_2796 = vector.broadcast %select_n3A : vector<1x256xi32> to vector<32x256xi32>
    %eq3A_2797 = arith.cmpi eq, %add3A_2795, %eq3A_2796 : vector<32x256xi32>
    %slice3A_2798 = vector.extract_strided_slice %reshape3A {offsets = [121, 0, 0], sizes = [1, 32, 256], strides = [1, 1, 1]} : vector<128x32x256xf32> to vector<1x32x256xf32>
    %squeeze3A_2799 = vector.shape_cast %slice3A_2798 : vector<1x32x256xf32> to vector<32x256xf32>
    %jit3A_2800 = arith.constant 0.000000e+00 : f32
    %broadcast_in_dim3A_2801 = vector.broadcast %jit3A_2800 : f32 to vector<32x256xf32>
    %select_n3A_2802 = arith.select %eq3A_2797, %squeeze3A_2799, %broadcast_in_dim3A_2801 : vector<32x256xi1>, vector<32x256xf32>
    %add3A_2803 = arith.addf %add3A_2789, %select_n3A_2802 : vector<32x256xf32>
    %mul3A_2804 = arith.constant 128 : i32
    %mul3A_2805 = vector.broadcast %mul3A_2804 : i32 to vector<32x256xi32>
    %mul3A_2806 = arith.muli %iota3A, %mul3A_2805 : vector<32x256xi32>
    %add3A_2807 = arith.constant 122 : i32
    %add3A_2808 = vector.broadcast %add3A_2807 : i32 to vector<32x256xi32>
    %add3A_2809 = arith.addi %mul3A_2806, %add3A_2808 : vector<32x256xi32>
    %eq3A_2810 = vector.broadcast %select_n3A : vector<1x256xi32> to vector<32x256xi32>
    %eq3A_2811 = arith.cmpi eq, %add3A_2809, %eq3A_2810 : vector<32x256xi32>
    %slice3A_2812 = vector.extract_strided_slice %reshape3A {offsets = [122, 0, 0], sizes = [1, 32, 256], strides = [1, 1, 1]} : vector<128x32x256xf32> to vector<1x32x256xf32>
    %squeeze3A_2813 = vector.shape_cast %slice3A_2812 : vector<1x32x256xf32> to vector<32x256xf32>
    %jit3A_2814 = arith.constant 0.000000e+00 : f32
    %broadcast_in_dim3A_2815 = vector.broadcast %jit3A_2814 : f32 to vector<32x256xf32>
    %select_n3A_2816 = arith.select %eq3A_2811, %squeeze3A_2813, %broadcast_in_dim3A_2815 : vector<32x256xi1>, vector<32x256xf32>
    %add3A_2817 = arith.addf %add3A_2803, %select_n3A_2816 : vector<32x256xf32>
    %mul3A_2818 = arith.constant 128 : i32
    %mul3A_2819 = vector.broadcast %mul3A_2818 : i32 to vector<32x256xi32>
    %mul3A_2820 = arith.muli %iota3A, %mul3A_2819 : vector<32x256xi32>
    %add3A_2821 = arith.constant 123 : i32
    %add3A_2822 = vector.broadcast %add3A_2821 : i32 to vector<32x256xi32>
    %add3A_2823 = arith.addi %mul3A_2820, %add3A_2822 : vector<32x256xi32>
    %eq3A_2824 = vector.broadcast %select_n3A : vector<1x256xi32> to vector<32x256xi32>
    %eq3A_2825 = arith.cmpi eq, %add3A_2823, %eq3A_2824 : vector<32x256xi32>
    %slice3A_2826 = vector.extract_strided_slice %reshape3A {offsets = [123, 0, 0], sizes = [1, 32, 256], strides = [1, 1, 1]} : vector<128x32x256xf32> to vector<1x32x256xf32>
    %squeeze3A_2827 = vector.shape_cast %slice3A_2826 : vector<1x32x256xf32> to vector<32x256xf32>
    %jit3A_2828 = arith.constant 0.000000e+00 : f32
    %broadcast_in_dim3A_2829 = vector.broadcast %jit3A_2828 : f32 to vector<32x256xf32>
    %select_n3A_2830 = arith.select %eq3A_2825, %squeeze3A_2827, %broadcast_in_dim3A_2829 : vector<32x256xi1>, vector<32x256xf32>
    %add3A_2831 = arith.addf %add3A_2817, %select_n3A_2830 : vector<32x256xf32>
    %mul3A_2832 = arith.constant 128 : i32
    %mul3A_2833 = vector.broadcast %mul3A_2832 : i32 to vector<32x256xi32>
    %mul3A_2834 = arith.muli %iota3A, %mul3A_2833 : vector<32x256xi32>
    %add3A_2835 = arith.constant 124 : i32
    %add3A_2836 = vector.broadcast %add3A_2835 : i32 to vector<32x256xi32>
    %add3A_2837 = arith.addi %mul3A_2834, %add3A_2836 : vector<32x256xi32>
    %eq3A_2838 = vector.broadcast %select_n3A : vector<1x256xi32> to vector<32x256xi32>
    %eq3A_2839 = arith.cmpi eq, %add3A_2837, %eq3A_2838 : vector<32x256xi32>
    %slice3A_2840 = vector.extract_strided_slice %reshape3A {offsets = [124, 0, 0], sizes = [1, 32, 256], strides = [1, 1, 1]} : vector<128x32x256xf32> to vector<1x32x256xf32>
    %squeeze3A_2841 = vector.shape_cast %slice3A_2840 : vector<1x32x256xf32> to vector<32x256xf32>
    %jit3A_2842 = arith.constant 0.000000e+00 : f32
    %broadcast_in_dim3A_2843 = vector.broadcast %jit3A_2842 : f32 to vector<32x256xf32>
    %select_n3A_2844 = arith.select %eq3A_2839, %squeeze3A_2841, %broadcast_in_dim3A_2843 : vector<32x256xi1>, vector<32x256xf32>
    %add3A_2845 = arith.addf %add3A_2831, %select_n3A_2844 : vector<32x256xf32>
    %mul3A_2846 = arith.constant 128 : i32
    %mul3A_2847 = vector.broadcast %mul3A_2846 : i32 to vector<32x256xi32>
    %mul3A_2848 = arith.muli %iota3A, %mul3A_2847 : vector<32x256xi32>
    %add3A_2849 = arith.constant 125 : i32
    %add3A_2850 = vector.broadcast %add3A_2849 : i32 to vector<32x256xi32>
    %add3A_2851 = arith.addi %mul3A_2848, %add3A_2850 : vector<32x256xi32>
    %eq3A_2852 = vector.broadcast %select_n3A : vector<1x256xi32> to vector<32x256xi32>
    %eq3A_2853 = arith.cmpi eq, %add3A_2851, %eq3A_2852 : vector<32x256xi32>
    %slice3A_2854 = vector.extract_strided_slice %reshape3A {offsets = [125, 0, 0], sizes = [1, 32, 256], strides = [1, 1, 1]} : vector<128x32x256xf32> to vector<1x32x256xf32>
    %squeeze3A_2855 = vector.shape_cast %slice3A_2854 : vector<1x32x256xf32> to vector<32x256xf32>
    %jit3A_2856 = arith.constant 0.000000e+00 : f32
    %broadcast_in_dim3A_2857 = vector.broadcast %jit3A_2856 : f32 to vector<32x256xf32>
    %select_n3A_2858 = arith.select %eq3A_2853, %squeeze3A_2855, %broadcast_in_dim3A_2857 : vector<32x256xi1>, vector<32x256xf32>
    %add3A_2859 = arith.addf %add3A_2845, %select_n3A_2858 : vector<32x256xf32>
    %mul3A_2860 = arith.constant 128 : i32
    %mul3A_2861 = vector.broadcast %mul3A_2860 : i32 to vector<32x256xi32>
    %mul3A_2862 = arith.muli %iota3A, %mul3A_2861 : vector<32x256xi32>
    %add3A_2863 = arith.constant 126 : i32
    %add3A_2864 = vector.broadcast %add3A_2863 : i32 to vector<32x256xi32>
    %add3A_2865 = arith.addi %mul3A_2862, %add3A_2864 : vector<32x256xi32>
    %eq3A_2866 = vector.broadcast %select_n3A : vector<1x256xi32> to vector<32x256xi32>
    %eq3A_2867 = arith.cmpi eq, %add3A_2865, %eq3A_2866 : vector<32x256xi32>
    %slice3A_2868 = vector.extract_strided_slice %reshape3A {offsets = [126, 0, 0], sizes = [1, 32, 256], strides = [1, 1, 1]} : vector<128x32x256xf32> to vector<1x32x256xf32>
    %squeeze3A_2869 = vector.shape_cast %slice3A_2868 : vector<1x32x256xf32> to vector<32x256xf32>
    %jit3A_2870 = arith.constant 0.000000e+00 : f32
    %broadcast_in_dim3A_2871 = vector.broadcast %jit3A_2870 : f32 to vector<32x256xf32>
    %select_n3A_2872 = arith.select %eq3A_2867, %squeeze3A_2869, %broadcast_in_dim3A_2871 : vector<32x256xi1>, vector<32x256xf32>
    %add3A_2873 = arith.addf %add3A_2859, %select_n3A_2872 : vector<32x256xf32>
    %mul3A_2874 = arith.constant 128 : i32
    %mul3A_2875 = vector.broadcast %mul3A_2874 : i32 to vector<32x256xi32>
    %mul3A_2876 = arith.muli %iota3A, %mul3A_2875 : vector<32x256xi32>
    %add3A_2877 = arith.constant 127 : i32
    %add3A_2878 = vector.broadcast %add3A_2877 : i32 to vector<32x256xi32>
    %add3A_2879 = arith.addi %mul3A_2876, %add3A_2878 : vector<32x256xi32>
    %eq3A_2880 = vector.broadcast %select_n3A : vector<1x256xi32> to vector<32x256xi32>
    %eq3A_2881 = arith.cmpi eq, %add3A_2879, %eq3A_2880 : vector<32x256xi32>
    %slice3A_2882 = vector.extract_strided_slice %reshape3A {offsets = [127, 0, 0], sizes = [1, 32, 256], strides = [1, 1, 1]} : vector<128x32x256xf32> to vector<1x32x256xf32>
    %squeeze3A_2883 = vector.shape_cast %slice3A_2882 : vector<1x32x256xf32> to vector<32x256xf32>
    %jit3A_2884 = arith.constant 0.000000e+00 : f32
    %broadcast_in_dim3A_2885 = vector.broadcast %jit3A_2884 : f32 to vector<32x256xf32>
    %select_n3A_2886 = arith.select %eq3A_2881, %squeeze3A_2883, %broadcast_in_dim3A_2885 : vector<32x256xi1>, vector<32x256xf32>
    %add3A_2887 = arith.addf %add3A_2873, %select_n3A_2886 : vector<32x256xf32>
    %reduce_sum3A_2888 = arith.constant dense<0.000000e+00> : vector<256xf32>
    %reduce_sum3A_2889 = vector.multi_reduction <add>, %add3A_2887, %reduce_sum3A_2888 [0] : vector<32x256xf32> to vector<256xf32>
    %broadcast_in_dim3A_2890 = vector.shape_cast %reduce_sum3A_2889 : vector<256xf32> to vector<1x256xf32>
    %log3A = math.log %broadcast_in_dim3A_2890 : vector<1x256xf32>
    %reshape3A_2891 = vector.shape_cast %log3A : vector<1x256xf32> to vector<1x1x256xf32>
    %swap3A_2892 = arith.constant 0 : index
    %swap3A_2893 = arith.constant 0 : index
    %swap3A_2894 = arith.constant 0 : index
    %swap3A_2895 = vector.load %arg4[%swap3A_2892, %swap3A_2893, %swap3A_2894] : memref<1x1x256xf32, #tpu.memory_space<vmem>>, vector<1x1x256xf32>
    tpu.vector_store %arg4[%swap3A_2892, %swap3A_2893, %swap3A_2894], %reshape3A_2891 {strides = array<i32>} : memref<1x1x256xf32, #tpu.memory_space<vmem>>, vector<1x1x256xf32>,
    return
  }
  func.func @transform_0(%arg0: i32) -> (i32, i32) {
    %c0_i32 = arith.constant 0 : i32
    %c0_i32_0 = arith.constant 0 : i32
    return %c0_i32, %arg0 : i32, i32
  }
  func.func @transform_1(%arg0: i32) -> (i32, i32) {
    %c0_i32 = arith.constant 0 : i32
    %c0_i32_0 = arith.constant 0 : i32
    return %c0_i32, %arg0 : i32, i32
  }
  func.func @transform_2(%arg0: i32) -> (i32, i32, i32) {
    %c0_i32 = arith.constant 0 : i32
    %c0_i32_0 = arith.constant 0 : i32
    %c0_i32_1 = arith.constant 0 : i32
    return %arg0, %c0_i32, %c0_i32_0 : i32, i32, i32
  }
  func.func @transform_3(%arg0: i32) -> (i32, i32, i32) {
    %c0_i32 = arith.constant 0 : i32
    %c0_i32_0 = arith.constant 0 : i32
    %c0_i32_1 = arith.constant 0 : i32
    return %arg0, %c0_i32, %c0_i32_0 : i32, i32, i32
  }
}

</mosaic_0001>

<sc_bundles>
// kernel: gather_offload_async_start
scs
__scs_entry_jumppad:
0x0: {  	(pc) =	sbr.rel $0x88, $3  }
0x1: {  	(tag) =	ssettag $0x0;
	lr =	simm.s32 $0x1  }
0x2: {  	[smem:$0x3F8B] =	sst lr;
	_ =	strace $0xD0000000  }
0x3: {  	_ = 	snop  }
0x4: {  	_ = 	snop  }
0x5: {  	_ = 	snop  }
0x6: {  	_ = 	snop  }
0x7: {  	_ = 	snop  }
__scs_overlays_trampoline_lowered:
0x8: {  	[smem:$0x3F9A] =	sst s0  }
0x9: {  	[smem:$0x3F9B] =	sst s1  }
0xa: {  	[smem:$0x3F9C] =	sst s2  }
0xb: {  	[smem:$0x3F9D] =	sst s3  }
0xc: {  	[smem:$0x3F9E] =	sst s4  }
0xd: {  	[smem:$0x3F9F] =	sst s5  }
0xe: {  	[smem:$0x3FA0] =	sst s6  }
0xf: {  	[smem:$0x3FA1] =	sst s7  }
0x10: {  	[smem:$0x3FA2] =	sst s8  }
0x11: {  	[smem:$0x3FA3] =	sst s9;
	s0 =	simm.s32 @!p0 $0x0  }
0x12: {  	s1 =	sld [smem:$0x3F89];
	s0 =	simm.s32 @p0 $0x1  }
0x13: {  	[smem:$0x3FA4] =	sst s0;
	s0 =	simm.s32 @!p1 $0x0  }
0x14: {  	s2 =	sld [smem:$0x3F88];
	s0 =	simm.s32 @p1 $0x1  }
0x15: {  	[smem:$0x3FA5] =	sst s0;
	s0 =	simm.s32 @!p2 $0x0  }
0x16: {  	s3 =	sld [smem:$0x3FDB];
	s0 =	simm.s32 @p2 $0x1  }
0x17: {  	s4 =	simm.s32 $0x1BF5;
	[smem:$0x3FA7] =	sst s0  }
0x18: {  	s0 =	sld [smem:$0x3F8A];
	_ =	swait.ge [sflag:s4], $0x0  }
0x19: {  	s7 =	sld [smem:$0x3F8B]  }
0x1a: {  	s8 =	sadd.s32 $0xFFFFE003, lr  }
0x1b: {  	s9 =	sadd.s32 $0xFFFFFEF7, lr;
	s5 =	simm.s32 $0xFFFFFFFF;
	p2 =	slt.u32 s8, $0xFFFFF086  }
0x1c: {  	p1 =	slt.u32 s9, $0xF7A;
	s5 =	simm.s32 @!p2 $0x0  }
0x1d: {  	s5 =	simm.s32 @p1 $0x1;
	p0 =	seq.s32 s7, s2  }
0x1e: {  	s7 =	smul.u32 @!p0 $0xF7A, s2;
	p2 =	seq.s32 @!p0 s5, $0x0  }
0x1f: {  	s9 =	smul.u32 $0xF7A, s1;
	s8 =	simm.s32 @!p0 $0x1BF5;
	p2 =	por !p2, p0  }
0x20: {  	[sflag:s8] =	ssyncset.s32 @!p0 $0xFFFFF086;
	s6 =	sadd.s32 @!p0 s3, s7;
	s7 =	simm.s32 @!p0 $0x108  }
0x21: {  	s3 =	sadd.s32 s3, s9;
	s6 =	sadd.s32 @!p0 $0x88, s6;
	s7 =	simm.s32 @p2 $0x1082  }
0x22: {  	[simem:s7], [sflag:s8] =	dma.local @!p0 [hbm:s6], $0xF7A  }
0x23: {  	s9 =	sor.u32 $0xD0000000, s2;
	s6 =	simm.s32 $0x108;
	_ =	swait.ge @!p0 [sflag:s8], $0x0  }
0x24: {  	s3 =	sadd.s32 $0x88, s3;
	s6 =	simm.s32 @!p1 $0x1082;
	[sflag:s4] =	ssyncset.s32 $0xFFFFF086  }
0x25: {  	[simem:s6], [sflag:s4] =	dma.local [hbm:s3], $0xF7A  }
0x26: {  	[smem:$0x3F8B] =	sst s1;
	(tag) =	ssettag s2;
	_ =	strace s9  }
0x27: {  	s1 =	sld [smem:$0x3F9B]  }
0x28: {  	s2 =	sld [smem:$0x3F9C]  }
0x29: {  	s4 =	sld [smem:$0x3F9E]  }
0x2a: {  	p0 =	seq.s32 s5, $0x0;
	s5 =	sld [smem:$0x3F9F]  }
0x2b: {  	s6 =	sld [smem:$0x3FA0]  }
0x2c: {  	s7 =	sld [smem:$0x3FA1]  }
0x2d: {  	s3 =	simm.s32 $0x108;
	s8 =	sld [smem:$0x3FA2]  }
0x2e: {  	s3 =	simm.s32 @!p0 $0x1082;
	s9 =	sld [smem:$0x3FA3]  }
0x2f: {  	lr =	sadd.s32 s0, s3;
	s0 =	sld [smem:$0x3F9A]  }
0x30: {  	s3 =	sld [smem:$0x3F9D]  }
0x31: {  	[smem:$0x3FA6] =	sst s10  }
0x32: {  	s10 =	sld [smem:$0x3FA4];
	_ =	sdelay $0x3  }
0x33: {  	p0 =	seq.s32 s10, $0x1;
	s10 =	sld [smem:$0x3FA6];
	_ =	sdelay $0x3  }
0x34: {  	[smem:$0x3FA6] =	sst s10  }
0x35: {  	s10 =	sld [smem:$0x3FA5];
	_ =	sdelay $0x3  }
0x36: {  	p1 =	seq.s32 s10, $0x1;
	s10 =	sld [smem:$0x3FA6];
	_ =	sdelay $0x3  }
0x37: {  	[smem:$0x3FA6] =	sst s10  }
0x38: {  	s10 =	sld [smem:$0x3FA7]  }
0x39: {  	_ = 	snop;
	(pc) =	sbr.ind lr, $3  }
0x3a: {  	_ = 	snop  }
0x3b: {  	_ = 	snop  }
0x3c: {  	p2 =	seq.s32 s10, $0x1;
	s10 =	sld [smem:$0x3FA6]  }
0x3d: {  	_ =	shalt  }
0x3e: {  	_ =	shalt  }
0x3f: {  	_ =	shalt  }
0x40: {  	_ =	shalt  }
0x41: {  	_ =	shalt  }
0x42: {  	_ =	shalt  }
0x43: {  	_ =	shalt  }
0x44: {  	_ =	shalt  }
0x45: {  	_ =	shalt  }
0x46: {  	_ =	shalt  }
0x47: {  	_ =	shalt  }
0x48: {  	_ =	shalt  }
0x49: {  	_ =	shalt  }
0x4a: {  	_ =	shalt  }
0x4b: {  	_ =	shalt  }
0x4c: {  	_ =	shalt  }
0x4d: {  	_ =	shalt  }
0x4e: {  	_ =	shalt  }
0x4f: {  	_ =	shalt  }
0x50: {  	_ =	shalt  }
0x51: {  	_ =	shalt  }
0x52: {  	_ =	shalt  }
0x53: {  	_ =	shalt  }
0x54: {  	_ =	shalt  }
0x55: {  	_ =	shalt  }
0x56: {  	_ =	shalt  }
0x57: {  	_ =	shalt  }
0x58: {  	_ =	shalt  }
0x59: {  	_ =	shalt  }
0x5a: {  	_ =	shalt  }
0x5b: {  	_ =	shalt  }
0x5c: {  	_ =	shalt  }
0x5d: {  	_ =	shalt  }
0x5e: {  	_ =	shalt  }
0x5f: {  	_ =	shalt  }
0x60: {  	_ =	shalt  }
0x61: {  	_ =	shalt  }
0x62: {  	_ =	shalt  }
0x63: {  	_ =	shalt  }
0x64: {  	_ =	shalt  }
0x65: {  	_ =	shalt  }
0x66: {  	_ =	shalt  }
0x67: {  	_ =	shalt  }
0x68: {  	_ =	shalt  }
0x69: {  	_ =	shalt  }
0x6a: {  	_ =	shalt  }
0x6b: {  	_ =	shalt  }
0x6c: {  	_ =	shalt  }
0x6d: {  	_ =	shalt  }
0x6e: {  	_ =	shalt  }
0x6f: {  	_ =	shalt  }
0x70: {  	_ =	shalt  }
0x71: {  	_ =	shalt  }
0x72: {  	_ =	shalt  }
0x73: {  	_ =	shalt  }
0x74: {  	_ =	shalt  }
0x75: {  	_ =	shalt  }
0x76: {  	_ =	shalt  }
0x77: {  	_ =	shalt  }
0x78: {  	_ =	shalt  }
0x79: {  	_ =	shalt  }
0x7a: {  	_ =	shalt  }
0x7b: {  	_ =	shalt  }
0x7c: {  	_ =	shalt  }
0x7d: {  	_ =	shalt  }
0x7e: {  	_ =	shalt  }
0x7f: {  	_ =	shalt  }
0x80: {  	_ =	shalt  }
0x81: {  	_ =	shalt  }
0x82: {  	_ =	shalt  }
0x83: {  	_ =	shalt  }
0x84: {  	_ =	shalt  }
0x85: {  	_ =	shalt  }
0x86: {  	_ =	shalt  }
0x87: {  	_ =	shalt  }
.Lfunc_end0:
.L_simem_size_0:
called_computation_lowered:
.L_overlay_start_0:
0x88: {  	s2 =	sld [smem:$0x3FD9]  }
0x89: {  	s3 =	sld [smem:$0x3FFE];
	_ =	sdelay $0x1  }
0x8a: {  	s1 =	srdreg.scid  }
0x8b: {  	s0 =	sand.u32 $0x1, s1  }
0x8c: {  	s14 =	sshll.u32 s0, $0xA;
	s2 =	sadd.s32 s3, s2  }
0x8d: {  	s2 =	sadd.s32 s2, s14  }
0x8e: {  	[smem:$0x3FB2] =	sst s2  }
0x8f: {  	_ = 	snop  }
0x90: {  	s2 =	sld [smem:$0x3FD0];
	_ =	sdelay $0x2  }
0x91: {  	s15 =	simm.s32 $0xA;
	s4 =	simm.s32 $0x10  }
0x92: {  	[smem:s4], [sflag:s15] =	dma.local [hbm:s2], $0x1  }
0x93: {  	_ =	swait.eq [sflag:s15], $0x1  }
0x94: {  	[sflag:s15] =	ssyncset.done $0x0  }
0x95: {  	[sflag:s15] =	ssyncadd.s32 $0xFFFFFFFF  }
0x96: {  	s16 =	sld [smem:$0x11];
	(tm) =	ssettm $0x1  }
0x97: {  	s17 =	sld [smem:$0x3FFB];
	_ =	sdelay $0x3  }
0x98: {  	_ =	strace s17  }
0x99: {  	s3 =	sld [smem:$0x3FFC];
	_ =	sdelay $0x3  }
0x9a: {  	_ =	strace s3  }
0x9b: {  	s3 =	sld [smem:$0x3FFD];
	_ =	sdelay $0x3  }
0x9c: {  	_ =	strace s3  }
0x9d: {  	_ =	strace $0x8FFFFFFF  }
0x9e: {  	s18 =	sld [smem:$0x3FDB];
	_ =	sdelay $0x1  }
0x9f: {  	s19 =	simm.s32 $_scs_section_size  }
0xa0: {  	s5 =	simm.s32 $_size__tile_overlayer_lowered;
	s6 =	simm.s32 $_tile_overlayer_lowered  }
0xa1: {  	s22 =	simm.s32 $0x1BFF;
	s21 =	sshll.u32 s6, $0x1;
	s3 =	sadd.s32 s19, s18  }
0xa2: {  	s7 =	simm.s32 $0x0;
	s20 =	sshll.u32 s5, $0x1;
	s5 =	sadd.s32 s21, s3  }
0xa3: {  	[timem:s7], [sflag:s22] =	dma.local [hbm:s5], s20  }
0xa4: {  	_ =	swait.ge [sflag:s22], s20  }
0xa5: {  	s4 =	ssub.s32 $0x0, s20;
	[sflag:s22] =	ssyncset.done $0x0  }
0xa6: {  	[sflag:s22] =	ssyncadd.s32 s4;
	_ =	sdelay $0x1  }
0xa7: {  	s23 =	simm.s32 $0x1B8B  }
0xa8: {  	_ =	swait.ge [sflag:s23], $0x1  }
0xa9: {  	[sflag:s23] =	ssyncset.done $0x0  }
0xaa: {  	s25 =	simm.s32 $0x1B8E;
	s24 =	sld [smem:$0x3FFE];
	[sflag:s23] =	ssyncadd.s32 $0xFFFFFFFF  }
0xab: {  	s26 =	simm.s32 $execute0_lowered;
	[smem:$0x3FD2] =	sst s25  }
0xac: {  	s5 =	sshll.u32 s26, $0x1;
	_ =	strace $0x80000046;
	[dreg:$0x1] =	wrdreg $0xFFFFFFFF  }
0xad: {  	s28 =	simm.s32 $_size_execute0_lowered;
	s3 =	sadd.s32 s3, s5;
	[dreg:$0x0] =	wrdreg $0x0  }
0xae: {  	s5 =	sshll.u32 s28, $0x1;
	[dreg:$0x2] =	wrdreg s3  }
0xaf: {  	[dreg:$0x3] =	wrdreg s5  }
0xb0: {  	[dreg:$0x4] =	wrdreg $0xC0  }
0xb1: {  	_ =	task [dreg:s7], $0x5FFFF  }
0xb2: {  	[dreg:$0x1] =	wrdreg $0xFFFFFFFF  }
0xb3: {  	[dreg:$0x0] =	wrdreg $0x60  }
0xb4: {  	[dreg:$0x2] =	wrdreg s24  }
0xb5: {  	[dreg:$0x3] =	wrdreg s16  }
0xb6: {  	[dreg:$0x4] =	wrdreg $0x9  }
0xb7: {  	_ =	task.clear_ibuf [dreg:s7], $0x5FFFF;
	_ =	strace $0x90000046  }
0xb8: {  	s29 =	simm.s32 $0x9;
	_ =	strace $0x80000048  }
0xb9: {  	_ =	swait.ge [sflag:s29], $0x1  }
0xba: {  	[sflag:s29] =	ssyncadd.s32 $0xFFFFFFFF  }
0xbb: {  	_ =	strace $0x90000048  }
0xbc: {  	_ =	sfence  }
0xbd: {  	s30 =	sld [smem:$0x0];
	_ =	sdelay $0x2  }
0xbe: {  	s31 =	sshll.u32 s1, $0xD;
	s1 =	sshrl.u32 s1, $0x2  }
0xbf: {  	s3 =	sand.u32 $0x4000, s31;
	s1 =	sadd.s32 s1, s30  }
0xc0: {  	s0 =	sor.u32 s3, s0;
	s1 =	sshll.u32 s1, $0x11  }
0xc1: {  	s0 =	sor.u32 s1, s0  }
0xc2: {  	s0 =	sadd.s32 $0x8F2B, s0  }
0xc3: {  	[sflag:s0] =	ssyncadd.remote.s32 $0x1  }
0xc4: {  	_ =	sfence.sel $0xFFFF  }
0xc5: {  	[dreg:$0x0] =	wrdreg $0xFFFFFFFF;
	(pc) =	sbr.abs _section_cstart, $3  }
0xc6: {  	[dreg:$0x1] =	wrdreg $0xFFFFFFFF  }
0xc7: {  	_ =	task.clear_ibuf [dreg:s7], $0x2FFFF;
	_ =	strace $0x9FFFFFFF  }
0xc8: {  	(tm) =	ssettm $0x7FFFFFFF  }
0xc9: {  	_ =	shalt  }
tec
execute0_lowered:
.L_overlay_start_1:
0x0: {  	(tag) =	ssettag $0x1  }
0x1: {  	s4 =	rddreg [dreg:$0x0]  }
0x2: {  	s2 =	rddreg [dreg:$0x1]  }
0x3: {  	s0 =	rddreg [dreg:$0x2];
	s1 =	srdreg.scid;
	_ =	strace $0x80000047  }
0x4: {  	s7 =	simm.s32 $0x2;
	s9 =	simm.s32 $0x3;
	s13 =	simm.s32 $0x0  }
0x5: {  	p0 =	por $0x0, $0x0;
	s12 =	simm.s32 $0x0;
	s5 =	sshll.u32 s1, $0x4  }
.Ltmp0:
0x6: {  	s1 =	stileid.u32;
	s6 =	sand.u32 $0x10, s5;
	(pc) =	sbr.rel .LBB2_1-.Ltmp0, $4  }
0x7: {  	s10 =	simm.s32 $0x0;
	s5 =	simm.s32 $0x1;
	s6 =	sor.u32 s1, s6  }
0x8: {  	s3 =	sadd.s32 $0x803E00, s4;
	[sflag:s5] =	ssyncpa.u1 $0x0;
	s6 =	sshll.u32 s6, $0x7  }
0x9: {  	s4 =	sadd.s32 $0x3E00, s4;
	[sflag:s7] =	ssyncpa.u1 $0x0;
	s8 =	sadd.s32 $0x80, s6  }
0xa: {  	vm0 =	vmmov $0xf;
	[sflag:s9] =	ssyncpa.u1 $0x0;
	s11 =	smov.u32 s6;
	s9 =	simm.s32 $0x0  }
.LBB2_7:
0xb: {  	s14 =	sadd.s32 $0x2000, s10;
	s12 =	sadd.s32 $0x4, s11;
	s13 =	smov.u32 s11  }
0xc: {  	p2 =	slt.u32 s9, $0x2;
	s9 =	sadd.s32 $0x1, s9;
	p1 =	sgt.s32 s14, $0x3FFF  }
0xd: {  	s13 =	smov.u32 @p1 s12;
	s14 =	simm.s32 @p1 $0x0;
	p1 =	sne.s32 s9, $0x42  }
.Ltmp1:
0xe: {  	_ = 	snop;
	(pc) =	sbr.rel @!p1 .LBB2_8-.Ltmp1, $4  }
0xf: {  	s16 =	smov.u32 s6;
	p0 =	por !p0, !p0;
	s15 =	simm.s32 @!p2 $0x3  }
0x10: {  	_ =	swait.ge @!p2 [sflag:s15], $0x8000;
	s12 =	smov.u32 s11;
	p3 =	slt.s32 s13, s8  }
0x11: {  	[sflag:s15] =	ssyncset.done @!p2 $0x0;
	s16 =	smov.u32 @p3 s13;
	s13 =	smov.u32 s10  }
0x12: {  	[sflag:s15] =	ssyncadd.s32 @!p2 $0xFFFF8000;
	s10 =	smov.u32 s14;
	s11 =	smov.u32 s16  }
.LBB2_1:
0x13: {  	p1 =	sgt.u32 s9, $0x3F  }
0x14: {  	s14 =	sxor.u32 @!p1 $0xFFFFFFFF, s9  }
0x15: {  	s15 =	sshrl.u32 @!p1 s11, $0x3;
	s14 =	sshll.u32 @!p1 s14, $0x2  }
0x16: {  	s16 =	sand.u32 @!p1 $0x7, s11;
	s15 =	sadd.s32 @!p1 s2, s15;
	s14 =	sand.u32 @!p1 $0x4, s14  }
0x17: {  	[tilespmem:s14], [sflag:$0x2] =	stream.linear.gather @!p1 [hbm4b:s15+s16], $0x4, $0x38;
	[tilespmem:$0x10008] =	vst v63  }
0x18: {  	p1 =	seq.s32 s9, $0x0  }
0x19: {  	p2 =	seq.s32 @!p1 s9, $0x41  }
0x1a: {  	p1 =	por p1, p2  }
.Ltmp2:
0x1b: {  	_ = 	snop;
	(pc) =	sbr.rel @p1 .LBB2_7-.Ltmp2, $1  }
0x1c: {  	_ =	sdelay $0x3  }
0x1d: {  	_ =	swait.ge [sflag:s7], $0x4  }
0x1e: {  	s14 =	sand.u32 $0x1, s9;
	[sflag:s7] =	ssyncset.done $0x0  }
0x1f: {  	s14 =	sshll.u32 s14, $0x2;
	[sflag:s7] =	ssyncadd.s32 $0xFFFFFFFC  }
0x20: {  	v0 =	vld.msk [tilespmem:s14+$0x0 ss:$0x1], $0xf;
	_ =	sdelay $0x4  }
0x21: {  	vm1 =	vgt.s32 v0, $0x0  }
0x22: {  	v0 =	vnsel vm1, $0x0, v0  }
0x23: {  	s14 =	simm.s32 $0x1;
	v0 =	vmin.u32 v0, $0xFFF  }
0x24: {  	s14 =	simm.s32 @!p0 $0x0;
	v1 =	vshll.u32 v0, $0x4  }
0x25: {  	s15 =	sshll.u32 s14, $0xF;
	s14 =	sand.u32 $0xFFFFFF80, s13;
	v0 =	vshll.u32 v0, $0xB;
	v1 =	vand.u32 $0x70, v1  }
0x26: {  	v0 =	vand.u32 $0x7FC000, v0;
	v1 =	vor.u32 s14, v1  }
0x27: {  	v0 =	vadd.s32 v0, v1;
	_ =	sdelay $0x2  }
0x28: {  	s13 =	sor.u32 $0x8, s15  }
0x29: {  	s15 =	simm.s32 $0x800;
	s16 =	sadd.s32 $0x0, s13  }
.LBB2_3:
0x2a: {  	[tilespmem:s16], [sflag:$0x1] =	stream.indirect_vreg.gather [hbm:s3], $0x80, v0, vm0, $0x38;
	[tilespmem:$0x10008] =	vst v63  }
0x2b: {  	v0 =	vadd.s32 $0x80, v0;
	s16 =	smov.u32 s15;
	p1 =	sne.s32 s15, $0x1F800  }
.Ltmp3:
0x2c: {  	s15 =	sadd.s32 $0x800, s15;
	(pc) =	sbr.rel @p1 .LBB2_3-.Ltmp3, $3  }
0x2d: {  	_ =	sdelay $0x1  }
0x2e: {  	s16 =	sshra.s32 s16, $0x2  }
0x2f: {  	s16 =	sadd.s32 s16, s13  }
0x30: {  	_ =	sdelay $0x3  }
0x31: {  	[tilespmem:s16], [sflag:$0x1] =	stream.indirect_vreg.gather [hbm:s3], $0x80, v0, vm0, $0x38;
	[tilespmem:$0x10008] =	vst v63  }
0x32: {  	s15 =	sshll.u32 s12, $0xB  }
0x33: {  	s15 =	sand.u32 $0xFFFFC000, s15  }
0x34: {  	s31 =	sshll.u32 s12, $0x4;
	_ =	swait.ge [sflag:s5], $0x8000;
	s15 =	sadd.s32 s15, s4  }
0x35: {  	s12 =	sand.u32 $0x70, s31;
	[sflag:s5] =	ssyncset.done $0x0;
	s14 =	sadd.s32 s14, s15  }
0x36: {  	[sflag:s5] =	ssyncadd.s32 $0xFFFF8000;
	s12 =	sadd.s32 s12, s14  }
0x37: {  	s15 =	sadd.s32 $0x200, s13;
	s14 =	simm.s32 $0x80;
	s16 =	sadd.s32 $0x0, s12  }
.LBB2_5:
0x38: {  	[hbm:s16] =	stream.linear.scatter [tilespmem:s13], [sflag:$0x3], $0x200, $0x38;
	[tilespmem:$0x10008] =	vst v63  }
0x39: {  	s16 =	smov.u32 s14;
	s13 =	smov.u32 s15;
	p1 =	sne.s32 s14, $0x1F80  }
.Ltmp4:
0x3a: {  	s14 =	sadd.s32 $0x80, s14;
	(pc) =	sbr.rel @p1 .LBB2_5-.Ltmp4, $2  }
0x3b: {  	_ =	sdelay $0x2  }
0x3c: {  	s15 =	sadd.s32 $0x200, s15;
	s16 =	sadd.s32 s16, s12  }
.Ltmp5:
0x3d: {  	(pc) =	sbr.rel .LBB2_7-.Ltmp5, $2  }
0x3e: {  	_ =	sdelay $0x2  }
0x3f: {  	[hbm:s16] =	stream.linear.scatter [tilespmem:s13], [sflag:$0x3], $0x200, $0x38;
	[tilespmem:$0x10008] =	vst v63  }
.LBB2_8:
0x40: {  	_ =	sfence.sel $0x180000  }
0x41: {  	s2 =	simm.s32 $0x2;
	[bflag:$0x0] =	sbarrier.arrive $0xFFFF  }
0x42: {  	s30 =	simm.s32 $0x3;
	[sflag:s2] =	ssyncpa.u1 $0x1  }
0x43: {  	s31 =	simm.s32 $0x1;
	[sflag:s30] =	ssyncpa.u1 $0x1  }
0x44: {  	[sflag:s31] =	ssyncpa.u1 $0x1  }
0x45: {  	p0 =	sne.s32 s1, $0x0;
	_ =	strace $0x90000047  }
0x46: {  	s0 =	sadd.s32 @!p0 $0x100000, s0;
	[bflag:$0x2] =	sbarrier.arrive $0xFFFF  }
0x47: {  	[sflag:s0] =	ssyncadd.tile.s32 @!p0 $0x1;
	_ =	shalt  }
.Lfunc_end2:
_tile_overlayer_lowered:
.L_overlay_start_2:
0x48: {  	(tag) =	ssettag $0x2  }
0x49: {  	s0 =	rddreg [dreg:$0x0];
	s2 =	stileid.u32  }
0x4a: {  	s1 =	rddreg [dreg:$0x1];
	p0 =	sne.s32 s2, $0x0  }
0x4b: {  	s3 =	rddreg [dreg:$0x2];
	[bflag:$0x3] =	sbarrier.arrive $0xFFFF;
	s2 =	simm.s32 @!p0 $0x1C01  }
0x4c: {  	[timem:s3], [sflag:s2] =	dma.local @!p0 [hbm:s0], s1  }
0x4d: {  	s0 =	simm.s32 @!p0 $0x1  }
0x4e: {  	_ =	swait.ge @!p0 [sflag:s0], s1  }
0x4f: {  	s1 =	ssub.s32 @!p0 $0x0, s1;
	[sflag:s0] =	ssyncset.done @!p0 $0x0  }
0x50: {  	[sflag:s0] =	ssyncadd.s32 @!p0 s1  }
0x51: {  	[bflag:$0x3] =	sbarrier.arrive $0xFFFF  }
0x52: {  	_ =	shalt  }

// kernel: kernel.6.cloned.1.call-start
scs
__scs_entry_jumppad:
0x0: {  	(pc) =	sbr.rel $0x88, $3  }
0x1: {  	(tag) =	ssettag $0x0;
	lr =	simm.s32 $0x1  }
0x2: {  	[smem:$0x3F8B] =	sst lr;
	_ =	strace $0xD0000000  }
0x3: {  	_ = 	snop  }
0x4: {  	_ = 	snop  }
0x5: {  	_ = 	snop  }
0x6: {  	_ = 	snop  }
0x7: {  	_ = 	snop  }
__scs_overlays_trampoline_lowered:
0x8: {  	[smem:$0x3F9A] =	sst s0  }
0x9: {  	[smem:$0x3F9B] =	sst s1  }
0xa: {  	[smem:$0x3F9C] =	sst s2  }
0xb: {  	[smem:$0x3F9D] =	sst s3  }
0xc: {  	[smem:$0x3F9E] =	sst s4  }
0xd: {  	[smem:$0x3F9F] =	sst s5  }
0xe: {  	[smem:$0x3FA0] =	sst s6  }
0xf: {  	[smem:$0x3FA1] =	sst s7  }
0x10: {  	[smem:$0x3FA2] =	sst s8  }
0x11: {  	[smem:$0x3FA3] =	sst s9;
	s0 =	simm.s32 @!p0 $0x0  }
0x12: {  	s1 =	sld [smem:$0x3F89];
	s0 =	simm.s32 @p0 $0x1  }
0x13: {  	[smem:$0x3FA4] =	sst s0;
	s0 =	simm.s32 @!p1 $0x0  }
0x14: {  	s2 =	sld [smem:$0x3F88];
	s0 =	simm.s32 @p1 $0x1  }
0x15: {  	[smem:$0x3FA5] =	sst s0;
	s0 =	simm.s32 @!p2 $0x0  }
0x16: {  	s3 =	sld [smem:$0x3FDB];
	s0 =	simm.s32 @p2 $0x1  }
0x17: {  	s4 =	simm.s32 $0x1BF5;
	[smem:$0x3FA7] =	sst s0  }
0x18: {  	s0 =	sld [smem:$0x3F8A];
	_ =	swait.ge [sflag:s4], $0x0  }
0x19: {  	s7 =	sld [smem:$0x3F8B]  }
0x1a: {  	s8 =	sadd.s32 $0xFFFFE003, lr  }
0x1b: {  	s9 =	sadd.s32 $0xFFFFFEF7, lr;
	s5 =	simm.s32 $0xFFFFFFFF;
	p2 =	slt.u32 s8, $0xFFFFF086  }
0x1c: {  	p1 =	slt.u32 s9, $0xF7A;
	s5 =	simm.s32 @!p2 $0x0  }
0x1d: {  	s5 =	simm.s32 @p1 $0x1;
	p0 =	seq.s32 s7, s2  }
0x1e: {  	s7 =	smul.u32 @!p0 $0xF7A, s2;
	p2 =	seq.s32 @!p0 s5, $0x0  }
0x1f: {  	s9 =	smul.u32 $0xF7A, s1;
	s8 =	simm.s32 @!p0 $0x1BF5;
	p2 =	por !p2, p0  }
0x20: {  	[sflag:s8] =	ssyncset.s32 @!p0 $0xFFFFF086;
	s6 =	sadd.s32 @!p0 s3, s7;
	s7 =	simm.s32 @!p0 $0x108  }
0x21: {  	s3 =	sadd.s32 s3, s9;
	s6 =	sadd.s32 @!p0 $0x88, s6;
	s7 =	simm.s32 @p2 $0x1082  }
0x22: {  	[simem:s7], [sflag:s8] =	dma.local @!p0 [hbm:s6], $0xF7A  }
0x23: {  	s9 =	sor.u32 $0xD0000000, s2;
	s6 =	simm.s32 $0x108;
	_ =	swait.ge @!p0 [sflag:s8], $0x0  }
0x24: {  	s3 =	sadd.s32 $0x88, s3;
	s6 =	simm.s32 @!p1 $0x1082;
	[sflag:s4] =	ssyncset.s32 $0xFFFFF086  }
0x25: {  	[simem:s6], [sflag:s4] =	dma.local [hbm:s3], $0xF7A  }
0x26: {  	[smem:$0x3F8B] =	sst s1;
	(tag) =	ssettag s2;
	_ =	strace s9  }
0x27: {  	s1 =	sld [smem:$0x3F9B]  }
0x28: {  	s2 =	sld [smem:$0x3F9C]  }
0x29: {  	s4 =	sld [smem:$0x3F9E]  }
0x2a: {  	p0 =	seq.s32 s5, $0x0;
	s5 =	sld [smem:$0x3F9F]  }
0x2b: {  	s6 =	sld [smem:$0x3FA0]  }
0x2c: {  	s7 =	sld [smem:$0x3FA1]  }
0x2d: {  	s3 =	simm.s32 $0x108;
	s8 =	sld [smem:$0x3FA2]  }
0x2e: {  	s3 =	simm.s32 @!p0 $0x1082;
	s9 =	sld [smem:$0x3FA3]  }
0x2f: {  	lr =	sadd.s32 s0, s3;
	s0 =	sld [smem:$0x3F9A]  }
0x30: {  	s3 =	sld [smem:$0x3F9D]  }
0x31: {  	[smem:$0x3FA6] =	sst s10  }
0x32: {  	s10 =	sld [smem:$0x3FA4];
	_ =	sdelay $0x3  }
0x33: {  	p0 =	seq.s32 s10, $0x1;
	s10 =	sld [smem:$0x3FA6];
	_ =	sdelay $0x3  }
0x34: {  	[smem:$0x3FA6] =	sst s10  }
0x35: {  	s10 =	sld [smem:$0x3FA5];
	_ =	sdelay $0x3  }
0x36: {  	p1 =	seq.s32 s10, $0x1;
	s10 =	sld [smem:$0x3FA6];
	_ =	sdelay $0x3  }
0x37: {  	[smem:$0x3FA6] =	sst s10  }
0x38: {  	s10 =	sld [smem:$0x3FA7]  }
0x39: {  	_ = 	snop;
	(pc) =	sbr.ind lr, $3  }
0x3a: {  	_ = 	snop  }
0x3b: {  	_ = 	snop  }
0x3c: {  	p2 =	seq.s32 s10, $0x1;
	s10 =	sld [smem:$0x3FA6]  }
0x3d: {  	_ =	shalt  }
0x3e: {  	_ =	shalt  }
0x3f: {  	_ =	shalt  }
0x40: {  	_ =	shalt  }
0x41: {  	_ =	shalt  }
0x42: {  	_ =	shalt  }
0x43: {  	_ =	shalt  }
0x44: {  	_ =	shalt  }
0x45: {  	_ =	shalt  }
0x46: {  	_ =	shalt  }
0x47: {  	_ =	shalt  }
0x48: {  	_ =	shalt  }
0x49: {  	_ =	shalt  }
0x4a: {  	_ =	shalt  }
0x4b: {  	_ =	shalt  }
0x4c: {  	_ =	shalt  }
0x4d: {  	_ =	shalt  }
0x4e: {  	_ =	shalt  }
0x4f: {  	_ =	shalt  }
0x50: {  	_ =	shalt  }
0x51: {  	_ =	shalt  }
0x52: {  	_ =	shalt  }
0x53: {  	_ =	shalt  }
0x54: {  	_ =	shalt  }
0x55: {  	_ =	shalt  }
0x56: {  	_ =	shalt  }
0x57: {  	_ =	shalt  }
0x58: {  	_ =	shalt  }
0x59: {  	_ =	shalt  }
0x5a: {  	_ =	shalt  }
0x5b: {  	_ =	shalt  }
0x5c: {  	_ =	shalt  }
0x5d: {  	_ =	shalt  }
0x5e: {  	_ =	shalt  }
0x5f: {  	_ =	shalt  }
0x60: {  	_ =	shalt  }
0x61: {  	_ =	shalt  }
0x62: {  	_ =	shalt  }
0x63: {  	_ =	shalt  }
0x64: {  	_ =	shalt  }
0x65: {  	_ =	shalt  }
0x66: {  	_ =	shalt  }
0x67: {  	_ =	shalt  }
0x68: {  	_ =	shalt  }
0x69: {  	_ =	shalt  }
0x6a: {  	_ =	shalt  }
0x6b: {  	_ =	shalt  }
0x6c: {  	_ =	shalt  }
0x6d: {  	_ =	shalt  }
0x6e: {  	_ =	shalt  }
0x6f: {  	_ =	shalt  }
0x70: {  	_ =	shalt  }
0x71: {  	_ =	shalt  }
0x72: {  	_ =	shalt  }
0x73: {  	_ =	shalt  }
0x74: {  	_ =	shalt  }
0x75: {  	_ =	shalt  }
0x76: {  	_ =	shalt  }
0x77: {  	_ =	shalt  }
0x78: {  	_ =	shalt  }
0x79: {  	_ =	shalt  }
0x7a: {  	_ =	shalt  }
0x7b: {  	_ =	shalt  }
0x7c: {  	_ =	shalt  }
0x7d: {  	_ =	shalt  }
0x7e: {  	_ =	shalt  }
0x7f: {  	_ =	shalt  }
0x80: {  	_ =	shalt  }
0x81: {  	_ =	shalt  }
0x82: {  	_ =	shalt  }
0x83: {  	_ =	shalt  }
0x84: {  	_ =	shalt  }
0x85: {  	_ =	shalt  }
0x86: {  	_ =	shalt  }
0x87: {  	_ =	shalt  }
.Lfunc_end0:
.L_simem_size_0:
called_computation.1_lowered:
.L_overlay_start_0:
0x88: {  	s2 =	sld [smem:$0x3FD9]  }
0x89: {  	s3 =	sld [smem:$0x3FFE];
	_ =	sdelay $0x1  }
0x8a: {  	s1 =	srdreg.scid  }
0x8b: {  	s0 =	sand.u32 $0x1, s1  }
0x8c: {  	s14 =	sshll.u32 s0, $0xA;
	s2 =	sadd.s32 s3, s2  }
0x8d: {  	s2 =	sadd.s32 s2, s14  }
0x8e: {  	[smem:$0x3FB2] =	sst s2  }
0x8f: {  	_ = 	snop  }
0x90: {  	s2 =	sld [smem:$0x3FD0];
	_ =	sdelay $0x2  }
0x91: {  	s15 =	simm.s32 $0xA;
	s4 =	simm.s32 $0x10  }
0x92: {  	[smem:s4], [sflag:s15] =	dma.local [hbm:s2], $0x1  }
0x93: {  	_ =	swait.eq [sflag:s15], $0x1  }
0x94: {  	[sflag:s15] =	ssyncset.done $0x0  }
0x95: {  	s16 =	sld [smem:$0x10];
	[sflag:s15] =	ssyncadd.s32 $0xFFFFFFFF  }
0x96: {  	s17 =	sld [smem:$0x12];
	(tm) =	ssettm $0x1  }
0x97: {  	s18 =	sld [smem:$0x3FFB];
	_ =	sdelay $0x3  }
0x98: {  	_ =	strace s18  }
0x99: {  	s4 =	sld [smem:$0x3FFC];
	_ =	sdelay $0x3  }
0x9a: {  	_ =	strace s4  }
0x9b: {  	s4 =	sld [smem:$0x3FFD];
	_ =	sdelay $0x3  }
0x9c: {  	_ =	strace s4  }
0x9d: {  	_ =	strace $0x8FFFFFFF  }
0x9e: {  	s19 =	sld [smem:$0x3FDB];
	_ =	sdelay $0x1  }
0x9f: {  	s5 =	simm.s32 $_scs_section_size  }
0xa0: {  	s6 =	simm.s32 $_size__tile_overlayer_lowered;
	s7 =	simm.s32 $_tile_overlayer_lowered  }
0xa1: {  	s22 =	simm.s32 $0x1BFF;
	s21 =	sshll.u32 s7, $0x1;
	s4 =	sadd.s32 s5, s19  }
0xa2: {  	s8 =	simm.s32 $0x0;
	s20 =	sshll.u32 s6, $0x1;
	s6 =	sadd.s32 s21, s4  }
0xa3: {  	[timem:s8], [sflag:s22] =	dma.local [hbm:s6], s20  }
0xa4: {  	_ =	swait.ge [sflag:s22], s20  }
0xa5: {  	s5 =	ssub.s32 $0x0, s20;
	[sflag:s22] =	ssyncset.done $0x0  }
0xa6: {  	[sflag:s22] =	ssyncadd.s32 s5;
	_ =	sdelay $0x1  }
0xa7: {  	s23 =	simm.s32 $0x1B8B  }
0xa8: {  	_ =	swait.ge [sflag:s23], $0x1  }
0xa9: {  	[sflag:s23] =	ssyncset.done $0x0  }
0xaa: {  	s25 =	simm.s32 $0x1B8E;
	s24 =	sld [smem:$0x3FFE];
	[sflag:s23] =	ssyncadd.s32 $0xFFFFFFFF  }
0xab: {  	s26 =	simm.s32 $execute0_lowered;
	[smem:$0x3FD2] =	sst s25  }
0xac: {  	s6 =	sshll.u32 s26, $0x1;
	_ =	strace $0x80000049;
	[dreg:$0x1] =	wrdreg $0xFFFFFFFF  }
0xad: {  	s28 =	simm.s32 $_size_execute0_lowered;
	s4 =	sadd.s32 s4, s6;
	[dreg:$0x0] =	wrdreg $0x0  }
0xae: {  	s6 =	sshll.u32 s28, $0x1;
	[dreg:$0x2] =	wrdreg s4  }
0xaf: {  	[dreg:$0x3] =	wrdreg s6  }
0xb0: {  	[dreg:$0x4] =	wrdreg $0xC0  }
0xb1: {  	_ =	task [dreg:s8], $0x5FFFF  }
0xb2: {  	[dreg:$0x1] =	wrdreg $0xFFFFFFFF  }
0xb3: {  	[dreg:$0x0] =	wrdreg $0x60  }
0xb4: {  	[dreg:$0x2] =	wrdreg s17  }
0xb5: {  	[dreg:$0x3] =	wrdreg s16  }
0xb6: {  	[dreg:$0x4] =	wrdreg s24  }
0xb7: {  	[dreg:$0x5] =	wrdreg $0x9  }
0xb8: {  	_ =	task.clear_ibuf [dreg:s8], $0x6FFFF;
	_ =	strace $0x90000049  }
0xb9: {  	s29 =	simm.s32 $0x9;
	_ =	strace $0x8000004B  }
0xba: {  	_ =	swait.ge [sflag:s29], $0x1  }
0xbb: {  	[sflag:s29] =	ssyncadd.s32 $0xFFFFFFFF  }
0xbc: {  	_ =	strace $0x9000004B  }
0xbd: {  	_ =	sfence  }
0xbe: {  	s30 =	sld [smem:$0x0];
	_ =	sdelay $0x2  }
0xbf: {  	s31 =	sshll.u32 s1, $0xD;
	s1 =	sshrl.u32 s1, $0x2  }
0xc0: {  	s3 =	sand.u32 $0x4000, s31;
	s1 =	sadd.s32 s1, s30  }
0xc1: {  	s0 =	sor.u32 s3, s0;
	s1 =	sshll.u32 s1, $0x11  }
0xc2: {  	s0 =	sor.u32 s1, s0  }
0xc3: {  	s0 =	sadd.s32 $0x8F2B, s0  }
0xc4: {  	[sflag:s0] =	ssyncadd.remote.s32 $0x1  }
0xc5: {  	_ =	sfence.sel $0xFFFF  }
0xc6: {  	[dreg:$0x0] =	wrdreg $0xFFFFFFFF;
	(pc) =	sbr.abs _section_cstart, $3  }
0xc7: {  	[dreg:$0x1] =	wrdreg $0xFFFFFFFF  }
0xc8: {  	_ =	task.clear_ibuf [dreg:s8], $0x2FFFF;
	_ =	strace $0x9FFFFFFF  }
0xc9: {  	(tm) =	ssettm $0x7FFFFFFF  }
tec
execute0_lowered:
.L_overlay_start_1:
0x0: {  	(tag) =	ssettag $0x1  }
0x1: {  	s1 =	rddreg [dreg:$0x0];
	s2 =	srdreg.scid  }
0x2: {  	s4 =	rddreg [dreg:$0x1];
	s0 =	stileid.u32  }
0x3: {  	s8 =	rddreg [dreg:$0x2];
	s3 =	simm.s32 $0x0;
	s6 =	sand.u32 $0x1, s2  }
0x4: {  	s5 =	sshll.u32 s0, $0xA;
	s2 =	rddreg [dreg:$0x3];
	s7 =	sshll.u32 s6, $0x9  }
0x5: {  	[smem:$0x7FF] =	sst s3;
	s9 =	sor.u32 s7, s5  }
0x6: {  	_ =	strace $0x8000004A;
	s10 =	ssub.s32 $0x2, s6;
	s5 =	sshrl.u32 s9, $0x3  }
0x7: {  	s6 =	simm.s32 $0x200;
	s5 =	sadd.s32 s4, s5;
	s4 =	simm.s32 $0x2  }
0x8: {  	[tilespmem:s3], [sflag:$0x2] =	stream.linear.gather [hbm4b:s5+s3], $0x200, $0x38;
	[tilespmem:$0x10200] =	vst v63  }
0x9: {  	s7 =	simm.s32 $0x1;
	s11 =	sshrl.u32 s10, $0x1;
	_ =	swait.ge [sflag:s4], $0x200  }
0xa: {  	s9 =	sshll.u32 s9, $0x4;
	s31 =	ssub.s32 s10, s11;
	[sflag:s4] =	ssyncset.done $0x0  }
0xb: {  	s8 =	sadd.s32 s9, s8;
	s9 =	smax.u32 s31, $0x1;
	[sflag:s4] =	ssyncadd.s32 $0xFFFFFE00  }
0xc: {  	[tilespmem:s6], [sflag:$0x1] =	stream.indirect.gather [hbm4b:s1+s6], $0x80, s3, s6, $0xb8;
	[tilespmem:$0x10200] =	vst v63  }
0xd: {  	p0 =	sne.s32 s9, $0x1;
	_ =	swait.ge [sflag:s7], $0x10000  }
.Ltmp0:
0xe: {  	[sflag:s7] =	ssyncset.done $0x0;
	(pc) =	sbr.rel @!p0 .LBB2_2-.Ltmp0, $4  }
0xf: {  	s8 =	sadd.s32 $0x3E00, s8;
	[sflag:s7] =	ssyncadd.s32 $0xFFFF0000  }
0x10: {  	[hbm4b:s8+s3] =	stream.linear.scatter [tilespmem:s6], [sflag:$0x2], $0x10000, $0x38;
	[tilespmem:$0x10200] =	vst v63  }
0x11: {  	_ =	swait.ge [sflag:s4], $0x10000  }
0x12: {  	s9 =	sadd.s32 $0xFFFFFFFF, s9;
	[sflag:s4] =	ssyncset.done $0x0  }
.LBB2_1:
0x13: {  	p0 =	sne.s32 s9, $0x1;
	s9 =	sadd.s32 $0xFFFFFFFF, s9;
	[sflag:s4] =	ssyncadd.s32 $0xFFFF0000  }
0x14: {  	[tilespmem:s3], [sflag:$0x2] =	stream.linear.gather [hbm4b:s5+s3], $0x200, $0x38;
	[tilespmem:$0x10200] =	vst v63  }
0x15: {  	_ =	swait.ge [sflag:s4], $0x200  }
0x16: {  	[sflag:s4] =	ssyncset.done $0x0  }
0x17: {  	[sflag:s4] =	ssyncadd.s32 $0xFFFFFE00  }
0x18: {  	[tilespmem:s6], [sflag:$0x1] =	stream.indirect.gather [hbm4b:s1+s6], $0x80, s3, s6, $0xb8;
	[tilespmem:$0x10200] =	vst v63  }
0x19: {  	_ =	swait.ge [sflag:s7], $0x10000  }
.Ltmp1:
0x1a: {  	[sflag:s7] =	ssyncset.done $0x0;
	(pc) =	sbr.rel @p0 .LBB2_1-.Ltmp1, $4  }
0x1b: {  	[sflag:s7] =	ssyncadd.s32 $0xFFFF0000  }
0x1c: {  	[hbm4b:s8+s3] =	stream.linear.scatter [tilespmem:s6], [sflag:$0x2], $0x10000, $0x38;
	[tilespmem:$0x10200] =	vst v63  }
0x1d: {  	_ =	swait.ge [sflag:s4], $0x10000  }
0x1e: {  	[sflag:s4] =	ssyncset.done $0x0  }
.LBB2_2:
0x1f: {  	[sflag:s4] =	ssyncadd.s32 $0xFFFF0000  }
0x20: {  	_ =	sfence.sel $0x180000  }
0x21: {  	[bflag:$0x0] =	sbarrier.arrive $0xFFFF  }
0x22: {  	p0 =	sne.s32 s0, $0x0;
	_ =	strace $0x9000004A  }
0x23: {  	s0 =	sadd.s32 @!p0 $0x100000, s2;
	[bflag:$0x2] =	sbarrier.arrive $0xFFFF  }
0x24: {  	[sflag:s0] =	ssyncadd.tile.s32 @!p0 $0x1;
	_ =	shalt  }
.Lfunc_end2:
_tile_overlayer_lowered:
.L_overlay_start_2:
0x25: {  	(tag) =	ssettag $0x2  }
0x26: {  	s0 =	rddreg [dreg:$0x0];
	s2 =	stileid.u32  }
0x27: {  	s1 =	rddreg [dreg:$0x1];
	p0 =	sne.s32 s2, $0x0  }
0x28: {  	s3 =	rddreg [dreg:$0x2];
	[bflag:$0x3] =	sbarrier.arrive $0xFFFF;
	s2 =	simm.s32 @!p0 $0x1C02  }
0x29: {  	[timem:s3], [sflag:s2] =	dma.local @!p0 [hbm:s0], s1  }
0x2a: {  	s0 =	simm.s32 @!p0 $0x2  }
0x2b: {  	_ =	swait.ge @!p0 [sflag:s0], s1  }
0x2c: {  	s1 =	ssub.s32 @!p0 $0x0, s1;
	[sflag:s0] =	ssyncset.done @!p0 $0x0  }
0x2d: {  	[sflag:s0] =	ssyncadd.s32 @!p0 s1  }
0x2e: {  	[bflag:$0x3] =	sbarrier.arrive $0xFFFF  }
0x2f: {  	_ =	shalt  }

</sc_bundles>
